<compile_context>
chip_gen: v7x
topology: tpu7x:2x2x1
jax: 0.10.2.dev20260603
libtpu: 0.0.44.dev20260713+nightly
codegen_flags: <defaults>
</compile_context>

<pallas_src>
import functools

import jax
import jax.numpy as jnp
from jax import lax
from jax.experimental import pallas as pl
from jax.experimental.pallas import tpu as pltpu
from jax.experimental.pallas import tpu_sc as plsc

NC = 2
NS = 16
NW = NC * NS
CH = 128
IB = 17
F = 4


def _mesh():
    return plsc.VectorSubcoreMesh(
        core_axis_name="c", subcore_axis_name="s", num_cores=NC, num_subcores=NS
    )


def _deg_body(nblk, rpt, dst3, ones_hbm, zeros_hbm, out_hbm,
              acc, idx_b, ones_v, sem_s):
    c = lax.axis_index("c")
    s = lax.axis_index("s")
    wid = c * NS + s
    r0 = s * rpt
    pltpu.sync_copy(zeros_hbm.at[pl.ds(r0, rpt)], acc.at[pl.ds(r0, rpt)])
    pltpu.sync_copy(ones_hbm, ones_v)
    plsc.subcore_barrier()
    base = wid * nblk

    def blk(b, carry):
        pltpu.sync_copy(dst3.at[base + b], idx_b)
        for j in range(IB):
            pltpu.sync_copy(ones_v, acc.at[idx_b.at[j]], add=True)
        return carry

    lax.fori_loop(0, nblk, blk, 0)
    plsc.subcore_barrier()
    pltpu.sync_copy(acc.at[pl.ds(r0, rpt)], out_hbm.at[c, pl.ds(r0, rpt)])


def _agg_body(nblk, rpt, table, src3, dst3, zeros_hbm, out_hbm,
              acc, sidx_b, didx_b, rows_b, sem_g, sem_s):
    c = lax.axis_index("c")
    s = lax.axis_index("s")
    wid = c * NS + s
    r0 = s * rpt
    pltpu.sync_copy(zeros_hbm.at[pl.ds(r0, rpt)], acc.at[pl.ds(r0, rpt)])
    plsc.subcore_barrier()
    base = wid * nblk

    def blk(b, carry):
        pltpu.sync_copy(src3.at[base + b], sidx_b)
        pltpu.sync_copy(dst3.at[base + b], didx_b)
        gs = [
            pltpu.async_copy(table.at[sidx_b.at[j]], rows_b.at[j], sem_g)
            for j in range(IB)
        ]
        for cp in gs:
            cp.wait()
        for j in range(IB):
            pltpu.sync_copy(rows_b.at[j], acc.at[didx_b.at[j]], add=True)
        return carry

    lax.fori_loop(0, nblk, blk, 0)
    plsc.subcore_barrier()
    pltpu.sync_copy(acc.at[pl.ds(r0, rpt)], out_hbm.at[c, pl.ds(r0, rpt)])


def _prep_body(degp, x_ref, w_ref, out_dinv, out_g, out_gs):
    deg = degp[0, :, 0] + degp[1, :, 0] + 1.0
    dinv = lax.rsqrt(deg)[:, None]
    g = lax.dot_general(x_ref[...], w_ref[...], (((1,), (1,)), ((), ())),
                        preferred_element_type=jnp.float32)
    out_dinv[...] = dinv
    out_g[...] = g
    out_gs[...] = g * dinv


def _mid_body(accp, dinv_ref, g_ref, b_ref, w_ref, out_g2, out_g2s):
    dinv = dinv_ref[...]
    h = jnp.tanh((accp[0] + accp[1] + dinv * g_ref[...]) * dinv + b_ref[...])
    g2 = lax.dot_general(h, w_ref[...], (((1,), (1,)), ((), ())),
                         preferred_element_type=jnp.float32)
    out_g2[...] = g2
    out_g2s[...] = g2 * dinv


def _fin_body(accp, dinv_ref, g_ref, b_ref, wc_ref, bc_ref, out_o, out_h):
    dinv = dinv_ref[...]
    h = jnp.tanh((accp[0] + accp[1] + dinv * g_ref[...]) * dinv + b_ref[...])
    out_h[...] = h
    out_o[...] = lax.dot_general(h, wc_ref[...], (((1,), (1,)), ((), ())),
                                 preferred_element_type=jnp.float32) + bc_ref[...]


def kernel(x, edge_index, W1, b1, W2, b2, Wc, bc):
    n, f_in = x.shape
    e = edge_index.shape[1]

    ept = CH * IB
    nblk = -(-e // (NW * ept))
    e_pad = nblk * NW * ept
    pad = e_pad - e
    src_p = jnp.concatenate([edge_index[0], jnp.zeros((pad,), jnp.int32)])
    dst_p = jnp.concatenate([edge_index[1], jnp.full((pad,), n, jnp.int32)])
    src3 = src_p.reshape(-1, IB, CH)
    dst3 = dst_p.reshape(-1, IB, CH)

    rpt = -(-(n + 1) // NS)
    rpt = -(-rpt // 8) * 8
    npad = NS * rpt
    zeros = jnp.zeros((npad, F), jnp.float32)
    ones = jnp.ones((CH, F), jnp.float32)

    mesh = _mesh()
    acc_t = jax.ShapeDtypeStruct((NC, npad, F), jnp.float32)
    sc_params = pltpu.CompilerParams(use_tc_tiling_on_sc=False)

    deg_fn = pl.kernel(
        functools.partial(_deg_body, nblk, rpt),
        out_type=acc_t,
        mesh=mesh,
        compiler_params=sc_params,
        scratch_types=[
            pltpu.VMEM_SHARED((npad, F), jnp.float32),
            pltpu.VMEM((IB, CH), jnp.int32),
            pltpu.VMEM((CH, F), jnp.float32),
            pltpu.SemaphoreType.DMA,
        ],
    )
    agg_fn = pl.kernel(
        functools.partial(_agg_body, nblk, rpt),
        out_type=acc_t,
        mesh=mesh,
        compiler_params=sc_params,
        scratch_types=[
            pltpu.VMEM_SHARED((npad, F), jnp.float32),
            pltpu.VMEM((IB, CH), jnp.int32),
            pltpu.VMEM((IB, CH), jnp.int32),
            pltpu.VMEM((IB, CH, F), jnp.float32),
            pltpu.SemaphoreType.DMA,
            pltpu.SemaphoreType.DMA,
        ],
    )

    bn = 2000 if n % 2000 == 0 else n
    grid = n // bn
    acc_spec = pl.BlockSpec((NC, bn, F), lambda i: (0, i, 0))
    vec_spec = pl.BlockSpec((bn, F), lambda i: (i, 0))
    col_spec = pl.BlockSpec((bn, 1), lambda i: (i, 0))
    full = lambda shape: pl.BlockSpec(shape, lambda i: tuple(0 for _ in shape))

    prep_fn = pl.pallas_call(
        _prep_body,
        grid=(grid,),
        in_specs=[acc_spec, pl.BlockSpec((bn, f_in), lambda i: (i, 0)), full(W1.shape)],
        out_specs=[col_spec, vec_spec, vec_spec],
        out_shape=[
            jax.ShapeDtypeStruct((n, 1), jnp.float32),
            jax.ShapeDtypeStruct((n, F), jnp.float32),
            jax.ShapeDtypeStruct((n, F), jnp.float32),
        ],
    )
    mid_fn = pl.pallas_call(
        _mid_body,
        grid=(grid,),
        in_specs=[acc_spec, col_spec, vec_spec, full((1, F)), full(W2.shape)],
        out_specs=[vec_spec, vec_spec],
        out_shape=[
            jax.ShapeDtypeStruct((n, F), jnp.float32),
            jax.ShapeDtypeStruct((n, F), jnp.float32),
        ],
    )
    fin_fn = pl.pallas_call(
        _fin_body,
        grid=(grid,),
        in_specs=[acc_spec, col_spec, vec_spec, full((1, F)), full(Wc.shape),
                  full((1, F))],
        out_specs=[vec_spec, vec_spec],
        out_shape=[
            jax.ShapeDtypeStruct((n, F), jnp.float32),
            jax.ShapeDtypeStruct((n, F), jnp.float32),
        ],
    )

    degp = deg_fn(dst3, ones, zeros)
    dinv, g1, g1s = prep_fn(degp, x, W1)
    acc1 = agg_fn(g1s, src3, dst3, zeros)
    g2, g2s = mid_fn(acc1, dinv, g1, b1.reshape(1, F), W2)
    acc2 = agg_fn(g2s, src3, dst3, zeros)
    out, h2 = fin_fn(acc2, dinv, g2, b2.reshape(1, F), Wc, bc.reshape(1, F))
    return out, h2

# --- scband reference (transcript-rebuilt; emitter-appended) ---
"""Pipeline reference for scband-gcn-13159779795003 (READ-ONLY COPY).

The authoritative reference and input builder live on the scoring server;
editing this copy changes nothing except your own understanding.
"""

import jax, jax.numpy as jnp
import numpy as np

N = 100000
E = 1600000
F_IN = 34
HID = 4
N_CLS = 4


def _gcn_conv(x, src, dst, norm, W, b, n):
    # PyG GCNConv: linear transform, then normalized scatter-add aggregation, then bias
    h = x @ W.T
    msg = h[src] * norm[:, None]
    out = jax.ops.segment_sum(msg, dst, num_segments=n)
    return out + b


def setup_inputs(seed: int = 0) -> dict:
    key = jax.random.key(seed)
    ks = jax.random.split(key, 8)
    x = jax.random.normal(ks[0], (N, F_IN), dtype=jnp.float32)
    edge_index = jax.random.randint(ks[1], (2, E), 0, N, dtype=jnp.int32)
    W1 = jax.random.normal(ks[2], (HID, F_IN), dtype=jnp.float32) * (1.0 / np.sqrt(F_IN))
    b1 = jnp.zeros((HID,), dtype=jnp.float32)
    W2 = jax.random.normal(ks[3], (HID, HID), dtype=jnp.float32) * (1.0 / np.sqrt(HID))
    b2 = jnp.zeros((HID,), dtype=jnp.float32)
    Wc = jax.random.normal(ks[4], (N_CLS, HID), dtype=jnp.float32) * (1.0 / np.sqrt(HID))
    bc = jnp.zeros((N_CLS,), dtype=jnp.float32)
    return {"x": x, "edge_index": edge_index, "W1": W1, "b1": b1, "W2": W2, "b2": b2, "Wc": Wc, "bc": bc}


def reference(x, edge_index, W1, b1, W2, b2, Wc, bc):
    n = x.shape[0]
    loop = jnp.arange(n, dtype=edge_index.dtype)
    src = jnp.concatenate([edge_index[0], loop])
    dst = jnp.concatenate([edge_index[1], loop])
    # symmetric normalization deg^{-1/2} A_hat deg^{-1/2} (self-loops included)
    deg = jax.ops.segment_sum(jnp.ones_like(src, dtype=x.dtype), dst, num_segments=n)
    dinv = jnp.where(deg > 0, 1.0 / jnp.sqrt(deg), 0.0)
    norm = dinv[src] * dinv[dst]
    h = jnp.tanh(_gcn_conv(x, src, dst, norm, W1, b1, n))
    h = jnp.tanh(_gcn_conv(h, src, dst, norm, W2, b2, n))
    out = h @ Wc.T + bc
    return (out, h)

if __name__ == "__main__":
    import jax
    _d = setup_inputs()
    print(jax.jit(kernel)(*tuple(_d.values())))

</pallas_src>

<mosaic_0001>
#map = affine_map<(d0, d1) -> (0, 0)>
#map1 = affine_map<(d0, d1) -> (0, 0, 0)>
module attributes {stable_mosaic.version = 14 : i64} {
  func.func @_agg_body(%arg0: i32, %arg1: i32, %arg2: memref<100000x4xf32, #tpu.memory_space<hbm>>, %arg3: memref<736x17x128xi32, #tpu.memory_space<hbm>>, %arg4: memref<736x17x128xi32, #tpu.memory_space<hbm>>, %arg5: memref<100096x4xf32, #tpu.memory_space<hbm>>, %arg6: memref<2x100096x4xf32, #tpu.memory_space<hbm>>, %arg7: memref<100096x4xf32, #tpu.memory_space<vmem_shared>>, %arg8: memref<17x128xi32, #tpu.memory_space<vmem>>, %arg9: memref<17x128xi32, #tpu.memory_space<vmem>>, %arg10: memref<17x128x4xf32, #tpu.memory_space<vmem>>, %arg11: memref<!tpu.dma_semaphore, #tpu.memory_space<semaphore_mem>>, %arg12: memref<!tpu.dma_semaphore, #tpu.memory_space<semaphore_mem>>) attributes {dimension_semantics = [#tpu.dimension_semantics<core_parallel>, #tpu.dimension_semantics<subcore_parallel>], iteration_bounds = array<i64: 2, 16>, scalar_prefetch = 0 : i64, scratch_operands = 6 : i64, tpu.core_type = #tpu.core_type<sc_vector_subcore>, window_params = [{transform_indices = #map}, {transform_indices = #map1}, {transform_indices = #map1}, {transform_indices = #map}, {transform_indices = #map1}]} {
    %mul3A = arith.constant 16 : i32
    %mul3A_0 = arith.muli %arg0, %mul3A : i32
    %add3A = arith.addi %mul3A_0, %arg1 : i32
    %mul3A_1 = arith.constant 6256 : i32
    %mul3A_2 = arith.muli %arg1, %mul3A_1 : i32
    "tpu.region"() ({
      %run_scoped3A = tpu.sem_alloc : memref<!tpu.dma_semaphore, #tpu.memory_space<semaphore_mem>>
      %dma_start3A = arith.constant 0 : i32
      %dma_start3A_11 = tpu.memref_slice %arg7[%mul3A_2, %dma_start3A] : memref<100096x4xf32, #tpu.memory_space<vmem_shared>> -> memref<6256x4xf32, #tpu.memory_space<vmem_shared>>
      %dma_start3A_12 = arith.constant 0 : i32
      %dma_start3A_13 = tpu.memref_slice %arg5[%mul3A_2, %dma_start3A_12] : memref<100096x4xf32, #tpu.memory_space<hbm>> -> memref<6256x4xf32, #tpu.memory_space<hbm>>
      tpu.enqueue_dma source(%dma_start3A_13 : memref<6256x4xf32, #tpu.memory_space<hbm>>) target(%dma_start3A_11 : memref<6256x4xf32, #tpu.memory_space<vmem_shared>>) target_semaphore(%run_scoped3A : memref<!tpu.dma_semaphore, #tpu.memory_space<semaphore_mem>>)
      %dma_wait3A = arith.constant 0 : i32
      %dma_wait3A_14 = tpu.memref_slice %arg7[%mul3A_2, %dma_wait3A] : memref<100096x4xf32, #tpu.memory_space<vmem_shared>> -> memref<6256x4xf32, #tpu.memory_space<vmem_shared>>
      %dma_wait3A_15 = arith.constant 0 : i32
      %dma_wait3A_16 = tpu.memref_slice %arg5[%mul3A_2, %dma_wait3A_15] : memref<100096x4xf32, #tpu.memory_space<hbm>> -> memref<6256x4xf32, #tpu.memory_space<hbm>>
      tpu.wait_dma2 semaphore(%run_scoped3A : memref<!tpu.dma_semaphore, #tpu.memory_space<semaphore_mem>>) src(%dma_wait3A_16 : memref<6256x4xf32, #tpu.memory_space<hbm>>) dst(%dma_wait3A_14 : memref<6256x4xf32, #tpu.memory_space<vmem_shared>>)
      tpu.yield
    }) : () -> ()
    %barrier3A = arith.constant 0 : index
    tpu.barrier barrier_id(%barrier3A)
    %mul3A_3 = arith.constant 23 : i32
    %mul3A_4 = arith.muli %add3A, %mul3A_3 : i32
    %scan3A = arith.constant 0 : i32
    %scan3A_5 = arith.constant 0 : i32
    %scan3A_6 = arith.constant 23 : i32
    %scan3A_7 = arith.addi %scan3A_5, %scan3A_6 : i32
    %scan3A_8 = arith.constant 1 : i32
    scf.for %scan3A_11 = %scan3A_5 to %scan3A_7 step %scan3A_8  : i32 {
      %add3A_12 = arith.addi %mul3A_4, %scan3A_11 : i32
      "tpu.region"() ({
        %run_scoped3A_453 = tpu.sem_alloc : memref<!tpu.dma_semaphore, #tpu.memory_space<semaphore_mem>>
        %dma_start3A_454 = arith.constant 0 : i32
        %dma_start3A_455 = arith.constant 0 : i32
        %dma_start3A_456 = tpu.memref_slice %arg3[%add3A_12, %dma_start3A_454, %dma_start3A_455] : memref<736x17x128xi32, #tpu.memory_space<hbm>> -> memref<1x17x128xi32, #tpu.memory_space<hbm>>
        %dma_start3A_457 = tpu.memref_squeeze %dma_start3A_456 : memref<1x17x128xi32, #tpu.memory_space<hbm>> -> memref<17x128xi32, #tpu.memory_space<hbm>>
        %dma_start3A_458 = arith.constant 0 : i32
        %dma_start3A_459 = arith.constant 0 : i32
        %dma_start3A_460 = tpu.memref_slice %arg3[%add3A_12, %dma_start3A_458, %dma_start3A_459] : memref<736x17x128xi32, #tpu.memory_space<hbm>> -> memref<1x17x128xi32, #tpu.memory_space<hbm>>
        %dma_start3A_461 = tpu.memref_squeeze %dma_start3A_460 : memref<1x17x128xi32, #tpu.memory_space<hbm>> -> memref<17x128xi32, #tpu.memory_space<hbm>>
        tpu.enqueue_dma source(%dma_start3A_461 : memref<17x128xi32, #tpu.memory_space<hbm>>) target(%arg8 : memref<17x128xi32, #tpu.memory_space<vmem>>) target_semaphore(%run_scoped3A_453 : memref<!tpu.dma_semaphore, #tpu.memory_space<semaphore_mem>>)
        %dma_wait3A_462 = arith.constant 0 : i32
        %dma_wait3A_463 = arith.constant 0 : i32
        %dma_wait3A_464 = tpu.memref_slice %arg3[%add3A_12, %dma_wait3A_462, %dma_wait3A_463] : memref<736x17x128xi32, #tpu.memory_space<hbm>> -> memref<1x17x128xi32, #tpu.memory_space<hbm>>
        %dma_wait3A_465 = tpu.memref_squeeze %dma_wait3A_464 : memref<1x17x128xi32, #tpu.memory_space<hbm>> -> memref<17x128xi32, #tpu.memory_space<hbm>>
        %dma_wait3A_466 = arith.constant 0 : i32
        %dma_wait3A_467 = arith.constant 0 : i32
        %dma_wait3A_468 = tpu.memref_slice %arg3[%add3A_12, %dma_wait3A_466, %dma_wait3A_467] : memref<736x17x128xi32, #tpu.memory_space<hbm>> -> memref<1x17x128xi32, #tpu.memory_space<hbm>>
        %dma_wait3A_469 = tpu.memref_squeeze %dma_wait3A_468 : memref<1x17x128xi32, #tpu.memory_space<hbm>> -> memref<17x128xi32, #tpu.memory_space<hbm>>
        tpu.wait_dma2 semaphore(%run_scoped3A_453 : memref<!tpu.dma_semaphore, #tpu.memory_space<semaphore_mem>>) src(%dma_wait3A_469 : memref<17x128xi32, #tpu.memory_space<hbm>>) dst(%arg8 : memref<17x128xi32, #tpu.memory_space<vmem>>)
        tpu.yield
      }) : () -> ()
      %add3A_13 = arith.addi %mul3A_4, %scan3A_11 : i32
      "tpu.region"() ({
        %run_scoped3A_453 = tpu.sem_alloc : memref<!tpu.dma_semaphore, #tpu.memory_space<semaphore_mem>>
        %dma_start3A_454 = arith.constant 0 : i32
        %dma_start3A_455 = arith.constant 0 : i32
        %dma_start3A_456 = tpu.memref_slice %arg4[%add3A_13, %dma_start3A_454, %dma_start3A_455] : memref<736x17x128xi32, #tpu.memory_space<hbm>> -> memref<1x17x128xi32, #tpu.memory_space<hbm>>
        %dma_start3A_457 = tpu.memref_squeeze %dma_start3A_456 : memref<1x17x128xi32, #tpu.memory_space<hbm>> -> memref<17x128xi32, #tpu.memory_space<hbm>>
        %dma_start3A_458 = arith.constant 0 : i32
        %dma_start3A_459 = arith.constant 0 : i32
        %dma_start3A_460 = tpu.memref_slice %arg4[%add3A_13, %dma_start3A_458, %dma_start3A_459] : memref<736x17x128xi32, #tpu.memory_space<hbm>> -> memref<1x17x128xi32, #tpu.memory_space<hbm>>
        %dma_start3A_461 = tpu.memref_squeeze %dma_start3A_460 : memref<1x17x128xi32, #tpu.memory_space<hbm>> -> memref<17x128xi32, #tpu.memory_space<hbm>>
        tpu.enqueue_dma source(%dma_start3A_461 : memref<17x128xi32, #tpu.memory_space<hbm>>) target(%arg9 : memref<17x128xi32, #tpu.memory_space<vmem>>) target_semaphore(%run_scoped3A_453 : memref<!tpu.dma_semaphore, #tpu.memory_space<semaphore_mem>>)
        %dma_wait3A_462 = arith.constant 0 : i32
        %dma_wait3A_463 = arith.constant 0 : i32
        %dma_wait3A_464 = tpu.memref_slice %arg4[%add3A_13, %dma_wait3A_462, %dma_wait3A_463] : memref<736x17x128xi32, #tpu.memory_space<hbm>> -> memref<1x17x128xi32, #tpu.memory_space<hbm>>
        %dma_wait3A_465 = tpu.memref_squeeze %dma_wait3A_464 : memref<1x17x128xi32, #tpu.memory_space<hbm>> -> memref<17x128xi32, #tpu.memory_space<hbm>>
        %dma_wait3A_466 = arith.constant 0 : i32
        %dma_wait3A_467 = arith.constant 0 : i32
        %dma_wait3A_468 = tpu.memref_slice %arg4[%add3A_13, %dma_wait3A_466, %dma_wait3A_467] : memref<736x17x128xi32, #tpu.memory_space<hbm>> -> memref<1x17x128xi32, #tpu.memory_space<hbm>>
        %dma_wait3A_469 = tpu.memref_squeeze %dma_wait3A_468 : memref<1x17x128xi32, #tpu.memory_space<hbm>> -> memref<17x128xi32, #tpu.memory_space<hbm>>
        tpu.wait_dma2 semaphore(%run_scoped3A_453 : memref<!tpu.dma_semaphore, #tpu.memory_space<semaphore_mem>>) src(%dma_wait3A_469 : memref<17x128xi32, #tpu.memory_space<hbm>>) dst(%arg9 : memref<17x128xi32, #tpu.memory_space<vmem>>)
        tpu.yield
      }) : () -> ()
      %dma_start3A = arith.constant 0 : i32
      %dma_start3A_14 = arith.constant 0 : i32
      %dma_start3A_15 = arith.constant 0 : i32
      %dma_start3A_16 = arith.constant 0 : i32
      %dma_start3A_17 = tpu.memref_slice %arg10[%dma_start3A_14, %dma_start3A_15, %dma_start3A_16] : memref<17x128x4xf32, #tpu.memory_space<vmem>> -> memref<1x128x4xf32, #tpu.memory_space<vmem>>
      %dma_start3A_18 = tpu.memref_squeeze %dma_start3A_17 : memref<1x128x4xf32, #tpu.memory_space<vmem>> -> memref<128x4xf32, #tpu.memory_space<vmem>>
      %dma_start3A_19 = arith.constant 0 : i32
      %dma_start3A_20 = tpu.memref_slice %arg8[%dma_start3A, %dma_start3A_19] : memref<17x128xi32, #tpu.memory_space<vmem>> -> memref<1x128xi32, #tpu.memory_space<vmem>>
      %dma_start3A_21 = tpu.memref_squeeze %dma_start3A_20 : memref<1x128xi32, #tpu.memory_space<vmem>> -> memref<128xi32, #tpu.memory_space<vmem>>
      %dma_start3A_22 = arith.constant 0 : i32
      %dma_start3A_23 = arith.constant 0 : i32
      %dma_start3A_24 = tpu.memref_slice %arg2[%dma_start3A_22, %dma_start3A_23] : memref<100000x4xf32, #tpu.memory_space<hbm>> -> memref<100000x4xf32, #tpu.memory_space<hbm>>
      tpu.enqueue_indirect_dma source(%dma_start3A_24 : memref<100000x4xf32, #tpu.memory_space<hbm>>) target(%dma_start3A_18 : memref<128x4xf32, #tpu.memory_space<vmem>>) offsets(%dma_start3A_21 : memref<128xi32, #tpu.memory_space<vmem>>) semaphore(%arg11 : memref<!tpu.dma_semaphore, #tpu.memory_space<semaphore_mem>>)
      %dma_start3A_25 = arith.constant 1 : i32
      %dma_start3A_26 = arith.constant 1 : i32
      %dma_start3A_27 = arith.constant 0 : i32
      %dma_start3A_28 = arith.constant 0 : i32
      %dma_start3A_29 = tpu.memref_slice %arg10[%dma_start3A_26, %dma_start3A_27, %dma_start3A_28] : memref<17x128x4xf32, #tpu.memory_space<vmem>> -> memref<1x128x4xf32, #tpu.memory_space<vmem>>
      %dma_start3A_30 = tpu.memref_squeeze %dma_start3A_29 : memref<1x128x4xf32, #tpu.memory_space<vmem>> -> memref<128x4xf32, #tpu.memory_space<vmem>>
      %dma_start3A_31 = arith.constant 0 : i32
      %dma_start3A_32 = tpu.memref_slice %arg8[%dma_start3A_25, %dma_start3A_31] : memref<17x128xi32, #tpu.memory_space<vmem>> -> memref<1x128xi32, #tpu.memory_space<vmem>>
      %dma_start3A_33 = tpu.memref_squeeze %dma_start3A_32 : memref<1x128xi32, #tpu.memory_space<vmem>> -> memref<128xi32, #tpu.memory_space<vmem>>
      %dma_start3A_34 = arith.constant 0 : i32
      %dma_start3A_35 = arith.constant 0 : i32
      %dma_start3A_36 = tpu.memref_slice %arg2[%dma_start3A_34, %dma_start3A_35] : memref<100000x4xf32, #tpu.memory_space<hbm>> -> memref<100000x4xf32, #tpu.memory_space<hbm>>
      tpu.enqueue_indirect_dma source(%dma_start3A_36 : memref<100000x4xf32, #tpu.memory_space<hbm>>) target(%dma_start3A_30 : memref<128x4xf32, #tpu.memory_space<vmem>>) offsets(%dma_start3A_33 : memref<128xi32, #tpu.memory_space<vmem>>) semaphore(%arg11 : memref<!tpu.dma_semaphore, #tpu.memory_space<semaphore_mem>>)
      %dma_start3A_37 = arith.constant 2 : i32
      %dma_start3A_38 = arith.constant 2 : i32
      %dma_start3A_39 = arith.constant 0 : i32
      %dma_start3A_40 = arith.constant 0 : i32
      %dma_start3A_41 = tpu.memref_slice %arg10[%dma_start3A_38, %dma_start3A_39, %dma_start3A_40] : memref<17x128x4xf32, #tpu.memory_space<vmem>> -> memref<1x128x4xf32, #tpu.memory_space<vmem>>
      %dma_start3A_42 = tpu.memref_squeeze %dma_start3A_41 : memref<1x128x4xf32, #tpu.memory_space<vmem>> -> memref<128x4xf32, #tpu.memory_space<vmem>>
      %dma_start3A_43 = arith.constant 0 : i32
      %dma_start3A_44 = tpu.memref_slice %arg8[%dma_start3A_37, %dma_start3A_43] : memref<17x128xi32, #tpu.memory_space<vmem>> -> memref<1x128xi32, #tpu.memory_space<vmem>>
      %dma_start3A_45 = tpu.memref_squeeze %dma_start3A_44 : memref<1x128xi32, #tpu.memory_space<vmem>> -> memref<128xi32, #tpu.memory_space<vmem>>
      %dma_start3A_46 = arith.constant 0 : i32
      %dma_start3A_47 = arith.constant 0 : i32
      %dma_start3A_48 = tpu.memref_slice %arg2[%dma_start3A_46, %dma_start3A_47] : memref<100000x4xf32, #tpu.memory_space<hbm>> -> memref<100000x4xf32, #tpu.memory_space<hbm>>
      tpu.enqueue_indirect_dma source(%dma_start3A_48 : memref<100000x4xf32, #tpu.memory_space<hbm>>) target(%dma_start3A_42 : memref<128x4xf32, #tpu.memory_space<vmem>>) offsets(%dma_start3A_45 : memref<128xi32, #tpu.memory_space<vmem>>) semaphore(%arg11 : memref<!tpu.dma_semaphore, #tpu.memory_space<semaphore_mem>>)
      %dma_start3A_49 = arith.constant 3 : i32
      %dma_start3A_50 = arith.constant 3 : i32
      %dma_start3A_51 = arith.constant 0 : i32
      %dma_start3A_52 = arith.constant 0 : i32
      %dma_start3A_53 = tpu.memref_slice %arg10[%dma_start3A_50, %dma_start3A_51, %dma_start3A_52] : memref<17x128x4xf32, #tpu.memory_space<vmem>> -> memref<1x128x4xf32, #tpu.memory_space<vmem>>
      %dma_start3A_54 = tpu.memref_squeeze %dma_start3A_53 : memref<1x128x4xf32, #tpu.memory_space<vmem>> -> memref<128x4xf32, #tpu.memory_space<vmem>>
      %dma_start3A_55 = arith.constant 0 : i32
      %dma_start3A_56 = tpu.memref_slice %arg8[%dma_start3A_49, %dma_start3A_55] : memref<17x128xi32, #tpu.memory_space<vmem>> -> memref<1x128xi32, #tpu.memory_space<vmem>>
      %dma_start3A_57 = tpu.memref_squeeze %dma_start3A_56 : memref<1x128xi32, #tpu.memory_space<vmem>> -> memref<128xi32, #tpu.memory_space<vmem>>
      %dma_start3A_58 = arith.constant 0 : i32
      %dma_start3A_59 = arith.constant 0 : i32
      %dma_start3A_60 = tpu.memref_slice %arg2[%dma_start3A_58, %dma_start3A_59] : memref<100000x4xf32, #tpu.memory_space<hbm>> -> memref<100000x4xf32, #tpu.memory_space<hbm>>
      tpu.enqueue_indirect_dma source(%dma_start3A_60 : memref<100000x4xf32, #tpu.memory_space<hbm>>) target(%dma_start3A_54 : memref<128x4xf32, #tpu.memory_space<vmem>>) offsets(%dma_start3A_57 : memref<128xi32, #tpu.memory_space<vmem>>) semaphore(%arg11 : memref<!tpu.dma_semaphore, #tpu.memory_space<semaphore_mem>>)
      %dma_start3A_61 = arith.constant 4 : i32
      %dma_start3A_62 = arith.constant 4 : i32
      %dma_start3A_63 = arith.constant 0 : i32
      %dma_start3A_64 = arith.constant 0 : i32
      %dma_start3A_65 = tpu.memref_slice %arg10[%dma_start3A_62, %dma_start3A_63, %dma_start3A_64] : memref<17x128x4xf32, #tpu.memory_space<vmem>> -> memref<1x128x4xf32, #tpu.memory_space<vmem>>
      %dma_start3A_66 = tpu.memref_squeeze %dma_start3A_65 : memref<1x128x4xf32, #tpu.memory_space<vmem>> -> memref<128x4xf32, #tpu.memory_space<vmem>>
      %dma_start3A_67 = arith.constant 0 : i32
      %dma_start3A_68 = tpu.memref_slice %arg8[%dma_start3A_61, %dma_start3A_67] : memref<17x128xi32, #tpu.memory_space<vmem>> -> memref<1x128xi32, #tpu.memory_space<vmem>>
      %dma_start3A_69 = tpu.memref_squeeze %dma_start3A_68 : memref<1x128xi32, #tpu.memory_space<vmem>> -> memref<128xi32, #tpu.memory_space<vmem>>
      %dma_start3A_70 = arith.constant 0 : i32
      %dma_start3A_71 = arith.constant 0 : i32
      %dma_start3A_72 = tpu.memref_slice %arg2[%dma_start3A_70, %dma_start3A_71] : memref<100000x4xf32, #tpu.memory_space<hbm>> -> memref<100000x4xf32, #tpu.memory_space<hbm>>
      tpu.enqueue_indirect_dma source(%dma_start3A_72 : memref<100000x4xf32, #tpu.memory_space<hbm>>) target(%dma_start3A_66 : memref<128x4xf32, #tpu.memory_space<vmem>>) offsets(%dma_start3A_69 : memref<128xi32, #tpu.memory_space<vmem>>) semaphore(%arg11 : memref<!tpu.dma_semaphore, #tpu.memory_space<semaphore_mem>>)
      %dma_start3A_73 = arith.constant 5 : i32
      %dma_start3A_74 = arith.constant 5 : i32
      %dma_start3A_75 = arith.constant 0 : i32
      %dma_start3A_76 = arith.constant 0 : i32
      %dma_start3A_77 = tpu.memref_slice %arg10[%dma_start3A_74, %dma_start3A_75, %dma_start3A_76] : memref<17x128x4xf32, #tpu.memory_space<vmem>> -> memref<1x128x4xf32, #tpu.memory_space<vmem>>
      %dma_start3A_78 = tpu.memref_squeeze %dma_start3A_77 : memref<1x128x4xf32, #tpu.memory_space<vmem>> -> memref<128x4xf32, #tpu.memory_space<vmem>>
      %dma_start3A_79 = arith.constant 0 : i32
      %dma_start3A_80 = tpu.memref_slice %arg8[%dma_start3A_73, %dma_start3A_79] : memref<17x128xi32, #tpu.memory_space<vmem>> -> memref<1x128xi32, #tpu.memory_space<vmem>>
      %dma_start3A_81 = tpu.memref_squeeze %dma_start3A_80 : memref<1x128xi32, #tpu.memory_space<vmem>> -> memref<128xi32, #tpu.memory_space<vmem>>
      %dma_start3A_82 = arith.constant 0 : i32
      %dma_start3A_83 = arith.constant 0 : i32
      %dma_start3A_84 = tpu.memref_slice %arg2[%dma_start3A_82, %dma_start3A_83] : memref<100000x4xf32, #tpu.memory_space<hbm>> -> memref<100000x4xf32, #tpu.memory_space<hbm>>
      tpu.enqueue_indirect_dma source(%dma_start3A_84 : memref<100000x4xf32, #tpu.memory_space<hbm>>) target(%dma_start3A_78 : memref<128x4xf32, #tpu.memory_space<vmem>>) offsets(%dma_start3A_81 : memref<128xi32, #tpu.memory_space<vmem>>) semaphore(%arg11 : memref<!tpu.dma_semaphore, #tpu.memory_space<semaphore_mem>>)
      %dma_start3A_85 = arith.constant 6 : i32
      %dma_start3A_86 = arith.constant 6 : i32
      %dma_start3A_87 = arith.constant 0 : i32
      %dma_start3A_88 = arith.constant 0 : i32
      %dma_start3A_89 = tpu.memref_slice %arg10[%dma_start3A_86, %dma_start3A_87, %dma_start3A_88] : memref<17x128x4xf32, #tpu.memory_space<vmem>> -> memref<1x128x4xf32, #tpu.memory_space<vmem>>
      %dma_start3A_90 = tpu.memref_squeeze %dma_start3A_89 : memref<1x128x4xf32, #tpu.memory_space<vmem>> -> memref<128x4xf32, #tpu.memory_space<vmem>>
      %dma_start3A_91 = arith.constant 0 : i32
      %dma_start3A_92 = tpu.memref_slice %arg8[%dma_start3A_85, %dma_start3A_91] : memref<17x128xi32, #tpu.memory_space<vmem>> -> memref<1x128xi32, #tpu.memory_space<vmem>>
      %dma_start3A_93 = tpu.memref_squeeze %dma_start3A_92 : memref<1x128xi32, #tpu.memory_space<vmem>> -> memref<128xi32, #tpu.memory_space<vmem>>
      %dma_start3A_94 = arith.constant 0 : i32
      %dma_start3A_95 = arith.constant 0 : i32
      %dma_start3A_96 = tpu.memref_slice %arg2[%dma_start3A_94, %dma_start3A_95] : memref<100000x4xf32, #tpu.memory_space<hbm>> -> memref<100000x4xf32, #tpu.memory_space<hbm>>
      tpu.enqueue_indirect_dma source(%dma_start3A_96 : memref<100000x4xf32, #tpu.memory_space<hbm>>) target(%dma_start3A_90 : memref<128x4xf32, #tpu.memory_space<vmem>>) offsets(%dma_start3A_93 : memref<128xi32, #tpu.memory_space<vmem>>) semaphore(%arg11 : memref<!tpu.dma_semaphore, #tpu.memory_space<semaphore_mem>>)
      %dma_start3A_97 = arith.constant 7 : i32
      %dma_start3A_98 = arith.constant 7 : i32
      %dma_start3A_99 = arith.constant 0 : i32
      %dma_start3A_100 = arith.constant 0 : i32
      %dma_start3A_101 = tpu.memref_slice %arg10[%dma_start3A_98, %dma_start3A_99, %dma_start3A_100] : memref<17x128x4xf32, #tpu.memory_space<vmem>> -> memref<1x128x4xf32, #tpu.memory_space<vmem>>
      %dma_start3A_102 = tpu.memref_squeeze %dma_start3A_101 : memref<1x128x4xf32, #tpu.memory_space<vmem>> -> memref<128x4xf32, #tpu.memory_space<vmem>>
      %dma_start3A_103 = arith.constant 0 : i32
      %dma_start3A_104 = tpu.memref_slice %arg8[%dma_start3A_97, %dma_start3A_103] : memref<17x128xi32, #tpu.memory_space<vmem>> -> memref<1x128xi32, #tpu.memory_space<vmem>>
      %dma_start3A_105 = tpu.memref_squeeze %dma_start3A_104 : memref<1x128xi32, #tpu.memory_space<vmem>> -> memref<128xi32, #tpu.memory_space<vmem>>
      %dma_start3A_106 = arith.constant 0 : i32
      %dma_start3A_107 = arith.constant 0 : i32
      %dma_start3A_108 = tpu.memref_slice %arg2[%dma_start3A_106, %dma_start3A_107] : memref<100000x4xf32, #tpu.memory_space<hbm>> -> memref<100000x4xf32, #tpu.memory_space<hbm>>
      tpu.enqueue_indirect_dma source(%dma_start3A_108 : memref<100000x4xf32, #tpu.memory_space<hbm>>) target(%dma_start3A_102 : memref<128x4xf32, #tpu.memory_space<vmem>>) offsets(%dma_start3A_105 : memref<128xi32, #tpu.memory_space<vmem>>) semaphore(%arg11 : memref<!tpu.dma_semaphore, #tpu.memory_space<semaphore_mem>>)
      %dma_start3A_109 = arith.constant 8 : i32
      %dma_start3A_110 = arith.constant 8 : i32
      %dma_start3A_111 = arith.constant 0 : i32
      %dma_start3A_112 = arith.constant 0 : i32
      %dma_start3A_113 = tpu.memref_slice %arg10[%dma_start3A_110, %dma_start3A_111, %dma_start3A_112] : memref<17x128x4xf32, #tpu.memory_space<vmem>> -> memref<1x128x4xf32, #tpu.memory_space<vmem>>
      %dma_start3A_114 = tpu.memref_squeeze %dma_start3A_113 : memref<1x128x4xf32, #tpu.memory_space<vmem>> -> memref<128x4xf32, #tpu.memory_space<vmem>>
      %dma_start3A_115 = arith.constant 0 : i32
      %dma_start3A_116 = tpu.memref_slice %arg8[%dma_start3A_109, %dma_start3A_115] : memref<17x128xi32, #tpu.memory_space<vmem>> -> memref<1x128xi32, #tpu.memory_space<vmem>>
      %dma_start3A_117 = tpu.memref_squeeze %dma_start3A_116 : memref<1x128xi32, #tpu.memory_space<vmem>> -> memref<128xi32, #tpu.memory_space<vmem>>
      %dma_start3A_118 = arith.constant 0 : i32
      %dma_start3A_119 = arith.constant 0 : i32
      %dma_start3A_120 = tpu.memref_slice %arg2[%dma_start3A_118, %dma_start3A_119] : memref<100000x4xf32, #tpu.memory_space<hbm>> -> memref<100000x4xf32, #tpu.memory_space<hbm>>
      tpu.enqueue_indirect_dma source(%dma_start3A_120 : memref<100000x4xf32, #tpu.memory_space<hbm>>) target(%dma_start3A_114 : memref<128x4xf32, #tpu.memory_space<vmem>>) offsets(%dma_start3A_117 : memref<128xi32, #tpu.memory_space<vmem>>) semaphore(%arg11 : memref<!tpu.dma_semaphore, #tpu.memory_space<semaphore_mem>>)
      %dma_start3A_121 = arith.constant 9 : i32
      %dma_start3A_122 = arith.constant 9 : i32
      %dma_start3A_123 = arith.constant 0 : i32
      %dma_start3A_124 = arith.constant 0 : i32
      %dma_start3A_125 = tpu.memref_slice %arg10[%dma_start3A_122, %dma_start3A_123, %dma_start3A_124] : memref<17x128x4xf32, #tpu.memory_space<vmem>> -> memref<1x128x4xf32, #tpu.memory_space<vmem>>
      %dma_start3A_126 = tpu.memref_squeeze %dma_start3A_125 : memref<1x128x4xf32, #tpu.memory_space<vmem>> -> memref<128x4xf32, #tpu.memory_space<vmem>>
      %dma_start3A_127 = arith.constant 0 : i32
      %dma_start3A_128 = tpu.memref_slice %arg8[%dma_start3A_121, %dma_start3A_127] : memref<17x128xi32, #tpu.memory_space<vmem>> -> memref<1x128xi32, #tpu.memory_space<vmem>>
      %dma_start3A_129 = tpu.memref_squeeze %dma_start3A_128 : memref<1x128xi32, #tpu.memory_space<vmem>> -> memref<128xi32, #tpu.memory_space<vmem>>
      %dma_start3A_130 = arith.constant 0 : i32
      %dma_start3A_131 = arith.constant 0 : i32
      %dma_start3A_132 = tpu.memref_slice %arg2[%dma_start3A_130, %dma_start3A_131] : memref<100000x4xf32, #tpu.memory_space<hbm>> -> memref<100000x4xf32, #tpu.memory_space<hbm>>
      tpu.enqueue_indirect_dma source(%dma_start3A_132 : memref<100000x4xf32, #tpu.memory_space<hbm>>) target(%dma_start3A_126 : memref<128x4xf32, #tpu.memory_space<vmem>>) offsets(%dma_start3A_129 : memref<128xi32, #tpu.memory_space<vmem>>) semaphore(%arg11 : memref<!tpu.dma_semaphore, #tpu.memory_space<semaphore_mem>>)
      %dma_start3A_133 = arith.constant 10 : i32
      %dma_start3A_134 = arith.constant 10 : i32
      %dma_start3A_135 = arith.constant 0 : i32
      %dma_start3A_136 = arith.constant 0 : i32
      %dma_start3A_137 = tpu.memref_slice %arg10[%dma_start3A_134, %dma_start3A_135, %dma_start3A_136] : memref<17x128x4xf32, #tpu.memory_space<vmem>> -> memref<1x128x4xf32, #tpu.memory_space<vmem>>
      %dma_start3A_138 = tpu.memref_squeeze %dma_start3A_137 : memref<1x128x4xf32, #tpu.memory_space<vmem>> -> memref<128x4xf32, #tpu.memory_space<vmem>>
      %dma_start3A_139 = arith.constant 0 : i32
      %dma_start3A_140 = tpu.memref_slice %arg8[%dma_start3A_133, %dma_start3A_139] : memref<17x128xi32, #tpu.memory_space<vmem>> -> memref<1x128xi32, #tpu.memory_space<vmem>>
      %dma_start3A_141 = tpu.memref_squeeze %dma_start3A_140 : memref<1x128xi32, #tpu.memory_space<vmem>> -> memref<128xi32, #tpu.memory_space<vmem>>
      %dma_start3A_142 = arith.constant 0 : i32
      %dma_start3A_143 = arith.constant 0 : i32
      %dma_start3A_144 = tpu.memref_slice %arg2[%dma_start3A_142, %dma_start3A_143] : memref<100000x4xf32, #tpu.memory_space<hbm>> -> memref<100000x4xf32, #tpu.memory_space<hbm>>
      tpu.enqueue_indirect_dma source(%dma_start3A_144 : memref<100000x4xf32, #tpu.memory_space<hbm>>) target(%dma_start3A_138 : memref<128x4xf32, #tpu.memory_space<vmem>>) offsets(%dma_start3A_141 : memref<128xi32, #tpu.memory_space<vmem>>) semaphore(%arg11 : memref<!tpu.dma_semaphore, #tpu.memory_space<semaphore_mem>>)
      %dma_start3A_145 = arith.constant 11 : i32
      %dma_start3A_146 = arith.constant 11 : i32
      %dma_start3A_147 = arith.constant 0 : i32
      %dma_start3A_148 = arith.constant 0 : i32
      %dma_start3A_149 = tpu.memref_slice %arg10[%dma_start3A_146, %dma_start3A_147, %dma_start3A_148] : memref<17x128x4xf32, #tpu.memory_space<vmem>> -> memref<1x128x4xf32, #tpu.memory_space<vmem>>
      %dma_start3A_150 = tpu.memref_squeeze %dma_start3A_149 : memref<1x128x4xf32, #tpu.memory_space<vmem>> -> memref<128x4xf32, #tpu.memory_space<vmem>>
      %dma_start3A_151 = arith.constant 0 : i32
      %dma_start3A_152 = tpu.memref_slice %arg8[%dma_start3A_145, %dma_start3A_151] : memref<17x128xi32, #tpu.memory_space<vmem>> -> memref<1x128xi32, #tpu.memory_space<vmem>>
      %dma_start3A_153 = tpu.memref_squeeze %dma_start3A_152 : memref<1x128xi32, #tpu.memory_space<vmem>> -> memref<128xi32, #tpu.memory_space<vmem>>
      %dma_start3A_154 = arith.constant 0 : i32
      %dma_start3A_155 = arith.constant 0 : i32
      %dma_start3A_156 = tpu.memref_slice %arg2[%dma_start3A_154, %dma_start3A_155] : memref<100000x4xf32, #tpu.memory_space<hbm>> -> memref<100000x4xf32, #tpu.memory_space<hbm>>
      tpu.enqueue_indirect_dma source(%dma_start3A_156 : memref<100000x4xf32, #tpu.memory_space<hbm>>) target(%dma_start3A_150 : memref<128x4xf32, #tpu.memory_space<vmem>>) offsets(%dma_start3A_153 : memref<128xi32, #tpu.memory_space<vmem>>) semaphore(%arg11 : memref<!tpu.dma_semaphore, #tpu.memory_space<semaphore_mem>>)
      %dma_start3A_157 = arith.constant 12 : i32
      %dma_start3A_158 = arith.constant 12 : i32
      %dma_start3A_159 = arith.constant 0 : i32
      %dma_start3A_160 = arith.constant 0 : i32
      %dma_start3A_161 = tpu.memref_slice %arg10[%dma_start3A_158, %dma_start3A_159, %dma_start3A_160] : memref<17x128x4xf32, #tpu.memory_space<vmem>> -> memref<1x128x4xf32, #tpu.memory_space<vmem>>
      %dma_start3A_162 = tpu.memref_squeeze %dma_start3A_161 : memref<1x128x4xf32, #tpu.memory_space<vmem>> -> memref<128x4xf32, #tpu.memory_space<vmem>>
      %dma_start3A_163 = arith.constant 0 : i32
      %dma_start3A_164 = tpu.memref_slice %arg8[%dma_start3A_157, %dma_start3A_163] : memref<17x128xi32, #tpu.memory_space<vmem>> -> memref<1x128xi32, #tpu.memory_space<vmem>>
      %dma_start3A_165 = tpu.memref_squeeze %dma_start3A_164 : memref<1x128xi32, #tpu.memory_space<vmem>> -> memref<128xi32, #tpu.memory_space<vmem>>
      %dma_start3A_166 = arith.constant 0 : i32
      %dma_start3A_167 = arith.constant 0 : i32
      %dma_start3A_168 = tpu.memref_slice %arg2[%dma_start3A_166, %dma_start3A_167] : memref<100000x4xf32, #tpu.memory_space<hbm>> -> memref<100000x4xf32, #tpu.memory_space<hbm>>
      tpu.enqueue_indirect_dma source(%dma_start3A_168 : memref<100000x4xf32, #tpu.memory_space<hbm>>) target(%dma_start3A_162 : memref<128x4xf32, #tpu.memory_space<vmem>>) offsets(%dma_start3A_165 : memref<128xi32, #tpu.memory_space<vmem>>) semaphore(%arg11 : memref<!tpu.dma_semaphore, #tpu.memory_space<semaphore_mem>>)
      %dma_start3A_169 = arith.constant 13 : i32
      %dma_start3A_170 = arith.constant 13 : i32
      %dma_start3A_171 = arith.constant 0 : i32
      %dma_start3A_172 = arith.constant 0 : i32
      %dma_start3A_173 = tpu.memref_slice %arg10[%dma_start3A_170, %dma_start3A_171, %dma_start3A_172] : memref<17x128x4xf32, #tpu.memory_space<vmem>> -> memref<1x128x4xf32, #tpu.memory_space<vmem>>
      %dma_start3A_174 = tpu.memref_squeeze %dma_start3A_173 : memref<1x128x4xf32, #tpu.memory_space<vmem>> -> memref<128x4xf32, #tpu.memory_space<vmem>>
      %dma_start3A_175 = arith.constant 0 : i32
      %dma_start3A_176 = tpu.memref_slice %arg8[%dma_start3A_169, %dma_start3A_175] : memref<17x128xi32, #tpu.memory_space<vmem>> -> memref<1x128xi32, #tpu.memory_space<vmem>>
      %dma_start3A_177 = tpu.memref_squeeze %dma_start3A_176 : memref<1x128xi32, #tpu.memory_space<vmem>> -> memref<128xi32, #tpu.memory_space<vmem>>
      %dma_start3A_178 = arith.constant 0 : i32
      %dma_start3A_179 = arith.constant 0 : i32
      %dma_start3A_180 = tpu.memref_slice %arg2[%dma_start3A_178, %dma_start3A_179] : memref<100000x4xf32, #tpu.memory_space<hbm>> -> memref<100000x4xf32, #tpu.memory_space<hbm>>
      tpu.enqueue_indirect_dma source(%dma_start3A_180 : memref<100000x4xf32, #tpu.memory_space<hbm>>) target(%dma_start3A_174 : memref<128x4xf32, #tpu.memory_space<vmem>>) offsets(%dma_start3A_177 : memref<128xi32, #tpu.memory_space<vmem>>) semaphore(%arg11 : memref<!tpu.dma_semaphore, #tpu.memory_space<semaphore_mem>>)
      %dma_start3A_181 = arith.constant 14 : i32
      %dma_start3A_182 = arith.constant 14 : i32
      %dma_start3A_183 = arith.constant 0 : i32
      %dma_start3A_184 = arith.constant 0 : i32
      %dma_start3A_185 = tpu.memref_slice %arg10[%dma_start3A_182, %dma_start3A_183, %dma_start3A_184] : memref<17x128x4xf32, #tpu.memory_space<vmem>> -> memref<1x128x4xf32, #tpu.memory_space<vmem>>
      %dma_start3A_186 = tpu.memref_squeeze %dma_start3A_185 : memref<1x128x4xf32, #tpu.memory_space<vmem>> -> memref<128x4xf32, #tpu.memory_space<vmem>>
      %dma_start3A_187 = arith.constant 0 : i32
      %dma_start3A_188 = tpu.memref_slice %arg8[%dma_start3A_181, %dma_start3A_187] : memref<17x128xi32, #tpu.memory_space<vmem>> -> memref<1x128xi32, #tpu.memory_space<vmem>>
      %dma_start3A_189 = tpu.memref_squeeze %dma_start3A_188 : memref<1x128xi32, #tpu.memory_space<vmem>> -> memref<128xi32, #tpu.memory_space<vmem>>
      %dma_start3A_190 = arith.constant 0 : i32
      %dma_start3A_191 = arith.constant 0 : i32
      %dma_start3A_192 = tpu.memref_slice %arg2[%dma_start3A_190, %dma_start3A_191] : memref<100000x4xf32, #tpu.memory_space<hbm>> -> memref<100000x4xf32, #tpu.memory_space<hbm>>
      tpu.enqueue_indirect_dma source(%dma_start3A_192 : memref<100000x4xf32, #tpu.memory_space<hbm>>) target(%dma_start3A_186 : memref<128x4xf32, #tpu.memory_space<vmem>>) offsets(%dma_start3A_189 : memref<128xi32, #tpu.memory_space<vmem>>) semaphore(%arg11 : memref<!tpu.dma_semaphore, #tpu.memory_space<semaphore_mem>>)
      %dma_start3A_193 = arith.constant 15 : i32
      %dma_start3A_194 = arith.constant 15 : i32
      %dma_start3A_195 = arith.constant 0 : i32
      %dma_start3A_196 = arith.constant 0 : i32
      %dma_start3A_197 = tpu.memref_slice %arg10[%dma_start3A_194, %dma_start3A_195, %dma_start3A_196] : memref<17x128x4xf32, #tpu.memory_space<vmem>> -> memref<1x128x4xf32, #tpu.memory_space<vmem>>
      %dma_start3A_198 = tpu.memref_squeeze %dma_start3A_197 : memref<1x128x4xf32, #tpu.memory_space<vmem>> -> memref<128x4xf32, #tpu.memory_space<vmem>>
      %dma_start3A_199 = arith.constant 0 : i32
      %dma_start3A_200 = tpu.memref_slice %arg8[%dma_start3A_193, %dma_start3A_199] : memref<17x128xi32, #tpu.memory_space<vmem>> -> memref<1x128xi32, #tpu.memory_space<vmem>>
      %dma_start3A_201 = tpu.memref_squeeze %dma_start3A_200 : memref<1x128xi32, #tpu.memory_space<vmem>> -> memref<128xi32, #tpu.memory_space<vmem>>
      %dma_start3A_202 = arith.constant 0 : i32
      %dma_start3A_203 = arith.constant 0 : i32
      %dma_start3A_204 = tpu.memref_slice %arg2[%dma_start3A_202, %dma_start3A_203] : memref<100000x4xf32, #tpu.memory_space<hbm>> -> memref<100000x4xf32, #tpu.memory_space<hbm>>
      tpu.enqueue_indirect_dma source(%dma_start3A_204 : memref<100000x4xf32, #tpu.memory_space<hbm>>) target(%dma_start3A_198 : memref<128x4xf32, #tpu.memory_space<vmem>>) offsets(%dma_start3A_201 : memref<128xi32, #tpu.memory_space<vmem>>) semaphore(%arg11 : memref<!tpu.dma_semaphore, #tpu.memory_space<semaphore_mem>>)
      %dma_start3A_205 = arith.constant 16 : i32
      %dma_start3A_206 = arith.constant 16 : i32
      %dma_start3A_207 = arith.constant 0 : i32
      %dma_start3A_208 = arith.constant 0 : i32
      %dma_start3A_209 = tpu.memref_slice %arg10[%dma_start3A_206, %dma_start3A_207, %dma_start3A_208] : memref<17x128x4xf32, #tpu.memory_space<vmem>> -> memref<1x128x4xf32, #tpu.memory_space<vmem>>
      %dma_start3A_210 = tpu.memref_squeeze %dma_start3A_209 : memref<1x128x4xf32, #tpu.memory_space<vmem>> -> memref<128x4xf32, #tpu.memory_space<vmem>>
      %dma_start3A_211 = arith.constant 0 : i32
      %dma_start3A_212 = tpu.memref_slice %arg8[%dma_start3A_205, %dma_start3A_211] : memref<17x128xi32, #tpu.memory_space<vmem>> -> memref<1x128xi32, #tpu.memory_space<vmem>>
      %dma_start3A_213 = tpu.memref_squeeze %dma_start3A_212 : memref<1x128xi32, #tpu.memory_space<vmem>> -> memref<128xi32, #tpu.memory_space<vmem>>
      %dma_start3A_214 = arith.constant 0 : i32
      %dma_start3A_215 = arith.constant 0 : i32
      %dma_start3A_216 = tpu.memref_slice %arg2[%dma_start3A_214, %dma_start3A_215] : memref<100000x4xf32, #tpu.memory_space<hbm>> -> memref<100000x4xf32, #tpu.memory_space<hbm>>
      tpu.enqueue_indirect_dma source(%dma_start3A_216 : memref<100000x4xf32, #tpu.memory_space<hbm>>) target(%dma_start3A_210 : memref<128x4xf32, #tpu.memory_space<vmem>>) offsets(%dma_start3A_213 : memref<128xi32, #tpu.memory_space<vmem>>) semaphore(%arg11 : memref<!tpu.dma_semaphore, #tpu.memory_space<semaphore_mem>>)
      %dma_wait3A = arith.constant 0 : i32
      %dma_wait3A_217 = arith.constant 0 : i32
      %dma_wait3A_218 = arith.constant 0 : i32
      %dma_wait3A_219 = arith.constant 0 : i32
      %dma_wait3A_220 = tpu.memref_slice %arg10[%dma_wait3A_217, %dma_wait3A_218, %dma_wait3A_219] : memref<17x128x4xf32, #tpu.memory_space<vmem>> -> memref<1x128x4xf32, #tpu.memory_space<vmem>>
      %dma_wait3A_221 = tpu.memref_squeeze %dma_wait3A_220 : memref<1x128x4xf32, #tpu.memory_space<vmem>> -> memref<128x4xf32, #tpu.memory_space<vmem>>
      %dma_wait3A_222 = arith.constant 0 : i32
      %dma_wait3A_223 = tpu.memref_slice %arg8[%dma_wait3A, %dma_wait3A_222] : memref<17x128xi32, #tpu.memory_space<vmem>> -> memref<1x128xi32, #tpu.memory_space<vmem>>
      %dma_wait3A_224 = tpu.memref_squeeze %dma_wait3A_223 : memref<1x128xi32, #tpu.memory_space<vmem>> -> memref<128xi32, #tpu.memory_space<vmem>>
      %dma_wait3A_225 = arith.constant 0 : i32
      %dma_wait3A_226 = arith.constant 0 : i32
      %dma_wait3A_227 = tpu.memref_slice %arg2[%dma_wait3A_225, %dma_wait3A_226] : memref<100000x4xf32, #tpu.memory_space<hbm>> -> memref<100000x4xf32, #tpu.memory_space<hbm>>
      tpu.wait_indirect_dma semaphore(%arg11 : memref<!tpu.dma_semaphore, #tpu.memory_space<semaphore_mem>>) src(%dma_wait3A_227 : memref<100000x4xf32, #tpu.memory_space<hbm>>) dst(%dma_wait3A_221 : memref<128x4xf32, #tpu.memory_space<vmem>>)
      %dma_wait3A_228 = arith.constant 1 : i32
      %dma_wait3A_229 = arith.constant 1 : i32
      %dma_wait3A_230 = arith.constant 0 : i32
      %dma_wait3A_231 = arith.constant 0 : i32
      %dma_wait3A_232 = tpu.memref_slice %arg10[%dma_wait3A_229, %dma_wait3A_230, %dma_wait3A_231] : memref<17x128x4xf32, #tpu.memory_space<vmem>> -> memref<1x128x4xf32, #tpu.memory_space<vmem>>
      %dma_wait3A_233 = tpu.memref_squeeze %dma_wait3A_232 : memref<1x128x4xf32, #tpu.memory_space<vmem>> -> memref<128x4xf32, #tpu.memory_space<vmem>>
      %dma_wait3A_234 = arith.constant 0 : i32
      %dma_wait3A_235 = tpu.memref_slice %arg8[%dma_wait3A_228, %dma_wait3A_234] : memref<17x128xi32, #tpu.memory_space<vmem>> -> memref<1x128xi32, #tpu.memory_space<vmem>>
      %dma_wait3A_236 = tpu.memref_squeeze %dma_wait3A_235 : memref<1x128xi32, #tpu.memory_space<vmem>> -> memref<128xi32, #tpu.memory_space<vmem>>
      %dma_wait3A_237 = arith.constant 0 : i32
      %dma_wait3A_238 = arith.constant 0 : i32
      %dma_wait3A_239 = tpu.memref_slice %arg2[%dma_wait3A_237, %dma_wait3A_238] : memref<100000x4xf32, #tpu.memory_space<hbm>> -> memref<100000x4xf32, #tpu.memory_space<hbm>>
      tpu.wait_indirect_dma semaphore(%arg11 : memref<!tpu.dma_semaphore, #tpu.memory_space<semaphore_mem>>) src(%dma_wait3A_239 : memref<100000x4xf32, #tpu.memory_space<hbm>>) dst(%dma_wait3A_233 : memref<128x4xf32, #tpu.memory_space<vmem>>)
      %dma_wait3A_240 = arith.constant 2 : i32
      %dma_wait3A_241 = arith.constant 2 : i32
      %dma_wait3A_242 = arith.constant 0 : i32
      %dma_wait3A_243 = arith.constant 0 : i32
      %dma_wait3A_244 = tpu.memref_slice %arg10[%dma_wait3A_241, %dma_wait3A_242, %dma_wait3A_243] : memref<17x128x4xf32, #tpu.memory_space<vmem>> -> memref<1x128x4xf32, #tpu.memory_space<vmem>>
      %dma_wait3A_245 = tpu.memref_squeeze %dma_wait3A_244 : memref<1x128x4xf32, #tpu.memory_space<vmem>> -> memref<128x4xf32, #tpu.memory_space<vmem>>
      %dma_wait3A_246 = arith.constant 0 : i32
      %dma_wait3A_247 = tpu.memref_slice %arg8[%dma_wait3A_240, %dma_wait3A_246] : memref<17x128xi32, #tpu.memory_space<vmem>> -> memref<1x128xi32, #tpu.memory_space<vmem>>
      %dma_wait3A_248 = tpu.memref_squeeze %dma_wait3A_247 : memref<1x128xi32, #tpu.memory_space<vmem>> -> memref<128xi32, #tpu.memory_space<vmem>>
      %dma_wait3A_249 = arith.constant 0 : i32
      %dma_wait3A_250 = arith.constant 0 : i32
      %dma_wait3A_251 = tpu.memref_slice %arg2[%dma_wait3A_249, %dma_wait3A_250] : memref<100000x4xf32, #tpu.memory_space<hbm>> -> memref<100000x4xf32, #tpu.memory_space<hbm>>
      tpu.wait_indirect_dma semaphore(%arg11 : memref<!tpu.dma_semaphore, #tpu.memory_space<semaphore_mem>>) src(%dma_wait3A_251 : memref<100000x4xf32, #tpu.memory_space<hbm>>) dst(%dma_wait3A_245 : memref<128x4xf32, #tpu.memory_space<vmem>>)
      %dma_wait3A_252 = arith.constant 3 : i32
      %dma_wait3A_253 = arith.constant 3 : i32
      %dma_wait3A_254 = arith.constant 0 : i32
      %dma_wait3A_255 = arith.constant 0 : i32
      %dma_wait3A_256 = tpu.memref_slice %arg10[%dma_wait3A_253, %dma_wait3A_254, %dma_wait3A_255] : memref<17x128x4xf32, #tpu.memory_space<vmem>> -> memref<1x128x4xf32, #tpu.memory_space<vmem>>
      %dma_wait3A_257 = tpu.memref_squeeze %dma_wait3A_256 : memref<1x128x4xf32, #tpu.memory_space<vmem>> -> memref<128x4xf32, #tpu.memory_space<vmem>>
      %dma_wait3A_258 = arith.constant 0 : i32
      %dma_wait3A_259 = tpu.memref_slice %arg8[%dma_wait3A_252, %dma_wait3A_258] : memref<17x128xi32, #tpu.memory_space<vmem>> -> memref<1x128xi32, #tpu.memory_space<vmem>>
      %dma_wait3A_260 = tpu.memref_squeeze %dma_wait3A_259 : memref<1x128xi32, #tpu.memory_space<vmem>> -> memref<128xi32, #tpu.memory_space<vmem>>
      %dma_wait3A_261 = arith.constant 0 : i32
      %dma_wait3A_262 = arith.constant 0 : i32
      %dma_wait3A_263 = tpu.memref_slice %arg2[%dma_wait3A_261, %dma_wait3A_262] : memref<100000x4xf32, #tpu.memory_space<hbm>> -> memref<100000x4xf32, #tpu.memory_space<hbm>>
      tpu.wait_indirect_dma semaphore(%arg11 : memref<!tpu.dma_semaphore, #tpu.memory_space<semaphore_mem>>) src(%dma_wait3A_263 : memref<100000x4xf32, #tpu.memory_space<hbm>>) dst(%dma_wait3A_257 : memref<128x4xf32, #tpu.memory_space<vmem>>)
      %dma_wait3A_264 = arith.constant 4 : i32
      %dma_wait3A_265 = arith.constant 4 : i32
      %dma_wait3A_266 = arith.constant 0 : i32
      %dma_wait3A_267 = arith.constant 0 : i32
      %dma_wait3A_268 = tpu.memref_slice %arg10[%dma_wait3A_265, %dma_wait3A_266, %dma_wait3A_267] : memref<17x128x4xf32, #tpu.memory_space<vmem>> -> memref<1x128x4xf32, #tpu.memory_space<vmem>>
      %dma_wait3A_269 = tpu.memref_squeeze %dma_wait3A_268 : memref<1x128x4xf32, #tpu.memory_space<vmem>> -> memref<128x4xf32, #tpu.memory_space<vmem>>
      %dma_wait3A_270 = arith.constant 0 : i32
      %dma_wait3A_271 = tpu.memref_slice %arg8[%dma_wait3A_264, %dma_wait3A_270] : memref<17x128xi32, #tpu.memory_space<vmem>> -> memref<1x128xi32, #tpu.memory_space<vmem>>
      %dma_wait3A_272 = tpu.memref_squeeze %dma_wait3A_271 : memref<1x128xi32, #tpu.memory_space<vmem>> -> memref<128xi32, #tpu.memory_space<vmem>>
      %dma_wait3A_273 = arith.constant 0 : i32
      %dma_wait3A_274 = arith.constant 0 : i32
      %dma_wait3A_275 = tpu.memref_slice %arg2[%dma_wait3A_273, %dma_wait3A_274] : memref<100000x4xf32, #tpu.memory_space<hbm>> -> memref<100000x4xf32, #tpu.memory_space<hbm>>
      tpu.wait_indirect_dma semaphore(%arg11 : memref<!tpu.dma_semaphore, #tpu.memory_space<semaphore_mem>>) src(%dma_wait3A_275 : memref<100000x4xf32, #tpu.memory_space<hbm>>) dst(%dma_wait3A_269 : memref<128x4xf32, #tpu.memory_space<vmem>>)
      %dma_wait3A_276 = arith.constant 5 : i32
      %dma_wait3A_277 = arith.constant 5 : i32
      %dma_wait3A_278 = arith.constant 0 : i32
      %dma_wait3A_279 = arith.constant 0 : i32
      %dma_wait3A_280 = tpu.memref_slice %arg10[%dma_wait3A_277, %dma_wait3A_278, %dma_wait3A_279] : memref<17x128x4xf32, #tpu.memory_space<vmem>> -> memref<1x128x4xf32, #tpu.memory_space<vmem>>
      %dma_wait3A_281 = tpu.memref_squeeze %dma_wait3A_280 : memref<1x128x4xf32, #tpu.memory_space<vmem>> -> memref<128x4xf32, #tpu.memory_space<vmem>>
      %dma_wait3A_282 = arith.constant 0 : i32
      %dma_wait3A_283 = tpu.memref_slice %arg8[%dma_wait3A_276, %dma_wait3A_282] : memref<17x128xi32, #tpu.memory_space<vmem>> -> memref<1x128xi32, #tpu.memory_space<vmem>>
      %dma_wait3A_284 = tpu.memref_squeeze %dma_wait3A_283 : memref<1x128xi32, #tpu.memory_space<vmem>> -> memref<128xi32, #tpu.memory_space<vmem>>
      %dma_wait3A_285 = arith.constant 0 : i32
      %dma_wait3A_286 = arith.constant 0 : i32
      %dma_wait3A_287 = tpu.memref_slice %arg2[%dma_wait3A_285, %dma_wait3A_286] : memref<100000x4xf32, #tpu.memory_space<hbm>> -> memref<100000x4xf32, #tpu.memory_space<hbm>>
      tpu.wait_indirect_dma semaphore(%arg11 : memref<!tpu.dma_semaphore, #tpu.memory_space<semaphore_mem>>) src(%dma_wait3A_287 : memref<100000x4xf32, #tpu.memory_space<hbm>>) dst(%dma_wait3A_281 : memref<128x4xf32, #tpu.memory_space<vmem>>)
      %dma_wait3A_288 = arith.constant 6 : i32
      %dma_wait3A_289 = arith.constant 6 : i32
      %dma_wait3A_290 = arith.constant 0 : i32
      %dma_wait3A_291 = arith.constant 0 : i32
      %dma_wait3A_292 = tpu.memref_slice %arg10[%dma_wait3A_289, %dma_wait3A_290, %dma_wait3A_291] : memref<17x128x4xf32, #tpu.memory_space<vmem>> -> memref<1x128x4xf32, #tpu.memory_space<vmem>>
      %dma_wait3A_293 = tpu.memref_squeeze %dma_wait3A_292 : memref<1x128x4xf32, #tpu.memory_space<vmem>> -> memref<128x4xf32, #tpu.memory_space<vmem>>
      %dma_wait3A_294 = arith.constant 0 : i32
      %dma_wait3A_295 = tpu.memref_slice %arg8[%dma_wait3A_288, %dma_wait3A_294] : memref<17x128xi32, #tpu.memory_space<vmem>> -> memref<1x128xi32, #tpu.memory_space<vmem>>
      %dma_wait3A_296 = tpu.memref_squeeze %dma_wait3A_295 : memref<1x128xi32, #tpu.memory_space<vmem>> -> memref<128xi32, #tpu.memory_space<vmem>>
      %dma_wait3A_297 = arith.constant 0 : i32
      %dma_wait3A_298 = arith.constant 0 : i32
      %dma_wait3A_299 = tpu.memref_slice %arg2[%dma_wait3A_297, %dma_wait3A_298] : memref<100000x4xf32, #tpu.memory_space<hbm>> -> memref<100000x4xf32, #tpu.memory_space<hbm>>
      tpu.wait_indirect_dma semaphore(%arg11 : memref<!tpu.dma_semaphore, #tpu.memory_space<semaphore_mem>>) src(%dma_wait3A_299 : memref<100000x4xf32, #tpu.memory_space<hbm>>) dst(%dma_wait3A_293 : memref<128x4xf32, #tpu.memory_space<vmem>>)
      %dma_wait3A_300 = arith.constant 7 : i32
      %dma_wait3A_301 = arith.constant 7 : i32
      %dma_wait3A_302 = arith.constant 0 : i32
      %dma_wait3A_303 = arith.constant 0 : i32
      %dma_wait3A_304 = tpu.memref_slice %arg10[%dma_wait3A_301, %dma_wait3A_302, %dma_wait3A_303] : memref<17x128x4xf32, #tpu.memory_space<vmem>> -> memref<1x128x4xf32, #tpu.memory_space<vmem>>
      %dma_wait3A_305 = tpu.memref_squeeze %dma_wait3A_304 : memref<1x128x4xf32, #tpu.memory_space<vmem>> -> memref<128x4xf32, #tpu.memory_space<vmem>>
      %dma_wait3A_306 = arith.constant 0 : i32
      %dma_wait3A_307 = tpu.memref_slice %arg8[%dma_wait3A_300, %dma_wait3A_306] : memref<17x128xi32, #tpu.memory_space<vmem>> -> memref<1x128xi32, #tpu.memory_space<vmem>>
      %dma_wait3A_308 = tpu.memref_squeeze %dma_wait3A_307 : memref<1x128xi32, #tpu.memory_space<vmem>> -> memref<128xi32, #tpu.memory_space<vmem>>
      %dma_wait3A_309 = arith.constant 0 : i32
      %dma_wait3A_310 = arith.constant 0 : i32
      %dma_wait3A_311 = tpu.memref_slice %arg2[%dma_wait3A_309, %dma_wait3A_310] : memref<100000x4xf32, #tpu.memory_space<hbm>> -> memref<100000x4xf32, #tpu.memory_space<hbm>>
      tpu.wait_indirect_dma semaphore(%arg11 : memref<!tpu.dma_semaphore, #tpu.memory_space<semaphore_mem>>) src(%dma_wait3A_311 : memref<100000x4xf32, #tpu.memory_space<hbm>>) dst(%dma_wait3A_305 : memref<128x4xf32, #tpu.memory_space<vmem>>)
      %dma_wait3A_312 = arith.constant 8 : i32
      %dma_wait3A_313 = arith.constant 8 : i32
      %dma_wait3A_314 = arith.constant 0 : i32
      %dma_wait3A_315 = arith.constant 0 : i32
      %dma_wait3A_316 = tpu.memref_slice %arg10[%dma_wait3A_313, %dma_wait3A_314, %dma_wait3A_315] : memref<17x128x4xf32, #tpu.memory_space<vmem>> -> memref<1x128x4xf32, #tpu.memory_space<vmem>>
      %dma_wait3A_317 = tpu.memref_squeeze %dma_wait3A_316 : memref<1x128x4xf32, #tpu.memory_space<vmem>> -> memref<128x4xf32, #tpu.memory_space<vmem>>
      %dma_wait3A_318 = arith.constant 0 : i32
      %dma_wait3A_319 = tpu.memref_slice %arg8[%dma_wait3A_312, %dma_wait3A_318] : memref<17x128xi32, #tpu.memory_space<vmem>> -> memref<1x128xi32, #tpu.memory_space<vmem>>
      %dma_wait3A_320 = tpu.memref_squeeze %dma_wait3A_319 : memref<1x128xi32, #tpu.memory_space<vmem>> -> memref<128xi32, #tpu.memory_space<vmem>>
      %dma_wait3A_321 = arith.constant 0 : i32
      %dma_wait3A_322 = arith.constant 0 : i32
      %dma_wait3A_323 = tpu.memref_slice %arg2[%dma_wait3A_321, %dma_wait3A_322] : memref<100000x4xf32, #tpu.memory_space<hbm>> -> memref<100000x4xf32, #tpu.memory_space<hbm>>
      tpu.wait_indirect_dma semaphore(%arg11 : memref<!tpu.dma_semaphore, #tpu.memory_space<semaphore_mem>>) src(%dma_wait3A_323 : memref<100000x4xf32, #tpu.memory_space<hbm>>) dst(%dma_wait3A_317 : memref<128x4xf32, #tpu.memory_space<vmem>>)
      %dma_wait3A_324 = arith.constant 9 : i32
      %dma_wait3A_325 = arith.constant 9 : i32
      %dma_wait3A_326 = arith.constant 0 : i32
      %dma_wait3A_327 = arith.constant 0 : i32
      %dma_wait3A_328 = tpu.memref_slice %arg10[%dma_wait3A_325, %dma_wait3A_326, %dma_wait3A_327] : memref<17x128x4xf32, #tpu.memory_space<vmem>> -> memref<1x128x4xf32, #tpu.memory_space<vmem>>
      %dma_wait3A_329 = tpu.memref_squeeze %dma_wait3A_328 : memref<1x128x4xf32, #tpu.memory_space<vmem>> -> memref<128x4xf32, #tpu.memory_space<vmem>>
      %dma_wait3A_330 = arith.constant 0 : i32
      %dma_wait3A_331 = tpu.memref_slice %arg8[%dma_wait3A_324, %dma_wait3A_330] : memref<17x128xi32, #tpu.memory_space<vmem>> -> memref<1x128xi32, #tpu.memory_space<vmem>>
      %dma_wait3A_332 = tpu.memref_squeeze %dma_wait3A_331 : memref<1x128xi32, #tpu.memory_space<vmem>> -> memref<128xi32, #tpu.memory_space<vmem>>
      %dma_wait3A_333 = arith.constant 0 : i32
      %dma_wait3A_334 = arith.constant 0 : i32
      %dma_wait3A_335 = tpu.memref_slice %arg2[%dma_wait3A_333, %dma_wait3A_334] : memref<100000x4xf32, #tpu.memory_space<hbm>> -> memref<100000x4xf32, #tpu.memory_space<hbm>>
      tpu.wait_indirect_dma semaphore(%arg11 : memref<!tpu.dma_semaphore, #tpu.memory_space<semaphore_mem>>) src(%dma_wait3A_335 : memref<100000x4xf32, #tpu.memory_space<hbm>>) dst(%dma_wait3A_329 : memref<128x4xf32, #tpu.memory_space<vmem>>)
      %dma_wait3A_336 = arith.constant 10 : i32
      %dma_wait3A_337 = arith.constant 10 : i32
      %dma_wait3A_338 = arith.constant 0 : i32
      %dma_wait3A_339 = arith.constant 0 : i32
      %dma_wait3A_340 = tpu.memref_slice %arg10[%dma_wait3A_337, %dma_wait3A_338, %dma_wait3A_339] : memref<17x128x4xf32, #tpu.memory_space<vmem>> -> memref<1x128x4xf32, #tpu.memory_space<vmem>>
      %dma_wait3A_341 = tpu.memref_squeeze %dma_wait3A_340 : memref<1x128x4xf32, #tpu.memory_space<vmem>> -> memref<128x4xf32, #tpu.memory_space<vmem>>
      %dma_wait3A_342 = arith.constant 0 : i32
      %dma_wait3A_343 = tpu.memref_slice %arg8[%dma_wait3A_336, %dma_wait3A_342] : memref<17x128xi32, #tpu.memory_space<vmem>> -> memref<1x128xi32, #tpu.memory_space<vmem>>
      %dma_wait3A_344 = tpu.memref_squeeze %dma_wait3A_343 : memref<1x128xi32, #tpu.memory_space<vmem>> -> memref<128xi32, #tpu.memory_space<vmem>>
      %dma_wait3A_345 = arith.constant 0 : i32
      %dma_wait3A_346 = arith.constant 0 : i32
      %dma_wait3A_347 = tpu.memref_slice %arg2[%dma_wait3A_345, %dma_wait3A_346] : memref<100000x4xf32, #tpu.memory_space<hbm>> -> memref<100000x4xf32, #tpu.memory_space<hbm>>
      tpu.wait_indirect_dma semaphore(%arg11 : memref<!tpu.dma_semaphore, #tpu.memory_space<semaphore_mem>>) src(%dma_wait3A_347 : memref<100000x4xf32, #tpu.memory_space<hbm>>) dst(%dma_wait3A_341 : memref<128x4xf32, #tpu.memory_space<vmem>>)
      %dma_wait3A_348 = arith.constant 11 : i32
      %dma_wait3A_349 = arith.constant 11 : i32
      %dma_wait3A_350 = arith.constant 0 : i32
      %dma_wait3A_351 = arith.constant 0 : i32
      %dma_wait3A_352 = tpu.memref_slice %arg10[%dma_wait3A_349, %dma_wait3A_350, %dma_wait3A_351] : memref<17x128x4xf32, #tpu.memory_space<vmem>> -> memref<1x128x4xf32, #tpu.memory_space<vmem>>
      %dma_wait3A_353 = tpu.memref_squeeze %dma_wait3A_352 : memref<1x128x4xf32, #tpu.memory_space<vmem>> -> memref<128x4xf32, #tpu.memory_space<vmem>>
      %dma_wait3A_354 = arith.constant 0 : i32
      %dma_wait3A_355 = tpu.memref_slice %arg8[%dma_wait3A_348, %dma_wait3A_354] : memref<17x128xi32, #tpu.memory_space<vmem>> -> memref<1x128xi32, #tpu.memory_space<vmem>>
      %dma_wait3A_356 = tpu.memref_squeeze %dma_wait3A_355 : memref<1x128xi32, #tpu.memory_space<vmem>> -> memref<128xi32, #tpu.memory_space<vmem>>
      %dma_wait3A_357 = arith.constant 0 : i32
      %dma_wait3A_358 = arith.constant 0 : i32
      %dma_wait3A_359 = tpu.memref_slice %arg2[%dma_wait3A_357, %dma_wait3A_358] : memref<100000x4xf32, #tpu.memory_space<hbm>> -> memref<100000x4xf32, #tpu.memory_space<hbm>>
      tpu.wait_indirect_dma semaphore(%arg11 : memref<!tpu.dma_semaphore, #tpu.memory_space<semaphore_mem>>) src(%dma_wait3A_359 : memref<100000x4xf32, #tpu.memory_space<hbm>>) dst(%dma_wait3A_353 : memref<128x4xf32, #tpu.memory_space<vmem>>)
      %dma_wait3A_360 = arith.constant 12 : i32
      %dma_wait3A_361 = arith.constant 12 : i32
      %dma_wait3A_362 = arith.constant 0 : i32
      %dma_wait3A_363 = arith.constant 0 : i32
      %dma_wait3A_364 = tpu.memref_slice %arg10[%dma_wait3A_361, %dma_wait3A_362, %dma_wait3A_363] : memref<17x128x4xf32, #tpu.memory_space<vmem>> -> memref<1x128x4xf32, #tpu.memory_space<vmem>>
      %dma_wait3A_365 = tpu.memref_squeeze %dma_wait3A_364 : memref<1x128x4xf32, #tpu.memory_space<vmem>> -> memref<128x4xf32, #tpu.memory_space<vmem>>
      %dma_wait3A_366 = arith.constant 0 : i32
      %dma_wait3A_367 = tpu.memref_slice %arg8[%dma_wait3A_360, %dma_wait3A_366] : memref<17x128xi32, #tpu.memory_space<vmem>> -> memref<1x128xi32, #tpu.memory_space<vmem>>
      %dma_wait3A_368 = tpu.memref_squeeze %dma_wait3A_367 : memref<1x128xi32, #tpu.memory_space<vmem>> -> memref<128xi32, #tpu.memory_space<vmem>>
      %dma_wait3A_369 = arith.constant 0 : i32
      %dma_wait3A_370 = arith.constant 0 : i32
      %dma_wait3A_371 = tpu.memref_slice %arg2[%dma_wait3A_369, %dma_wait3A_370] : memref<100000x4xf32, #tpu.memory_space<hbm>> -> memref<100000x4xf32, #tpu.memory_space<hbm>>
      tpu.wait_indirect_dma semaphore(%arg11 : memref<!tpu.dma_semaphore, #tpu.memory_space<semaphore_mem>>) src(%dma_wait3A_371 : memref<100000x4xf32, #tpu.memory_space<hbm>>) dst(%dma_wait3A_365 : memref<128x4xf32, #tpu.memory_space<vmem>>)
      %dma_wait3A_372 = arith.constant 13 : i32
      %dma_wait3A_373 = arith.constant 13 : i32
      %dma_wait3A_374 = arith.constant 0 : i32
      %dma_wait3A_375 = arith.constant 0 : i32
      %dma_wait3A_376 = tpu.memref_slice %arg10[%dma_wait3A_373, %dma_wait3A_374, %dma_wait3A_375] : memref<17x128x4xf32, #tpu.memory_space<vmem>> -> memref<1x128x4xf32, #tpu.memory_space<vmem>>
      %dma_wait3A_377 = tpu.memref_squeeze %dma_wait3A_376 : memref<1x128x4xf32, #tpu.memory_space<vmem>> -> memref<128x4xf32, #tpu.memory_space<vmem>>
      %dma_wait3A_378 = arith.constant 0 : i32
      %dma_wait3A_379 = tpu.memref_slice %arg8[%dma_wait3A_372, %dma_wait3A_378] : memref<17x128xi32, #tpu.memory_space<vmem>> -> memref<1x128xi32, #tpu.memory_space<vmem>>
      %dma_wait3A_380 = tpu.memref_squeeze %dma_wait3A_379 : memref<1x128xi32, #tpu.memory_space<vmem>> -> memref<128xi32, #tpu.memory_space<vmem>>
      %dma_wait3A_381 = arith.constant 0 : i32
      %dma_wait3A_382 = arith.constant 0 : i32
      %dma_wait3A_383 = tpu.memref_slice %arg2[%dma_wait3A_381, %dma_wait3A_382] : memref<100000x4xf32, #tpu.memory_space<hbm>> -> memref<100000x4xf32, #tpu.memory_space<hbm>>
      tpu.wait_indirect_dma semaphore(%arg11 : memref<!tpu.dma_semaphore, #tpu.memory_space<semaphore_mem>>) src(%dma_wait3A_383 : memref<100000x4xf32, #tpu.memory_space<hbm>>) dst(%dma_wait3A_377 : memref<128x4xf32, #tpu.memory_space<vmem>>)
      %dma_wait3A_384 = arith.constant 14 : i32
      %dma_wait3A_385 = arith.constant 14 : i32
      %dma_wait3A_386 = arith.constant 0 : i32
      %dma_wait3A_387 = arith.constant 0 : i32
      %dma_wait3A_388 = tpu.memref_slice %arg10[%dma_wait3A_385, %dma_wait3A_386, %dma_wait3A_387] : memref<17x128x4xf32, #tpu.memory_space<vmem>> -> memref<1x128x4xf32, #tpu.memory_space<vmem>>
      %dma_wait3A_389 = tpu.memref_squeeze %dma_wait3A_388 : memref<1x128x4xf32, #tpu.memory_space<vmem>> -> memref<128x4xf32, #tpu.memory_space<vmem>>
      %dma_wait3A_390 = arith.constant 0 : i32
      %dma_wait3A_391 = tpu.memref_slice %arg8[%dma_wait3A_384, %dma_wait3A_390] : memref<17x128xi32, #tpu.memory_space<vmem>> -> memref<1x128xi32, #tpu.memory_space<vmem>>
      %dma_wait3A_392 = tpu.memref_squeeze %dma_wait3A_391 : memref<1x128xi32, #tpu.memory_space<vmem>> -> memref<128xi32, #tpu.memory_space<vmem>>
      %dma_wait3A_393 = arith.constant 0 : i32
      %dma_wait3A_394 = arith.constant 0 : i32
      %dma_wait3A_395 = tpu.memref_slice %arg2[%dma_wait3A_393, %dma_wait3A_394] : memref<100000x4xf32, #tpu.memory_space<hbm>> -> memref<100000x4xf32, #tpu.memory_space<hbm>>
      tpu.wait_indirect_dma semaphore(%arg11 : memref<!tpu.dma_semaphore, #tpu.memory_space<semaphore_mem>>) src(%dma_wait3A_395 : memref<100000x4xf32, #tpu.memory_space<hbm>>) dst(%dma_wait3A_389 : memref<128x4xf32, #tpu.memory_space<vmem>>)
      %dma_wait3A_396 = arith.constant 15 : i32
      %dma_wait3A_397 = arith.constant 15 : i32
      %dma_wait3A_398 = arith.constant 0 : i32
      %dma_wait3A_399 = arith.constant 0 : i32
      %dma_wait3A_400 = tpu.memref_slice %arg10[%dma_wait3A_397, %dma_wait3A_398, %dma_wait3A_399] : memref<17x128x4xf32, #tpu.memory_space<vmem>> -> memref<1x128x4xf32, #tpu.memory_space<vmem>>
      %dma_wait3A_401 = tpu.memref_squeeze %dma_wait3A_400 : memref<1x128x4xf32, #tpu.memory_space<vmem>> -> memref<128x4xf32, #tpu.memory_space<vmem>>
      %dma_wait3A_402 = arith.constant 0 : i32
      %dma_wait3A_403 = tpu.memref_slice %arg8[%dma_wait3A_396, %dma_wait3A_402] : memref<17x128xi32, #tpu.memory_space<vmem>> -> memref<1x128xi32, #tpu.memory_space<vmem>>
      %dma_wait3A_404 = tpu.memref_squeeze %dma_wait3A_403 : memref<1x128xi32, #tpu.memory_space<vmem>> -> memref<128xi32, #tpu.memory_space<vmem>>
      %dma_wait3A_405 = arith.constant 0 : i32
      %dma_wait3A_406 = arith.constant 0 : i32
      %dma_wait3A_407 = tpu.memref_slice %arg2[%dma_wait3A_405, %dma_wait3A_406] : memref<100000x4xf32, #tpu.memory_space<hbm>> -> memref<100000x4xf32, #tpu.memory_space<hbm>>
      tpu.wait_indirect_dma semaphore(%arg11 : memref<!tpu.dma_semaphore, #tpu.memory_space<semaphore_mem>>) src(%dma_wait3A_407 : memref<100000x4xf32, #tpu.memory_space<hbm>>) dst(%dma_wait3A_401 : memref<128x4xf32, #tpu.memory_space<vmem>>)
      %dma_wait3A_408 = arith.constant 16 : i32
      %dma_wait3A_409 = arith.constant 16 : i32
      %dma_wait3A_410 = arith.constant 0 : i32
      %dma_wait3A_411 = arith.constant 0 : i32
      %dma_wait3A_412 = tpu.memref_slice %arg10[%dma_wait3A_409, %dma_wait3A_410, %dma_wait3A_411] : memref<17x128x4xf32, #tpu.memory_space<vmem>> -> memref<1x128x4xf32, #tpu.memory_space<vmem>>
      %dma_wait3A_413 = tpu.memref_squeeze %dma_wait3A_412 : memref<1x128x4xf32, #tpu.memory_space<vmem>> -> memref<128x4xf32, #tpu.memory_space<vmem>>
      %dma_wait3A_414 = arith.constant 0 : i32
      %dma_wait3A_415 = tpu.memref_slice %arg8[%dma_wait3A_408, %dma_wait3A_414] : memref<17x128xi32, #tpu.memory_space<vmem>> -> memref<1x128xi32, #tpu.memory_space<vmem>>
      %dma_wait3A_416 = tpu.memref_squeeze %dma_wait3A_415 : memref<1x128xi32, #tpu.memory_space<vmem>> -> memref<128xi32, #tpu.memory_space<vmem>>
      %dma_wait3A_417 = arith.constant 0 : i32
      %dma_wait3A_418 = arith.constant 0 : i32
      %dma_wait3A_419 = tpu.memref_slice %arg2[%dma_wait3A_417, %dma_wait3A_418] : memref<100000x4xf32, #tpu.memory_space<hbm>> -> memref<100000x4xf32, #tpu.memory_space<hbm>>
      tpu.wait_indirect_dma semaphore(%arg11 : memref<!tpu.dma_semaphore, #tpu.memory_space<semaphore_mem>>) src(%dma_wait3A_419 : memref<100000x4xf32, #tpu.memory_space<hbm>>) dst(%dma_wait3A_413 : memref<128x4xf32, #tpu.memory_space<vmem>>)
      %run_scoped3A = arith.constant 0 : i32
      %run_scoped3A_420 = arith.constant 0 : i32
      "tpu.region"() ({
        %run_scoped3A_453 = tpu.sem_alloc : memref<!tpu.dma_semaphore, #tpu.memory_space<semaphore_mem>>
        %dma_start3A_454 = arith.constant 0 : i32
        %dma_start3A_455 = arith.constant 0 : i32
        %dma_start3A_456 = tpu.memref_slice %arg10[%run_scoped3A, %dma_start3A_454, %dma_start3A_455] : memref<17x128x4xf32, #tpu.memory_space<vmem>> -> memref<1x128x4xf32, #tpu.memory_space<vmem>>
        %dma_start3A_457 = tpu.memref_squeeze %dma_start3A_456 : memref<1x128x4xf32, #tpu.memory_space<vmem>> -> memref<128x4xf32, #tpu.memory_space<vmem>>
        %dma_start3A_458 = arith.constant 0 : i32
        %dma_start3A_459 = tpu.memref_slice %arg9[%run_scoped3A_420, %dma_start3A_458] : memref<17x128xi32, #tpu.memory_space<vmem>> -> memref<1x128xi32, #tpu.memory_space<vmem>>
        %dma_start3A_460 = tpu.memref_squeeze %dma_start3A_459 : memref<1x128xi32, #tpu.memory_space<vmem>> -> memref<128xi32, #tpu.memory_space<vmem>>
        %dma_start3A_461 = arith.constant 0 : i32
        %dma_start3A_462 = arith.constant 0 : i32
        %dma_start3A_463 = tpu.memref_slice %arg7[%dma_start3A_461, %dma_start3A_462] : memref<100096x4xf32, #tpu.memory_space<vmem_shared>> -> memref<100096x4xf32, #tpu.memory_space<vmem_shared>>
        tpu.enqueue_indirect_dma source(%dma_start3A_457 : memref<128x4xf32, #tpu.memory_space<vmem>>) target(%dma_start3A_463 : memref<100096x4xf32, #tpu.memory_space<vmem_shared>>) offsets(%dma_start3A_460 : memref<128xi32, #tpu.memory_space<vmem>>) semaphore(%run_scoped3A_453 : memref<!tpu.dma_semaphore, #tpu.memory_space<semaphore_mem>>) {add = true}
        %dma_wait3A_464 = arith.constant 0 : i32
        %dma_wait3A_465 = arith.constant 0 : i32
        %dma_wait3A_466 = tpu.memref_slice %arg10[%run_scoped3A, %dma_wait3A_464, %dma_wait3A_465] : memref<17x128x4xf32, #tpu.memory_space<vmem>> -> memref<1x128x4xf32, #tpu.memory_space<vmem>>
        %dma_wait3A_467 = tpu.memref_squeeze %dma_wait3A_466 : memref<1x128x4xf32, #tpu.memory_space<vmem>> -> memref<128x4xf32, #tpu.memory_space<vmem>>
        %dma_wait3A_468 = arith.constant 0 : i32
        %dma_wait3A_469 = tpu.memref_slice %arg9[%run_scoped3A_420, %dma_wait3A_468] : memref<17x128xi32, #tpu.memory_space<vmem>> -> memref<1x128xi32, #tpu.memory_space<vmem>>
        %dma_wait3A_470 = tpu.memref_squeeze %dma_wait3A_469 : memref<1x128xi32, #tpu.memory_space<vmem>> -> memref<128xi32, #tpu.memory_space<vmem>>
        %dma_wait3A_471 = arith.constant 0 : i32
        %dma_wait3A_472 = arith.constant 0 : i32
        %dma_wait3A_473 = tpu.memref_slice %arg7[%dma_wait3A_471, %dma_wait3A_472] : memref<100096x4xf32, #tpu.memory_space<vmem_shared>> -> memref<100096x4xf32, #tpu.memory_space<vmem_shared>>
        tpu.wait_indirect_dma semaphore(%run_scoped3A_453 : memref<!tpu.dma_semaphore, #tpu.memory_space<semaphore_mem>>) src(%dma_wait3A_467 : memref<128x4xf32, #tpu.memory_space<vmem>>) dst(%dma_wait3A_473 : memref<100096x4xf32, #tpu.memory_space<vmem_shared>>)
        tpu.yield
      }) : () -> ()
      %run_scoped3A_421 = arith.constant 1 : i32
      %run_scoped3A_422 = arith.constant 1 : i32
      "tpu.region"() ({
        %run_scoped3A_453 = tpu.sem_alloc : memref<!tpu.dma_semaphore, #tpu.memory_space<semaphore_mem>>
        %dma_start3A_454 = arith.constant 0 : i32
        %dma_start3A_455 = arith.constant 0 : i32
        %dma_start3A_456 = tpu.memref_slice %arg10[%run_scoped3A_421, %dma_start3A_454, %dma_start3A_455] : memref<17x128x4xf32, #tpu.memory_space<vmem>> -> memref<1x128x4xf32, #tpu.memory_space<vmem>>
        %dma_start3A_457 = tpu.memref_squeeze %dma_start3A_456 : memref<1x128x4xf32, #tpu.memory_space<vmem>> -> memref<128x4xf32, #tpu.memory_space<vmem>>
        %dma_start3A_458 = arith.constant 0 : i32
        %dma_start3A_459 = tpu.memref_slice %arg9[%run_scoped3A_422, %dma_start3A_458] : memref<17x128xi32, #tpu.memory_space<vmem>> -> memref<1x128xi32, #tpu.memory_space<vmem>>
        %dma_start3A_460 = tpu.memref_squeeze %dma_start3A_459 : memref<1x128xi32, #tpu.memory_space<vmem>> -> memref<128xi32, #tpu.memory_space<vmem>>
        %dma_start3A_461 = arith.constant 0 : i32
        %dma_start3A_462 = arith.constant 0 : i32
        %dma_start3A_463 = tpu.memref_slice %arg7[%dma_start3A_461, %dma_start3A_462] : memref<100096x4xf32, #tpu.memory_space<vmem_shared>> -> memref<100096x4xf32, #tpu.memory_space<vmem_shared>>
        tpu.enqueue_indirect_dma source(%dma_start3A_457 : memref<128x4xf32, #tpu.memory_space<vmem>>) target(%dma_start3A_463 : memref<100096x4xf32, #tpu.memory_space<vmem_shared>>) offsets(%dma_start3A_460 : memref<128xi32, #tpu.memory_space<vmem>>) semaphore(%run_scoped3A_453 : memref<!tpu.dma_semaphore, #tpu.memory_space<semaphore_mem>>) {add = true}
        %dma_wait3A_464 = arith.constant 0 : i32
        %dma_wait3A_465 = arith.constant 0 : i32
        %dma_wait3A_466 = tpu.memref_slice %arg10[%run_scoped3A_421, %dma_wait3A_464, %dma_wait3A_465] : memref<17x128x4xf32, #tpu.memory_space<vmem>> -> memref<1x128x4xf32, #tpu.memory_space<vmem>>
        %dma_wait3A_467 = tpu.memref_squeeze %dma_wait3A_466 : memref<1x128x4xf32, #tpu.memory_space<vmem>> -> memref<128x4xf32, #tpu.memory_space<vmem>>
        %dma_wait3A_468 = arith.constant 0 : i32
        %dma_wait3A_469 = tpu.memref_slice %arg9[%run_scoped3A_422, %dma_wait3A_468] : memref<17x128xi32, #tpu.memory_space<vmem>> -> memref<1x128xi32, #tpu.memory_space<vmem>>
        %dma_wait3A_470 = tpu.memref_squeeze %dma_wait3A_469 : memref<1x128xi32, #tpu.memory_space<vmem>> -> memref<128xi32, #tpu.memory_space<vmem>>
        %dma_wait3A_471 = arith.constant 0 : i32
        %dma_wait3A_472 = arith.constant 0 : i32
        %dma_wait3A_473 = tpu.memref_slice %arg7[%dma_wait3A_471, %dma_wait3A_472] : memref<100096x4xf32, #tpu.memory_space<vmem_shared>> -> memref<100096x4xf32, #tpu.memory_space<vmem_shared>>
        tpu.wait_indirect_dma semaphore(%run_scoped3A_453 : memref<!tpu.dma_semaphore, #tpu.memory_space<semaphore_mem>>) src(%dma_wait3A_467 : memref<128x4xf32, #tpu.memory_space<vmem>>) dst(%dma_wait3A_473 : memref<100096x4xf32, #tpu.memory_space<vmem_shared>>)
        tpu.yield
      }) : () -> ()
      %run_scoped3A_423 = arith.constant 2 : i32
      %run_scoped3A_424 = arith.constant 2 : i32
      "tpu.region"() ({
        %run_scoped3A_453 = tpu.sem_alloc : memref<!tpu.dma_semaphore, #tpu.memory_space<semaphore_mem>>
        %dma_start3A_454 = arith.constant 0 : i32
        %dma_start3A_455 = arith.constant 0 : i32
        %dma_start3A_456 = tpu.memref_slice %arg10[%run_scoped3A_423, %dma_start3A_454, %dma_start3A_455] : memref<17x128x4xf32, #tpu.memory_space<vmem>> -> memref<1x128x4xf32, #tpu.memory_space<vmem>>
        %dma_start3A_457 = tpu.memref_squeeze %dma_start3A_456 : memref<1x128x4xf32, #tpu.memory_space<vmem>> -> memref<128x4xf32, #tpu.memory_space<vmem>>
        %dma_start3A_458 = arith.constant 0 : i32
        %dma_start3A_459 = tpu.memref_slice %arg9[%run_scoped3A_424, %dma_start3A_458] : memref<17x128xi32, #tpu.memory_space<vmem>> -> memref<1x128xi32, #tpu.memory_space<vmem>>
        %dma_start3A_460 = tpu.memref_squeeze %dma_start3A_459 : memref<1x128xi32, #tpu.memory_space<vmem>> -> memref<128xi32, #tpu.memory_space<vmem>>
        %dma_start3A_461 = arith.constant 0 : i32
        %dma_start3A_462 = arith.constant 0 : i32
        %dma_start3A_463 = tpu.memref_slice %arg7[%dma_start3A_461, %dma_start3A_462] : memref<100096x4xf32, #tpu.memory_space<vmem_shared>> -> memref<100096x4xf32, #tpu.memory_space<vmem_shared>>
        tpu.enqueue_indirect_dma source(%dma_start3A_457 : memref<128x4xf32, #tpu.memory_space<vmem>>) target(%dma_start3A_463 : memref<100096x4xf32, #tpu.memory_space<vmem_shared>>) offsets(%dma_start3A_460 : memref<128xi32, #tpu.memory_space<vmem>>) semaphore(%run_scoped3A_453 : memref<!tpu.dma_semaphore, #tpu.memory_space<semaphore_mem>>) {add = true}
        %dma_wait3A_464 = arith.constant 0 : i32
        %dma_wait3A_465 = arith.constant 0 : i32
        %dma_wait3A_466 = tpu.memref_slice %arg10[%run_scoped3A_423, %dma_wait3A_464, %dma_wait3A_465] : memref<17x128x4xf32, #tpu.memory_space<vmem>> -> memref<1x128x4xf32, #tpu.memory_space<vmem>>
        %dma_wait3A_467 = tpu.memref_squeeze %dma_wait3A_466 : memref<1x128x4xf32, #tpu.memory_space<vmem>> -> memref<128x4xf32, #tpu.memory_space<vmem>>
        %dma_wait3A_468 = arith.constant 0 : i32
        %dma_wait3A_469 = tpu.memref_slice %arg9[%run_scoped3A_424, %dma_wait3A_468] : memref<17x128xi32, #tpu.memory_space<vmem>> -> memref<1x128xi32, #tpu.memory_space<vmem>>
        %dma_wait3A_470 = tpu.memref_squeeze %dma_wait3A_469 : memref<1x128xi32, #tpu.memory_space<vmem>> -> memref<128xi32, #tpu.memory_space<vmem>>
        %dma_wait3A_471 = arith.constant 0 : i32
        %dma_wait3A_472 = arith.constant 0 : i32
        %dma_wait3A_473 = tpu.memref_slice %arg7[%dma_wait3A_471, %dma_wait3A_472] : memref<100096x4xf32, #tpu.memory_space<vmem_shared>> -> memref<100096x4xf32, #tpu.memory_space<vmem_shared>>
        tpu.wait_indirect_dma semaphore(%run_scoped3A_453 : memref<!tpu.dma_semaphore, #tpu.memory_space<semaphore_mem>>) src(%dma_wait3A_467 : memref<128x4xf32, #tpu.memory_space<vmem>>) dst(%dma_wait3A_473 : memref<100096x4xf32, #tpu.memory_space<vmem_shared>>)
        tpu.yield
      }) : () -> ()
      %run_scoped3A_425 = arith.constant 3 : i32
      %run_scoped3A_426 = arith.constant 3 : i32
      "tpu.region"() ({
        %run_scoped3A_453 = tpu.sem_alloc : memref<!tpu.dma_semaphore, #tpu.memory_space<semaphore_mem>>
        %dma_start3A_454 = arith.constant 0 : i32
        %dma_start3A_455 = arith.constant 0 : i32
        %dma_start3A_456 = tpu.memref_slice %arg10[%run_scoped3A_425, %dma_start3A_454, %dma_start3A_455] : memref<17x128x4xf32, #tpu.memory_space<vmem>> -> memref<1x128x4xf32, #tpu.memory_space<vmem>>
        %dma_start3A_457 = tpu.memref_squeeze %dma_start3A_456 : memref<1x128x4xf32, #tpu.memory_space<vmem>> -> memref<128x4xf32, #tpu.memory_space<vmem>>
        %dma_start3A_458 = arith.constant 0 : i32
        %dma_start3A_459 = tpu.memref_slice %arg9[%run_scoped3A_426, %dma_start3A_458] : memref<17x128xi32, #tpu.memory_space<vmem>> -> memref<1x128xi32, #tpu.memory_space<vmem>>
        %dma_start3A_460 = tpu.memref_squeeze %dma_start3A_459 : memref<1x128xi32, #tpu.memory_space<vmem>> -> memref<128xi32, #tpu.memory_space<vmem>>
        %dma_start3A_461 = arith.constant 0 : i32
        %dma_start3A_462 = arith.constant 0 : i32
        %dma_start3A_463 = tpu.memref_slice %arg7[%dma_start3A_461, %dma_start3A_462] : memref<100096x4xf32, #tpu.memory_space<vmem_shared>> -> memref<100096x4xf32, #tpu.memory_space<vmem_shared>>
        tpu.enqueue_indirect_dma source(%dma_start3A_457 : memref<128x4xf32, #tpu.memory_space<vmem>>) target(%dma_start3A_463 : memref<100096x4xf32, #tpu.memory_space<vmem_shared>>) offsets(%dma_start3A_460 : memref<128xi32, #tpu.memory_space<vmem>>) semaphore(%run_scoped3A_453 : memref<!tpu.dma_semaphore, #tpu.memory_space<semaphore_mem>>) {add = true}
        %dma_wait3A_464 = arith.constant 0 : i32
        %dma_wait3A_465 = arith.constant 0 : i32
        %dma_wait3A_466 = tpu.memref_slice %arg10[%run_scoped3A_425, %dma_wait3A_464, %dma_wait3A_465] : memref<17x128x4xf32, #tpu.memory_space<vmem>> -> memref<1x128x4xf32, #tpu.memory_space<vmem>>
        %dma_wait3A_467 = tpu.memref_squeeze %dma_wait3A_466 : memref<1x128x4xf32, #tpu.memory_space<vmem>> -> memref<128x4xf32, #tpu.memory_space<vmem>>
        %dma_wait3A_468 = arith.constant 0 : i32
        %dma_wait3A_469 = tpu.memref_slice %arg9[%run_scoped3A_426, %dma_wait3A_468] : memref<17x128xi32, #tpu.memory_space<vmem>> -> memref<1x128xi32, #tpu.memory_space<vmem>>
        %dma_wait3A_470 = tpu.memref_squeeze %dma_wait3A_469 : memref<1x128xi32, #tpu.memory_space<vmem>> -> memref<128xi32, #tpu.memory_space<vmem>>
        %dma_wait3A_471 = arith.constant 0 : i32
        %dma_wait3A_472 = arith.constant 0 : i32
        %dma_wait3A_473 = tpu.memref_slice %arg7[%dma_wait3A_471, %dma_wait3A_472] : memref<100096x4xf32, #tpu.memory_space<vmem_shared>> -> memref<100096x4xf32, #tpu.memory_space<vmem_shared>>
        tpu.wait_indirect_dma semaphore(%run_scoped3A_453 : memref<!tpu.dma_semaphore, #tpu.memory_space<semaphore_mem>>) src(%dma_wait3A_467 : memref<128x4xf32, #tpu.memory_space<vmem>>) dst(%dma_wait3A_473 : memref<100096x4xf32, #tpu.memory_space<vmem_shared>>)
        tpu.yield
      }) : () -> ()
      %run_scoped3A_427 = arith.constant 4 : i32
      %run_scoped3A_428 = arith.constant 4 : i32
      "tpu.region"() ({
        %run_scoped3A_453 = tpu.sem_alloc : memref<!tpu.dma_semaphore, #tpu.memory_space<semaphore_mem>>
        %dma_start3A_454 = arith.constant 0 : i32
        %dma_start3A_455 = arith.constant 0 : i32
        %dma_start3A_456 = tpu.memref_slice %arg10[%run_scoped3A_427, %dma_start3A_454, %dma_start3A_455] : memref<17x128x4xf32, #tpu.memory_space<vmem>> -> memref<1x128x4xf32, #tpu.memory_space<vmem>>
        %dma_start3A_457 = tpu.memref_squeeze %dma_start3A_456 : memref<1x128x4xf32, #tpu.memory_space<vmem>> -> memref<128x4xf32, #tpu.memory_space<vmem>>
        %dma_start3A_458 = arith.constant 0 : i32
        %dma_start3A_459 = tpu.memref_slice %arg9[%run_scoped3A_428, %dma_start3A_458] : memref<17x128xi32, #tpu.memory_space<vmem>> -> memref<1x128xi32, #tpu.memory_space<vmem>>
        %dma_start3A_460 = tpu.memref_squeeze %dma_start3A_459 : memref<1x128xi32, #tpu.memory_space<vmem>> -> memref<128xi32, #tpu.memory_space<vmem>>
        %dma_start3A_461 = arith.constant 0 : i32
        %dma_start3A_462 = arith.constant 0 : i32
        %dma_start3A_463 = tpu.memref_slice %arg7[%dma_start3A_461, %dma_start3A_462] : memref<100096x4xf32, #tpu.memory_space<vmem_shared>> -> memref<100096x4xf32, #tpu.memory_space<vmem_shared>>
        tpu.enqueue_indirect_dma source(%dma_start3A_457 : memref<128x4xf32, #tpu.memory_space<vmem>>) target(%dma_start3A_463 : memref<100096x4xf32, #tpu.memory_space<vmem_shared>>) offsets(%dma_start3A_460 : memref<128xi32, #tpu.memory_space<vmem>>) semaphore(%run_scoped3A_453 : memref<!tpu.dma_semaphore, #tpu.memory_space<semaphore_mem>>) {add = true}
        %dma_wait3A_464 = arith.constant 0 : i32
        %dma_wait3A_465 = arith.constant 0 : i32
        %dma_wait3A_466 = tpu.memref_slice %arg10[%run_scoped3A_427, %dma_wait3A_464, %dma_wait3A_465] : memref<17x128x4xf32, #tpu.memory_space<vmem>> -> memref<1x128x4xf32, #tpu.memory_space<vmem>>
        %dma_wait3A_467 = tpu.memref_squeeze %dma_wait3A_466 : memref<1x128x4xf32, #tpu.memory_space<vmem>> -> memref<128x4xf32, #tpu.memory_space<vmem>>
        %dma_wait3A_468 = arith.constant 0 : i32
        %dma_wait3A_469 = tpu.memref_slice %arg9[%run_scoped3A_428, %dma_wait3A_468] : memref<17x128xi32, #tpu.memory_space<vmem>> -> memref<1x128xi32, #tpu.memory_space<vmem>>
        %dma_wait3A_470 = tpu.memref_squeeze %dma_wait3A_469 : memref<1x128xi32, #tpu.memory_space<vmem>> -> memref<128xi32, #tpu.memory_space<vmem>>
        %dma_wait3A_471 = arith.constant 0 : i32
        %dma_wait3A_472 = arith.constant 0 : i32
        %dma_wait3A_473 = tpu.memref_slice %arg7[%dma_wait3A_471, %dma_wait3A_472] : memref<100096x4xf32, #tpu.memory_space<vmem_shared>> -> memref<100096x4xf32, #tpu.memory_space<vmem_shared>>
        tpu.wait_indirect_dma semaphore(%run_scoped3A_453 : memref<!tpu.dma_semaphore, #tpu.memory_space<semaphore_mem>>) src(%dma_wait3A_467 : memref<128x4xf32, #tpu.memory_space<vmem>>) dst(%dma_wait3A_473 : memref<100096x4xf32, #tpu.memory_space<vmem_shared>>)
        tpu.yield
      }) : () -> ()
      %run_scoped3A_429 = arith.constant 5 : i32
      %run_scoped3A_430 = arith.constant 5 : i32
      "tpu.region"() ({
        %run_scoped3A_453 = tpu.sem_alloc : memref<!tpu.dma_semaphore, #tpu.memory_space<semaphore_mem>>
        %dma_start3A_454 = arith.constant 0 : i32
        %dma_start3A_455 = arith.constant 0 : i32
        %dma_start3A_456 = tpu.memref_slice %arg10[%run_scoped3A_429, %dma_start3A_454, %dma_start3A_455] : memref<17x128x4xf32, #tpu.memory_space<vmem>> -> memref<1x128x4xf32, #tpu.memory_space<vmem>>
        %dma_start3A_457 = tpu.memref_squeeze %dma_start3A_456 : memref<1x128x4xf32, #tpu.memory_space<vmem>> -> memref<128x4xf32, #tpu.memory_space<vmem>>
        %dma_start3A_458 = arith.constant 0 : i32
        %dma_start3A_459 = tpu.memref_slice %arg9[%run_scoped3A_430, %dma_start3A_458] : memref<17x128xi32, #tpu.memory_space<vmem>> -> memref<1x128xi32, #tpu.memory_space<vmem>>
        %dma_start3A_460 = tpu.memref_squeeze %dma_start3A_459 : memref<1x128xi32, #tpu.memory_space<vmem>> -> memref<128xi32, #tpu.memory_space<vmem>>
        %dma_start3A_461 = arith.constant 0 : i32
        %dma_start3A_462 = arith.constant 0 : i32
        %dma_start3A_463 = tpu.memref_slice %arg7[%dma_start3A_461, %dma_start3A_462] : memref<100096x4xf32, #tpu.memory_space<vmem_shared>> -> memref<100096x4xf32, #tpu.memory_space<vmem_shared>>
        tpu.enqueue_indirect_dma source(%dma_start3A_457 : memref<128x4xf32, #tpu.memory_space<vmem>>) target(%dma_start3A_463 : memref<100096x4xf32, #tpu.memory_space<vmem_shared>>) offsets(%dma_start3A_460 : memref<128xi32, #tpu.memory_space<vmem>>) semaphore(%run_scoped3A_453 : memref<!tpu.dma_semaphore, #tpu.memory_space<semaphore_mem>>) {add = true}
        %dma_wait3A_464 = arith.constant 0 : i32
        %dma_wait3A_465 = arith.constant 0 : i32
        %dma_wait3A_466 = tpu.memref_slice %arg10[%run_scoped3A_429, %dma_wait3A_464, %dma_wait3A_465] : memref<17x128x4xf32, #tpu.memory_space<vmem>> -> memref<1x128x4xf32, #tpu.memory_space<vmem>>
        %dma_wait3A_467 = tpu.memref_squeeze %dma_wait3A_466 : memref<1x128x4xf32, #tpu.memory_space<vmem>> -> memref<128x4xf32, #tpu.memory_space<vmem>>
        %dma_wait3A_468 = arith.constant 0 : i32
        %dma_wait3A_469 = tpu.memref_slice %arg9[%run_scoped3A_430, %dma_wait3A_468] : memref<17x128xi32, #tpu.memory_space<vmem>> -> memref<1x128xi32, #tpu.memory_space<vmem>>
        %dma_wait3A_470 = tpu.memref_squeeze %dma_wait3A_469 : memref<1x128xi32, #tpu.memory_space<vmem>> -> memref<128xi32, #tpu.memory_space<vmem>>
        %dma_wait3A_471 = arith.constant 0 : i32
        %dma_wait3A_472 = arith.constant 0 : i32
        %dma_wait3A_473 = tpu.memref_slice %arg7[%dma_wait3A_471, %dma_wait3A_472] : memref<100096x4xf32, #tpu.memory_space<vmem_shared>> -> memref<100096x4xf32, #tpu.memory_space<vmem_shared>>
        tpu.wait_indirect_dma semaphore(%run_scoped3A_453 : memref<!tpu.dma_semaphore, #tpu.memory_space<semaphore_mem>>) src(%dma_wait3A_467 : memref<128x4xf32, #tpu.memory_space<vmem>>) dst(%dma_wait3A_473 : memref<100096x4xf32, #tpu.memory_space<vmem_shared>>)
        tpu.yield
      }) : () -> ()
      %run_scoped3A_431 = arith.constant 6 : i32
      %run_scoped3A_432 = arith.constant 6 : i32
      "tpu.region"() ({
        %run_scoped3A_453 = tpu.sem_alloc : memref<!tpu.dma_semaphore, #tpu.memory_space<semaphore_mem>>
        %dma_start3A_454 = arith.constant 0 : i32
        %dma_start3A_455 = arith.constant 0 : i32
        %dma_start3A_456 = tpu.memref_slice %arg10[%run_scoped3A_431, %dma_start3A_454, %dma_start3A_455] : memref<17x128x4xf32, #tpu.memory_space<vmem>> -> memref<1x128x4xf32, #tpu.memory_space<vmem>>
        %dma_start3A_457 = tpu.memref_squeeze %dma_start3A_456 : memref<1x128x4xf32, #tpu.memory_space<vmem>> -> memref<128x4xf32, #tpu.memory_space<vmem>>
        %dma_start3A_458 = arith.constant 0 : i32
        %dma_start3A_459 = tpu.memref_slice %arg9[%run_scoped3A_432, %dma_start3A_458] : memref<17x128xi32, #tpu.memory_space<vmem>> -> memref<1x128xi32, #tpu.memory_space<vmem>>
        %dma_start3A_460 = tpu.memref_squeeze %dma_start3A_459 : memref<1x128xi32, #tpu.memory_space<vmem>> -> memref<128xi32, #tpu.memory_space<vmem>>
        %dma_start3A_461 = arith.constant 0 : i32
        %dma_start3A_462 = arith.constant 0 : i32
        %dma_start3A_463 = tpu.memref_slice %arg7[%dma_start3A_461, %dma_start3A_462] : memref<100096x4xf32, #tpu.memory_space<vmem_shared>> -> memref<100096x4xf32, #tpu.memory_space<vmem_shared>>
        tpu.enqueue_indirect_dma source(%dma_start3A_457 : memref<128x4xf32, #tpu.memory_space<vmem>>) target(%dma_start3A_463 : memref<100096x4xf32, #tpu.memory_space<vmem_shared>>) offsets(%dma_start3A_460 : memref<128xi32, #tpu.memory_space<vmem>>) semaphore(%run_scoped3A_453 : memref<!tpu.dma_semaphore, #tpu.memory_space<semaphore_mem>>) {add = true}
        %dma_wait3A_464 = arith.constant 0 : i32
        %dma_wait3A_465 = arith.constant 0 : i32
        %dma_wait3A_466 = tpu.memref_slice %arg10[%run_scoped3A_431, %dma_wait3A_464, %dma_wait3A_465] : memref<17x128x4xf32, #tpu.memory_space<vmem>> -> memref<1x128x4xf32, #tpu.memory_space<vmem>>
        %dma_wait3A_467 = tpu.memref_squeeze %dma_wait3A_466 : memref<1x128x4xf32, #tpu.memory_space<vmem>> -> memref<128x4xf32, #tpu.memory_space<vmem>>
        %dma_wait3A_468 = arith.constant 0 : i32
        %dma_wait3A_469 = tpu.memref_slice %arg9[%run_scoped3A_432, %dma_wait3A_468] : memref<17x128xi32, #tpu.memory_space<vmem>> -> memref<1x128xi32, #tpu.memory_space<vmem>>
        %dma_wait3A_470 = tpu.memref_squeeze %dma_wait3A_469 : memref<1x128xi32, #tpu.memory_space<vmem>> -> memref<128xi32, #tpu.memory_space<vmem>>
        %dma_wait3A_471 = arith.constant 0 : i32
        %dma_wait3A_472 = arith.constant 0 : i32
        %dma_wait3A_473 = tpu.memref_slice %arg7[%dma_wait3A_471, %dma_wait3A_472] : memref<100096x4xf32, #tpu.memory_space<vmem_shared>> -> memref<100096x4xf32, #tpu.memory_space<vmem_shared>>
        tpu.wait_indirect_dma semaphore(%run_scoped3A_453 : memref<!tpu.dma_semaphore, #tpu.memory_space<semaphore_mem>>) src(%dma_wait3A_467 : memref<128x4xf32, #tpu.memory_space<vmem>>) dst(%dma_wait3A_473 : memref<100096x4xf32, #tpu.memory_space<vmem_shared>>)
        tpu.yield
      }) : () -> ()
      %run_scoped3A_433 = arith.constant 7 : i32
      %run_scoped3A_434 = arith.constant 7 : i32
      "tpu.region"() ({
        %run_scoped3A_453 = tpu.sem_alloc : memref<!tpu.dma_semaphore, #tpu.memory_space<semaphore_mem>>
        %dma_start3A_454 = arith.constant 0 : i32
        %dma_start3A_455 = arith.constant 0 : i32
        %dma_start3A_456 = tpu.memref_slice %arg10[%run_scoped3A_433, %dma_start3A_454, %dma_start3A_455] : memref<17x128x4xf32, #tpu.memory_space<vmem>> -> memref<1x128x4xf32, #tpu.memory_space<vmem>>
        %dma_start3A_457 = tpu.memref_squeeze %dma_start3A_456 : memref<1x128x4xf32, #tpu.memory_space<vmem>> -> memref<128x4xf32, #tpu.memory_space<vmem>>
        %dma_start3A_458 = arith.constant 0 : i32
        %dma_start3A_459 = tpu.memref_slice %arg9[%run_scoped3A_434, %dma_start3A_458] : memref<17x128xi32, #tpu.memory_space<vmem>> -> memref<1x128xi32, #tpu.memory_space<vmem>>
        %dma_start3A_460 = tpu.memref_squeeze %dma_start3A_459 : memref<1x128xi32, #tpu.memory_space<vmem>> -> memref<128xi32, #tpu.memory_space<vmem>>
        %dma_start3A_461 = arith.constant 0 : i32
        %dma_start3A_462 = arith.constant 0 : i32
        %dma_start3A_463 = tpu.memref_slice %arg7[%dma_start3A_461, %dma_start3A_462] : memref<100096x4xf32, #tpu.memory_space<vmem_shared>> -> memref<100096x4xf32, #tpu.memory_space<vmem_shared>>
        tpu.enqueue_indirect_dma source(%dma_start3A_457 : memref<128x4xf32, #tpu.memory_space<vmem>>) target(%dma_start3A_463 : memref<100096x4xf32, #tpu.memory_space<vmem_shared>>) offsets(%dma_start3A_460 : memref<128xi32, #tpu.memory_space<vmem>>) semaphore(%run_scoped3A_453 : memref<!tpu.dma_semaphore, #tpu.memory_space<semaphore_mem>>) {add = true}
        %dma_wait3A_464 = arith.constant 0 : i32
        %dma_wait3A_465 = arith.constant 0 : i32
        %dma_wait3A_466 = tpu.memref_slice %arg10[%run_scoped3A_433, %dma_wait3A_464, %dma_wait3A_465] : memref<17x128x4xf32, #tpu.memory_space<vmem>> -> memref<1x128x4xf32, #tpu.memory_space<vmem>>
        %dma_wait3A_467 = tpu.memref_squeeze %dma_wait3A_466 : memref<1x128x4xf32, #tpu.memory_space<vmem>> -> memref<128x4xf32, #tpu.memory_space<vmem>>
        %dma_wait3A_468 = arith.constant 0 : i32
        %dma_wait3A_469 = tpu.memref_slice %arg9[%run_scoped3A_434, %dma_wait3A_468] : memref<17x128xi32, #tpu.memory_space<vmem>> -> memref<1x128xi32, #tpu.memory_space<vmem>>
        %dma_wait3A_470 = tpu.memref_squeeze %dma_wait3A_469 : memref<1x128xi32, #tpu.memory_space<vmem>> -> memref<128xi32, #tpu.memory_space<vmem>>
        %dma_wait3A_471 = arith.constant 0 : i32
        %dma_wait3A_472 = arith.constant 0 : i32
        %dma_wait3A_473 = tpu.memref_slice %arg7[%dma_wait3A_471, %dma_wait3A_472] : memref<100096x4xf32, #tpu.memory_space<vmem_shared>> -> memref<100096x4xf32, #tpu.memory_space<vmem_shared>>
        tpu.wait_indirect_dma semaphore(%run_scoped3A_453 : memref<!tpu.dma_semaphore, #tpu.memory_space<semaphore_mem>>) src(%dma_wait3A_467 : memref<128x4xf32, #tpu.memory_space<vmem>>) dst(%dma_wait3A_473 : memref<100096x4xf32, #tpu.memory_space<vmem_shared>>)
        tpu.yield
      }) : () -> ()
      %run_scoped3A_435 = arith.constant 8 : i32
      %run_scoped3A_436 = arith.constant 8 : i32
      "tpu.region"() ({
        %run_scoped3A_453 = tpu.sem_alloc : memref<!tpu.dma_semaphore, #tpu.memory_space<semaphore_mem>>
        %dma_start3A_454 = arith.constant 0 : i32
        %dma_start3A_455 = arith.constant 0 : i32
        %dma_start3A_456 = tpu.memref_slice %arg10[%run_scoped3A_435, %dma_start3A_454, %dma_start3A_455] : memref<17x128x4xf32, #tpu.memory_space<vmem>> -> memref<1x128x4xf32, #tpu.memory_space<vmem>>
        %dma_start3A_457 = tpu.memref_squeeze %dma_start3A_456 : memref<1x128x4xf32, #tpu.memory_space<vmem>> -> memref<128x4xf32, #tpu.memory_space<vmem>>
        %dma_start3A_458 = arith.constant 0 : i32
        %dma_start3A_459 = tpu.memref_slice %arg9[%run_scoped3A_436, %dma_start3A_458] : memref<17x128xi32, #tpu.memory_space<vmem>> -> memref<1x128xi32, #tpu.memory_space<vmem>>
        %dma_start3A_460 = tpu.memref_squeeze %dma_start3A_459 : memref<1x128xi32, #tpu.memory_space<vmem>> -> memref<128xi32, #tpu.memory_space<vmem>>
        %dma_start3A_461 = arith.constant 0 : i32
        %dma_start3A_462 = arith.constant 0 : i32
        %dma_start3A_463 = tpu.memref_slice %arg7[%dma_start3A_461, %dma_start3A_462] : memref<100096x4xf32, #tpu.memory_space<vmem_shared>> -> memref<100096x4xf32, #tpu.memory_space<vmem_shared>>
        tpu.enqueue_indirect_dma source(%dma_start3A_457 : memref<128x4xf32, #tpu.memory_space<vmem>>) target(%dma_start3A_463 : memref<100096x4xf32, #tpu.memory_space<vmem_shared>>) offsets(%dma_start3A_460 : memref<128xi32, #tpu.memory_space<vmem>>) semaphore(%run_scoped3A_453 : memref<!tpu.dma_semaphore, #tpu.memory_space<semaphore_mem>>) {add = true}
        %dma_wait3A_464 = arith.constant 0 : i32
        %dma_wait3A_465 = arith.constant 0 : i32
        %dma_wait3A_466 = tpu.memref_slice %arg10[%run_scoped3A_435, %dma_wait3A_464, %dma_wait3A_465] : memref<17x128x4xf32, #tpu.memory_space<vmem>> -> memref<1x128x4xf32, #tpu.memory_space<vmem>>
        %dma_wait3A_467 = tpu.memref_squeeze %dma_wait3A_466 : memref<1x128x4xf32, #tpu.memory_space<vmem>> -> memref<128x4xf32, #tpu.memory_space<vmem>>
        %dma_wait3A_468 = arith.constant 0 : i32
        %dma_wait3A_469 = tpu.memref_slice %arg9[%run_scoped3A_436, %dma_wait3A_468] : memref<17x128xi32, #tpu.memory_space<vmem>> -> memref<1x128xi32, #tpu.memory_space<vmem>>
        %dma_wait3A_470 = tpu.memref_squeeze %dma_wait3A_469 : memref<1x128xi32, #tpu.memory_space<vmem>> -> memref<128xi32, #tpu.memory_space<vmem>>
        %dma_wait3A_471 = arith.constant 0 : i32
        %dma_wait3A_472 = arith.constant 0 : i32
        %dma_wait3A_473 = tpu.memref_slice %arg7[%dma_wait3A_471, %dma_wait3A_472] : memref<100096x4xf32, #tpu.memory_space<vmem_shared>> -> memref<100096x4xf32, #tpu.memory_space<vmem_shared>>
        tpu.wait_indirect_dma semaphore(%run_scoped3A_453 : memref<!tpu.dma_semaphore, #tpu.memory_space<semaphore_mem>>) src(%dma_wait3A_467 : memref<128x4xf32, #tpu.memory_space<vmem>>) dst(%dma_wait3A_473 : memref<100096x4xf32, #tpu.memory_space<vmem_shared>>)
        tpu.yield
      }) : () -> ()
      %run_scoped3A_437 = arith.constant 9 : i32
      %run_scoped3A_438 = arith.constant 9 : i32
      "tpu.region"() ({
        %run_scoped3A_453 = tpu.sem_alloc : memref<!tpu.dma_semaphore, #tpu.memory_space<semaphore_mem>>
        %dma_start3A_454 = arith.constant 0 : i32
        %dma_start3A_455 = arith.constant 0 : i32
        %dma_start3A_456 = tpu.memref_slice %arg10[%run_scoped3A_437, %dma_start3A_454, %dma_start3A_455] : memref<17x128x4xf32, #tpu.memory_space<vmem>> -> memref<1x128x4xf32, #tpu.memory_space<vmem>>
        %dma_start3A_457 = tpu.memref_squeeze %dma_start3A_456 : memref<1x128x4xf32, #tpu.memory_space<vmem>> -> memref<128x4xf32, #tpu.memory_space<vmem>>
        %dma_start3A_458 = arith.constant 0 : i32
        %dma_start3A_459 = tpu.memref_slice %arg9[%run_scoped3A_438, %dma_start3A_458] : memref<17x128xi32, #tpu.memory_space<vmem>> -> memref<1x128xi32, #tpu.memory_space<vmem>>
        %dma_start3A_460 = tpu.memref_squeeze %dma_start3A_459 : memref<1x128xi32, #tpu.memory_space<vmem>> -> memref<128xi32, #tpu.memory_space<vmem>>
        %dma_start3A_461 = arith.constant 0 : i32
        %dma_start3A_462 = arith.constant 0 : i32
        %dma_start3A_463 = tpu.memref_slice %arg7[%dma_start3A_461, %dma_start3A_462] : memref<100096x4xf32, #tpu.memory_space<vmem_shared>> -> memref<100096x4xf32, #tpu.memory_space<vmem_shared>>
        tpu.enqueue_indirect_dma source(%dma_start3A_457 : memref<128x4xf32, #tpu.memory_space<vmem>>) target(%dma_start3A_463 : memref<100096x4xf32, #tpu.memory_space<vmem_shared>>) offsets(%dma_start3A_460 : memref<128xi32, #tpu.memory_space<vmem>>) semaphore(%run_scoped3A_453 : memref<!tpu.dma_semaphore, #tpu.memory_space<semaphore_mem>>) {add = true}
        %dma_wait3A_464 = arith.constant 0 : i32
        %dma_wait3A_465 = arith.constant 0 : i32
        %dma_wait3A_466 = tpu.memref_slice %arg10[%run_scoped3A_437, %dma_wait3A_464, %dma_wait3A_465] : memref<17x128x4xf32, #tpu.memory_space<vmem>> -> memref<1x128x4xf32, #tpu.memory_space<vmem>>
        %dma_wait3A_467 = tpu.memref_squeeze %dma_wait3A_466 : memref<1x128x4xf32, #tpu.memory_space<vmem>> -> memref<128x4xf32, #tpu.memory_space<vmem>>
        %dma_wait3A_468 = arith.constant 0 : i32
        %dma_wait3A_469 = tpu.memref_slice %arg9[%run_scoped3A_438, %dma_wait3A_468] : memref<17x128xi32, #tpu.memory_space<vmem>> -> memref<1x128xi32, #tpu.memory_space<vmem>>
        %dma_wait3A_470 = tpu.memref_squeeze %dma_wait3A_469 : memref<1x128xi32, #tpu.memory_space<vmem>> -> memref<128xi32, #tpu.memory_space<vmem>>
        %dma_wait3A_471 = arith.constant 0 : i32
        %dma_wait3A_472 = arith.constant 0 : i32
        %dma_wait3A_473 = tpu.memref_slice %arg7[%dma_wait3A_471, %dma_wait3A_472] : memref<100096x4xf32, #tpu.memory_space<vmem_shared>> -> memref<100096x4xf32, #tpu.memory_space<vmem_shared>>
        tpu.wait_indirect_dma semaphore(%run_scoped3A_453 : memref<!tpu.dma_semaphore, #tpu.memory_space<semaphore_mem>>) src(%dma_wait3A_467 : memref<128x4xf32, #tpu.memory_space<vmem>>) dst(%dma_wait3A_473 : memref<100096x4xf32, #tpu.memory_space<vmem_shared>>)
        tpu.yield
      }) : () -> ()
      %run_scoped3A_439 = arith.constant 10 : i32
      %run_scoped3A_440 = arith.constant 10 : i32
      "tpu.region"() ({
        %run_scoped3A_453 = tpu.sem_alloc : memref<!tpu.dma_semaphore, #tpu.memory_space<semaphore_mem>>
        %dma_start3A_454 = arith.constant 0 : i32
        %dma_start3A_455 = arith.constant 0 : i32
        %dma_start3A_456 = tpu.memref_slice %arg10[%run_scoped3A_439, %dma_start3A_454, %dma_start3A_455] : memref<17x128x4xf32, #tpu.memory_space<vmem>> -> memref<1x128x4xf32, #tpu.memory_space<vmem>>
        %dma_start3A_457 = tpu.memref_squeeze %dma_start3A_456 : memref<1x128x4xf32, #tpu.memory_space<vmem>> -> memref<128x4xf32, #tpu.memory_space<vmem>>
        %dma_start3A_458 = arith.constant 0 : i32
        %dma_start3A_459 = tpu.memref_slice %arg9[%run_scoped3A_440, %dma_start3A_458] : memref<17x128xi32, #tpu.memory_space<vmem>> -> memref<1x128xi32, #tpu.memory_space<vmem>>
        %dma_start3A_460 = tpu.memref_squeeze %dma_start3A_459 : memref<1x128xi32, #tpu.memory_space<vmem>> -> memref<128xi32, #tpu.memory_space<vmem>>
        %dma_start3A_461 = arith.constant 0 : i32
        %dma_start3A_462 = arith.constant 0 : i32
        %dma_start3A_463 = tpu.memref_slice %arg7[%dma_start3A_461, %dma_start3A_462] : memref<100096x4xf32, #tpu.memory_space<vmem_shared>> -> memref<100096x4xf32, #tpu.memory_space<vmem_shared>>
        tpu.enqueue_indirect_dma source(%dma_start3A_457 : memref<128x4xf32, #tpu.memory_space<vmem>>) target(%dma_start3A_463 : memref<100096x4xf32, #tpu.memory_space<vmem_shared>>) offsets(%dma_start3A_460 : memref<128xi32, #tpu.memory_space<vmem>>) semaphore(%run_scoped3A_453 : memref<!tpu.dma_semaphore, #tpu.memory_space<semaphore_mem>>) {add = true}
        %dma_wait3A_464 = arith.constant 0 : i32
        %dma_wait3A_465 = arith.constant 0 : i32
        %dma_wait3A_466 = tpu.memref_slice %arg10[%run_scoped3A_439, %dma_wait3A_464, %dma_wait3A_465] : memref<17x128x4xf32, #tpu.memory_space<vmem>> -> memref<1x128x4xf32, #tpu.memory_space<vmem>>
        %dma_wait3A_467 = tpu.memref_squeeze %dma_wait3A_466 : memref<1x128x4xf32, #tpu.memory_space<vmem>> -> memref<128x4xf32, #tpu.memory_space<vmem>>
        %dma_wait3A_468 = arith.constant 0 : i32
        %dma_wait3A_469 = tpu.memref_slice %arg9[%run_scoped3A_440, %dma_wait3A_468] : memref<17x128xi32, #tpu.memory_space<vmem>> -> memref<1x128xi32, #tpu.memory_space<vmem>>
        %dma_wait3A_470 = tpu.memref_squeeze %dma_wait3A_469 : memref<1x128xi32, #tpu.memory_space<vmem>> -> memref<128xi32, #tpu.memory_space<vmem>>
        %dma_wait3A_471 = arith.constant 0 : i32
        %dma_wait3A_472 = arith.constant 0 : i32
        %dma_wait3A_473 = tpu.memref_slice %arg7[%dma_wait3A_471, %dma_wait3A_472] : memref<100096x4xf32, #tpu.memory_space<vmem_shared>> -> memref<100096x4xf32, #tpu.memory_space<vmem_shared>>
        tpu.wait_indirect_dma semaphore(%run_scoped3A_453 : memref<!tpu.dma_semaphore, #tpu.memory_space<semaphore_mem>>) src(%dma_wait3A_467 : memref<128x4xf32, #tpu.memory_space<vmem>>) dst(%dma_wait3A_473 : memref<100096x4xf32, #tpu.memory_space<vmem_shared>>)
        tpu.yield
      }) : () -> ()
      %run_scoped3A_441 = arith.constant 11 : i32
      %run_scoped3A_442 = arith.constant 11 : i32
      "tpu.region"() ({
        %run_scoped3A_453 = tpu.sem_alloc : memref<!tpu.dma_semaphore, #tpu.memory_space<semaphore_mem>>
        %dma_start3A_454 = arith.constant 0 : i32
        %dma_start3A_455 = arith.constant 0 : i32
        %dma_start3A_456 = tpu.memref_slice %arg10[%run_scoped3A_441, %dma_start3A_454, %dma_start3A_455] : memref<17x128x4xf32, #tpu.memory_space<vmem>> -> memref<1x128x4xf32, #tpu.memory_space<vmem>>
        %dma_start3A_457 = tpu.memref_squeeze %dma_start3A_456 : memref<1x128x4xf32, #tpu.memory_space<vmem>> -> memref<128x4xf32, #tpu.memory_space<vmem>>
        %dma_start3A_458 = arith.constant 0 : i32
        %dma_start3A_459 = tpu.memref_slice %arg9[%run_scoped3A_442, %dma_start3A_458] : memref<17x128xi32, #tpu.memory_space<vmem>> -> memref<1x128xi32, #tpu.memory_space<vmem>>
        %dma_start3A_460 = tpu.memref_squeeze %dma_start3A_459 : memref<1x128xi32, #tpu.memory_space<vmem>> -> memref<128xi32, #tpu.memory_space<vmem>>
        %dma_start3A_461 = arith.constant 0 : i32
        %dma_start3A_462 = arith.constant 0 : i32
        %dma_start3A_463 = tpu.memref_slice %arg7[%dma_start3A_461, %dma_start3A_462] : memref<100096x4xf32, #tpu.memory_space<vmem_shared>> -> memref<100096x4xf32, #tpu.memory_space<vmem_shared>>
        tpu.enqueue_indirect_dma source(%dma_start3A_457 : memref<128x4xf32, #tpu.memory_space<vmem>>) target(%dma_start3A_463 : memref<100096x4xf32, #tpu.memory_space<vmem_shared>>) offsets(%dma_start3A_460 : memref<128xi32, #tpu.memory_space<vmem>>) semaphore(%run_scoped3A_453 : memref<!tpu.dma_semaphore, #tpu.memory_space<semaphore_mem>>) {add = true}
        %dma_wait3A_464 = arith.constant 0 : i32
        %dma_wait3A_465 = arith.constant 0 : i32
        %dma_wait3A_466 = tpu.memref_slice %arg10[%run_scoped3A_441, %dma_wait3A_464, %dma_wait3A_465] : memref<17x128x4xf32, #tpu.memory_space<vmem>> -> memref<1x128x4xf32, #tpu.memory_space<vmem>>
        %dma_wait3A_467 = tpu.memref_squeeze %dma_wait3A_466 : memref<1x128x4xf32, #tpu.memory_space<vmem>> -> memref<128x4xf32, #tpu.memory_space<vmem>>
        %dma_wait3A_468 = arith.constant 0 : i32
        %dma_wait3A_469 = tpu.memref_slice %arg9[%run_scoped3A_442, %dma_wait3A_468] : memref<17x128xi32, #tpu.memory_space<vmem>> -> memref<1x128xi32, #tpu.memory_space<vmem>>
        %dma_wait3A_470 = tpu.memref_squeeze %dma_wait3A_469 : memref<1x128xi32, #tpu.memory_space<vmem>> -> memref<128xi32, #tpu.memory_space<vmem>>
        %dma_wait3A_471 = arith.constant 0 : i32
        %dma_wait3A_472 = arith.constant 0 : i32
        %dma_wait3A_473 = tpu.memref_slice %arg7[%dma_wait3A_471, %dma_wait3A_472] : memref<100096x4xf32, #tpu.memory_space<vmem_shared>> -> memref<100096x4xf32, #tpu.memory_space<vmem_shared>>
        tpu.wait_indirect_dma semaphore(%run_scoped3A_453 : memref<!tpu.dma_semaphore, #tpu.memory_space<semaphore_mem>>) src(%dma_wait3A_467 : memref<128x4xf32, #tpu.memory_space<vmem>>) dst(%dma_wait3A_473 : memref<100096x4xf32, #tpu.memory_space<vmem_shared>>)
        tpu.yield
      }) : () -> ()
      %run_scoped3A_443 = arith.constant 12 : i32
      %run_scoped3A_444 = arith.constant 12 : i32
      "tpu.region"() ({
        %run_scoped3A_453 = tpu.sem_alloc : memref<!tpu.dma_semaphore, #tpu.memory_space<semaphore_mem>>
        %dma_start3A_454 = arith.constant 0 : i32
        %dma_start3A_455 = arith.constant 0 : i32
        %dma_start3A_456 = tpu.memref_slice %arg10[%run_scoped3A_443, %dma_start3A_454, %dma_start3A_455] : memref<17x128x4xf32, #tpu.memory_space<vmem>> -> memref<1x128x4xf32, #tpu.memory_space<vmem>>
        %dma_start3A_457 = tpu.memref_squeeze %dma_start3A_456 : memref<1x128x4xf32, #tpu.memory_space<vmem>> -> memref<128x4xf32, #tpu.memory_space<vmem>>
        %dma_start3A_458 = arith.constant 0 : i32
        %dma_start3A_459 = tpu.memref_slice %arg9[%run_scoped3A_444, %dma_start3A_458] : memref<17x128xi32, #tpu.memory_space<vmem>> -> memref<1x128xi32, #tpu.memory_space<vmem>>
        %dma_start3A_460 = tpu.memref_squeeze %dma_start3A_459 : memref<1x128xi32, #tpu.memory_space<vmem>> -> memref<128xi32, #tpu.memory_space<vmem>>
        %dma_start3A_461 = arith.constant 0 : i32
        %dma_start3A_462 = arith.constant 0 : i32
        %dma_start3A_463 = tpu.memref_slice %arg7[%dma_start3A_461, %dma_start3A_462] : memref<100096x4xf32, #tpu.memory_space<vmem_shared>> -> memref<100096x4xf32, #tpu.memory_space<vmem_shared>>
        tpu.enqueue_indirect_dma source(%dma_start3A_457 : memref<128x4xf32, #tpu.memory_space<vmem>>) target(%dma_start3A_463 : memref<100096x4xf32, #tpu.memory_space<vmem_shared>>) offsets(%dma_start3A_460 : memref<128xi32, #tpu.memory_space<vmem>>) semaphore(%run_scoped3A_453 : memref<!tpu.dma_semaphore, #tpu.memory_space<semaphore_mem>>) {add = true}
        %dma_wait3A_464 = arith.constant 0 : i32
        %dma_wait3A_465 = arith.constant 0 : i32
        %dma_wait3A_466 = tpu.memref_slice %arg10[%run_scoped3A_443, %dma_wait3A_464, %dma_wait3A_465] : memref<17x128x4xf32, #tpu.memory_space<vmem>> -> memref<1x128x4xf32, #tpu.memory_space<vmem>>
        %dma_wait3A_467 = tpu.memref_squeeze %dma_wait3A_466 : memref<1x128x4xf32, #tpu.memory_space<vmem>> -> memref<128x4xf32, #tpu.memory_space<vmem>>
        %dma_wait3A_468 = arith.constant 0 : i32
        %dma_wait3A_469 = tpu.memref_slice %arg9[%run_scoped3A_444, %dma_wait3A_468] : memref<17x128xi32, #tpu.memory_space<vmem>> -> memref<1x128xi32, #tpu.memory_space<vmem>>
        %dma_wait3A_470 = tpu.memref_squeeze %dma_wait3A_469 : memref<1x128xi32, #tpu.memory_space<vmem>> -> memref<128xi32, #tpu.memory_space<vmem>>
        %dma_wait3A_471 = arith.constant 0 : i32
        %dma_wait3A_472 = arith.constant 0 : i32
        %dma_wait3A_473 = tpu.memref_slice %arg7[%dma_wait3A_471, %dma_wait3A_472] : memref<100096x4xf32, #tpu.memory_space<vmem_shared>> -> memref<100096x4xf32, #tpu.memory_space<vmem_shared>>
        tpu.wait_indirect_dma semaphore(%run_scoped3A_453 : memref<!tpu.dma_semaphore, #tpu.memory_space<semaphore_mem>>) src(%dma_wait3A_467 : memref<128x4xf32, #tpu.memory_space<vmem>>) dst(%dma_wait3A_473 : memref<100096x4xf32, #tpu.memory_space<vmem_shared>>)
        tpu.yield
      }) : () -> ()
      %run_scoped3A_445 = arith.constant 13 : i32
      %run_scoped3A_446 = arith.constant 13 : i32
      "tpu.region"() ({
        %run_scoped3A_453 = tpu.sem_alloc : memref<!tpu.dma_semaphore, #tpu.memory_space<semaphore_mem>>
        %dma_start3A_454 = arith.constant 0 : i32
        %dma_start3A_455 = arith.constant 0 : i32
        %dma_start3A_456 = tpu.memref_slice %arg10[%run_scoped3A_445, %dma_start3A_454, %dma_start3A_455] : memref<17x128x4xf32, #tpu.memory_space<vmem>> -> memref<1x128x4xf32, #tpu.memory_space<vmem>>
        %dma_start3A_457 = tpu.memref_squeeze %dma_start3A_456 : memref<1x128x4xf32, #tpu.memory_space<vmem>> -> memref<128x4xf32, #tpu.memory_space<vmem>>
        %dma_start3A_458 = arith.constant 0 : i32
        %dma_start3A_459 = tpu.memref_slice %arg9[%run_scoped3A_446, %dma_start3A_458] : memref<17x128xi32, #tpu.memory_space<vmem>> -> memref<1x128xi32, #tpu.memory_space<vmem>>
        %dma_start3A_460 = tpu.memref_squeeze %dma_start3A_459 : memref<1x128xi32, #tpu.memory_space<vmem>> -> memref<128xi32, #tpu.memory_space<vmem>>
        %dma_start3A_461 = arith.constant 0 : i32
        %dma_start3A_462 = arith.constant 0 : i32
        %dma_start3A_463 = tpu.memref_slice %arg7[%dma_start3A_461, %dma_start3A_462] : memref<100096x4xf32, #tpu.memory_space<vmem_shared>> -> memref<100096x4xf32, #tpu.memory_space<vmem_shared>>
        tpu.enqueue_indirect_dma source(%dma_start3A_457 : memref<128x4xf32, #tpu.memory_space<vmem>>) target(%dma_start3A_463 : memref<100096x4xf32, #tpu.memory_space<vmem_shared>>) offsets(%dma_start3A_460 : memref<128xi32, #tpu.memory_space<vmem>>) semaphore(%run_scoped3A_453 : memref<!tpu.dma_semaphore, #tpu.memory_space<semaphore_mem>>) {add = true}
        %dma_wait3A_464 = arith.constant 0 : i32
        %dma_wait3A_465 = arith.constant 0 : i32
        %dma_wait3A_466 = tpu.memref_slice %arg10[%run_scoped3A_445, %dma_wait3A_464, %dma_wait3A_465] : memref<17x128x4xf32, #tpu.memory_space<vmem>> -> memref<1x128x4xf32, #tpu.memory_space<vmem>>
        %dma_wait3A_467 = tpu.memref_squeeze %dma_wait3A_466 : memref<1x128x4xf32, #tpu.memory_space<vmem>> -> memref<128x4xf32, #tpu.memory_space<vmem>>
        %dma_wait3A_468 = arith.constant 0 : i32
        %dma_wait3A_469 = tpu.memref_slice %arg9[%run_scoped3A_446, %dma_wait3A_468] : memref<17x128xi32, #tpu.memory_space<vmem>> -> memref<1x128xi32, #tpu.memory_space<vmem>>
        %dma_wait3A_470 = tpu.memref_squeeze %dma_wait3A_469 : memref<1x128xi32, #tpu.memory_space<vmem>> -> memref<128xi32, #tpu.memory_space<vmem>>
        %dma_wait3A_471 = arith.constant 0 : i32
        %dma_wait3A_472 = arith.constant 0 : i32
        %dma_wait3A_473 = tpu.memref_slice %arg7[%dma_wait3A_471, %dma_wait3A_472] : memref<100096x4xf32, #tpu.memory_space<vmem_shared>> -> memref<100096x4xf32, #tpu.memory_space<vmem_shared>>
        tpu.wait_indirect_dma semaphore(%run_scoped3A_453 : memref<!tpu.dma_semaphore, #tpu.memory_space<semaphore_mem>>) src(%dma_wait3A_467 : memref<128x4xf32, #tpu.memory_space<vmem>>) dst(%dma_wait3A_473 : memref<100096x4xf32, #tpu.memory_space<vmem_shared>>)
        tpu.yield
      }) : () -> ()
      %run_scoped3A_447 = arith.constant 14 : i32
      %run_scoped3A_448 = arith.constant 14 : i32
      "tpu.region"() ({
        %run_scoped3A_453 = tpu.sem_alloc : memref<!tpu.dma_semaphore, #tpu.memory_space<semaphore_mem>>
        %dma_start3A_454 = arith.constant 0 : i32
        %dma_start3A_455 = arith.constant 0 : i32
        %dma_start3A_456 = tpu.memref_slice %arg10[%run_scoped3A_447, %dma_start3A_454, %dma_start3A_455] : memref<17x128x4xf32, #tpu.memory_space<vmem>> -> memref<1x128x4xf32, #tpu.memory_space<vmem>>
        %dma_start3A_457 = tpu.memref_squeeze %dma_start3A_456 : memref<1x128x4xf32, #tpu.memory_space<vmem>> -> memref<128x4xf32, #tpu.memory_space<vmem>>
        %dma_start3A_458 = arith.constant 0 : i32
        %dma_start3A_459 = tpu.memref_slice %arg9[%run_scoped3A_448, %dma_start3A_458] : memref<17x128xi32, #tpu.memory_space<vmem>> -> memref<1x128xi32, #tpu.memory_space<vmem>>
        %dma_start3A_460 = tpu.memref_squeeze %dma_start3A_459 : memref<1x128xi32, #tpu.memory_space<vmem>> -> memref<128xi32, #tpu.memory_space<vmem>>
        %dma_start3A_461 = arith.constant 0 : i32
        %dma_start3A_462 = arith.constant 0 : i32
        %dma_start3A_463 = tpu.memref_slice %arg7[%dma_start3A_461, %dma_start3A_462] : memref<100096x4xf32, #tpu.memory_space<vmem_shared>> -> memref<100096x4xf32, #tpu.memory_space<vmem_shared>>
        tpu.enqueue_indirect_dma source(%dma_start3A_457 : memref<128x4xf32, #tpu.memory_space<vmem>>) target(%dma_start3A_463 : memref<100096x4xf32, #tpu.memory_space<vmem_shared>>) offsets(%dma_start3A_460 : memref<128xi32, #tpu.memory_space<vmem>>) semaphore(%run_scoped3A_453 : memref<!tpu.dma_semaphore, #tpu.memory_space<semaphore_mem>>) {add = true}
        %dma_wait3A_464 = arith.constant 0 : i32
        %dma_wait3A_465 = arith.constant 0 : i32
        %dma_wait3A_466 = tpu.memref_slice %arg10[%run_scoped3A_447, %dma_wait3A_464, %dma_wait3A_465] : memref<17x128x4xf32, #tpu.memory_space<vmem>> -> memref<1x128x4xf32, #tpu.memory_space<vmem>>
        %dma_wait3A_467 = tpu.memref_squeeze %dma_wait3A_466 : memref<1x128x4xf32, #tpu.memory_space<vmem>> -> memref<128x4xf32, #tpu.memory_space<vmem>>
        %dma_wait3A_468 = arith.constant 0 : i32
        %dma_wait3A_469 = tpu.memref_slice %arg9[%run_scoped3A_448, %dma_wait3A_468] : memref<17x128xi32, #tpu.memory_space<vmem>> -> memref<1x128xi32, #tpu.memory_space<vmem>>
        %dma_wait3A_470 = tpu.memref_squeeze %dma_wait3A_469 : memref<1x128xi32, #tpu.memory_space<vmem>> -> memref<128xi32, #tpu.memory_space<vmem>>
        %dma_wait3A_471 = arith.constant 0 : i32
        %dma_wait3A_472 = arith.constant 0 : i32
        %dma_wait3A_473 = tpu.memref_slice %arg7[%dma_wait3A_471, %dma_wait3A_472] : memref<100096x4xf32, #tpu.memory_space<vmem_shared>> -> memref<100096x4xf32, #tpu.memory_space<vmem_shared>>
        tpu.wait_indirect_dma semaphore(%run_scoped3A_453 : memref<!tpu.dma_semaphore, #tpu.memory_space<semaphore_mem>>) src(%dma_wait3A_467 : memref<128x4xf32, #tpu.memory_space<vmem>>) dst(%dma_wait3A_473 : memref<100096x4xf32, #tpu.memory_space<vmem_shared>>)
        tpu.yield
      }) : () -> ()
      %run_scoped3A_449 = arith.constant 15 : i32
      %run_scoped3A_450 = arith.constant 15 : i32
      "tpu.region"() ({
        %run_scoped3A_453 = tpu.sem_alloc : memref<!tpu.dma_semaphore, #tpu.memory_space<semaphore_mem>>
        %dma_start3A_454 = arith.constant 0 : i32
        %dma_start3A_455 = arith.constant 0 : i32
        %dma_start3A_456 = tpu.memref_slice %arg10[%run_scoped3A_449, %dma_start3A_454, %dma_start3A_455] : memref<17x128x4xf32, #tpu.memory_space<vmem>> -> memref<1x128x4xf32, #tpu.memory_space<vmem>>
        %dma_start3A_457 = tpu.memref_squeeze %dma_start3A_456 : memref<1x128x4xf32, #tpu.memory_space<vmem>> -> memref<128x4xf32, #tpu.memory_space<vmem>>
        %dma_start3A_458 = arith.constant 0 : i32
        %dma_start3A_459 = tpu.memref_slice %arg9[%run_scoped3A_450, %dma_start3A_458] : memref<17x128xi32, #tpu.memory_space<vmem>> -> memref<1x128xi32, #tpu.memory_space<vmem>>
        %dma_start3A_460 = tpu.memref_squeeze %dma_start3A_459 : memref<1x128xi32, #tpu.memory_space<vmem>> -> memref<128xi32, #tpu.memory_space<vmem>>
        %dma_start3A_461 = arith.constant 0 : i32
        %dma_start3A_462 = arith.constant 0 : i32
        %dma_start3A_463 = tpu.memref_slice %arg7[%dma_start3A_461, %dma_start3A_462] : memref<100096x4xf32, #tpu.memory_space<vmem_shared>> -> memref<100096x4xf32, #tpu.memory_space<vmem_shared>>
        tpu.enqueue_indirect_dma source(%dma_start3A_457 : memref<128x4xf32, #tpu.memory_space<vmem>>) target(%dma_start3A_463 : memref<100096x4xf32, #tpu.memory_space<vmem_shared>>) offsets(%dma_start3A_460 : memref<128xi32, #tpu.memory_space<vmem>>) semaphore(%run_scoped3A_453 : memref<!tpu.dma_semaphore, #tpu.memory_space<semaphore_mem>>) {add = true}
        %dma_wait3A_464 = arith.constant 0 : i32
        %dma_wait3A_465 = arith.constant 0 : i32
        %dma_wait3A_466 = tpu.memref_slice %arg10[%run_scoped3A_449, %dma_wait3A_464, %dma_wait3A_465] : memref<17x128x4xf32, #tpu.memory_space<vmem>> -> memref<1x128x4xf32, #tpu.memory_space<vmem>>
        %dma_wait3A_467 = tpu.memref_squeeze %dma_wait3A_466 : memref<1x128x4xf32, #tpu.memory_space<vmem>> -> memref<128x4xf32, #tpu.memory_space<vmem>>
        %dma_wait3A_468 = arith.constant 0 : i32
        %dma_wait3A_469 = tpu.memref_slice %arg9[%run_scoped3A_450, %dma_wait3A_468] : memref<17x128xi32, #tpu.memory_space<vmem>> -> memref<1x128xi32, #tpu.memory_space<vmem>>
        %dma_wait3A_470 = tpu.memref_squeeze %dma_wait3A_469 : memref<1x128xi32, #tpu.memory_space<vmem>> -> memref<128xi32, #tpu.memory_space<vmem>>
        %dma_wait3A_471 = arith.constant 0 : i32
        %dma_wait3A_472 = arith.constant 0 : i32
        %dma_wait3A_473 = tpu.memref_slice %arg7[%dma_wait3A_471, %dma_wait3A_472] : memref<100096x4xf32, #tpu.memory_space<vmem_shared>> -> memref<100096x4xf32, #tpu.memory_space<vmem_shared>>
        tpu.wait_indirect_dma semaphore(%run_scoped3A_453 : memref<!tpu.dma_semaphore, #tpu.memory_space<semaphore_mem>>) src(%dma_wait3A_467 : memref<128x4xf32, #tpu.memory_space<vmem>>) dst(%dma_wait3A_473 : memref<100096x4xf32, #tpu.memory_space<vmem_shared>>)
        tpu.yield
      }) : () -> ()
      %run_scoped3A_451 = arith.constant 16 : i32
      %run_scoped3A_452 = arith.constant 16 : i32
      "tpu.region"() ({
        %run_scoped3A_453 = tpu.sem_alloc : memref<!tpu.dma_semaphore, #tpu.memory_space<semaphore_mem>>
        %dma_start3A_454 = arith.constant 0 : i32
        %dma_start3A_455 = arith.constant 0 : i32
        %dma_start3A_456 = tpu.memref_slice %arg10[%run_scoped3A_451, %dma_start3A_454, %dma_start3A_455] : memref<17x128x4xf32, #tpu.memory_space<vmem>> -> memref<1x128x4xf32, #tpu.memory_space<vmem>>
        %dma_start3A_457 = tpu.memref_squeeze %dma_start3A_456 : memref<1x128x4xf32, #tpu.memory_space<vmem>> -> memref<128x4xf32, #tpu.memory_space<vmem>>
        %dma_start3A_458 = arith.constant 0 : i32
        %dma_start3A_459 = tpu.memref_slice %arg9[%run_scoped3A_452, %dma_start3A_458] : memref<17x128xi32, #tpu.memory_space<vmem>> -> memref<1x128xi32, #tpu.memory_space<vmem>>
        %dma_start3A_460 = tpu.memref_squeeze %dma_start3A_459 : memref<1x128xi32, #tpu.memory_space<vmem>> -> memref<128xi32, #tpu.memory_space<vmem>>
        %dma_start3A_461 = arith.constant 0 : i32
        %dma_start3A_462 = arith.constant 0 : i32
        %dma_start3A_463 = tpu.memref_slice %arg7[%dma_start3A_461, %dma_start3A_462] : memref<100096x4xf32, #tpu.memory_space<vmem_shared>> -> memref<100096x4xf32, #tpu.memory_space<vmem_shared>>
        tpu.enqueue_indirect_dma source(%dma_start3A_457 : memref<128x4xf32, #tpu.memory_space<vmem>>) target(%dma_start3A_463 : memref<100096x4xf32, #tpu.memory_space<vmem_shared>>) offsets(%dma_start3A_460 : memref<128xi32, #tpu.memory_space<vmem>>) semaphore(%run_scoped3A_453 : memref<!tpu.dma_semaphore, #tpu.memory_space<semaphore_mem>>) {add = true}
        %dma_wait3A_464 = arith.constant 0 : i32
        %dma_wait3A_465 = arith.constant 0 : i32
        %dma_wait3A_466 = tpu.memref_slice %arg10[%run_scoped3A_451, %dma_wait3A_464, %dma_wait3A_465] : memref<17x128x4xf32, #tpu.memory_space<vmem>> -> memref<1x128x4xf32, #tpu.memory_space<vmem>>
        %dma_wait3A_467 = tpu.memref_squeeze %dma_wait3A_466 : memref<1x128x4xf32, #tpu.memory_space<vmem>> -> memref<128x4xf32, #tpu.memory_space<vmem>>
        %dma_wait3A_468 = arith.constant 0 : i32
        %dma_wait3A_469 = tpu.memref_slice %arg9[%run_scoped3A_452, %dma_wait3A_468] : memref<17x128xi32, #tpu.memory_space<vmem>> -> memref<1x128xi32, #tpu.memory_space<vmem>>
        %dma_wait3A_470 = tpu.memref_squeeze %dma_wait3A_469 : memref<1x128xi32, #tpu.memory_space<vmem>> -> memref<128xi32, #tpu.memory_space<vmem>>
        %dma_wait3A_471 = arith.constant 0 : i32
        %dma_wait3A_472 = arith.constant 0 : i32
        %dma_wait3A_473 = tpu.memref_slice %arg7[%dma_wait3A_471, %dma_wait3A_472] : memref<100096x4xf32, #tpu.memory_space<vmem_shared>> -> memref<100096x4xf32, #tpu.memory_space<vmem_shared>>
        tpu.wait_indirect_dma semaphore(%run_scoped3A_453 : memref<!tpu.dma_semaphore, #tpu.memory_space<semaphore_mem>>) src(%dma_wait3A_467 : memref<128x4xf32, #tpu.memory_space<vmem>>) dst(%dma_wait3A_473 : memref<100096x4xf32, #tpu.memory_space<vmem_shared>>)
        tpu.yield
      }) : () -> ()
    }
    %scan3A_9 = arith.constant 23 : i32
    %barrier3A_10 = arith.constant 0 : index
    tpu.barrier barrier_id(%barrier3A_10)
    "tpu.region"() ({
      %run_scoped3A = tpu.sem_alloc : memref<!tpu.dma_semaphore, #tpu.memory_space<semaphore_mem>>
      %dma_start3A = arith.constant 0 : i32
      %dma_start3A_11 = tpu.memref_slice %arg6[%arg0, %mul3A_2, %dma_start3A] : memref<2x100096x4xf32, #tpu.memory_space<hbm>> -> memref<1x6256x4xf32, #tpu.memory_space<hbm>>
      %dma_start3A_12 = tpu.memref_squeeze %dma_start3A_11 : memref<1x6256x4xf32, #tpu.memory_space<hbm>> -> memref<6256x4xf32, #tpu.memory_space<hbm>>
      %dma_start3A_13 = arith.constant 0 : i32
      %dma_start3A_14 = tpu.memref_slice %arg7[%mul3A_2, %dma_start3A_13] : memref<100096x4xf32, #tpu.memory_space<vmem_shared>> -> memref<6256x4xf32, #tpu.memory_space<vmem_shared>>
      tpu.enqueue_dma source(%dma_start3A_14 : memref<6256x4xf32, #tpu.memory_space<vmem_shared>>) target(%dma_start3A_12 : memref<6256x4xf32, #tpu.memory_space<hbm>>) target_semaphore(%run_scoped3A : memref<!tpu.dma_semaphore, #tpu.memory_space<semaphore_mem>>)
      %dma_wait3A = arith.constant 0 : i32
      %dma_wait3A_15 = tpu.memref_slice %arg6[%arg0, %mul3A_2, %dma_wait3A] : memref<2x100096x4xf32, #tpu.memory_space<hbm>> -> memref<1x6256x4xf32, #tpu.memory_space<hbm>>
      %dma_wait3A_16 = tpu.memref_squeeze %dma_wait3A_15 : memref<1x6256x4xf32, #tpu.memory_space<hbm>> -> memref<6256x4xf32, #tpu.memory_space<hbm>>
      %dma_wait3A_17 = arith.constant 0 : i32
      %dma_wait3A_18 = tpu.memref_slice %arg7[%mul3A_2, %dma_wait3A_17] : memref<100096x4xf32, #tpu.memory_space<vmem_shared>> -> memref<6256x4xf32, #tpu.memory_space<vmem_shared>>
      tpu.wait_dma2 semaphore(%run_scoped3A : memref<!tpu.dma_semaphore, #tpu.memory_space<semaphore_mem>>) src(%dma_wait3A_18 : memref<6256x4xf32, #tpu.memory_space<vmem_shared>>) dst(%dma_wait3A_16 : memref<6256x4xf32, #tpu.memory_space<hbm>>)
      tpu.yield
    }) : () -> ()
    return
  }
}

#map = affine_map<(d0, d1) -> (0, 0)>
#map1 = affine_map<(d0, d1) -> (0, 0, 0)>
module attributes {stable_mosaic.version = 14 : i64} {
  func.func @_agg_body(%arg0: i32, %arg1: i32, %arg2: memref<100000x4xf32, #tpu.memory_space<hbm>>, %arg3: memref<736x17x128xi32, #tpu.memory_space<hbm>>, %arg4: memref<736x17x128xi32, #tpu.memory_space<hbm>>, %arg5: memref<100096x4xf32, #tpu.memory_space<hbm>>, %arg6: memref<2x100096x4xf32, #tpu.memory_space<hbm>>, %arg7: memref<100096x4xf32, #tpu.memory_space<vmem_shared>>, %arg8: memref<17x128xi32, #tpu.memory_space<vmem>>, %arg9: memref<17x128xi32, #tpu.memory_space<vmem>>, %arg10: memref<17x128x4xf32, #tpu.memory_space<vmem>>, %arg11: memref<!tpu.dma_semaphore, #tpu.memory_space<semaphore_mem>>, %arg12: memref<!tpu.dma_semaphore, #tpu.memory_space<semaphore_mem>>) attributes {dimension_semantics = [#tpu.dimension_semantics<core_parallel>, #tpu.dimension_semantics<subcore_parallel>], iteration_bounds = array<i64: 2, 16>, scalar_prefetch = 0 : i64, scratch_operands = 6 : i64, tpu.core_type = #tpu.core_type<sc_vector_subcore>, window_params = [{transform_indices = #map}, {transform_indices = #map1}, {transform_indices = #map1}, {transform_indices = #map}, {transform_indices = #map1}]} {
    %mul3A = arith.constant 16 : i32
    %mul3A_0 = arith.muli %arg0, %mul3A : i32
    %add3A = arith.addi %mul3A_0, %arg1 : i32
    %mul3A_1 = arith.constant 6256 : i32
    %mul3A_2 = arith.muli %arg1, %mul3A_1 : i32
    "tpu.region"() ({
      %run_scoped3A = tpu.sem_alloc : memref<!tpu.dma_semaphore, #tpu.memory_space<semaphore_mem>>
      %dma_start3A = arith.constant 0 : i32
      %dma_start3A_11 = tpu.memref_slice %arg7[%mul3A_2, %dma_start3A] : memref<100096x4xf32, #tpu.memory_space<vmem_shared>> -> memref<6256x4xf32, #tpu.memory_space<vmem_shared>>
      %dma_start3A_12 = arith.constant 0 : i32
      %dma_start3A_13 = tpu.memref_slice %arg5[%mul3A_2, %dma_start3A_12] : memref<100096x4xf32, #tpu.memory_space<hbm>> -> memref<6256x4xf32, #tpu.memory_space<hbm>>
      tpu.enqueue_dma source(%dma_start3A_13 : memref<6256x4xf32, #tpu.memory_space<hbm>>) target(%dma_start3A_11 : memref<6256x4xf32, #tpu.memory_space<vmem_shared>>) target_semaphore(%run_scoped3A : memref<!tpu.dma_semaphore, #tpu.memory_space<semaphore_mem>>)
      %dma_wait3A = arith.constant 0 : i32
      %dma_wait3A_14 = tpu.memref_slice %arg7[%mul3A_2, %dma_wait3A] : memref<100096x4xf32, #tpu.memory_space<vmem_shared>> -> memref<6256x4xf32, #tpu.memory_space<vmem_shared>>
      %dma_wait3A_15 = arith.constant 0 : i32
      %dma_wait3A_16 = tpu.memref_slice %arg5[%mul3A_2, %dma_wait3A_15] : memref<100096x4xf32, #tpu.memory_space<hbm>> -> memref<6256x4xf32, #tpu.memory_space<hbm>>
      tpu.wait_dma2 semaphore(%run_scoped3A : memref<!tpu.dma_semaphore, #tpu.memory_space<semaphore_mem>>) src(%dma_wait3A_16 : memref<6256x4xf32, #tpu.memory_space<hbm>>) dst(%dma_wait3A_14 : memref<6256x4xf32, #tpu.memory_space<vmem_shared>>)
      tpu.yield
    }) : () -> ()
    %barrier3A = arith.constant 0 : index
    tpu.barrier barrier_id(%barrier3A)
    %mul3A_3 = arith.constant 23 : i32
    %mul3A_4 = arith.muli %add3A, %mul3A_3 : i32
    %scan3A = arith.constant 0 : i32
    %scan3A_5 = arith.constant 0 : i32
    %scan3A_6 = arith.constant 23 : i32
    %scan3A_7 = arith.addi %scan3A_5, %scan3A_6 : i32
    %scan3A_8 = arith.constant 1 : i32
    scf.for %scan3A_11 = %scan3A_5 to %scan3A_7 step %scan3A_8  : i32 {
      %add3A_12 = arith.addi %mul3A_4, %scan3A_11 : i32
      "tpu.region"() ({
        %run_scoped3A_453 = tpu.sem_alloc : memref<!tpu.dma_semaphore, #tpu.memory_space<semaphore_mem>>
        %dma_start3A_454 = arith.constant 0 : i32
        %dma_start3A_455 = arith.constant 0 : i32
        %dma_start3A_456 = tpu.memref_slice %arg3[%add3A_12, %dma_start3A_454, %dma_start3A_455] : memref<736x17x128xi32, #tpu.memory_space<hbm>> -> memref<1x17x128xi32, #tpu.memory_space<hbm>>
        %dma_start3A_457 = tpu.memref_squeeze %dma_start3A_456 : memref<1x17x128xi32, #tpu.memory_space<hbm>> -> memref<17x128xi32, #tpu.memory_space<hbm>>
        %dma_start3A_458 = arith.constant 0 : i32
        %dma_start3A_459 = arith.constant 0 : i32
        %dma_start3A_460 = tpu.memref_slice %arg3[%add3A_12, %dma_start3A_458, %dma_start3A_459] : memref<736x17x128xi32, #tpu.memory_space<hbm>> -> memref<1x17x128xi32, #tpu.memory_space<hbm>>
        %dma_start3A_461 = tpu.memref_squeeze %dma_start3A_460 : memref<1x17x128xi32, #tpu.memory_space<hbm>> -> memref<17x128xi32, #tpu.memory_space<hbm>>
        tpu.enqueue_dma source(%dma_start3A_461 : memref<17x128xi32, #tpu.memory_space<hbm>>) target(%arg8 : memref<17x128xi32, #tpu.memory_space<vmem>>) target_semaphore(%run_scoped3A_453 : memref<!tpu.dma_semaphore, #tpu.memory_space<semaphore_mem>>)
        %dma_wait3A_462 = arith.constant 0 : i32
        %dma_wait3A_463 = arith.constant 0 : i32
        %dma_wait3A_464 = tpu.memref_slice %arg3[%add3A_12, %dma_wait3A_462, %dma_wait3A_463] : memref<736x17x128xi32, #tpu.memory_space<hbm>> -> memref<1x17x128xi32, #tpu.memory_space<hbm>>
        %dma_wait3A_465 = tpu.memref_squeeze %dma_wait3A_464 : memref<1x17x128xi32, #tpu.memory_space<hbm>> -> memref<17x128xi32, #tpu.memory_space<hbm>>
        %dma_wait3A_466 = arith.constant 0 : i32
        %dma_wait3A_467 = arith.constant 0 : i32
        %dma_wait3A_468 = tpu.memref_slice %arg3[%add3A_12, %dma_wait3A_466, %dma_wait3A_467] : memref<736x17x128xi32, #tpu.memory_space<hbm>> -> memref<1x17x128xi32, #tpu.memory_space<hbm>>
        %dma_wait3A_469 = tpu.memref_squeeze %dma_wait3A_468 : memref<1x17x128xi32, #tpu.memory_space<hbm>> -> memref<17x128xi32, #tpu.memory_space<hbm>>
        tpu.wait_dma2 semaphore(%run_scoped3A_453 : memref<!tpu.dma_semaphore, #tpu.memory_space<semaphore_mem>>) src(%dma_wait3A_469 : memref<17x128xi32, #tpu.memory_space<hbm>>) dst(%arg8 : memref<17x128xi32, #tpu.memory_space<vmem>>)
        tpu.yield
      }) : () -> ()
      %add3A_13 = arith.addi %mul3A_4, %scan3A_11 : i32
      "tpu.region"() ({
        %run_scoped3A_453 = tpu.sem_alloc : memref<!tpu.dma_semaphore, #tpu.memory_space<semaphore_mem>>
        %dma_start3A_454 = arith.constant 0 : i32
        %dma_start3A_455 = arith.constant 0 : i32
        %dma_start3A_456 = tpu.memref_slice %arg4[%add3A_13, %dma_start3A_454, %dma_start3A_455] : memref<736x17x128xi32, #tpu.memory_space<hbm>> -> memref<1x17x128xi32, #tpu.memory_space<hbm>>
        %dma_start3A_457 = tpu.memref_squeeze %dma_start3A_456 : memref<1x17x128xi32, #tpu.memory_space<hbm>> -> memref<17x128xi32, #tpu.memory_space<hbm>>
        %dma_start3A_458 = arith.constant 0 : i32
        %dma_start3A_459 = arith.constant 0 : i32
        %dma_start3A_460 = tpu.memref_slice %arg4[%add3A_13, %dma_start3A_458, %dma_start3A_459] : memref<736x17x128xi32, #tpu.memory_space<hbm>> -> memref<1x17x128xi32, #tpu.memory_space<hbm>>
        %dma_start3A_461 = tpu.memref_squeeze %dma_start3A_460 : memref<1x17x128xi32, #tpu.memory_space<hbm>> -> memref<17x128xi32, #tpu.memory_space<hbm>>
        tpu.enqueue_dma source(%dma_start3A_461 : memref<17x128xi32, #tpu.memory_space<hbm>>) target(%arg9 : memref<17x128xi32, #tpu.memory_space<vmem>>) target_semaphore(%run_scoped3A_453 : memref<!tpu.dma_semaphore, #tpu.memory_space<semaphore_mem>>)
        %dma_wait3A_462 = arith.constant 0 : i32
        %dma_wait3A_463 = arith.constant 0 : i32
        %dma_wait3A_464 = tpu.memref_slice %arg4[%add3A_13, %dma_wait3A_462, %dma_wait3A_463] : memref<736x17x128xi32, #tpu.memory_space<hbm>> -> memref<1x17x128xi32, #tpu.memory_space<hbm>>
        %dma_wait3A_465 = tpu.memref_squeeze %dma_wait3A_464 : memref<1x17x128xi32, #tpu.memory_space<hbm>> -> memref<17x128xi32, #tpu.memory_space<hbm>>
        %dma_wait3A_466 = arith.constant 0 : i32
        %dma_wait3A_467 = arith.constant 0 : i32
        %dma_wait3A_468 = tpu.memref_slice %arg4[%add3A_13, %dma_wait3A_466, %dma_wait3A_467] : memref<736x17x128xi32, #tpu.memory_space<hbm>> -> memref<1x17x128xi32, #tpu.memory_space<hbm>>
        %dma_wait3A_469 = tpu.memref_squeeze %dma_wait3A_468 : memref<1x17x128xi32, #tpu.memory_space<hbm>> -> memref<17x128xi32, #tpu.memory_space<hbm>>
        tpu.wait_dma2 semaphore(%run_scoped3A_453 : memref<!tpu.dma_semaphore, #tpu.memory_space<semaphore_mem>>) src(%dma_wait3A_469 : memref<17x128xi32, #tpu.memory_space<hbm>>) dst(%arg9 : memref<17x128xi32, #tpu.memory_space<vmem>>)
        tpu.yield
      }) : () -> ()
      %dma_start3A = arith.constant 0 : i32
      %dma_start3A_14 = arith.constant 0 : i32
      %dma_start3A_15 = arith.constant 0 : i32
      %dma_start3A_16 = arith.constant 0 : i32
      %dma_start3A_17 = tpu.memref_slice %arg10[%dma_start3A_14, %dma_start3A_15, %dma_start3A_16] : memref<17x128x4xf32, #tpu.memory_space<vmem>> -> memref<1x128x4xf32, #tpu.memory_space<vmem>>
      %dma_start3A_18 = tpu.memref_squeeze %dma_start3A_17 : memref<1x128x4xf32, #tpu.memory_space<vmem>> -> memref<128x4xf32, #tpu.memory_space<vmem>>
      %dma_start3A_19 = arith.constant 0 : i32
      %dma_start3A_20 = tpu.memref_slice %arg8[%dma_start3A, %dma_start3A_19] : memref<17x128xi32, #tpu.memory_space<vmem>> -> memref<1x128xi32, #tpu.memory_space<vmem>>
      %dma_start3A_21 = tpu.memref_squeeze %dma_start3A_20 : memref<1x128xi32, #tpu.memory_space<vmem>> -> memref<128xi32, #tpu.memory_space<vmem>>
      %dma_start3A_22 = arith.constant 0 : i32
      %dma_start3A_23 = arith.constant 0 : i32
      %dma_start3A_24 = tpu.memref_slice %arg2[%dma_start3A_22, %dma_start3A_23] : memref<100000x4xf32, #tpu.memory_space<hbm>> -> memref<100000x4xf32, #tpu.memory_space<hbm>>
      tpu.enqueue_indirect_dma source(%dma_start3A_24 : memref<100000x4xf32, #tpu.memory_space<hbm>>) target(%dma_start3A_18 : memref<128x4xf32, #tpu.memory_space<vmem>>) offsets(%dma_start3A_21 : memref<128xi32, #tpu.memory_space<vmem>>) semaphore(%arg11 : memref<!tpu.dma_semaphore, #tpu.memory_space<semaphore_mem>>)
      %dma_start3A_25 = arith.constant 1 : i32
      %dma_start3A_26 = arith.constant 1 : i32
      %dma_start3A_27 = arith.constant 0 : i32
      %dma_start3A_28 = arith.constant 0 : i32
      %dma_start3A_29 = tpu.memref_slice %arg10[%dma_start3A_26, %dma_start3A_27, %dma_start3A_28] : memref<17x128x4xf32, #tpu.memory_space<vmem>> -> memref<1x128x4xf32, #tpu.memory_space<vmem>>
      %dma_start3A_30 = tpu.memref_squeeze %dma_start3A_29 : memref<1x128x4xf32, #tpu.memory_space<vmem>> -> memref<128x4xf32, #tpu.memory_space<vmem>>
      %dma_start3A_31 = arith.constant 0 : i32
      %dma_start3A_32 = tpu.memref_slice %arg8[%dma_start3A_25, %dma_start3A_31] : memref<17x128xi32, #tpu.memory_space<vmem>> -> memref<1x128xi32, #tpu.memory_space<vmem>>
      %dma_start3A_33 = tpu.memref_squeeze %dma_start3A_32 : memref<1x128xi32, #tpu.memory_space<vmem>> -> memref<128xi32, #tpu.memory_space<vmem>>
      %dma_start3A_34 = arith.constant 0 : i32
      %dma_start3A_35 = arith.constant 0 : i32
      %dma_start3A_36 = tpu.memref_slice %arg2[%dma_start3A_34, %dma_start3A_35] : memref<100000x4xf32, #tpu.memory_space<hbm>> -> memref<100000x4xf32, #tpu.memory_space<hbm>>
      tpu.enqueue_indirect_dma source(%dma_start3A_36 : memref<100000x4xf32, #tpu.memory_space<hbm>>) target(%dma_start3A_30 : memref<128x4xf32, #tpu.memory_space<vmem>>) offsets(%dma_start3A_33 : memref<128xi32, #tpu.memory_space<vmem>>) semaphore(%arg11 : memref<!tpu.dma_semaphore, #tpu.memory_space<semaphore_mem>>)
      %dma_start3A_37 = arith.constant 2 : i32
      %dma_start3A_38 = arith.constant 2 : i32
      %dma_start3A_39 = arith.constant 0 : i32
      %dma_start3A_40 = arith.constant 0 : i32
      %dma_start3A_41 = tpu.memref_slice %arg10[%dma_start3A_38, %dma_start3A_39, %dma_start3A_40] : memref<17x128x4xf32, #tpu.memory_space<vmem>> -> memref<1x128x4xf32, #tpu.memory_space<vmem>>
      %dma_start3A_42 = tpu.memref_squeeze %dma_start3A_41 : memref<1x128x4xf32, #tpu.memory_space<vmem>> -> memref<128x4xf32, #tpu.memory_space<vmem>>
      %dma_start3A_43 = arith.constant 0 : i32
      %dma_start3A_44 = tpu.memref_slice %arg8[%dma_start3A_37, %dma_start3A_43] : memref<17x128xi32, #tpu.memory_space<vmem>> -> memref<1x128xi32, #tpu.memory_space<vmem>>
      %dma_start3A_45 = tpu.memref_squeeze %dma_start3A_44 : memref<1x128xi32, #tpu.memory_space<vmem>> -> memref<128xi32, #tpu.memory_space<vmem>>
      %dma_start3A_46 = arith.constant 0 : i32
      %dma_start3A_47 = arith.constant 0 : i32
      %dma_start3A_48 = tpu.memref_slice %arg2[%dma_start3A_46, %dma_start3A_47] : memref<100000x4xf32, #tpu.memory_space<hbm>> -> memref<100000x4xf32, #tpu.memory_space<hbm>>
      tpu.enqueue_indirect_dma source(%dma_start3A_48 : memref<100000x4xf32, #tpu.memory_space<hbm>>) target(%dma_start3A_42 : memref<128x4xf32, #tpu.memory_space<vmem>>) offsets(%dma_start3A_45 : memref<128xi32, #tpu.memory_space<vmem>>) semaphore(%arg11 : memref<!tpu.dma_semaphore, #tpu.memory_space<semaphore_mem>>)
      %dma_start3A_49 = arith.constant 3 : i32
      %dma_start3A_50 = arith.constant 3 : i32
      %dma_start3A_51 = arith.constant 0 : i32
      %dma_start3A_52 = arith.constant 0 : i32
      %dma_start3A_53 = tpu.memref_slice %arg10[%dma_start3A_50, %dma_start3A_51, %dma_start3A_52] : memref<17x128x4xf32, #tpu.memory_space<vmem>> -> memref<1x128x4xf32, #tpu.memory_space<vmem>>
      %dma_start3A_54 = tpu.memref_squeeze %dma_start3A_53 : memref<1x128x4xf32, #tpu.memory_space<vmem>> -> memref<128x4xf32, #tpu.memory_space<vmem>>
      %dma_start3A_55 = arith.constant 0 : i32
      %dma_start3A_56 = tpu.memref_slice %arg8[%dma_start3A_49, %dma_start3A_55] : memref<17x128xi32, #tpu.memory_space<vmem>> -> memref<1x128xi32, #tpu.memory_space<vmem>>
      %dma_start3A_57 = tpu.memref_squeeze %dma_start3A_56 : memref<1x128xi32, #tpu.memory_space<vmem>> -> memref<128xi32, #tpu.memory_space<vmem>>
      %dma_start3A_58 = arith.constant 0 : i32
      %dma_start3A_59 = arith.constant 0 : i32
      %dma_start3A_60 = tpu.memref_slice %arg2[%dma_start3A_58, %dma_start3A_59] : memref<100000x4xf32, #tpu.memory_space<hbm>> -> memref<100000x4xf32, #tpu.memory_space<hbm>>
      tpu.enqueue_indirect_dma source(%dma_start3A_60 : memref<100000x4xf32, #tpu.memory_space<hbm>>) target(%dma_start3A_54 : memref<128x4xf32, #tpu.memory_space<vmem>>) offsets(%dma_start3A_57 : memref<128xi32, #tpu.memory_space<vmem>>) semaphore(%arg11 : memref<!tpu.dma_semaphore, #tpu.memory_space<semaphore_mem>>)
      %dma_start3A_61 = arith.constant 4 : i32
      %dma_start3A_62 = arith.constant 4 : i32
      %dma_start3A_63 = arith.constant 0 : i32
      %dma_start3A_64 = arith.constant 0 : i32
      %dma_start3A_65 = tpu.memref_slice %arg10[%dma_start3A_62, %dma_start3A_63, %dma_start3A_64] : memref<17x128x4xf32, #tpu.memory_space<vmem>> -> memref<1x128x4xf32, #tpu.memory_space<vmem>>
      %dma_start3A_66 = tpu.memref_squeeze %dma_start3A_65 : memref<1x128x4xf32, #tpu.memory_space<vmem>> -> memref<128x4xf32, #tpu.memory_space<vmem>>
      %dma_start3A_67 = arith.constant 0 : i32
      %dma_start3A_68 = tpu.memref_slice %arg8[%dma_start3A_61, %dma_start3A_67] : memref<17x128xi32, #tpu.memory_space<vmem>> -> memref<1x128xi32, #tpu.memory_space<vmem>>
      %dma_start3A_69 = tpu.memref_squeeze %dma_start3A_68 : memref<1x128xi32, #tpu.memory_space<vmem>> -> memref<128xi32, #tpu.memory_space<vmem>>
      %dma_start3A_70 = arith.constant 0 : i32
      %dma_start3A_71 = arith.constant 0 : i32
      %dma_start3A_72 = tpu.memref_slice %arg2[%dma_start3A_70, %dma_start3A_71] : memref<100000x4xf32, #tpu.memory_space<hbm>> -> memref<100000x4xf32, #tpu.memory_space<hbm>>
      tpu.enqueue_indirect_dma source(%dma_start3A_72 : memref<100000x4xf32, #tpu.memory_space<hbm>>) target(%dma_start3A_66 : memref<128x4xf32, #tpu.memory_space<vmem>>) offsets(%dma_start3A_69 : memref<128xi32, #tpu.memory_space<vmem>>) semaphore(%arg11 : memref<!tpu.dma_semaphore, #tpu.memory_space<semaphore_mem>>)
      %dma_start3A_73 = arith.constant 5 : i32
      %dma_start3A_74 = arith.constant 5 : i32
      %dma_start3A_75 = arith.constant 0 : i32
      %dma_start3A_76 = arith.constant 0 : i32
      %dma_start3A_77 = tpu.memref_slice %arg10[%dma_start3A_74, %dma_start3A_75, %dma_start3A_76] : memref<17x128x4xf32, #tpu.memory_space<vmem>> -> memref<1x128x4xf32, #tpu.memory_space<vmem>>
      %dma_start3A_78 = tpu.memref_squeeze %dma_start3A_77 : memref<1x128x4xf32, #tpu.memory_space<vmem>> -> memref<128x4xf32, #tpu.memory_space<vmem>>
      %dma_start3A_79 = arith.constant 0 : i32
      %dma_start3A_80 = tpu.memref_slice %arg8[%dma_start3A_73, %dma_start3A_79] : memref<17x128xi32, #tpu.memory_space<vmem>> -> memref<1x128xi32, #tpu.memory_space<vmem>>
      %dma_start3A_81 = tpu.memref_squeeze %dma_start3A_80 : memref<1x128xi32, #tpu.memory_space<vmem>> -> memref<128xi32, #tpu.memory_space<vmem>>
      %dma_start3A_82 = arith.constant 0 : i32
      %dma_start3A_83 = arith.constant 0 : i32
      %dma_start3A_84 = tpu.memref_slice %arg2[%dma_start3A_82, %dma_start3A_83] : memref<100000x4xf32, #tpu.memory_space<hbm>> -> memref<100000x4xf32, #tpu.memory_space<hbm>>
      tpu.enqueue_indirect_dma source(%dma_start3A_84 : memref<100000x4xf32, #tpu.memory_space<hbm>>) target(%dma_start3A_78 : memref<128x4xf32, #tpu.memory_space<vmem>>) offsets(%dma_start3A_81 : memref<128xi32, #tpu.memory_space<vmem>>) semaphore(%arg11 : memref<!tpu.dma_semaphore, #tpu.memory_space<semaphore_mem>>)
      %dma_start3A_85 = arith.constant 6 : i32
      %dma_start3A_86 = arith.constant 6 : i32
      %dma_start3A_87 = arith.constant 0 : i32
      %dma_start3A_88 = arith.constant 0 : i32
      %dma_start3A_89 = tpu.memref_slice %arg10[%dma_start3A_86, %dma_start3A_87, %dma_start3A_88] : memref<17x128x4xf32, #tpu.memory_space<vmem>> -> memref<1x128x4xf32, #tpu.memory_space<vmem>>
      %dma_start3A_90 = tpu.memref_squeeze %dma_start3A_89 : memref<1x128x4xf32, #tpu.memory_space<vmem>> -> memref<128x4xf32, #tpu.memory_space<vmem>>
      %dma_start3A_91 = arith.constant 0 : i32
      %dma_start3A_92 = tpu.memref_slice %arg8[%dma_start3A_85, %dma_start3A_91] : memref<17x128xi32, #tpu.memory_space<vmem>> -> memref<1x128xi32, #tpu.memory_space<vmem>>
      %dma_start3A_93 = tpu.memref_squeeze %dma_start3A_92 : memref<1x128xi32, #tpu.memory_space<vmem>> -> memref<128xi32, #tpu.memory_space<vmem>>
      %dma_start3A_94 = arith.constant 0 : i32
      %dma_start3A_95 = arith.constant 0 : i32
      %dma_start3A_96 = tpu.memref_slice %arg2[%dma_start3A_94, %dma_start3A_95] : memref<100000x4xf32, #tpu.memory_space<hbm>> -> memref<100000x4xf32, #tpu.memory_space<hbm>>
      tpu.enqueue_indirect_dma source(%dma_start3A_96 : memref<100000x4xf32, #tpu.memory_space<hbm>>) target(%dma_start3A_90 : memref<128x4xf32, #tpu.memory_space<vmem>>) offsets(%dma_start3A_93 : memref<128xi32, #tpu.memory_space<vmem>>) semaphore(%arg11 : memref<!tpu.dma_semaphore, #tpu.memory_space<semaphore_mem>>)
      %dma_start3A_97 = arith.constant 7 : i32
      %dma_start3A_98 = arith.constant 7 : i32
      %dma_start3A_99 = arith.constant 0 : i32
      %dma_start3A_100 = arith.constant 0 : i32
      %dma_start3A_101 = tpu.memref_slice %arg10[%dma_start3A_98, %dma_start3A_99, %dma_start3A_100] : memref<17x128x4xf32, #tpu.memory_space<vmem>> -> memref<1x128x4xf32, #tpu.memory_space<vmem>>
      %dma_start3A_102 = tpu.memref_squeeze %dma_start3A_101 : memref<1x128x4xf32, #tpu.memory_space<vmem>> -> memref<128x4xf32, #tpu.memory_space<vmem>>
      %dma_start3A_103 = arith.constant 0 : i32
      %dma_start3A_104 = tpu.memref_slice %arg8[%dma_start3A_97, %dma_start3A_103] : memref<17x128xi32, #tpu.memory_space<vmem>> -> memref<1x128xi32, #tpu.memory_space<vmem>>
      %dma_start3A_105 = tpu.memref_squeeze %dma_start3A_104 : memref<1x128xi32, #tpu.memory_space<vmem>> -> memref<128xi32, #tpu.memory_space<vmem>>
      %dma_start3A_106 = arith.constant 0 : i32
      %dma_start3A_107 = arith.constant 0 : i32
      %dma_start3A_108 = tpu.memref_slice %arg2[%dma_start3A_106, %dma_start3A_107] : memref<100000x4xf32, #tpu.memory_space<hbm>> -> memref<100000x4xf32, #tpu.memory_space<hbm>>
      tpu.enqueue_indirect_dma source(%dma_start3A_108 : memref<100000x4xf32, #tpu.memory_space<hbm>>) target(%dma_start3A_102 : memref<128x4xf32, #tpu.memory_space<vmem>>) offsets(%dma_start3A_105 : memref<128xi32, #tpu.memory_space<vmem>>) semaphore(%arg11 : memref<!tpu.dma_semaphore, #tpu.memory_space<semaphore_mem>>)
      %dma_start3A_109 = arith.constant 8 : i32
      %dma_start3A_110 = arith.constant 8 : i32
      %dma_start3A_111 = arith.constant 0 : i32
      %dma_start3A_112 = arith.constant 0 : i32
      %dma_start3A_113 = tpu.memref_slice %arg10[%dma_start3A_110, %dma_start3A_111, %dma_start3A_112] : memref<17x128x4xf32, #tpu.memory_space<vmem>> -> memref<1x128x4xf32, #tpu.memory_space<vmem>>
      %dma_start3A_114 = tpu.memref_squeeze %dma_start3A_113 : memref<1x128x4xf32, #tpu.memory_space<vmem>> -> memref<128x4xf32, #tpu.memory_space<vmem>>
      %dma_start3A_115 = arith.constant 0 : i32
      %dma_start3A_116 = tpu.memref_slice %arg8[%dma_start3A_109, %dma_start3A_115] : memref<17x128xi32, #tpu.memory_space<vmem>> -> memref<1x128xi32, #tpu.memory_space<vmem>>
      %dma_start3A_117 = tpu.memref_squeeze %dma_start3A_116 : memref<1x128xi32, #tpu.memory_space<vmem>> -> memref<128xi32, #tpu.memory_space<vmem>>
      %dma_start3A_118 = arith.constant 0 : i32
      %dma_start3A_119 = arith.constant 0 : i32
      %dma_start3A_120 = tpu.memref_slice %arg2[%dma_start3A_118, %dma_start3A_119] : memref<100000x4xf32, #tpu.memory_space<hbm>> -> memref<100000x4xf32, #tpu.memory_space<hbm>>
      tpu.enqueue_indirect_dma source(%dma_start3A_120 : memref<100000x4xf32, #tpu.memory_space<hbm>>) target(%dma_start3A_114 : memref<128x4xf32, #tpu.memory_space<vmem>>) offsets(%dma_start3A_117 : memref<128xi32, #tpu.memory_space<vmem>>) semaphore(%arg11 : memref<!tpu.dma_semaphore, #tpu.memory_space<semaphore_mem>>)
      %dma_start3A_121 = arith.constant 9 : i32
      %dma_start3A_122 = arith.constant 9 : i32
      %dma_start3A_123 = arith.constant 0 : i32
      %dma_start3A_124 = arith.constant 0 : i32
      %dma_start3A_125 = tpu.memref_slice %arg10[%dma_start3A_122, %dma_start3A_123, %dma_start3A_124] : memref<17x128x4xf32, #tpu.memory_space<vmem>> -> memref<1x128x4xf32, #tpu.memory_space<vmem>>
      %dma_start3A_126 = tpu.memref_squeeze %dma_start3A_125 : memref<1x128x4xf32, #tpu.memory_space<vmem>> -> memref<128x4xf32, #tpu.memory_space<vmem>>
      %dma_start3A_127 = arith.constant 0 : i32
      %dma_start3A_128 = tpu.memref_slice %arg8[%dma_start3A_121, %dma_start3A_127] : memref<17x128xi32, #tpu.memory_space<vmem>> -> memref<1x128xi32, #tpu.memory_space<vmem>>
      %dma_start3A_129 = tpu.memref_squeeze %dma_start3A_128 : memref<1x128xi32, #tpu.memory_space<vmem>> -> memref<128xi32, #tpu.memory_space<vmem>>
      %dma_start3A_130 = arith.constant 0 : i32
      %dma_start3A_131 = arith.constant 0 : i32
      %dma_start3A_132 = tpu.memref_slice %arg2[%dma_start3A_130, %dma_start3A_131] : memref<100000x4xf32, #tpu.memory_space<hbm>> -> memref<100000x4xf32, #tpu.memory_space<hbm>>
      tpu.enqueue_indirect_dma source(%dma_start3A_132 : memref<100000x4xf32, #tpu.memory_space<hbm>>) target(%dma_start3A_126 : memref<128x4xf32, #tpu.memory_space<vmem>>) offsets(%dma_start3A_129 : memref<128xi32, #tpu.memory_space<vmem>>) semaphore(%arg11 : memref<!tpu.dma_semaphore, #tpu.memory_space<semaphore_mem>>)
      %dma_start3A_133 = arith.constant 10 : i32
      %dma_start3A_134 = arith.constant 10 : i32
      %dma_start3A_135 = arith.constant 0 : i32
      %dma_start3A_136 = arith.constant 0 : i32
      %dma_start3A_137 = tpu.memref_slice %arg10[%dma_start3A_134, %dma_start3A_135, %dma_start3A_136] : memref<17x128x4xf32, #tpu.memory_space<vmem>> -> memref<1x128x4xf32, #tpu.memory_space<vmem>>
      %dma_start3A_138 = tpu.memref_squeeze %dma_start3A_137 : memref<1x128x4xf32, #tpu.memory_space<vmem>> -> memref<128x4xf32, #tpu.memory_space<vmem>>
      %dma_start3A_139 = arith.constant 0 : i32
      %dma_start3A_140 = tpu.memref_slice %arg8[%dma_start3A_133, %dma_start3A_139] : memref<17x128xi32, #tpu.memory_space<vmem>> -> memref<1x128xi32, #tpu.memory_space<vmem>>
      %dma_start3A_141 = tpu.memref_squeeze %dma_start3A_140 : memref<1x128xi32, #tpu.memory_space<vmem>> -> memref<128xi32, #tpu.memory_space<vmem>>
      %dma_start3A_142 = arith.constant 0 : i32
      %dma_start3A_143 = arith.constant 0 : i32
      %dma_start3A_144 = tpu.memref_slice %arg2[%dma_start3A_142, %dma_start3A_143] : memref<100000x4xf32, #tpu.memory_space<hbm>> -> memref<100000x4xf32, #tpu.memory_space<hbm>>
      tpu.enqueue_indirect_dma source(%dma_start3A_144 : memref<100000x4xf32, #tpu.memory_space<hbm>>) target(%dma_start3A_138 : memref<128x4xf32, #tpu.memory_space<vmem>>) offsets(%dma_start3A_141 : memref<128xi32, #tpu.memory_space<vmem>>) semaphore(%arg11 : memref<!tpu.dma_semaphore, #tpu.memory_space<semaphore_mem>>)
      %dma_start3A_145 = arith.constant 11 : i32
      %dma_start3A_146 = arith.constant 11 : i32
      %dma_start3A_147 = arith.constant 0 : i32
      %dma_start3A_148 = arith.constant 0 : i32
      %dma_start3A_149 = tpu.memref_slice %arg10[%dma_start3A_146, %dma_start3A_147, %dma_start3A_148] : memref<17x128x4xf32, #tpu.memory_space<vmem>> -> memref<1x128x4xf32, #tpu.memory_space<vmem>>
      %dma_start3A_150 = tpu.memref_squeeze %dma_start3A_149 : memref<1x128x4xf32, #tpu.memory_space<vmem>> -> memref<128x4xf32, #tpu.memory_space<vmem>>
      %dma_start3A_151 = arith.constant 0 : i32
      %dma_start3A_152 = tpu.memref_slice %arg8[%dma_start3A_145, %dma_start3A_151] : memref<17x128xi32, #tpu.memory_space<vmem>> -> memref<1x128xi32, #tpu.memory_space<vmem>>
      %dma_start3A_153 = tpu.memref_squeeze %dma_start3A_152 : memref<1x128xi32, #tpu.memory_space<vmem>> -> memref<128xi32, #tpu.memory_space<vmem>>
      %dma_start3A_154 = arith.constant 0 : i32
      %dma_start3A_155 = arith.constant 0 : i32
      %dma_start3A_156 = tpu.memref_slice %arg2[%dma_start3A_154, %dma_start3A_155] : memref<100000x4xf32, #tpu.memory_space<hbm>> -> memref<100000x4xf32, #tpu.memory_space<hbm>>
      tpu.enqueue_indirect_dma source(%dma_start3A_156 : memref<100000x4xf32, #tpu.memory_space<hbm>>) target(%dma_start3A_150 : memref<128x4xf32, #tpu.memory_space<vmem>>) offsets(%dma_start3A_153 : memref<128xi32, #tpu.memory_space<vmem>>) semaphore(%arg11 : memref<!tpu.dma_semaphore, #tpu.memory_space<semaphore_mem>>)
      %dma_start3A_157 = arith.constant 12 : i32
      %dma_start3A_158 = arith.constant 12 : i32
      %dma_start3A_159 = arith.constant 0 : i32
      %dma_start3A_160 = arith.constant 0 : i32
      %dma_start3A_161 = tpu.memref_slice %arg10[%dma_start3A_158, %dma_start3A_159, %dma_start3A_160] : memref<17x128x4xf32, #tpu.memory_space<vmem>> -> memref<1x128x4xf32, #tpu.memory_space<vmem>>
      %dma_start3A_162 = tpu.memref_squeeze %dma_start3A_161 : memref<1x128x4xf32, #tpu.memory_space<vmem>> -> memref<128x4xf32, #tpu.memory_space<vmem>>
      %dma_start3A_163 = arith.constant 0 : i32
      %dma_start3A_164 = tpu.memref_slice %arg8[%dma_start3A_157, %dma_start3A_163] : memref<17x128xi32, #tpu.memory_space<vmem>> -> memref<1x128xi32, #tpu.memory_space<vmem>>
      %dma_start3A_165 = tpu.memref_squeeze %dma_start3A_164 : memref<1x128xi32, #tpu.memory_space<vmem>> -> memref<128xi32, #tpu.memory_space<vmem>>
      %dma_start3A_166 = arith.constant 0 : i32
      %dma_start3A_167 = arith.constant 0 : i32
      %dma_start3A_168 = tpu.memref_slice %arg2[%dma_start3A_166, %dma_start3A_167] : memref<100000x4xf32, #tpu.memory_space<hbm>> -> memref<100000x4xf32, #tpu.memory_space<hbm>>
      tpu.enqueue_indirect_dma source(%dma_start3A_168 : memref<100000x4xf32, #tpu.memory_space<hbm>>) target(%dma_start3A_162 : memref<128x4xf32, #tpu.memory_space<vmem>>) offsets(%dma_start3A_165 : memref<128xi32, #tpu.memory_space<vmem>>) semaphore(%arg11 : memref<!tpu.dma_semaphore, #tpu.memory_space<semaphore_mem>>)
      %dma_start3A_169 = arith.constant 13 : i32
      %dma_start3A_170 = arith.constant 13 : i32
      %dma_start3A_171 = arith.constant 0 : i32
      %dma_start3A_172 = arith.constant 0 : i32
      %dma_start3A_173 = tpu.memref_slice %arg10[%dma_start3A_170, %dma_start3A_171, %dma_start3A_172] : memref<17x128x4xf32, #tpu.memory_space<vmem>> -> memref<1x128x4xf32, #tpu.memory_space<vmem>>
      %dma_start3A_174 = tpu.memref_squeeze %dma_start3A_173 : memref<1x128x4xf32, #tpu.memory_space<vmem>> -> memref<128x4xf32, #tpu.memory_space<vmem>>
      %dma_start3A_175 = arith.constant 0 : i32
      %dma_start3A_176 = tpu.memref_slice %arg8[%dma_start3A_169, %dma_start3A_175] : memref<17x128xi32, #tpu.memory_space<vmem>> -> memref<1x128xi32, #tpu.memory_space<vmem>>
      %dma_start3A_177 = tpu.memref_squeeze %dma_start3A_176 : memref<1x128xi32, #tpu.memory_space<vmem>> -> memref<128xi32, #tpu.memory_space<vmem>>
      %dma_start3A_178 = arith.constant 0 : i32
      %dma_start3A_179 = arith.constant 0 : i32
      %dma_start3A_180 = tpu.memref_slice %arg2[%dma_start3A_178, %dma_start3A_179] : memref<100000x4xf32, #tpu.memory_space<hbm>> -> memref<100000x4xf32, #tpu.memory_space<hbm>>
      tpu.enqueue_indirect_dma source(%dma_start3A_180 : memref<100000x4xf32, #tpu.memory_space<hbm>>) target(%dma_start3A_174 : memref<128x4xf32, #tpu.memory_space<vmem>>) offsets(%dma_start3A_177 : memref<128xi32, #tpu.memory_space<vmem>>) semaphore(%arg11 : memref<!tpu.dma_semaphore, #tpu.memory_space<semaphore_mem>>)
      %dma_start3A_181 = arith.constant 14 : i32
      %dma_start3A_182 = arith.constant 14 : i32
      %dma_start3A_183 = arith.constant 0 : i32
      %dma_start3A_184 = arith.constant 0 : i32
      %dma_start3A_185 = tpu.memref_slice %arg10[%dma_start3A_182, %dma_start3A_183, %dma_start3A_184] : memref<17x128x4xf32, #tpu.memory_space<vmem>> -> memref<1x128x4xf32, #tpu.memory_space<vmem>>
      %dma_start3A_186 = tpu.memref_squeeze %dma_start3A_185 : memref<1x128x4xf32, #tpu.memory_space<vmem>> -> memref<128x4xf32, #tpu.memory_space<vmem>>
      %dma_start3A_187 = arith.constant 0 : i32
      %dma_start3A_188 = tpu.memref_slice %arg8[%dma_start3A_181, %dma_start3A_187] : memref<17x128xi32, #tpu.memory_space<vmem>> -> memref<1x128xi32, #tpu.memory_space<vmem>>
      %dma_start3A_189 = tpu.memref_squeeze %dma_start3A_188 : memref<1x128xi32, #tpu.memory_space<vmem>> -> memref<128xi32, #tpu.memory_space<vmem>>
      %dma_start3A_190 = arith.constant 0 : i32
      %dma_start3A_191 = arith.constant 0 : i32
      %dma_start3A_192 = tpu.memref_slice %arg2[%dma_start3A_190, %dma_start3A_191] : memref<100000x4xf32, #tpu.memory_space<hbm>> -> memref<100000x4xf32, #tpu.memory_space<hbm>>
      tpu.enqueue_indirect_dma source(%dma_start3A_192 : memref<100000x4xf32, #tpu.memory_space<hbm>>) target(%dma_start3A_186 : memref<128x4xf32, #tpu.memory_space<vmem>>) offsets(%dma_start3A_189 : memref<128xi32, #tpu.memory_space<vmem>>) semaphore(%arg11 : memref<!tpu.dma_semaphore, #tpu.memory_space<semaphore_mem>>)
      %dma_start3A_193 = arith.constant 15 : i32
      %dma_start3A_194 = arith.constant 15 : i32
      %dma_start3A_195 = arith.constant 0 : i32
      %dma_start3A_196 = arith.constant 0 : i32
      %dma_start3A_197 = tpu.memref_slice %arg10[%dma_start3A_194, %dma_start3A_195, %dma_start3A_196] : memref<17x128x4xf32, #tpu.memory_space<vmem>> -> memref<1x128x4xf32, #tpu.memory_space<vmem>>
      %dma_start3A_198 = tpu.memref_squeeze %dma_start3A_197 : memref<1x128x4xf32, #tpu.memory_space<vmem>> -> memref<128x4xf32, #tpu.memory_space<vmem>>
      %dma_start3A_199 = arith.constant 0 : i32
      %dma_start3A_200 = tpu.memref_slice %arg8[%dma_start3A_193, %dma_start3A_199] : memref<17x128xi32, #tpu.memory_space<vmem>> -> memref<1x128xi32, #tpu.memory_space<vmem>>
      %dma_start3A_201 = tpu.memref_squeeze %dma_start3A_200 : memref<1x128xi32, #tpu.memory_space<vmem>> -> memref<128xi32, #tpu.memory_space<vmem>>
      %dma_start3A_202 = arith.constant 0 : i32
      %dma_start3A_203 = arith.constant 0 : i32
      %dma_start3A_204 = tpu.memref_slice %arg2[%dma_start3A_202, %dma_start3A_203] : memref<100000x4xf32, #tpu.memory_space<hbm>> -> memref<100000x4xf32, #tpu.memory_space<hbm>>
      tpu.enqueue_indirect_dma source(%dma_start3A_204 : memref<100000x4xf32, #tpu.memory_space<hbm>>) target(%dma_start3A_198 : memref<128x4xf32, #tpu.memory_space<vmem>>) offsets(%dma_start3A_201 : memref<128xi32, #tpu.memory_space<vmem>>) semaphore(%arg11 : memref<!tpu.dma_semaphore, #tpu.memory_space<semaphore_mem>>)
      %dma_start3A_205 = arith.constant 16 : i32
      %dma_start3A_206 = arith.constant 16 : i32
      %dma_start3A_207 = arith.constant 0 : i32
      %dma_start3A_208 = arith.constant 0 : i32
      %dma_start3A_209 = tpu.memref_slice %arg10[%dma_start3A_206, %dma_start3A_207, %dma_start3A_208] : memref<17x128x4xf32, #tpu.memory_space<vmem>> -> memref<1x128x4xf32, #tpu.memory_space<vmem>>
      %dma_start3A_210 = tpu.memref_squeeze %dma_start3A_209 : memref<1x128x4xf32, #tpu.memory_space<vmem>> -> memref<128x4xf32, #tpu.memory_space<vmem>>
      %dma_start3A_211 = arith.constant 0 : i32
      %dma_start3A_212 = tpu.memref_slice %arg8[%dma_start3A_205, %dma_start3A_211] : memref<17x128xi32, #tpu.memory_space<vmem>> -> memref<1x128xi32, #tpu.memory_space<vmem>>
      %dma_start3A_213 = tpu.memref_squeeze %dma_start3A_212 : memref<1x128xi32, #tpu.memory_space<vmem>> -> memref<128xi32, #tpu.memory_space<vmem>>
      %dma_start3A_214 = arith.constant 0 : i32
      %dma_start3A_215 = arith.constant 0 : i32
      %dma_start3A_216 = tpu.memref_slice %arg2[%dma_start3A_214, %dma_start3A_215] : memref<100000x4xf32, #tpu.memory_space<hbm>> -> memref<100000x4xf32, #tpu.memory_space<hbm>>
      tpu.enqueue_indirect_dma source(%dma_start3A_216 : memref<100000x4xf32, #tpu.memory_space<hbm>>) target(%dma_start3A_210 : memref<128x4xf32, #tpu.memory_space<vmem>>) offsets(%dma_start3A_213 : memref<128xi32, #tpu.memory_space<vmem>>) semaphore(%arg11 : memref<!tpu.dma_semaphore, #tpu.memory_space<semaphore_mem>>)
      %dma_wait3A = arith.constant 0 : i32
      %dma_wait3A_217 = arith.constant 0 : i32
      %dma_wait3A_218 = arith.constant 0 : i32
      %dma_wait3A_219 = arith.constant 0 : i32
      %dma_wait3A_220 = tpu.memref_slice %arg10[%dma_wait3A_217, %dma_wait3A_218, %dma_wait3A_219] : memref<17x128x4xf32, #tpu.memory_space<vmem>> -> memref<1x128x4xf32, #tpu.memory_space<vmem>>
      %dma_wait3A_221 = tpu.memref_squeeze %dma_wait3A_220 : memref<1x128x4xf32, #tpu.memory_space<vmem>> -> memref<128x4xf32, #tpu.memory_space<vmem>>
      %dma_wait3A_222 = arith.constant 0 : i32
      %dma_wait3A_223 = tpu.memref_slice %arg8[%dma_wait3A, %dma_wait3A_222] : memref<17x128xi32, #tpu.memory_space<vmem>> -> memref<1x128xi32, #tpu.memory_space<vmem>>
      %dma_wait3A_224 = tpu.memref_squeeze %dma_wait3A_223 : memref<1x128xi32, #tpu.memory_space<vmem>> -> memref<128xi32, #tpu.memory_space<vmem>>
      %dma_wait3A_225 = arith.constant 0 : i32
      %dma_wait3A_226 = arith.constant 0 : i32
      %dma_wait3A_227 = tpu.memref_slice %arg2[%dma_wait3A_225, %dma_wait3A_226] : memref<100000x4xf32, #tpu.memory_space<hbm>> -> memref<100000x4xf32, #tpu.memory_space<hbm>>
      tpu.wait_indirect_dma semaphore(%arg11 : memref<!tpu.dma_semaphore, #tpu.memory_space<semaphore_mem>>) src(%dma_wait3A_227 : memref<100000x4xf32, #tpu.memory_space<hbm>>) dst(%dma_wait3A_221 : memref<128x4xf32, #tpu.memory_space<vmem>>)
      %dma_wait3A_228 = arith.constant 1 : i32
      %dma_wait3A_229 = arith.constant 1 : i32
      %dma_wait3A_230 = arith.constant 0 : i32
      %dma_wait3A_231 = arith.constant 0 : i32
      %dma_wait3A_232 = tpu.memref_slice %arg10[%dma_wait3A_229, %dma_wait3A_230, %dma_wait3A_231] : memref<17x128x4xf32, #tpu.memory_space<vmem>> -> memref<1x128x4xf32, #tpu.memory_space<vmem>>
      %dma_wait3A_233 = tpu.memref_squeeze %dma_wait3A_232 : memref<1x128x4xf32, #tpu.memory_space<vmem>> -> memref<128x4xf32, #tpu.memory_space<vmem>>
      %dma_wait3A_234 = arith.constant 0 : i32
      %dma_wait3A_235 = tpu.memref_slice %arg8[%dma_wait3A_228, %dma_wait3A_234] : memref<17x128xi32, #tpu.memory_space<vmem>> -> memref<1x128xi32, #tpu.memory_space<vmem>>
      %dma_wait3A_236 = tpu.memref_squeeze %dma_wait3A_235 : memref<1x128xi32, #tpu.memory_space<vmem>> -> memref<128xi32, #tpu.memory_space<vmem>>
      %dma_wait3A_237 = arith.constant 0 : i32
      %dma_wait3A_238 = arith.constant 0 : i32
      %dma_wait3A_239 = tpu.memref_slice %arg2[%dma_wait3A_237, %dma_wait3A_238] : memref<100000x4xf32, #tpu.memory_space<hbm>> -> memref<100000x4xf32, #tpu.memory_space<hbm>>
      tpu.wait_indirect_dma semaphore(%arg11 : memref<!tpu.dma_semaphore, #tpu.memory_space<semaphore_mem>>) src(%dma_wait3A_239 : memref<100000x4xf32, #tpu.memory_space<hbm>>) dst(%dma_wait3A_233 : memref<128x4xf32, #tpu.memory_space<vmem>>)
      %dma_wait3A_240 = arith.constant 2 : i32
      %dma_wait3A_241 = arith.constant 2 : i32
      %dma_wait3A_242 = arith.constant 0 : i32
      %dma_wait3A_243 = arith.constant 0 : i32
      %dma_wait3A_244 = tpu.memref_slice %arg10[%dma_wait3A_241, %dma_wait3A_242, %dma_wait3A_243] : memref<17x128x4xf32, #tpu.memory_space<vmem>> -> memref<1x128x4xf32, #tpu.memory_space<vmem>>
      %dma_wait3A_245 = tpu.memref_squeeze %dma_wait3A_244 : memref<1x128x4xf32, #tpu.memory_space<vmem>> -> memref<128x4xf32, #tpu.memory_space<vmem>>
      %dma_wait3A_246 = arith.constant 0 : i32
      %dma_wait3A_247 = tpu.memref_slice %arg8[%dma_wait3A_240, %dma_wait3A_246] : memref<17x128xi32, #tpu.memory_space<vmem>> -> memref<1x128xi32, #tpu.memory_space<vmem>>
      %dma_wait3A_248 = tpu.memref_squeeze %dma_wait3A_247 : memref<1x128xi32, #tpu.memory_space<vmem>> -> memref<128xi32, #tpu.memory_space<vmem>>
      %dma_wait3A_249 = arith.constant 0 : i32
      %dma_wait3A_250 = arith.constant 0 : i32
      %dma_wait3A_251 = tpu.memref_slice %arg2[%dma_wait3A_249, %dma_wait3A_250] : memref<100000x4xf32, #tpu.memory_space<hbm>> -> memref<100000x4xf32, #tpu.memory_space<hbm>>
      tpu.wait_indirect_dma semaphore(%arg11 : memref<!tpu.dma_semaphore, #tpu.memory_space<semaphore_mem>>) src(%dma_wait3A_251 : memref<100000x4xf32, #tpu.memory_space<hbm>>) dst(%dma_wait3A_245 : memref<128x4xf32, #tpu.memory_space<vmem>>)
      %dma_wait3A_252 = arith.constant 3 : i32
      %dma_wait3A_253 = arith.constant 3 : i32
      %dma_wait3A_254 = arith.constant 0 : i32
      %dma_wait3A_255 = arith.constant 0 : i32
      %dma_wait3A_256 = tpu.memref_slice %arg10[%dma_wait3A_253, %dma_wait3A_254, %dma_wait3A_255] : memref<17x128x4xf32, #tpu.memory_space<vmem>> -> memref<1x128x4xf32, #tpu.memory_space<vmem>>
      %dma_wait3A_257 = tpu.memref_squeeze %dma_wait3A_256 : memref<1x128x4xf32, #tpu.memory_space<vmem>> -> memref<128x4xf32, #tpu.memory_space<vmem>>
      %dma_wait3A_258 = arith.constant 0 : i32
      %dma_wait3A_259 = tpu.memref_slice %arg8[%dma_wait3A_252, %dma_wait3A_258] : memref<17x128xi32, #tpu.memory_space<vmem>> -> memref<1x128xi32, #tpu.memory_space<vmem>>
      %dma_wait3A_260 = tpu.memref_squeeze %dma_wait3A_259 : memref<1x128xi32, #tpu.memory_space<vmem>> -> memref<128xi32, #tpu.memory_space<vmem>>
      %dma_wait3A_261 = arith.constant 0 : i32
      %dma_wait3A_262 = arith.constant 0 : i32
      %dma_wait3A_263 = tpu.memref_slice %arg2[%dma_wait3A_261, %dma_wait3A_262] : memref<100000x4xf32, #tpu.memory_space<hbm>> -> memref<100000x4xf32, #tpu.memory_space<hbm>>
      tpu.wait_indirect_dma semaphore(%arg11 : memref<!tpu.dma_semaphore, #tpu.memory_space<semaphore_mem>>) src(%dma_wait3A_263 : memref<100000x4xf32, #tpu.memory_space<hbm>>) dst(%dma_wait3A_257 : memref<128x4xf32, #tpu.memory_space<vmem>>)
      %dma_wait3A_264 = arith.constant 4 : i32
      %dma_wait3A_265 = arith.constant 4 : i32
      %dma_wait3A_266 = arith.constant 0 : i32
      %dma_wait3A_267 = arith.constant 0 : i32
      %dma_wait3A_268 = tpu.memref_slice %arg10[%dma_wait3A_265, %dma_wait3A_266, %dma_wait3A_267] : memref<17x128x4xf32, #tpu.memory_space<vmem>> -> memref<1x128x4xf32, #tpu.memory_space<vmem>>
      %dma_wait3A_269 = tpu.memref_squeeze %dma_wait3A_268 : memref<1x128x4xf32, #tpu.memory_space<vmem>> -> memref<128x4xf32, #tpu.memory_space<vmem>>
      %dma_wait3A_270 = arith.constant 0 : i32
      %dma_wait3A_271 = tpu.memref_slice %arg8[%dma_wait3A_264, %dma_wait3A_270] : memref<17x128xi32, #tpu.memory_space<vmem>> -> memref<1x128xi32, #tpu.memory_space<vmem>>
      %dma_wait3A_272 = tpu.memref_squeeze %dma_wait3A_271 : memref<1x128xi32, #tpu.memory_space<vmem>> -> memref<128xi32, #tpu.memory_space<vmem>>
      %dma_wait3A_273 = arith.constant 0 : i32
      %dma_wait3A_274 = arith.constant 0 : i32
      %dma_wait3A_275 = tpu.memref_slice %arg2[%dma_wait3A_273, %dma_wait3A_274] : memref<100000x4xf32, #tpu.memory_space<hbm>> -> memref<100000x4xf32, #tpu.memory_space<hbm>>
      tpu.wait_indirect_dma semaphore(%arg11 : memref<!tpu.dma_semaphore, #tpu.memory_space<semaphore_mem>>) src(%dma_wait3A_275 : memref<100000x4xf32, #tpu.memory_space<hbm>>) dst(%dma_wait3A_269 : memref<128x4xf32, #tpu.memory_space<vmem>>)
      %dma_wait3A_276 = arith.constant 5 : i32
      %dma_wait3A_277 = arith.constant 5 : i32
      %dma_wait3A_278 = arith.constant 0 : i32
      %dma_wait3A_279 = arith.constant 0 : i32
      %dma_wait3A_280 = tpu.memref_slice %arg10[%dma_wait3A_277, %dma_wait3A_278, %dma_wait3A_279] : memref<17x128x4xf32, #tpu.memory_space<vmem>> -> memref<1x128x4xf32, #tpu.memory_space<vmem>>
      %dma_wait3A_281 = tpu.memref_squeeze %dma_wait3A_280 : memref<1x128x4xf32, #tpu.memory_space<vmem>> -> memref<128x4xf32, #tpu.memory_space<vmem>>
      %dma_wait3A_282 = arith.constant 0 : i32
      %dma_wait3A_283 = tpu.memref_slice %arg8[%dma_wait3A_276, %dma_wait3A_282] : memref<17x128xi32, #tpu.memory_space<vmem>> -> memref<1x128xi32, #tpu.memory_space<vmem>>
      %dma_wait3A_284 = tpu.memref_squeeze %dma_wait3A_283 : memref<1x128xi32, #tpu.memory_space<vmem>> -> memref<128xi32, #tpu.memory_space<vmem>>
      %dma_wait3A_285 = arith.constant 0 : i32
      %dma_wait3A_286 = arith.constant 0 : i32
      %dma_wait3A_287 = tpu.memref_slice %arg2[%dma_wait3A_285, %dma_wait3A_286] : memref<100000x4xf32, #tpu.memory_space<hbm>> -> memref<100000x4xf32, #tpu.memory_space<hbm>>
      tpu.wait_indirect_dma semaphore(%arg11 : memref<!tpu.dma_semaphore, #tpu.memory_space<semaphore_mem>>) src(%dma_wait3A_287 : memref<100000x4xf32, #tpu.memory_space<hbm>>) dst(%dma_wait3A_281 : memref<128x4xf32, #tpu.memory_space<vmem>>)
      %dma_wait3A_288 = arith.constant 6 : i32
      %dma_wait3A_289 = arith.constant 6 : i32
      %dma_wait3A_290 = arith.constant 0 : i32
      %dma_wait3A_291 = arith.constant 0 : i32
      %dma_wait3A_292 = tpu.memref_slice %arg10[%dma_wait3A_289, %dma_wait3A_290, %dma_wait3A_291] : memref<17x128x4xf32, #tpu.memory_space<vmem>> -> memref<1x128x4xf32, #tpu.memory_space<vmem>>
      %dma_wait3A_293 = tpu.memref_squeeze %dma_wait3A_292 : memref<1x128x4xf32, #tpu.memory_space<vmem>> -> memref<128x4xf32, #tpu.memory_space<vmem>>
      %dma_wait3A_294 = arith.constant 0 : i32
      %dma_wait3A_295 = tpu.memref_slice %arg8[%dma_wait3A_288, %dma_wait3A_294] : memref<17x128xi32, #tpu.memory_space<vmem>> -> memref<1x128xi32, #tpu.memory_space<vmem>>
      %dma_wait3A_296 = tpu.memref_squeeze %dma_wait3A_295 : memref<1x128xi32, #tpu.memory_space<vmem>> -> memref<128xi32, #tpu.memory_space<vmem>>
      %dma_wait3A_297 = arith.constant 0 : i32
      %dma_wait3A_298 = arith.constant 0 : i32
      %dma_wait3A_299 = tpu.memref_slice %arg2[%dma_wait3A_297, %dma_wait3A_298] : memref<100000x4xf32, #tpu.memory_space<hbm>> -> memref<100000x4xf32, #tpu.memory_space<hbm>>
      tpu.wait_indirect_dma semaphore(%arg11 : memref<!tpu.dma_semaphore, #tpu.memory_space<semaphore_mem>>) src(%dma_wait3A_299 : memref<100000x4xf32, #tpu.memory_space<hbm>>) dst(%dma_wait3A_293 : memref<128x4xf32, #tpu.memory_space<vmem>>)
      %dma_wait3A_300 = arith.constant 7 : i32
      %dma_wait3A_301 = arith.constant 7 : i32
      %dma_wait3A_302 = arith.constant 0 : i32
      %dma_wait3A_303 = arith.constant 0 : i32
      %dma_wait3A_304 = tpu.memref_slice %arg10[%dma_wait3A_301, %dma_wait3A_302, %dma_wait3A_303] : memref<17x128x4xf32, #tpu.memory_space<vmem>> -> memref<1x128x4xf32, #tpu.memory_space<vmem>>
      %dma_wait3A_305 = tpu.memref_squeeze %dma_wait3A_304 : memref<1x128x4xf32, #tpu.memory_space<vmem>> -> memref<128x4xf32, #tpu.memory_space<vmem>>
      %dma_wait3A_306 = arith.constant 0 : i32
      %dma_wait3A_307 = tpu.memref_slice %arg8[%dma_wait3A_300, %dma_wait3A_306] : memref<17x128xi32, #tpu.memory_space<vmem>> -> memref<1x128xi32, #tpu.memory_space<vmem>>
      %dma_wait3A_308 = tpu.memref_squeeze %dma_wait3A_307 : memref<1x128xi32, #tpu.memory_space<vmem>> -> memref<128xi32, #tpu.memory_space<vmem>>
      %dma_wait3A_309 = arith.constant 0 : i32
      %dma_wait3A_310 = arith.constant 0 : i32
      %dma_wait3A_311 = tpu.memref_slice %arg2[%dma_wait3A_309, %dma_wait3A_310] : memref<100000x4xf32, #tpu.memory_space<hbm>> -> memref<100000x4xf32, #tpu.memory_space<hbm>>
      tpu.wait_indirect_dma semaphore(%arg11 : memref<!tpu.dma_semaphore, #tpu.memory_space<semaphore_mem>>) src(%dma_wait3A_311 : memref<100000x4xf32, #tpu.memory_space<hbm>>) dst(%dma_wait3A_305 : memref<128x4xf32, #tpu.memory_space<vmem>>)
      %dma_wait3A_312 = arith.constant 8 : i32
      %dma_wait3A_313 = arith.constant 8 : i32
      %dma_wait3A_314 = arith.constant 0 : i32
      %dma_wait3A_315 = arith.constant 0 : i32
      %dma_wait3A_316 = tpu.memref_slice %arg10[%dma_wait3A_313, %dma_wait3A_314, %dma_wait3A_315] : memref<17x128x4xf32, #tpu.memory_space<vmem>> -> memref<1x128x4xf32, #tpu.memory_space<vmem>>
      %dma_wait3A_317 = tpu.memref_squeeze %dma_wait3A_316 : memref<1x128x4xf32, #tpu.memory_space<vmem>> -> memref<128x4xf32, #tpu.memory_space<vmem>>
      %dma_wait3A_318 = arith.constant 0 : i32
      %dma_wait3A_319 = tpu.memref_slice %arg8[%dma_wait3A_312, %dma_wait3A_318] : memref<17x128xi32, #tpu.memory_space<vmem>> -> memref<1x128xi32, #tpu.memory_space<vmem>>
      %dma_wait3A_320 = tpu.memref_squeeze %dma_wait3A_319 : memref<1x128xi32, #tpu.memory_space<vmem>> -> memref<128xi32, #tpu.memory_space<vmem>>
      %dma_wait3A_321 = arith.constant 0 : i32
      %dma_wait3A_322 = arith.constant 0 : i32
      %dma_wait3A_323 = tpu.memref_slice %arg2[%dma_wait3A_321, %dma_wait3A_322] : memref<100000x4xf32, #tpu.memory_space<hbm>> -> memref<100000x4xf32, #tpu.memory_space<hbm>>
      tpu.wait_indirect_dma semaphore(%arg11 : memref<!tpu.dma_semaphore, #tpu.memory_space<semaphore_mem>>) src(%dma_wait3A_323 : memref<100000x4xf32, #tpu.memory_space<hbm>>) dst(%dma_wait3A_317 : memref<128x4xf32, #tpu.memory_space<vmem>>)
      %dma_wait3A_324 = arith.constant 9 : i32
      %dma_wait3A_325 = arith.constant 9 : i32
      %dma_wait3A_326 = arith.constant 0 : i32
      %dma_wait3A_327 = arith.constant 0 : i32
      %dma_wait3A_328 = tpu.memref_slice %arg10[%dma_wait3A_325, %dma_wait3A_326, %dma_wait3A_327] : memref<17x128x4xf32, #tpu.memory_space<vmem>> -> memref<1x128x4xf32, #tpu.memory_space<vmem>>
      %dma_wait3A_329 = tpu.memref_squeeze %dma_wait3A_328 : memref<1x128x4xf32, #tpu.memory_space<vmem>> -> memref<128x4xf32, #tpu.memory_space<vmem>>
      %dma_wait3A_330 = arith.constant 0 : i32
      %dma_wait3A_331 = tpu.memref_slice %arg8[%dma_wait3A_324, %dma_wait3A_330] : memref<17x128xi32, #tpu.memory_space<vmem>> -> memref<1x128xi32, #tpu.memory_space<vmem>>
      %dma_wait3A_332 = tpu.memref_squeeze %dma_wait3A_331 : memref<1x128xi32, #tpu.memory_space<vmem>> -> memref<128xi32, #tpu.memory_space<vmem>>
      %dma_wait3A_333 = arith.constant 0 : i32
      %dma_wait3A_334 = arith.constant 0 : i32
      %dma_wait3A_335 = tpu.memref_slice %arg2[%dma_wait3A_333, %dma_wait3A_334] : memref<100000x4xf32, #tpu.memory_space<hbm>> -> memref<100000x4xf32, #tpu.memory_space<hbm>>
      tpu.wait_indirect_dma semaphore(%arg11 : memref<!tpu.dma_semaphore, #tpu.memory_space<semaphore_mem>>) src(%dma_wait3A_335 : memref<100000x4xf32, #tpu.memory_space<hbm>>) dst(%dma_wait3A_329 : memref<128x4xf32, #tpu.memory_space<vmem>>)
      %dma_wait3A_336 = arith.constant 10 : i32
      %dma_wait3A_337 = arith.constant 10 : i32
      %dma_wait3A_338 = arith.constant 0 : i32
      %dma_wait3A_339 = arith.constant 0 : i32
      %dma_wait3A_340 = tpu.memref_slice %arg10[%dma_wait3A_337, %dma_wait3A_338, %dma_wait3A_339] : memref<17x128x4xf32, #tpu.memory_space<vmem>> -> memref<1x128x4xf32, #tpu.memory_space<vmem>>
      %dma_wait3A_341 = tpu.memref_squeeze %dma_wait3A_340 : memref<1x128x4xf32, #tpu.memory_space<vmem>> -> memref<128x4xf32, #tpu.memory_space<vmem>>
      %dma_wait3A_342 = arith.constant 0 : i32
      %dma_wait3A_343 = tpu.memref_slice %arg8[%dma_wait3A_336, %dma_wait3A_342] : memref<17x128xi32, #tpu.memory_space<vmem>> -> memref<1x128xi32, #tpu.memory_space<vmem>>
      %dma_wait3A_344 = tpu.memref_squeeze %dma_wait3A_343 : memref<1x128xi32, #tpu.memory_space<vmem>> -> memref<128xi32, #tpu.memory_space<vmem>>
      %dma_wait3A_345 = arith.constant 0 : i32
      %dma_wait3A_346 = arith.constant 0 : i32
      %dma_wait3A_347 = tpu.memref_slice %arg2[%dma_wait3A_345, %dma_wait3A_346] : memref<100000x4xf32, #tpu.memory_space<hbm>> -> memref<100000x4xf32, #tpu.memory_space<hbm>>
      tpu.wait_indirect_dma semaphore(%arg11 : memref<!tpu.dma_semaphore, #tpu.memory_space<semaphore_mem>>) src(%dma_wait3A_347 : memref<100000x4xf32, #tpu.memory_space<hbm>>) dst(%dma_wait3A_341 : memref<128x4xf32, #tpu.memory_space<vmem>>)
      %dma_wait3A_348 = arith.constant 11 : i32
      %dma_wait3A_349 = arith.constant 11 : i32
      %dma_wait3A_350 = arith.constant 0 : i32
      %dma_wait3A_351 = arith.constant 0 : i32
      %dma_wait3A_352 = tpu.memref_slice %arg10[%dma_wait3A_349, %dma_wait3A_350, %dma_wait3A_351] : memref<17x128x4xf32, #tpu.memory_space<vmem>> -> memref<1x128x4xf32, #tpu.memory_space<vmem>>
      %dma_wait3A_353 = tpu.memref_squeeze %dma_wait3A_352 : memref<1x128x4xf32, #tpu.memory_space<vmem>> -> memref<128x4xf32, #tpu.memory_space<vmem>>
      %dma_wait3A_354 = arith.constant 0 : i32
      %dma_wait3A_355 = tpu.memref_slice %arg8[%dma_wait3A_348, %dma_wait3A_354] : memref<17x128xi32, #tpu.memory_space<vmem>> -> memref<1x128xi32, #tpu.memory_space<vmem>>
      %dma_wait3A_356 = tpu.memref_squeeze %dma_wait3A_355 : memref<1x128xi32, #tpu.memory_space<vmem>> -> memref<128xi32, #tpu.memory_space<vmem>>
      %dma_wait3A_357 = arith.constant 0 : i32
      %dma_wait3A_358 = arith.constant 0 : i32
      %dma_wait3A_359 = tpu.memref_slice %arg2[%dma_wait3A_357, %dma_wait3A_358] : memref<100000x4xf32, #tpu.memory_space<hbm>> -> memref<100000x4xf32, #tpu.memory_space<hbm>>
      tpu.wait_indirect_dma semaphore(%arg11 : memref<!tpu.dma_semaphore, #tpu.memory_space<semaphore_mem>>) src(%dma_wait3A_359 : memref<100000x4xf32, #tpu.memory_space<hbm>>) dst(%dma_wait3A_353 : memref<128x4xf32, #tpu.memory_space<vmem>>)
      %dma_wait3A_360 = arith.constant 12 : i32
      %dma_wait3A_361 = arith.constant 12 : i32
      %dma_wait3A_362 = arith.constant 0 : i32
      %dma_wait3A_363 = arith.constant 0 : i32
      %dma_wait3A_364 = tpu.memref_slice %arg10[%dma_wait3A_361, %dma_wait3A_362, %dma_wait3A_363] : memref<17x128x4xf32, #tpu.memory_space<vmem>> -> memref<1x128x4xf32, #tpu.memory_space<vmem>>
      %dma_wait3A_365 = tpu.memref_squeeze %dma_wait3A_364 : memref<1x128x4xf32, #tpu.memory_space<vmem>> -> memref<128x4xf32, #tpu.memory_space<vmem>>
      %dma_wait3A_366 = arith.constant 0 : i32
      %dma_wait3A_367 = tpu.memref_slice %arg8[%dma_wait3A_360, %dma_wait3A_366] : memref<17x128xi32, #tpu.memory_space<vmem>> -> memref<1x128xi32, #tpu.memory_space<vmem>>
      %dma_wait3A_368 = tpu.memref_squeeze %dma_wait3A_367 : memref<1x128xi32, #tpu.memory_space<vmem>> -> memref<128xi32, #tpu.memory_space<vmem>>
      %dma_wait3A_369 = arith.constant 0 : i32
      %dma_wait3A_370 = arith.constant 0 : i32
      %dma_wait3A_371 = tpu.memref_slice %arg2[%dma_wait3A_369, %dma_wait3A_370] : memref<100000x4xf32, #tpu.memory_space<hbm>> -> memref<100000x4xf32, #tpu.memory_space<hbm>>
      tpu.wait_indirect_dma semaphore(%arg11 : memref<!tpu.dma_semaphore, #tpu.memory_space<semaphore_mem>>) src(%dma_wait3A_371 : memref<100000x4xf32, #tpu.memory_space<hbm>>) dst(%dma_wait3A_365 : memref<128x4xf32, #tpu.memory_space<vmem>>)
      %dma_wait3A_372 = arith.constant 13 : i32
      %dma_wait3A_373 = arith.constant 13 : i32
      %dma_wait3A_374 = arith.constant 0 : i32
      %dma_wait3A_375 = arith.constant 0 : i32
      %dma_wait3A_376 = tpu.memref_slice %arg10[%dma_wait3A_373, %dma_wait3A_374, %dma_wait3A_375] : memref<17x128x4xf32, #tpu.memory_space<vmem>> -> memref<1x128x4xf32, #tpu.memory_space<vmem>>
      %dma_wait3A_377 = tpu.memref_squeeze %dma_wait3A_376 : memref<1x128x4xf32, #tpu.memory_space<vmem>> -> memref<128x4xf32, #tpu.memory_space<vmem>>
      %dma_wait3A_378 = arith.constant 0 : i32
      %dma_wait3A_379 = tpu.memref_slice %arg8[%dma_wait3A_372, %dma_wait3A_378] : memref<17x128xi32, #tpu.memory_space<vmem>> -> memref<1x128xi32, #tpu.memory_space<vmem>>
      %dma_wait3A_380 = tpu.memref_squeeze %dma_wait3A_379 : memref<1x128xi32, #tpu.memory_space<vmem>> -> memref<128xi32, #tpu.memory_space<vmem>>
      %dma_wait3A_381 = arith.constant 0 : i32
      %dma_wait3A_382 = arith.constant 0 : i32
      %dma_wait3A_383 = tpu.memref_slice %arg2[%dma_wait3A_381, %dma_wait3A_382] : memref<100000x4xf32, #tpu.memory_space<hbm>> -> memref<100000x4xf32, #tpu.memory_space<hbm>>
      tpu.wait_indirect_dma semaphore(%arg11 : memref<!tpu.dma_semaphore, #tpu.memory_space<semaphore_mem>>) src(%dma_wait3A_383 : memref<100000x4xf32, #tpu.memory_space<hbm>>) dst(%dma_wait3A_377 : memref<128x4xf32, #tpu.memory_space<vmem>>)
      %dma_wait3A_384 = arith.constant 14 : i32
      %dma_wait3A_385 = arith.constant 14 : i32
      %dma_wait3A_386 = arith.constant 0 : i32
      %dma_wait3A_387 = arith.constant 0 : i32
      %dma_wait3A_388 = tpu.memref_slice %arg10[%dma_wait3A_385, %dma_wait3A_386, %dma_wait3A_387] : memref<17x128x4xf32, #tpu.memory_space<vmem>> -> memref<1x128x4xf32, #tpu.memory_space<vmem>>
      %dma_wait3A_389 = tpu.memref_squeeze %dma_wait3A_388 : memref<1x128x4xf32, #tpu.memory_space<vmem>> -> memref<128x4xf32, #tpu.memory_space<vmem>>
      %dma_wait3A_390 = arith.constant 0 : i32
      %dma_wait3A_391 = tpu.memref_slice %arg8[%dma_wait3A_384, %dma_wait3A_390] : memref<17x128xi32, #tpu.memory_space<vmem>> -> memref<1x128xi32, #tpu.memory_space<vmem>>
      %dma_wait3A_392 = tpu.memref_squeeze %dma_wait3A_391 : memref<1x128xi32, #tpu.memory_space<vmem>> -> memref<128xi32, #tpu.memory_space<vmem>>
      %dma_wait3A_393 = arith.constant 0 : i32
      %dma_wait3A_394 = arith.constant 0 : i32
      %dma_wait3A_395 = tpu.memref_slice %arg2[%dma_wait3A_393, %dma_wait3A_394] : memref<100000x4xf32, #tpu.memory_space<hbm>> -> memref<100000x4xf32, #tpu.memory_space<hbm>>
      tpu.wait_indirect_dma semaphore(%arg11 : memref<!tpu.dma_semaphore, #tpu.memory_space<semaphore_mem>>) src(%dma_wait3A_395 : memref<100000x4xf32, #tpu.memory_space<hbm>>) dst(%dma_wait3A_389 : memref<128x4xf32, #tpu.memory_space<vmem>>)
      %dma_wait3A_396 = arith.constant 15 : i32
      %dma_wait3A_397 = arith.constant 15 : i32
      %dma_wait3A_398 = arith.constant 0 : i32
      %dma_wait3A_399 = arith.constant 0 : i32
      %dma_wait3A_400 = tpu.memref_slice %arg10[%dma_wait3A_397, %dma_wait3A_398, %dma_wait3A_399] : memref<17x128x4xf32, #tpu.memory_space<vmem>> -> memref<1x128x4xf32, #tpu.memory_space<vmem>>
      %dma_wait3A_401 = tpu.memref_squeeze %dma_wait3A_400 : memref<1x128x4xf32, #tpu.memory_space<vmem>> -> memref<128x4xf32, #tpu.memory_space<vmem>>
      %dma_wait3A_402 = arith.constant 0 : i32
      %dma_wait3A_403 = tpu.memref_slice %arg8[%dma_wait3A_396, %dma_wait3A_402] : memref<17x128xi32, #tpu.memory_space<vmem>> -> memref<1x128xi32, #tpu.memory_space<vmem>>
      %dma_wait3A_404 = tpu.memref_squeeze %dma_wait3A_403 : memref<1x128xi32, #tpu.memory_space<vmem>> -> memref<128xi32, #tpu.memory_space<vmem>>
      %dma_wait3A_405 = arith.constant 0 : i32
      %dma_wait3A_406 = arith.constant 0 : i32
      %dma_wait3A_407 = tpu.memref_slice %arg2[%dma_wait3A_405, %dma_wait3A_406] : memref<100000x4xf32, #tpu.memory_space<hbm>> -> memref<100000x4xf32, #tpu.memory_space<hbm>>
      tpu.wait_indirect_dma semaphore(%arg11 : memref<!tpu.dma_semaphore, #tpu.memory_space<semaphore_mem>>) src(%dma_wait3A_407 : memref<100000x4xf32, #tpu.memory_space<hbm>>) dst(%dma_wait3A_401 : memref<128x4xf32, #tpu.memory_space<vmem>>)
      %dma_wait3A_408 = arith.constant 16 : i32
      %dma_wait3A_409 = arith.constant 16 : i32
      %dma_wait3A_410 = arith.constant 0 : i32
      %dma_wait3A_411 = arith.constant 0 : i32
      %dma_wait3A_412 = tpu.memref_slice %arg10[%dma_wait3A_409, %dma_wait3A_410, %dma_wait3A_411] : memref<17x128x4xf32, #tpu.memory_space<vmem>> -> memref<1x128x4xf32, #tpu.memory_space<vmem>>
      %dma_wait3A_413 = tpu.memref_squeeze %dma_wait3A_412 : memref<1x128x4xf32, #tpu.memory_space<vmem>> -> memref<128x4xf32, #tpu.memory_space<vmem>>
      %dma_wait3A_414 = arith.constant 0 : i32
      %dma_wait3A_415 = tpu.memref_slice %arg8[%dma_wait3A_408, %dma_wait3A_414] : memref<17x128xi32, #tpu.memory_space<vmem>> -> memref<1x128xi32, #tpu.memory_space<vmem>>
      %dma_wait3A_416 = tpu.memref_squeeze %dma_wait3A_415 : memref<1x128xi32, #tpu.memory_space<vmem>> -> memref<128xi32, #tpu.memory_space<vmem>>
      %dma_wait3A_417 = arith.constant 0 : i32
      %dma_wait3A_418 = arith.constant 0 : i32
      %dma_wait3A_419 = tpu.memref_slice %arg2[%dma_wait3A_417, %dma_wait3A_418] : memref<100000x4xf32, #tpu.memory_space<hbm>> -> memref<100000x4xf32, #tpu.memory_space<hbm>>
      tpu.wait_indirect_dma semaphore(%arg11 : memref<!tpu.dma_semaphore, #tpu.memory_space<semaphore_mem>>) src(%dma_wait3A_419 : memref<100000x4xf32, #tpu.memory_space<hbm>>) dst(%dma_wait3A_413 : memref<128x4xf32, #tpu.memory_space<vmem>>)
      %run_scoped3A = arith.constant 0 : i32
      %run_scoped3A_420 = arith.constant 0 : i32
      "tpu.region"() ({
        %run_scoped3A_453 = tpu.sem_alloc : memref<!tpu.dma_semaphore, #tpu.memory_space<semaphore_mem>>
        %dma_start3A_454 = arith.constant 0 : i32
        %dma_start3A_455 = arith.constant 0 : i32
        %dma_start3A_456 = tpu.memref_slice %arg10[%run_scoped3A, %dma_start3A_454, %dma_start3A_455] : memref<17x128x4xf32, #tpu.memory_space<vmem>> -> memref<1x128x4xf32, #tpu.memory_space<vmem>>
        %dma_start3A_457 = tpu.memref_squeeze %dma_start3A_456 : memref<1x128x4xf32, #tpu.memory_space<vmem>> -> memref<128x4xf32, #tpu.memory_space<vmem>>
        %dma_start3A_458 = arith.constant 0 : i32
        %dma_start3A_459 = tpu.memref_slice %arg9[%run_scoped3A_420, %dma_start3A_458] : memref<17x128xi32, #tpu.memory_space<vmem>> -> memref<1x128xi32, #tpu.memory_space<vmem>>
        %dma_start3A_460 = tpu.memref_squeeze %dma_start3A_459 : memref<1x128xi32, #tpu.memory_space<vmem>> -> memref<128xi32, #tpu.memory_space<vmem>>
        %dma_start3A_461 = arith.constant 0 : i32
        %dma_start3A_462 = arith.constant 0 : i32
        %dma_start3A_463 = tpu.memref_slice %arg7[%dma_start3A_461, %dma_start3A_462] : memref<100096x4xf32, #tpu.memory_space<vmem_shared>> -> memref<100096x4xf32, #tpu.memory_space<vmem_shared>>
        tpu.enqueue_indirect_dma source(%dma_start3A_457 : memref<128x4xf32, #tpu.memory_space<vmem>>) target(%dma_start3A_463 : memref<100096x4xf32, #tpu.memory_space<vmem_shared>>) offsets(%dma_start3A_460 : memref<128xi32, #tpu.memory_space<vmem>>) semaphore(%run_scoped3A_453 : memref<!tpu.dma_semaphore, #tpu.memory_space<semaphore_mem>>) {add = true}
        %dma_wait3A_464 = arith.constant 0 : i32
        %dma_wait3A_465 = arith.constant 0 : i32
        %dma_wait3A_466 = tpu.memref_slice %arg10[%run_scoped3A, %dma_wait3A_464, %dma_wait3A_465] : memref<17x128x4xf32, #tpu.memory_space<vmem>> -> memref<1x128x4xf32, #tpu.memory_space<vmem>>
        %dma_wait3A_467 = tpu.memref_squeeze %dma_wait3A_466 : memref<1x128x4xf32, #tpu.memory_space<vmem>> -> memref<128x4xf32, #tpu.memory_space<vmem>>
        %dma_wait3A_468 = arith.constant 0 : i32
        %dma_wait3A_469 = tpu.memref_slice %arg9[%run_scoped3A_420, %dma_wait3A_468] : memref<17x128xi32, #tpu.memory_space<vmem>> -> memref<1x128xi32, #tpu.memory_space<vmem>>
        %dma_wait3A_470 = tpu.memref_squeeze %dma_wait3A_469 : memref<1x128xi32, #tpu.memory_space<vmem>> -> memref<128xi32, #tpu.memory_space<vmem>>
        %dma_wait3A_471 = arith.constant 0 : i32
        %dma_wait3A_472 = arith.constant 0 : i32
        %dma_wait3A_473 = tpu.memref_slice %arg7[%dma_wait3A_471, %dma_wait3A_472] : memref<100096x4xf32, #tpu.memory_space<vmem_shared>> -> memref<100096x4xf32, #tpu.memory_space<vmem_shared>>
        tpu.wait_indirect_dma semaphore(%run_scoped3A_453 : memref<!tpu.dma_semaphore, #tpu.memory_space<semaphore_mem>>) src(%dma_wait3A_467 : memref<128x4xf32, #tpu.memory_space<vmem>>) dst(%dma_wait3A_473 : memref<100096x4xf32, #tpu.memory_space<vmem_shared>>)
        tpu.yield
      }) : () -> ()
      %run_scoped3A_421 = arith.constant 1 : i32
      %run_scoped3A_422 = arith.constant 1 : i32
      "tpu.region"() ({
        %run_scoped3A_453 = tpu.sem_alloc : memref<!tpu.dma_semaphore, #tpu.memory_space<semaphore_mem>>
        %dma_start3A_454 = arith.constant 0 : i32
        %dma_start3A_455 = arith.constant 0 : i32
        %dma_start3A_456 = tpu.memref_slice %arg10[%run_scoped3A_421, %dma_start3A_454, %dma_start3A_455] : memref<17x128x4xf32, #tpu.memory_space<vmem>> -> memref<1x128x4xf32, #tpu.memory_space<vmem>>
        %dma_start3A_457 = tpu.memref_squeeze %dma_start3A_456 : memref<1x128x4xf32, #tpu.memory_space<vmem>> -> memref<128x4xf32, #tpu.memory_space<vmem>>
        %dma_start3A_458 = arith.constant 0 : i32
        %dma_start3A_459 = tpu.memref_slice %arg9[%run_scoped3A_422, %dma_start3A_458] : memref<17x128xi32, #tpu.memory_space<vmem>> -> memref<1x128xi32, #tpu.memory_space<vmem>>
        %dma_start3A_460 = tpu.memref_squeeze %dma_start3A_459 : memref<1x128xi32, #tpu.memory_space<vmem>> -> memref<128xi32, #tpu.memory_space<vmem>>
        %dma_start3A_461 = arith.constant 0 : i32
        %dma_start3A_462 = arith.constant 0 : i32
        %dma_start3A_463 = tpu.memref_slice %arg7[%dma_start3A_461, %dma_start3A_462] : memref<100096x4xf32, #tpu.memory_space<vmem_shared>> -> memref<100096x4xf32, #tpu.memory_space<vmem_shared>>
        tpu.enqueue_indirect_dma source(%dma_start3A_457 : memref<128x4xf32, #tpu.memory_space<vmem>>) target(%dma_start3A_463 : memref<100096x4xf32, #tpu.memory_space<vmem_shared>>) offsets(%dma_start3A_460 : memref<128xi32, #tpu.memory_space<vmem>>) semaphore(%run_scoped3A_453 : memref<!tpu.dma_semaphore, #tpu.memory_space<semaphore_mem>>) {add = true}
        %dma_wait3A_464 = arith.constant 0 : i32
        %dma_wait3A_465 = arith.constant 0 : i32
        %dma_wait3A_466 = tpu.memref_slice %arg10[%run_scoped3A_421, %dma_wait3A_464, %dma_wait3A_465] : memref<17x128x4xf32, #tpu.memory_space<vmem>> -> memref<1x128x4xf32, #tpu.memory_space<vmem>>
        %dma_wait3A_467 = tpu.memref_squeeze %dma_wait3A_466 : memref<1x128x4xf32, #tpu.memory_space<vmem>> -> memref<128x4xf32, #tpu.memory_space<vmem>>
        %dma_wait3A_468 = arith.constant 0 : i32
        %dma_wait3A_469 = tpu.memref_slice %arg9[%run_scoped3A_422, %dma_wait3A_468] : memref<17x128xi32, #tpu.memory_space<vmem>> -> memref<1x128xi32, #tpu.memory_space<vmem>>
        %dma_wait3A_470 = tpu.memref_squeeze %dma_wait3A_469 : memref<1x128xi32, #tpu.memory_space<vmem>> -> memref<128xi32, #tpu.memory_space<vmem>>
        %dma_wait3A_471 = arith.constant 0 : i32
        %dma_wait3A_472 = arith.constant 0 : i32
        %dma_wait3A_473 = tpu.memref_slice %arg7[%dma_wait3A_471, %dma_wait3A_472] : memref<100096x4xf32, #tpu.memory_space<vmem_shared>> -> memref<100096x4xf32, #tpu.memory_space<vmem_shared>>
        tpu.wait_indirect_dma semaphore(%run_scoped3A_453 : memref<!tpu.dma_semaphore, #tpu.memory_space<semaphore_mem>>) src(%dma_wait3A_467 : memref<128x4xf32, #tpu.memory_space<vmem>>) dst(%dma_wait3A_473 : memref<100096x4xf32, #tpu.memory_space<vmem_shared>>)
        tpu.yield
      }) : () -> ()
      %run_scoped3A_423 = arith.constant 2 : i32
      %run_scoped3A_424 = arith.constant 2 : i32
      "tpu.region"() ({
        %run_scoped3A_453 = tpu.sem_alloc : memref<!tpu.dma_semaphore, #tpu.memory_space<semaphore_mem>>
        %dma_start3A_454 = arith.constant 0 : i32
        %dma_start3A_455 = arith.constant 0 : i32
        %dma_start3A_456 = tpu.memref_slice %arg10[%run_scoped3A_423, %dma_start3A_454, %dma_start3A_455] : memref<17x128x4xf32, #tpu.memory_space<vmem>> -> memref<1x128x4xf32, #tpu.memory_space<vmem>>
        %dma_start3A_457 = tpu.memref_squeeze %dma_start3A_456 : memref<1x128x4xf32, #tpu.memory_space<vmem>> -> memref<128x4xf32, #tpu.memory_space<vmem>>
        %dma_start3A_458 = arith.constant 0 : i32
        %dma_start3A_459 = tpu.memref_slice %arg9[%run_scoped3A_424, %dma_start3A_458] : memref<17x128xi32, #tpu.memory_space<vmem>> -> memref<1x128xi32, #tpu.memory_space<vmem>>
        %dma_start3A_460 = tpu.memref_squeeze %dma_start3A_459 : memref<1x128xi32, #tpu.memory_space<vmem>> -> memref<128xi32, #tpu.memory_space<vmem>>
        %dma_start3A_461 = arith.constant 0 : i32
        %dma_start3A_462 = arith.constant 0 : i32
        %dma_start3A_463 = tpu.memref_slice %arg7[%dma_start3A_461, %dma_start3A_462] : memref<100096x4xf32, #tpu.memory_space<vmem_shared>> -> memref<100096x4xf32, #tpu.memory_space<vmem_shared>>
        tpu.enqueue_indirect_dma source(%dma_start3A_457 : memref<128x4xf32, #tpu.memory_space<vmem>>) target(%dma_start3A_463 : memref<100096x4xf32, #tpu.memory_space<vmem_shared>>) offsets(%dma_start3A_460 : memref<128xi32, #tpu.memory_space<vmem>>) semaphore(%run_scoped3A_453 : memref<!tpu.dma_semaphore, #tpu.memory_space<semaphore_mem>>) {add = true}
        %dma_wait3A_464 = arith.constant 0 : i32
        %dma_wait3A_465 = arith.constant 0 : i32
        %dma_wait3A_466 = tpu.memref_slice %arg10[%run_scoped3A_423, %dma_wait3A_464, %dma_wait3A_465] : memref<17x128x4xf32, #tpu.memory_space<vmem>> -> memref<1x128x4xf32, #tpu.memory_space<vmem>>
        %dma_wait3A_467 = tpu.memref_squeeze %dma_wait3A_466 : memref<1x128x4xf32, #tpu.memory_space<vmem>> -> memref<128x4xf32, #tpu.memory_space<vmem>>
        %dma_wait3A_468 = arith.constant 0 : i32
        %dma_wait3A_469 = tpu.memref_slice %arg9[%run_scoped3A_424, %dma_wait3A_468] : memref<17x128xi32, #tpu.memory_space<vmem>> -> memref<1x128xi32, #tpu.memory_space<vmem>>
        %dma_wait3A_470 = tpu.memref_squeeze %dma_wait3A_469 : memref<1x128xi32, #tpu.memory_space<vmem>> -> memref<128xi32, #tpu.memory_space<vmem>>
        %dma_wait3A_471 = arith.constant 0 : i32
        %dma_wait3A_472 = arith.constant 0 : i32
        %dma_wait3A_473 = tpu.memref_slice %arg7[%dma_wait3A_471, %dma_wait3A_472] : memref<100096x4xf32, #tpu.memory_space<vmem_shared>> -> memref<100096x4xf32, #tpu.memory_space<vmem_shared>>
        tpu.wait_indirect_dma semaphore(%run_scoped3A_453 : memref<!tpu.dma_semaphore, #tpu.memory_space<semaphore_mem>>) src(%dma_wait3A_467 : memref<128x4xf32, #tpu.memory_space<vmem>>) dst(%dma_wait3A_473 : memref<100096x4xf32, #tpu.memory_space<vmem_shared>>)
        tpu.yield
      }) : () -> ()
      %run_scoped3A_425 = arith.constant 3 : i32
      %run_scoped3A_426 = arith.constant 3 : i32
      "tpu.region"() ({
        %run_scoped3A_453 = tpu.sem_alloc : memref<!tpu.dma_semaphore, #tpu.memory_space<semaphore_mem>>
        %dma_start3A_454 = arith.constant 0 : i32
        %dma_start3A_455 = arith.constant 0 : i32
        %dma_start3A_456 = tpu.memref_slice %arg10[%run_scoped3A_425, %dma_start3A_454, %dma_start3A_455] : memref<17x128x4xf32, #tpu.memory_space<vmem>> -> memref<1x128x4xf32, #tpu.memory_space<vmem>>
        %dma_start3A_457 = tpu.memref_squeeze %dma_start3A_456 : memref<1x128x4xf32, #tpu.memory_space<vmem>> -> memref<128x4xf32, #tpu.memory_space<vmem>>
        %dma_start3A_458 = arith.constant 0 : i32
        %dma_start3A_459 = tpu.memref_slice %arg9[%run_scoped3A_426, %dma_start3A_458] : memref<17x128xi32, #tpu.memory_space<vmem>> -> memref<1x128xi32, #tpu.memory_space<vmem>>
        %dma_start3A_460 = tpu.memref_squeeze %dma_start3A_459 : memref<1x128xi32, #tpu.memory_space<vmem>> -> memref<128xi32, #tpu.memory_space<vmem>>
        %dma_start3A_461 = arith.constant 0 : i32
        %dma_start3A_462 = arith.constant 0 : i32
        %dma_start3A_463 = tpu.memref_slice %arg7[%dma_start3A_461, %dma_start3A_462] : memref<100096x4xf32, #tpu.memory_space<vmem_shared>> -> memref<100096x4xf32, #tpu.memory_space<vmem_shared>>
        tpu.enqueue_indirect_dma source(%dma_start3A_457 : memref<128x4xf32, #tpu.memory_space<vmem>>) target(%dma_start3A_463 : memref<100096x4xf32, #tpu.memory_space<vmem_shared>>) offsets(%dma_start3A_460 : memref<128xi32, #tpu.memory_space<vmem>>) semaphore(%run_scoped3A_453 : memref<!tpu.dma_semaphore, #tpu.memory_space<semaphore_mem>>) {add = true}
        %dma_wait3A_464 = arith.constant 0 : i32
        %dma_wait3A_465 = arith.constant 0 : i32
        %dma_wait3A_466 = tpu.memref_slice %arg10[%run_scoped3A_425, %dma_wait3A_464, %dma_wait3A_465] : memref<17x128x4xf32, #tpu.memory_space<vmem>> -> memref<1x128x4xf32, #tpu.memory_space<vmem>>
        %dma_wait3A_467 = tpu.memref_squeeze %dma_wait3A_466 : memref<1x128x4xf32, #tpu.memory_space<vmem>> -> memref<128x4xf32, #tpu.memory_space<vmem>>
        %dma_wait3A_468 = arith.constant 0 : i32
        %dma_wait3A_469 = tpu.memref_slice %arg9[%run_scoped3A_426, %dma_wait3A_468] : memref<17x128xi32, #tpu.memory_space<vmem>> -> memref<1x128xi32, #tpu.memory_space<vmem>>
        %dma_wait3A_470 = tpu.memref_squeeze %dma_wait3A_469 : memref<1x128xi32, #tpu.memory_space<vmem>> -> memref<128xi32, #tpu.memory_space<vmem>>
        %dma_wait3A_471 = arith.constant 0 : i32
        %dma_wait3A_472 = arith.constant 0 : i32
        %dma_wait3A_473 = tpu.memref_slice %arg7[%dma_wait3A_471, %dma_wait3A_472] : memref<100096x4xf32, #tpu.memory_space<vmem_shared>> -> memref<100096x4xf32, #tpu.memory_space<vmem_shared>>
        tpu.wait_indirect_dma semaphore(%run_scoped3A_453 : memref<!tpu.dma_semaphore, #tpu.memory_space<semaphore_mem>>) src(%dma_wait3A_467 : memref<128x4xf32, #tpu.memory_space<vmem>>) dst(%dma_wait3A_473 : memref<100096x4xf32, #tpu.memory_space<vmem_shared>>)
        tpu.yield
      }) : () -> ()
      %run_scoped3A_427 = arith.constant 4 : i32
      %run_scoped3A_428 = arith.constant 4 : i32
      "tpu.region"() ({
        %run_scoped3A_453 = tpu.sem_alloc : memref<!tpu.dma_semaphore, #tpu.memory_space<semaphore_mem>>
        %dma_start3A_454 = arith.constant 0 : i32
        %dma_start3A_455 = arith.constant 0 : i32
        %dma_start3A_456 = tpu.memref_slice %arg10[%run_scoped3A_427, %dma_start3A_454, %dma_start3A_455] : memref<17x128x4xf32, #tpu.memory_space<vmem>> -> memref<1x128x4xf32, #tpu.memory_space<vmem>>
        %dma_start3A_457 = tpu.memref_squeeze %dma_start3A_456 : memref<1x128x4xf32, #tpu.memory_space<vmem>> -> memref<128x4xf32, #tpu.memory_space<vmem>>
        %dma_start3A_458 = arith.constant 0 : i32
        %dma_start3A_459 = tpu.memref_slice %arg9[%run_scoped3A_428, %dma_start3A_458] : memref<17x128xi32, #tpu.memory_space<vmem>> -> memref<1x128xi32, #tpu.memory_space<vmem>>
        %dma_start3A_460 = tpu.memref_squeeze %dma_start3A_459 : memref<1x128xi32, #tpu.memory_space<vmem>> -> memref<128xi32, #tpu.memory_space<vmem>>
        %dma_start3A_461 = arith.constant 0 : i32
        %dma_start3A_462 = arith.constant 0 : i32
        %dma_start3A_463 = tpu.memref_slice %arg7[%dma_start3A_461, %dma_start3A_462] : memref<100096x4xf32, #tpu.memory_space<vmem_shared>> -> memref<100096x4xf32, #tpu.memory_space<vmem_shared>>
        tpu.enqueue_indirect_dma source(%dma_start3A_457 : memref<128x4xf32, #tpu.memory_space<vmem>>) target(%dma_start3A_463 : memref<100096x4xf32, #tpu.memory_space<vmem_shared>>) offsets(%dma_start3A_460 : memref<128xi32, #tpu.memory_space<vmem>>) semaphore(%run_scoped3A_453 : memref<!tpu.dma_semaphore, #tpu.memory_space<semaphore_mem>>) {add = true}
        %dma_wait3A_464 = arith.constant 0 : i32
        %dma_wait3A_465 = arith.constant 0 : i32
        %dma_wait3A_466 = tpu.memref_slice %arg10[%run_scoped3A_427, %dma_wait3A_464, %dma_wait3A_465] : memref<17x128x4xf32, #tpu.memory_space<vmem>> -> memref<1x128x4xf32, #tpu.memory_space<vmem>>
        %dma_wait3A_467 = tpu.memref_squeeze %dma_wait3A_466 : memref<1x128x4xf32, #tpu.memory_space<vmem>> -> memref<128x4xf32, #tpu.memory_space<vmem>>
        %dma_wait3A_468 = arith.constant 0 : i32
        %dma_wait3A_469 = tpu.memref_slice %arg9[%run_scoped3A_428, %dma_wait3A_468] : memref<17x128xi32, #tpu.memory_space<vmem>> -> memref<1x128xi32, #tpu.memory_space<vmem>>
        %dma_wait3A_470 = tpu.memref_squeeze %dma_wait3A_469 : memref<1x128xi32, #tpu.memory_space<vmem>> -> memref<128xi32, #tpu.memory_space<vmem>>
        %dma_wait3A_471 = arith.constant 0 : i32
        %dma_wait3A_472 = arith.constant 0 : i32
        %dma_wait3A_473 = tpu.memref_slice %arg7[%dma_wait3A_471, %dma_wait3A_472] : memref<100096x4xf32, #tpu.memory_space<vmem_shared>> -> memref<100096x4xf32, #tpu.memory_space<vmem_shared>>
        tpu.wait_indirect_dma semaphore(%run_scoped3A_453 : memref<!tpu.dma_semaphore, #tpu.memory_space<semaphore_mem>>) src(%dma_wait3A_467 : memref<128x4xf32, #tpu.memory_space<vmem>>) dst(%dma_wait3A_473 : memref<100096x4xf32, #tpu.memory_space<vmem_shared>>)
        tpu.yield
      }) : () -> ()
      %run_scoped3A_429 = arith.constant 5 : i32
      %run_scoped3A_430 = arith.constant 5 : i32
      "tpu.region"() ({
        %run_scoped3A_453 = tpu.sem_alloc : memref<!tpu.dma_semaphore, #tpu.memory_space<semaphore_mem>>
        %dma_start3A_454 = arith.constant 0 : i32
        %dma_start3A_455 = arith.constant 0 : i32
        %dma_start3A_456 = tpu.memref_slice %arg10[%run_scoped3A_429, %dma_start3A_454, %dma_start3A_455] : memref<17x128x4xf32, #tpu.memory_space<vmem>> -> memref<1x128x4xf32, #tpu.memory_space<vmem>>
        %dma_start3A_457 = tpu.memref_squeeze %dma_start3A_456 : memref<1x128x4xf32, #tpu.memory_space<vmem>> -> memref<128x4xf32, #tpu.memory_space<vmem>>
        %dma_start3A_458 = arith.constant 0 : i32
        %dma_start3A_459 = tpu.memref_slice %arg9[%run_scoped3A_430, %dma_start3A_458] : memref<17x128xi32, #tpu.memory_space<vmem>> -> memref<1x128xi32, #tpu.memory_space<vmem>>
        %dma_start3A_460 = tpu.memref_squeeze %dma_start3A_459 : memref<1x128xi32, #tpu.memory_space<vmem>> -> memref<128xi32, #tpu.memory_space<vmem>>
        %dma_start3A_461 = arith.constant 0 : i32
        %dma_start3A_462 = arith.constant 0 : i32
        %dma_start3A_463 = tpu.memref_slice %arg7[%dma_start3A_461, %dma_start3A_462] : memref<100096x4xf32, #tpu.memory_space<vmem_shared>> -> memref<100096x4xf32, #tpu.memory_space<vmem_shared>>
        tpu.enqueue_indirect_dma source(%dma_start3A_457 : memref<128x4xf32, #tpu.memory_space<vmem>>) target(%dma_start3A_463 : memref<100096x4xf32, #tpu.memory_space<vmem_shared>>) offsets(%dma_start3A_460 : memref<128xi32, #tpu.memory_space<vmem>>) semaphore(%run_scoped3A_453 : memref<!tpu.dma_semaphore, #tpu.memory_space<semaphore_mem>>) {add = true}
        %dma_wait3A_464 = arith.constant 0 : i32
        %dma_wait3A_465 = arith.constant 0 : i32
        %dma_wait3A_466 = tpu.memref_slice %arg10[%run_scoped3A_429, %dma_wait3A_464, %dma_wait3A_465] : memref<17x128x4xf32, #tpu.memory_space<vmem>> -> memref<1x128x4xf32, #tpu.memory_space<vmem>>
        %dma_wait3A_467 = tpu.memref_squeeze %dma_wait3A_466 : memref<1x128x4xf32, #tpu.memory_space<vmem>> -> memref<128x4xf32, #tpu.memory_space<vmem>>
        %dma_wait3A_468 = arith.constant 0 : i32
        %dma_wait3A_469 = tpu.memref_slice %arg9[%run_scoped3A_430, %dma_wait3A_468] : memref<17x128xi32, #tpu.memory_space<vmem>> -> memref<1x128xi32, #tpu.memory_space<vmem>>
        %dma_wait3A_470 = tpu.memref_squeeze %dma_wait3A_469 : memref<1x128xi32, #tpu.memory_space<vmem>> -> memref<128xi32, #tpu.memory_space<vmem>>
        %dma_wait3A_471 = arith.constant 0 : i32
        %dma_wait3A_472 = arith.constant 0 : i32
        %dma_wait3A_473 = tpu.memref_slice %arg7[%dma_wait3A_471, %dma_wait3A_472] : memref<100096x4xf32, #tpu.memory_space<vmem_shared>> -> memref<100096x4xf32, #tpu.memory_space<vmem_shared>>
        tpu.wait_indirect_dma semaphore(%run_scoped3A_453 : memref<!tpu.dma_semaphore, #tpu.memory_space<semaphore_mem>>) src(%dma_wait3A_467 : memref<128x4xf32, #tpu.memory_space<vmem>>) dst(%dma_wait3A_473 : memref<100096x4xf32, #tpu.memory_space<vmem_shared>>)
        tpu.yield
      }) : () -> ()
      %run_scoped3A_431 = arith.constant 6 : i32
      %run_scoped3A_432 = arith.constant 6 : i32
      "tpu.region"() ({
        %run_scoped3A_453 = tpu.sem_alloc : memref<!tpu.dma_semaphore, #tpu.memory_space<semaphore_mem>>
        %dma_start3A_454 = arith.constant 0 : i32
        %dma_start3A_455 = arith.constant 0 : i32
        %dma_start3A_456 = tpu.memref_slice %arg10[%run_scoped3A_431, %dma_start3A_454, %dma_start3A_455] : memref<17x128x4xf32, #tpu.memory_space<vmem>> -> memref<1x128x4xf32, #tpu.memory_space<vmem>>
        %dma_start3A_457 = tpu.memref_squeeze %dma_start3A_456 : memref<1x128x4xf32, #tpu.memory_space<vmem>> -> memref<128x4xf32, #tpu.memory_space<vmem>>
        %dma_start3A_458 = arith.constant 0 : i32
        %dma_start3A_459 = tpu.memref_slice %arg9[%run_scoped3A_432, %dma_start3A_458] : memref<17x128xi32, #tpu.memory_space<vmem>> -> memref<1x128xi32, #tpu.memory_space<vmem>>
        %dma_start3A_460 = tpu.memref_squeeze %dma_start3A_459 : memref<1x128xi32, #tpu.memory_space<vmem>> -> memref<128xi32, #tpu.memory_space<vmem>>
        %dma_start3A_461 = arith.constant 0 : i32
        %dma_start3A_462 = arith.constant 0 : i32
        %dma_start3A_463 = tpu.memref_slice %arg7[%dma_start3A_461, %dma_start3A_462] : memref<100096x4xf32, #tpu.memory_space<vmem_shared>> -> memref<100096x4xf32, #tpu.memory_space<vmem_shared>>
        tpu.enqueue_indirect_dma source(%dma_start3A_457 : memref<128x4xf32, #tpu.memory_space<vmem>>) target(%dma_start3A_463 : memref<100096x4xf32, #tpu.memory_space<vmem_shared>>) offsets(%dma_start3A_460 : memref<128xi32, #tpu.memory_space<vmem>>) semaphore(%run_scoped3A_453 : memref<!tpu.dma_semaphore, #tpu.memory_space<semaphore_mem>>) {add = true}
        %dma_wait3A_464 = arith.constant 0 : i32
        %dma_wait3A_465 = arith.constant 0 : i32
        %dma_wait3A_466 = tpu.memref_slice %arg10[%run_scoped3A_431, %dma_wait3A_464, %dma_wait3A_465] : memref<17x128x4xf32, #tpu.memory_space<vmem>> -> memref<1x128x4xf32, #tpu.memory_space<vmem>>
        %dma_wait3A_467 = tpu.memref_squeeze %dma_wait3A_466 : memref<1x128x4xf32, #tpu.memory_space<vmem>> -> memref<128x4xf32, #tpu.memory_space<vmem>>
        %dma_wait3A_468 = arith.constant 0 : i32
        %dma_wait3A_469 = tpu.memref_slice %arg9[%run_scoped3A_432, %dma_wait3A_468] : memref<17x128xi32, #tpu.memory_space<vmem>> -> memref<1x128xi32, #tpu.memory_space<vmem>>
        %dma_wait3A_470 = tpu.memref_squeeze %dma_wait3A_469 : memref<1x128xi32, #tpu.memory_space<vmem>> -> memref<128xi32, #tpu.memory_space<vmem>>
        %dma_wait3A_471 = arith.constant 0 : i32
        %dma_wait3A_472 = arith.constant 0 : i32
        %dma_wait3A_473 = tpu.memref_slice %arg7[%dma_wait3A_471, %dma_wait3A_472] : memref<100096x4xf32, #tpu.memory_space<vmem_shared>> -> memref<100096x4xf32, #tpu.memory_space<vmem_shared>>
        tpu.wait_indirect_dma semaphore(%run_scoped3A_453 : memref<!tpu.dma_semaphore, #tpu.memory_space<semaphore_mem>>) src(%dma_wait3A_467 : memref<128x4xf32, #tpu.memory_space<vmem>>) dst(%dma_wait3A_473 : memref<100096x4xf32, #tpu.memory_space<vmem_shared>>)
        tpu.yield
      }) : () -> ()
      %run_scoped3A_433 = arith.constant 7 : i32
      %run_scoped3A_434 = arith.constant 7 : i32
      "tpu.region"() ({
        %run_scoped3A_453 = tpu.sem_alloc : memref<!tpu.dma_semaphore, #tpu.memory_space<semaphore_mem>>
        %dma_start3A_454 = arith.constant 0 : i32
        %dma_start3A_455 = arith.constant 0 : i32
        %dma_start3A_456 = tpu.memref_slice %arg10[%run_scoped3A_433, %dma_start3A_454, %dma_start3A_455] : memref<17x128x4xf32, #tpu.memory_space<vmem>> -> memref<1x128x4xf32, #tpu.memory_space<vmem>>
        %dma_start3A_457 = tpu.memref_squeeze %dma_start3A_456 : memref<1x128x4xf32, #tpu.memory_space<vmem>> -> memref<128x4xf32, #tpu.memory_space<vmem>>
        %dma_start3A_458 = arith.constant 0 : i32
        %dma_start3A_459 = tpu.memref_slice %arg9[%run_scoped3A_434, %dma_start3A_458] : memref<17x128xi32, #tpu.memory_space<vmem>> -> memref<1x128xi32, #tpu.memory_space<vmem>>
        %dma_start3A_460 = tpu.memref_squeeze %dma_start3A_459 : memref<1x128xi32, #tpu.memory_space<vmem>> -> memref<128xi32, #tpu.memory_space<vmem>>
        %dma_start3A_461 = arith.constant 0 : i32
        %dma_start3A_462 = arith.constant 0 : i32
        %dma_start3A_463 = tpu.memref_slice %arg7[%dma_start3A_461, %dma_start3A_462] : memref<100096x4xf32, #tpu.memory_space<vmem_shared>> -> memref<100096x4xf32, #tpu.memory_space<vmem_shared>>
        tpu.enqueue_indirect_dma source(%dma_start3A_457 : memref<128x4xf32, #tpu.memory_space<vmem>>) target(%dma_start3A_463 : memref<100096x4xf32, #tpu.memory_space<vmem_shared>>) offsets(%dma_start3A_460 : memref<128xi32, #tpu.memory_space<vmem>>) semaphore(%run_scoped3A_453 : memref<!tpu.dma_semaphore, #tpu.memory_space<semaphore_mem>>) {add = true}
        %dma_wait3A_464 = arith.constant 0 : i32
        %dma_wait3A_465 = arith.constant 0 : i32
        %dma_wait3A_466 = tpu.memref_slice %arg10[%run_scoped3A_433, %dma_wait3A_464, %dma_wait3A_465] : memref<17x128x4xf32, #tpu.memory_space<vmem>> -> memref<1x128x4xf32, #tpu.memory_space<vmem>>
        %dma_wait3A_467 = tpu.memref_squeeze %dma_wait3A_466 : memref<1x128x4xf32, #tpu.memory_space<vmem>> -> memref<128x4xf32, #tpu.memory_space<vmem>>
        %dma_wait3A_468 = arith.constant 0 : i32
        %dma_wait3A_469 = tpu.memref_slice %arg9[%run_scoped3A_434, %dma_wait3A_468] : memref<17x128xi32, #tpu.memory_space<vmem>> -> memref<1x128xi32, #tpu.memory_space<vmem>>
        %dma_wait3A_470 = tpu.memref_squeeze %dma_wait3A_469 : memref<1x128xi32, #tpu.memory_space<vmem>> -> memref<128xi32, #tpu.memory_space<vmem>>
        %dma_wait3A_471 = arith.constant 0 : i32
        %dma_wait3A_472 = arith.constant 0 : i32
        %dma_wait3A_473 = tpu.memref_slice %arg7[%dma_wait3A_471, %dma_wait3A_472] : memref<100096x4xf32, #tpu.memory_space<vmem_shared>> -> memref<100096x4xf32, #tpu.memory_space<vmem_shared>>
        tpu.wait_indirect_dma semaphore(%run_scoped3A_453 : memref<!tpu.dma_semaphore, #tpu.memory_space<semaphore_mem>>) src(%dma_wait3A_467 : memref<128x4xf32, #tpu.memory_space<vmem>>) dst(%dma_wait3A_473 : memref<100096x4xf32, #tpu.memory_space<vmem_shared>>)
        tpu.yield
      }) : () -> ()
      %run_scoped3A_435 = arith.constant 8 : i32
      %run_scoped3A_436 = arith.constant 8 : i32
      "tpu.region"() ({
        %run_scoped3A_453 = tpu.sem_alloc : memref<!tpu.dma_semaphore, #tpu.memory_space<semaphore_mem>>
        %dma_start3A_454 = arith.constant 0 : i32
        %dma_start3A_455 = arith.constant 0 : i32
        %dma_start3A_456 = tpu.memref_slice %arg10[%run_scoped3A_435, %dma_start3A_454, %dma_start3A_455] : memref<17x128x4xf32, #tpu.memory_space<vmem>> -> memref<1x128x4xf32, #tpu.memory_space<vmem>>
        %dma_start3A_457 = tpu.memref_squeeze %dma_start3A_456 : memref<1x128x4xf32, #tpu.memory_space<vmem>> -> memref<128x4xf32, #tpu.memory_space<vmem>>
        %dma_start3A_458 = arith.constant 0 : i32
        %dma_start3A_459 = tpu.memref_slice %arg9[%run_scoped3A_436, %dma_start3A_458] : memref<17x128xi32, #tpu.memory_space<vmem>> -> memref<1x128xi32, #tpu.memory_space<vmem>>
        %dma_start3A_460 = tpu.memref_squeeze %dma_start3A_459 : memref<1x128xi32, #tpu.memory_space<vmem>> -> memref<128xi32, #tpu.memory_space<vmem>>
        %dma_start3A_461 = arith.constant 0 : i32
        %dma_start3A_462 = arith.constant 0 : i32
        %dma_start3A_463 = tpu.memref_slice %arg7[%dma_start3A_461, %dma_start3A_462] : memref<100096x4xf32, #tpu.memory_space<vmem_shared>> -> memref<100096x4xf32, #tpu.memory_space<vmem_shared>>
        tpu.enqueue_indirect_dma source(%dma_start3A_457 : memref<128x4xf32, #tpu.memory_space<vmem>>) target(%dma_start3A_463 : memref<100096x4xf32, #tpu.memory_space<vmem_shared>>) offsets(%dma_start3A_460 : memref<128xi32, #tpu.memory_space<vmem>>) semaphore(%run_scoped3A_453 : memref<!tpu.dma_semaphore, #tpu.memory_space<semaphore_mem>>) {add = true}
        %dma_wait3A_464 = arith.constant 0 : i32
        %dma_wait3A_465 = arith.constant 0 : i32
        %dma_wait3A_466 = tpu.memref_slice %arg10[%run_scoped3A_435, %dma_wait3A_464, %dma_wait3A_465] : memref<17x128x4xf32, #tpu.memory_space<vmem>> -> memref<1x128x4xf32, #tpu.memory_space<vmem>>
        %dma_wait3A_467 = tpu.memref_squeeze %dma_wait3A_466 : memref<1x128x4xf32, #tpu.memory_space<vmem>> -> memref<128x4xf32, #tpu.memory_space<vmem>>
        %dma_wait3A_468 = arith.constant 0 : i32
        %dma_wait3A_469 = tpu.memref_slice %arg9[%run_scoped3A_436, %dma_wait3A_468] : memref<17x128xi32, #tpu.memory_space<vmem>> -> memref<1x128xi32, #tpu.memory_space<vmem>>
        %dma_wait3A_470 = tpu.memref_squeeze %dma_wait3A_469 : memref<1x128xi32, #tpu.memory_space<vmem>> -> memref<128xi32, #tpu.memory_space<vmem>>
        %dma_wait3A_471 = arith.constant 0 : i32
        %dma_wait3A_472 = arith.constant 0 : i32
        %dma_wait3A_473 = tpu.memref_slice %arg7[%dma_wait3A_471, %dma_wait3A_472] : memref<100096x4xf32, #tpu.memory_space<vmem_shared>> -> memref<100096x4xf32, #tpu.memory_space<vmem_shared>>
        tpu.wait_indirect_dma semaphore(%run_scoped3A_453 : memref<!tpu.dma_semaphore, #tpu.memory_space<semaphore_mem>>) src(%dma_wait3A_467 : memref<128x4xf32, #tpu.memory_space<vmem>>) dst(%dma_wait3A_473 : memref<100096x4xf32, #tpu.memory_space<vmem_shared>>)
        tpu.yield
      }) : () -> ()
      %run_scoped3A_437 = arith.constant 9 : i32
      %run_scoped3A_438 = arith.constant 9 : i32
      "tpu.region"() ({
        %run_scoped3A_453 = tpu.sem_alloc : memref<!tpu.dma_semaphore, #tpu.memory_space<semaphore_mem>>
        %dma_start3A_454 = arith.constant 0 : i32
        %dma_start3A_455 = arith.constant 0 : i32
        %dma_start3A_456 = tpu.memref_slice %arg10[%run_scoped3A_437, %dma_start3A_454, %dma_start3A_455] : memref<17x128x4xf32, #tpu.memory_space<vmem>> -> memref<1x128x4xf32, #tpu.memory_space<vmem>>
        %dma_start3A_457 = tpu.memref_squeeze %dma_start3A_456 : memref<1x128x4xf32, #tpu.memory_space<vmem>> -> memref<128x4xf32, #tpu.memory_space<vmem>>
        %dma_start3A_458 = arith.constant 0 : i32
        %dma_start3A_459 = tpu.memref_slice %arg9[%run_scoped3A_438, %dma_start3A_458] : memref<17x128xi32, #tpu.memory_space<vmem>> -> memref<1x128xi32, #tpu.memory_space<vmem>>
        %dma_start3A_460 = tpu.memref_squeeze %dma_start3A_459 : memref<1x128xi32, #tpu.memory_space<vmem>> -> memref<128xi32, #tpu.memory_space<vmem>>
        %dma_start3A_461 = arith.constant 0 : i32
        %dma_start3A_462 = arith.constant 0 : i32
        %dma_start3A_463 = tpu.memref_slice %arg7[%dma_start3A_461, %dma_start3A_462] : memref<100096x4xf32, #tpu.memory_space<vmem_shared>> -> memref<100096x4xf32, #tpu.memory_space<vmem_shared>>
        tpu.enqueue_indirect_dma source(%dma_start3A_457 : memref<128x4xf32, #tpu.memory_space<vmem>>) target(%dma_start3A_463 : memref<100096x4xf32, #tpu.memory_space<vmem_shared>>) offsets(%dma_start3A_460 : memref<128xi32, #tpu.memory_space<vmem>>) semaphore(%run_scoped3A_453 : memref<!tpu.dma_semaphore, #tpu.memory_space<semaphore_mem>>) {add = true}
        %dma_wait3A_464 = arith.constant 0 : i32
        %dma_wait3A_465 = arith.constant 0 : i32
        %dma_wait3A_466 = tpu.memref_slice %arg10[%run_scoped3A_437, %dma_wait3A_464, %dma_wait3A_465] : memref<17x128x4xf32, #tpu.memory_space<vmem>> -> memref<1x128x4xf32, #tpu.memory_space<vmem>>
        %dma_wait3A_467 = tpu.memref_squeeze %dma_wait3A_466 : memref<1x128x4xf32, #tpu.memory_space<vmem>> -> memref<128x4xf32, #tpu.memory_space<vmem>>
        %dma_wait3A_468 = arith.constant 0 : i32
        %dma_wait3A_469 = tpu.memref_slice %arg9[%run_scoped3A_438, %dma_wait3A_468] : memref<17x128xi32, #tpu.memory_space<vmem>> -> memref<1x128xi32, #tpu.memory_space<vmem>>
        %dma_wait3A_470 = tpu.memref_squeeze %dma_wait3A_469 : memref<1x128xi32, #tpu.memory_space<vmem>> -> memref<128xi32, #tpu.memory_space<vmem>>
        %dma_wait3A_471 = arith.constant 0 : i32
        %dma_wait3A_472 = arith.constant 0 : i32
        %dma_wait3A_473 = tpu.memref_slice %arg7[%dma_wait3A_471, %dma_wait3A_472] : memref<100096x4xf32, #tpu.memory_space<vmem_shared>> -> memref<100096x4xf32, #tpu.memory_space<vmem_shared>>
        tpu.wait_indirect_dma semaphore(%run_scoped3A_453 : memref<!tpu.dma_semaphore, #tpu.memory_space<semaphore_mem>>) src(%dma_wait3A_467 : memref<128x4xf32, #tpu.memory_space<vmem>>) dst(%dma_wait3A_473 : memref<100096x4xf32, #tpu.memory_space<vmem_shared>>)
        tpu.yield
      }) : () -> ()
      %run_scoped3A_439 = arith.constant 10 : i32
      %run_scoped3A_440 = arith.constant 10 : i32
      "tpu.region"() ({
        %run_scoped3A_453 = tpu.sem_alloc : memref<!tpu.dma_semaphore, #tpu.memory_space<semaphore_mem>>
        %dma_start3A_454 = arith.constant 0 : i32
        %dma_start3A_455 = arith.constant 0 : i32
        %dma_start3A_456 = tpu.memref_slice %arg10[%run_scoped3A_439, %dma_start3A_454, %dma_start3A_455] : memref<17x128x4xf32, #tpu.memory_space<vmem>> -> memref<1x128x4xf32, #tpu.memory_space<vmem>>
        %dma_start3A_457 = tpu.memref_squeeze %dma_start3A_456 : memref<1x128x4xf32, #tpu.memory_space<vmem>> -> memref<128x4xf32, #tpu.memory_space<vmem>>
        %dma_start3A_458 = arith.constant 0 : i32
        %dma_start3A_459 = tpu.memref_slice %arg9[%run_scoped3A_440, %dma_start3A_458] : memref<17x128xi32, #tpu.memory_space<vmem>> -> memref<1x128xi32, #tpu.memory_space<vmem>>
        %dma_start3A_460 = tpu.memref_squeeze %dma_start3A_459 : memref<1x128xi32, #tpu.memory_space<vmem>> -> memref<128xi32, #tpu.memory_space<vmem>>
        %dma_start3A_461 = arith.constant 0 : i32
        %dma_start3A_462 = arith.constant 0 : i32
        %dma_start3A_463 = tpu.memref_slice %arg7[%dma_start3A_461, %dma_start3A_462] : memref<100096x4xf32, #tpu.memory_space<vmem_shared>> -> memref<100096x4xf32, #tpu.memory_space<vmem_shared>>
        tpu.enqueue_indirect_dma source(%dma_start3A_457 : memref<128x4xf32, #tpu.memory_space<vmem>>) target(%dma_start3A_463 : memref<100096x4xf32, #tpu.memory_space<vmem_shared>>) offsets(%dma_start3A_460 : memref<128xi32, #tpu.memory_space<vmem>>) semaphore(%run_scoped3A_453 : memref<!tpu.dma_semaphore, #tpu.memory_space<semaphore_mem>>) {add = true}
        %dma_wait3A_464 = arith.constant 0 : i32
        %dma_wait3A_465 = arith.constant 0 : i32
        %dma_wait3A_466 = tpu.memref_slice %arg10[%run_scoped3A_439, %dma_wait3A_464, %dma_wait3A_465] : memref<17x128x4xf32, #tpu.memory_space<vmem>> -> memref<1x128x4xf32, #tpu.memory_space<vmem>>
        %dma_wait3A_467 = tpu.memref_squeeze %dma_wait3A_466 : memref<1x128x4xf32, #tpu.memory_space<vmem>> -> memref<128x4xf32, #tpu.memory_space<vmem>>
        %dma_wait3A_468 = arith.constant 0 : i32
        %dma_wait3A_469 = tpu.memref_slice %arg9[%run_scoped3A_440, %dma_wait3A_468] : memref<17x128xi32, #tpu.memory_space<vmem>> -> memref<1x128xi32, #tpu.memory_space<vmem>>
        %dma_wait3A_470 = tpu.memref_squeeze %dma_wait3A_469 : memref<1x128xi32, #tpu.memory_space<vmem>> -> memref<128xi32, #tpu.memory_space<vmem>>
        %dma_wait3A_471 = arith.constant 0 : i32
        %dma_wait3A_472 = arith.constant 0 : i32
        %dma_wait3A_473 = tpu.memref_slice %arg7[%dma_wait3A_471, %dma_wait3A_472] : memref<100096x4xf32, #tpu.memory_space<vmem_shared>> -> memref<100096x4xf32, #tpu.memory_space<vmem_shared>>
        tpu.wait_indirect_dma semaphore(%run_scoped3A_453 : memref<!tpu.dma_semaphore, #tpu.memory_space<semaphore_mem>>) src(%dma_wait3A_467 : memref<128x4xf32, #tpu.memory_space<vmem>>) dst(%dma_wait3A_473 : memref<100096x4xf32, #tpu.memory_space<vmem_shared>>)
        tpu.yield
      }) : () -> ()
      %run_scoped3A_441 = arith.constant 11 : i32
      %run_scoped3A_442 = arith.constant 11 : i32
      "tpu.region"() ({
        %run_scoped3A_453 = tpu.sem_alloc : memref<!tpu.dma_semaphore, #tpu.memory_space<semaphore_mem>>
        %dma_start3A_454 = arith.constant 0 : i32
        %dma_start3A_455 = arith.constant 0 : i32
        %dma_start3A_456 = tpu.memref_slice %arg10[%run_scoped3A_441, %dma_start3A_454, %dma_start3A_455] : memref<17x128x4xf32, #tpu.memory_space<vmem>> -> memref<1x128x4xf32, #tpu.memory_space<vmem>>
        %dma_start3A_457 = tpu.memref_squeeze %dma_start3A_456 : memref<1x128x4xf32, #tpu.memory_space<vmem>> -> memref<128x4xf32, #tpu.memory_space<vmem>>
        %dma_start3A_458 = arith.constant 0 : i32
        %dma_start3A_459 = tpu.memref_slice %arg9[%run_scoped3A_442, %dma_start3A_458] : memref<17x128xi32, #tpu.memory_space<vmem>> -> memref<1x128xi32, #tpu.memory_space<vmem>>
        %dma_start3A_460 = tpu.memref_squeeze %dma_start3A_459 : memref<1x128xi32, #tpu.memory_space<vmem>> -> memref<128xi32, #tpu.memory_space<vmem>>
        %dma_start3A_461 = arith.constant 0 : i32
        %dma_start3A_462 = arith.constant 0 : i32
        %dma_start3A_463 = tpu.memref_slice %arg7[%dma_start3A_461, %dma_start3A_462] : memref<100096x4xf32, #tpu.memory_space<vmem_shared>> -> memref<100096x4xf32, #tpu.memory_space<vmem_shared>>
        tpu.enqueue_indirect_dma source(%dma_start3A_457 : memref<128x4xf32, #tpu.memory_space<vmem>>) target(%dma_start3A_463 : memref<100096x4xf32, #tpu.memory_space<vmem_shared>>) offsets(%dma_start3A_460 : memref<128xi32, #tpu.memory_space<vmem>>) semaphore(%run_scoped3A_453 : memref<!tpu.dma_semaphore, #tpu.memory_space<semaphore_mem>>) {add = true}
        %dma_wait3A_464 = arith.constant 0 : i32
        %dma_wait3A_465 = arith.constant 0 : i32
        %dma_wait3A_466 = tpu.memref_slice %arg10[%run_scoped3A_441, %dma_wait3A_464, %dma_wait3A_465] : memref<17x128x4xf32, #tpu.memory_space<vmem>> -> memref<1x128x4xf32, #tpu.memory_space<vmem>>
        %dma_wait3A_467 = tpu.memref_squeeze %dma_wait3A_466 : memref<1x128x4xf32, #tpu.memory_space<vmem>> -> memref<128x4xf32, #tpu.memory_space<vmem>>
        %dma_wait3A_468 = arith.constant 0 : i32
        %dma_wait3A_469 = tpu.memref_slice %arg9[%run_scoped3A_442, %dma_wait3A_468] : memref<17x128xi32, #tpu.memory_space<vmem>> -> memref<1x128xi32, #tpu.memory_space<vmem>>
        %dma_wait3A_470 = tpu.memref_squeeze %dma_wait3A_469 : memref<1x128xi32, #tpu.memory_space<vmem>> -> memref<128xi32, #tpu.memory_space<vmem>>
        %dma_wait3A_471 = arith.constant 0 : i32
        %dma_wait3A_472 = arith.constant 0 : i32
        %dma_wait3A_473 = tpu.memref_slice %arg7[%dma_wait3A_471, %dma_wait3A_472] : memref<100096x4xf32, #tpu.memory_space<vmem_shared>> -> memref<100096x4xf32, #tpu.memory_space<vmem_shared>>
        tpu.wait_indirect_dma semaphore(%run_scoped3A_453 : memref<!tpu.dma_semaphore, #tpu.memory_space<semaphore_mem>>) src(%dma_wait3A_467 : memref<128x4xf32, #tpu.memory_space<vmem>>) dst(%dma_wait3A_473 : memref<100096x4xf32, #tpu.memory_space<vmem_shared>>)
        tpu.yield
      }) : () -> ()
      %run_scoped3A_443 = arith.constant 12 : i32
      %run_scoped3A_444 = arith.constant 12 : i32
      "tpu.region"() ({
        %run_scoped3A_453 = tpu.sem_alloc : memref<!tpu.dma_semaphore, #tpu.memory_space<semaphore_mem>>
        %dma_start3A_454 = arith.constant 0 : i32
        %dma_start3A_455 = arith.constant 0 : i32
        %dma_start3A_456 = tpu.memref_slice %arg10[%run_scoped3A_443, %dma_start3A_454, %dma_start3A_455] : memref<17x128x4xf32, #tpu.memory_space<vmem>> -> memref<1x128x4xf32, #tpu.memory_space<vmem>>
        %dma_start3A_457 = tpu.memref_squeeze %dma_start3A_456 : memref<1x128x4xf32, #tpu.memory_space<vmem>> -> memref<128x4xf32, #tpu.memory_space<vmem>>
        %dma_start3A_458 = arith.constant 0 : i32
        %dma_start3A_459 = tpu.memref_slice %arg9[%run_scoped3A_444, %dma_start3A_458] : memref<17x128xi32, #tpu.memory_space<vmem>> -> memref<1x128xi32, #tpu.memory_space<vmem>>
        %dma_start3A_460 = tpu.memref_squeeze %dma_start3A_459 : memref<1x128xi32, #tpu.memory_space<vmem>> -> memref<128xi32, #tpu.memory_space<vmem>>
        %dma_start3A_461 = arith.constant 0 : i32
        %dma_start3A_462 = arith.constant 0 : i32
        %dma_start3A_463 = tpu.memref_slice %arg7[%dma_start3A_461, %dma_start3A_462] : memref<100096x4xf32, #tpu.memory_space<vmem_shared>> -> memref<100096x4xf32, #tpu.memory_space<vmem_shared>>
        tpu.enqueue_indirect_dma source(%dma_start3A_457 : memref<128x4xf32, #tpu.memory_space<vmem>>) target(%dma_start3A_463 : memref<100096x4xf32, #tpu.memory_space<vmem_shared>>) offsets(%dma_start3A_460 : memref<128xi32, #tpu.memory_space<vmem>>) semaphore(%run_scoped3A_453 : memref<!tpu.dma_semaphore, #tpu.memory_space<semaphore_mem>>) {add = true}
        %dma_wait3A_464 = arith.constant 0 : i32
        %dma_wait3A_465 = arith.constant 0 : i32
        %dma_wait3A_466 = tpu.memref_slice %arg10[%run_scoped3A_443, %dma_wait3A_464, %dma_wait3A_465] : memref<17x128x4xf32, #tpu.memory_space<vmem>> -> memref<1x128x4xf32, #tpu.memory_space<vmem>>
        %dma_wait3A_467 = tpu.memref_squeeze %dma_wait3A_466 : memref<1x128x4xf32, #tpu.memory_space<vmem>> -> memref<128x4xf32, #tpu.memory_space<vmem>>
        %dma_wait3A_468 = arith.constant 0 : i32
        %dma_wait3A_469 = tpu.memref_slice %arg9[%run_scoped3A_444, %dma_wait3A_468] : memref<17x128xi32, #tpu.memory_space<vmem>> -> memref<1x128xi32, #tpu.memory_space<vmem>>
        %dma_wait3A_470 = tpu.memref_squeeze %dma_wait3A_469 : memref<1x128xi32, #tpu.memory_space<vmem>> -> memref<128xi32, #tpu.memory_space<vmem>>
        %dma_wait3A_471 = arith.constant 0 : i32
        %dma_wait3A_472 = arith.constant 0 : i32
        %dma_wait3A_473 = tpu.memref_slice %arg7[%dma_wait3A_471, %dma_wait3A_472] : memref<100096x4xf32, #tpu.memory_space<vmem_shared>> -> memref<100096x4xf32, #tpu.memory_space<vmem_shared>>
        tpu.wait_indirect_dma semaphore(%run_scoped3A_453 : memref<!tpu.dma_semaphore, #tpu.memory_space<semaphore_mem>>) src(%dma_wait3A_467 : memref<128x4xf32, #tpu.memory_space<vmem>>) dst(%dma_wait3A_473 : memref<100096x4xf32, #tpu.memory_space<vmem_shared>>)
        tpu.yield
      }) : () -> ()
      %run_scoped3A_445 = arith.constant 13 : i32
      %run_scoped3A_446 = arith.constant 13 : i32
      "tpu.region"() ({
        %run_scoped3A_453 = tpu.sem_alloc : memref<!tpu.dma_semaphore, #tpu.memory_space<semaphore_mem>>
        %dma_start3A_454 = arith.constant 0 : i32
        %dma_start3A_455 = arith.constant 0 : i32
        %dma_start3A_456 = tpu.memref_slice %arg10[%run_scoped3A_445, %dma_start3A_454, %dma_start3A_455] : memref<17x128x4xf32, #tpu.memory_space<vmem>> -> memref<1x128x4xf32, #tpu.memory_space<vmem>>
        %dma_start3A_457 = tpu.memref_squeeze %dma_start3A_456 : memref<1x128x4xf32, #tpu.memory_space<vmem>> -> memref<128x4xf32, #tpu.memory_space<vmem>>
        %dma_start3A_458 = arith.constant 0 : i32
        %dma_start3A_459 = tpu.memref_slice %arg9[%run_scoped3A_446, %dma_start3A_458] : memref<17x128xi32, #tpu.memory_space<vmem>> -> memref<1x128xi32, #tpu.memory_space<vmem>>
        %dma_start3A_460 = tpu.memref_squeeze %dma_start3A_459 : memref<1x128xi32, #tpu.memory_space<vmem>> -> memref<128xi32, #tpu.memory_space<vmem>>
        %dma_start3A_461 = arith.constant 0 : i32
        %dma_start3A_462 = arith.constant 0 : i32
        %dma_start3A_463 = tpu.memref_slice %arg7[%dma_start3A_461, %dma_start3A_462] : memref<100096x4xf32, #tpu.memory_space<vmem_shared>> -> memref<100096x4xf32, #tpu.memory_space<vmem_shared>>
        tpu.enqueue_indirect_dma source(%dma_start3A_457 : memref<128x4xf32, #tpu.memory_space<vmem>>) target(%dma_start3A_463 : memref<100096x4xf32, #tpu.memory_space<vmem_shared>>) offsets(%dma_start3A_460 : memref<128xi32, #tpu.memory_space<vmem>>) semaphore(%run_scoped3A_453 : memref<!tpu.dma_semaphore, #tpu.memory_space<semaphore_mem>>) {add = true}
        %dma_wait3A_464 = arith.constant 0 : i32
        %dma_wait3A_465 = arith.constant 0 : i32
        %dma_wait3A_466 = tpu.memref_slice %arg10[%run_scoped3A_445, %dma_wait3A_464, %dma_wait3A_465] : memref<17x128x4xf32, #tpu.memory_space<vmem>> -> memref<1x128x4xf32, #tpu.memory_space<vmem>>
        %dma_wait3A_467 = tpu.memref_squeeze %dma_wait3A_466 : memref<1x128x4xf32, #tpu.memory_space<vmem>> -> memref<128x4xf32, #tpu.memory_space<vmem>>
        %dma_wait3A_468 = arith.constant 0 : i32
        %dma_wait3A_469 = tpu.memref_slice %arg9[%run_scoped3A_446, %dma_wait3A_468] : memref<17x128xi32, #tpu.memory_space<vmem>> -> memref<1x128xi32, #tpu.memory_space<vmem>>
        %dma_wait3A_470 = tpu.memref_squeeze %dma_wait3A_469 : memref<1x128xi32, #tpu.memory_space<vmem>> -> memref<128xi32, #tpu.memory_space<vmem>>
        %dma_wait3A_471 = arith.constant 0 : i32
        %dma_wait3A_472 = arith.constant 0 : i32
        %dma_wait3A_473 = tpu.memref_slice %arg7[%dma_wait3A_471, %dma_wait3A_472] : memref<100096x4xf32, #tpu.memory_space<vmem_shared>> -> memref<100096x4xf32, #tpu.memory_space<vmem_shared>>
        tpu.wait_indirect_dma semaphore(%run_scoped3A_453 : memref<!tpu.dma_semaphore, #tpu.memory_space<semaphore_mem>>) src(%dma_wait3A_467 : memref<128x4xf32, #tpu.memory_space<vmem>>) dst(%dma_wait3A_473 : memref<100096x4xf32, #tpu.memory_space<vmem_shared>>)
        tpu.yield
      }) : () -> ()
      %run_scoped3A_447 = arith.constant 14 : i32
      %run_scoped3A_448 = arith.constant 14 : i32
      "tpu.region"() ({
        %run_scoped3A_453 = tpu.sem_alloc : memref<!tpu.dma_semaphore, #tpu.memory_space<semaphore_mem>>
        %dma_start3A_454 = arith.constant 0 : i32
        %dma_start3A_455 = arith.constant 0 : i32
        %dma_start3A_456 = tpu.memref_slice %arg10[%run_scoped3A_447, %dma_start3A_454, %dma_start3A_455] : memref<17x128x4xf32, #tpu.memory_space<vmem>> -> memref<1x128x4xf32, #tpu.memory_space<vmem>>
        %dma_start3A_457 = tpu.memref_squeeze %dma_start3A_456 : memref<1x128x4xf32, #tpu.memory_space<vmem>> -> memref<128x4xf32, #tpu.memory_space<vmem>>
        %dma_start3A_458 = arith.constant 0 : i32
        %dma_start3A_459 = tpu.memref_slice %arg9[%run_scoped3A_448, %dma_start3A_458] : memref<17x128xi32, #tpu.memory_space<vmem>> -> memref<1x128xi32, #tpu.memory_space<vmem>>
        %dma_start3A_460 = tpu.memref_squeeze %dma_start3A_459 : memref<1x128xi32, #tpu.memory_space<vmem>> -> memref<128xi32, #tpu.memory_space<vmem>>
        %dma_start3A_461 = arith.constant 0 : i32
        %dma_start3A_462 = arith.constant 0 : i32
        %dma_start3A_463 = tpu.memref_slice %arg7[%dma_start3A_461, %dma_start3A_462] : memref<100096x4xf32, #tpu.memory_space<vmem_shared>> -> memref<100096x4xf32, #tpu.memory_space<vmem_shared>>
        tpu.enqueue_indirect_dma source(%dma_start3A_457 : memref<128x4xf32, #tpu.memory_space<vmem>>) target(%dma_start3A_463 : memref<100096x4xf32, #tpu.memory_space<vmem_shared>>) offsets(%dma_start3A_460 : memref<128xi32, #tpu.memory_space<vmem>>) semaphore(%run_scoped3A_453 : memref<!tpu.dma_semaphore, #tpu.memory_space<semaphore_mem>>) {add = true}
        %dma_wait3A_464 = arith.constant 0 : i32
        %dma_wait3A_465 = arith.constant 0 : i32
        %dma_wait3A_466 = tpu.memref_slice %arg10[%run_scoped3A_447, %dma_wait3A_464, %dma_wait3A_465] : memref<17x128x4xf32, #tpu.memory_space<vmem>> -> memref<1x128x4xf32, #tpu.memory_space<vmem>>
        %dma_wait3A_467 = tpu.memref_squeeze %dma_wait3A_466 : memref<1x128x4xf32, #tpu.memory_space<vmem>> -> memref<128x4xf32, #tpu.memory_space<vmem>>
        %dma_wait3A_468 = arith.constant 0 : i32
        %dma_wait3A_469 = tpu.memref_slice %arg9[%run_scoped3A_448, %dma_wait3A_468] : memref<17x128xi32, #tpu.memory_space<vmem>> -> memref<1x128xi32, #tpu.memory_space<vmem>>
        %dma_wait3A_470 = tpu.memref_squeeze %dma_wait3A_469 : memref<1x128xi32, #tpu.memory_space<vmem>> -> memref<128xi32, #tpu.memory_space<vmem>>
        %dma_wait3A_471 = arith.constant 0 : i32
        %dma_wait3A_472 = arith.constant 0 : i32
        %dma_wait3A_473 = tpu.memref_slice %arg7[%dma_wait3A_471, %dma_wait3A_472] : memref<100096x4xf32, #tpu.memory_space<vmem_shared>> -> memref<100096x4xf32, #tpu.memory_space<vmem_shared>>
        tpu.wait_indirect_dma semaphore(%run_scoped3A_453 : memref<!tpu.dma_semaphore, #tpu.memory_space<semaphore_mem>>) src(%dma_wait3A_467 : memref<128x4xf32, #tpu.memory_space<vmem>>) dst(%dma_wait3A_473 : memref<100096x4xf32, #tpu.memory_space<vmem_shared>>)
        tpu.yield
      }) : () -> ()
      %run_scoped3A_449 = arith.constant 15 : i32
      %run_scoped3A_450 = arith.constant 15 : i32
      "tpu.region"() ({
        %run_scoped3A_453 = tpu.sem_alloc : memref<!tpu.dma_semaphore, #tpu.memory_space<semaphore_mem>>
        %dma_start3A_454 = arith.constant 0 : i32
        %dma_start3A_455 = arith.constant 0 : i32
        %dma_start3A_456 = tpu.memref_slice %arg10[%run_scoped3A_449, %dma_start3A_454, %dma_start3A_455] : memref<17x128x4xf32, #tpu.memory_space<vmem>> -> memref<1x128x4xf32, #tpu.memory_space<vmem>>
        %dma_start3A_457 = tpu.memref_squeeze %dma_start3A_456 : memref<1x128x4xf32, #tpu.memory_space<vmem>> -> memref<128x4xf32, #tpu.memory_space<vmem>>
        %dma_start3A_458 = arith.constant 0 : i32
        %dma_start3A_459 = tpu.memref_slice %arg9[%run_scoped3A_450, %dma_start3A_458] : memref<17x128xi32, #tpu.memory_space<vmem>> -> memref<1x128xi32, #tpu.memory_space<vmem>>
        %dma_start3A_460 = tpu.memref_squeeze %dma_start3A_459 : memref<1x128xi32, #tpu.memory_space<vmem>> -> memref<128xi32, #tpu.memory_space<vmem>>
        %dma_start3A_461 = arith.constant 0 : i32
        %dma_start3A_462 = arith.constant 0 : i32
        %dma_start3A_463 = tpu.memref_slice %arg7[%dma_start3A_461, %dma_start3A_462] : memref<100096x4xf32, #tpu.memory_space<vmem_shared>> -> memref<100096x4xf32, #tpu.memory_space<vmem_shared>>
        tpu.enqueue_indirect_dma source(%dma_start3A_457 : memref<128x4xf32, #tpu.memory_space<vmem>>) target(%dma_start3A_463 : memref<100096x4xf32, #tpu.memory_space<vmem_shared>>) offsets(%dma_start3A_460 : memref<128xi32, #tpu.memory_space<vmem>>) semaphore(%run_scoped3A_453 : memref<!tpu.dma_semaphore, #tpu.memory_space<semaphore_mem>>) {add = true}
        %dma_wait3A_464 = arith.constant 0 : i32
        %dma_wait3A_465 = arith.constant 0 : i32
        %dma_wait3A_466 = tpu.memref_slice %arg10[%run_scoped3A_449, %dma_wait3A_464, %dma_wait3A_465] : memref<17x128x4xf32, #tpu.memory_space<vmem>> -> memref<1x128x4xf32, #tpu.memory_space<vmem>>
        %dma_wait3A_467 = tpu.memref_squeeze %dma_wait3A_466 : memref<1x128x4xf32, #tpu.memory_space<vmem>> -> memref<128x4xf32, #tpu.memory_space<vmem>>
        %dma_wait3A_468 = arith.constant 0 : i32
        %dma_wait3A_469 = tpu.memref_slice %arg9[%run_scoped3A_450, %dma_wait3A_468] : memref<17x128xi32, #tpu.memory_space<vmem>> -> memref<1x128xi32, #tpu.memory_space<vmem>>
        %dma_wait3A_470 = tpu.memref_squeeze %dma_wait3A_469 : memref<1x128xi32, #tpu.memory_space<vmem>> -> memref<128xi32, #tpu.memory_space<vmem>>
        %dma_wait3A_471 = arith.constant 0 : i32
        %dma_wait3A_472 = arith.constant 0 : i32
        %dma_wait3A_473 = tpu.memref_slice %arg7[%dma_wait3A_471, %dma_wait3A_472] : memref<100096x4xf32, #tpu.memory_space<vmem_shared>> -> memref<100096x4xf32, #tpu.memory_space<vmem_shared>>
        tpu.wait_indirect_dma semaphore(%run_scoped3A_453 : memref<!tpu.dma_semaphore, #tpu.memory_space<semaphore_mem>>) src(%dma_wait3A_467 : memref<128x4xf32, #tpu.memory_space<vmem>>) dst(%dma_wait3A_473 : memref<100096x4xf32, #tpu.memory_space<vmem_shared>>)
        tpu.yield
      }) : () -> ()
      %run_scoped3A_451 = arith.constant 16 : i32
      %run_scoped3A_452 = arith.constant 16 : i32
      "tpu.region"() ({
        %run_scoped3A_453 = tpu.sem_alloc : memref<!tpu.dma_semaphore, #tpu.memory_space<semaphore_mem>>
        %dma_start3A_454 = arith.constant 0 : i32
        %dma_start3A_455 = arith.constant 0 : i32
        %dma_start3A_456 = tpu.memref_slice %arg10[%run_scoped3A_451, %dma_start3A_454, %dma_start3A_455] : memref<17x128x4xf32, #tpu.memory_space<vmem>> -> memref<1x128x4xf32, #tpu.memory_space<vmem>>
        %dma_start3A_457 = tpu.memref_squeeze %dma_start3A_456 : memref<1x128x4xf32, #tpu.memory_space<vmem>> -> memref<128x4xf32, #tpu.memory_space<vmem>>
        %dma_start3A_458 = arith.constant 0 : i32
        %dma_start3A_459 = tpu.memref_slice %arg9[%run_scoped3A_452, %dma_start3A_458] : memref<17x128xi32, #tpu.memory_space<vmem>> -> memref<1x128xi32, #tpu.memory_space<vmem>>
        %dma_start3A_460 = tpu.memref_squeeze %dma_start3A_459 : memref<1x128xi32, #tpu.memory_space<vmem>> -> memref<128xi32, #tpu.memory_space<vmem>>
        %dma_start3A_461 = arith.constant 0 : i32
        %dma_start3A_462 = arith.constant 0 : i32
        %dma_start3A_463 = tpu.memref_slice %arg7[%dma_start3A_461, %dma_start3A_462] : memref<100096x4xf32, #tpu.memory_space<vmem_shared>> -> memref<100096x4xf32, #tpu.memory_space<vmem_shared>>
        tpu.enqueue_indirect_dma source(%dma_start3A_457 : memref<128x4xf32, #tpu.memory_space<vmem>>) target(%dma_start3A_463 : memref<100096x4xf32, #tpu.memory_space<vmem_shared>>) offsets(%dma_start3A_460 : memref<128xi32, #tpu.memory_space<vmem>>) semaphore(%run_scoped3A_453 : memref<!tpu.dma_semaphore, #tpu.memory_space<semaphore_mem>>) {add = true}
        %dma_wait3A_464 = arith.constant 0 : i32
        %dma_wait3A_465 = arith.constant 0 : i32
        %dma_wait3A_466 = tpu.memref_slice %arg10[%run_scoped3A_451, %dma_wait3A_464, %dma_wait3A_465] : memref<17x128x4xf32, #tpu.memory_space<vmem>> -> memref<1x128x4xf32, #tpu.memory_space<vmem>>
        %dma_wait3A_467 = tpu.memref_squeeze %dma_wait3A_466 : memref<1x128x4xf32, #tpu.memory_space<vmem>> -> memref<128x4xf32, #tpu.memory_space<vmem>>
        %dma_wait3A_468 = arith.constant 0 : i32
        %dma_wait3A_469 = tpu.memref_slice %arg9[%run_scoped3A_452, %dma_wait3A_468] : memref<17x128xi32, #tpu.memory_space<vmem>> -> memref<1x128xi32, #tpu.memory_space<vmem>>
        %dma_wait3A_470 = tpu.memref_squeeze %dma_wait3A_469 : memref<1x128xi32, #tpu.memory_space<vmem>> -> memref<128xi32, #tpu.memory_space<vmem>>
        %dma_wait3A_471 = arith.constant 0 : i32
        %dma_wait3A_472 = arith.constant 0 : i32
        %dma_wait3A_473 = tpu.memref_slice %arg7[%dma_wait3A_471, %dma_wait3A_472] : memref<100096x4xf32, #tpu.memory_space<vmem_shared>> -> memref<100096x4xf32, #tpu.memory_space<vmem_shared>>
        tpu.wait_indirect_dma semaphore(%run_scoped3A_453 : memref<!tpu.dma_semaphore, #tpu.memory_space<semaphore_mem>>) src(%dma_wait3A_467 : memref<128x4xf32, #tpu.memory_space<vmem>>) dst(%dma_wait3A_473 : memref<100096x4xf32, #tpu.memory_space<vmem_shared>>)
        tpu.yield
      }) : () -> ()
    }
    %scan3A_9 = arith.constant 23 : i32
    %barrier3A_10 = arith.constant 0 : index
    tpu.barrier barrier_id(%barrier3A_10)
    "tpu.region"() ({
      %run_scoped3A = tpu.sem_alloc : memref<!tpu.dma_semaphore, #tpu.memory_space<semaphore_mem>>
      %dma_start3A = arith.constant 0 : i32
      %dma_start3A_11 = tpu.memref_slice %arg6[%arg0, %mul3A_2, %dma_start3A] : memref<2x100096x4xf32, #tpu.memory_space<hbm>> -> memref<1x6256x4xf32, #tpu.memory_space<hbm>>
      %dma_start3A_12 = tpu.memref_squeeze %dma_start3A_11 : memref<1x6256x4xf32, #tpu.memory_space<hbm>> -> memref<6256x4xf32, #tpu.memory_space<hbm>>
      %dma_start3A_13 = arith.constant 0 : i32
      %dma_start3A_14 = tpu.memref_slice %arg7[%mul3A_2, %dma_start3A_13] : memref<100096x4xf32, #tpu.memory_space<vmem_shared>> -> memref<6256x4xf32, #tpu.memory_space<vmem_shared>>
      tpu.enqueue_dma source(%dma_start3A_14 : memref<6256x4xf32, #tpu.memory_space<vmem_shared>>) target(%dma_start3A_12 : memref<6256x4xf32, #tpu.memory_space<hbm>>) target_semaphore(%run_scoped3A : memref<!tpu.dma_semaphore, #tpu.memory_space<semaphore_mem>>)
      %dma_wait3A = arith.constant 0 : i32
      %dma_wait3A_15 = tpu.memref_slice %arg6[%arg0, %mul3A_2, %dma_wait3A] : memref<2x100096x4xf32, #tpu.memory_space<hbm>> -> memref<1x6256x4xf32, #tpu.memory_space<hbm>>
      %dma_wait3A_16 = tpu.memref_squeeze %dma_wait3A_15 : memref<1x6256x4xf32, #tpu.memory_space<hbm>> -> memref<6256x4xf32, #tpu.memory_space<hbm>>
      %dma_wait3A_17 = arith.constant 0 : i32
      %dma_wait3A_18 = tpu.memref_slice %arg7[%mul3A_2, %dma_wait3A_17] : memref<100096x4xf32, #tpu.memory_space<vmem_shared>> -> memref<6256x4xf32, #tpu.memory_space<vmem_shared>>
      tpu.wait_dma2 semaphore(%run_scoped3A : memref<!tpu.dma_semaphore, #tpu.memory_space<semaphore_mem>>) src(%dma_wait3A_18 : memref<6256x4xf32, #tpu.memory_space<vmem_shared>>) dst(%dma_wait3A_16 : memref<6256x4xf32, #tpu.memory_space<hbm>>)
      tpu.yield
    }) : () -> ()
    return
  }
}

#map = affine_map<(d0, d1) -> (0, 0, 0)>
#map1 = affine_map<(d0, d1) -> (0, 0)>
module attributes {stable_mosaic.version = 14 : i64} {
  func.func @_deg_body(%arg0: i32, %arg1: i32, %arg2: memref<736x17x128xi32, #tpu.memory_space<hbm>>, %arg3: memref<128x4xf32, #tpu.memory_space<hbm>>, %arg4: memref<100096x4xf32, #tpu.memory_space<hbm>>, %arg5: memref<2x100096x4xf32, #tpu.memory_space<hbm>>, %arg6: memref<100096x4xf32, #tpu.memory_space<vmem_shared>>, %arg7: memref<17x128xi32, #tpu.memory_space<vmem>>, %arg8: memref<128x4xf32, #tpu.memory_space<vmem>>, %arg9: memref<!tpu.dma_semaphore, #tpu.memory_space<semaphore_mem>>) attributes {dimension_semantics = [#tpu.dimension_semantics<core_parallel>, #tpu.dimension_semantics<subcore_parallel>], iteration_bounds = array<i64: 2, 16>, scalar_prefetch = 0 : i64, scratch_operands = 4 : i64, tpu.core_type = #tpu.core_type<sc_vector_subcore>, window_params = [{transform_indices = #map}, {transform_indices = #map1}, {transform_indices = #map1}, {transform_indices = #map}]} {
    %mul3A = arith.constant 16 : i32
    %mul3A_0 = arith.muli %arg0, %mul3A : i32
    %add3A = arith.addi %mul3A_0, %arg1 : i32
    %mul3A_1 = arith.constant 6256 : i32
    %mul3A_2 = arith.muli %arg1, %mul3A_1 : i32
    "tpu.region"() ({
      %run_scoped3A = tpu.sem_alloc : memref<!tpu.dma_semaphore, #tpu.memory_space<semaphore_mem>>
      %dma_start3A = arith.constant 0 : i32
      %dma_start3A_11 = tpu.memref_slice %arg6[%mul3A_2, %dma_start3A] : memref<100096x4xf32, #tpu.memory_space<vmem_shared>> -> memref<6256x4xf32, #tpu.memory_space<vmem_shared>>
      %dma_start3A_12 = arith.constant 0 : i32
      %dma_start3A_13 = tpu.memref_slice %arg4[%mul3A_2, %dma_start3A_12] : memref<100096x4xf32, #tpu.memory_space<hbm>> -> memref<6256x4xf32, #tpu.memory_space<hbm>>
      tpu.enqueue_dma source(%dma_start3A_13 : memref<6256x4xf32, #tpu.memory_space<hbm>>) target(%dma_start3A_11 : memref<6256x4xf32, #tpu.memory_space<vmem_shared>>) target_semaphore(%run_scoped3A : memref<!tpu.dma_semaphore, #tpu.memory_space<semaphore_mem>>)
      %dma_wait3A = arith.constant 0 : i32
      %dma_wait3A_14 = tpu.memref_slice %arg6[%mul3A_2, %dma_wait3A] : memref<100096x4xf32, #tpu.memory_space<vmem_shared>> -> memref<6256x4xf32, #tpu.memory_space<vmem_shared>>
      %dma_wait3A_15 = arith.constant 0 : i32
      %dma_wait3A_16 = tpu.memref_slice %arg4[%mul3A_2, %dma_wait3A_15] : memref<100096x4xf32, #tpu.memory_space<hbm>> -> memref<6256x4xf32, #tpu.memory_space<hbm>>
      tpu.wait_dma2 semaphore(%run_scoped3A : memref<!tpu.dma_semaphore, #tpu.memory_space<semaphore_mem>>) src(%dma_wait3A_16 : memref<6256x4xf32, #tpu.memory_space<hbm>>) dst(%dma_wait3A_14 : memref<6256x4xf32, #tpu.memory_space<vmem_shared>>)
      tpu.yield
    }) : () -> ()
    "tpu.region"() ({
      %run_scoped3A = tpu.sem_alloc : memref<!tpu.dma_semaphore, #tpu.memory_space<semaphore_mem>>
      tpu.enqueue_dma source(%arg3 : memref<128x4xf32, #tpu.memory_space<hbm>>) target(%arg8 : memref<128x4xf32, #tpu.memory_space<vmem>>) target_semaphore(%run_scoped3A : memref<!tpu.dma_semaphore, #tpu.memory_space<semaphore_mem>>)
      tpu.wait_dma2 semaphore(%run_scoped3A : memref<!tpu.dma_semaphore, #tpu.memory_space<semaphore_mem>>) src(%arg3 : memref<128x4xf32, #tpu.memory_space<hbm>>) dst(%arg8 : memref<128x4xf32, #tpu.memory_space<vmem>>)
      tpu.yield
    }) : () -> ()
    %barrier3A = arith.constant 0 : index
    tpu.barrier barrier_id(%barrier3A)
    %mul3A_3 = arith.constant 23 : i32
    %mul3A_4 = arith.muli %add3A, %mul3A_3 : i32
    %scan3A = arith.constant 0 : i32
    %scan3A_5 = arith.constant 0 : i32
    %scan3A_6 = arith.constant 23 : i32
    %scan3A_7 = arith.addi %scan3A_5, %scan3A_6 : i32
    %scan3A_8 = arith.constant 1 : i32
    scf.for %scan3A_11 = %scan3A_5 to %scan3A_7 step %scan3A_8  : i32 {
      %add3A_12 = arith.addi %mul3A_4, %scan3A_11 : i32
      "tpu.region"() ({
        %run_scoped3A_29 = tpu.sem_alloc : memref<!tpu.dma_semaphore, #tpu.memory_space<semaphore_mem>>
        %dma_start3A = arith.constant 0 : i32
        %dma_start3A_30 = arith.constant 0 : i32
        %dma_start3A_31 = tpu.memref_slice %arg2[%add3A_12, %dma_start3A, %dma_start3A_30] : memref<736x17x128xi32, #tpu.memory_space<hbm>> -> memref<1x17x128xi32, #tpu.memory_space<hbm>>
        %dma_start3A_32 = tpu.memref_squeeze %dma_start3A_31 : memref<1x17x128xi32, #tpu.memory_space<hbm>> -> memref<17x128xi32, #tpu.memory_space<hbm>>
        %dma_start3A_33 = arith.constant 0 : i32
        %dma_start3A_34 = arith.constant 0 : i32
        %dma_start3A_35 = tpu.memref_slice %arg2[%add3A_12, %dma_start3A_33, %dma_start3A_34] : memref<736x17x128xi32, #tpu.memory_space<hbm>> -> memref<1x17x128xi32, #tpu.memory_space<hbm>>
        %dma_start3A_36 = tpu.memref_squeeze %dma_start3A_35 : memref<1x17x128xi32, #tpu.memory_space<hbm>> -> memref<17x128xi32, #tpu.memory_space<hbm>>
        tpu.enqueue_dma source(%dma_start3A_36 : memref<17x128xi32, #tpu.memory_space<hbm>>) target(%arg7 : memref<17x128xi32, #tpu.memory_space<vmem>>) target_semaphore(%run_scoped3A_29 : memref<!tpu.dma_semaphore, #tpu.memory_space<semaphore_mem>>)
        %dma_wait3A = arith.constant 0 : i32
        %dma_wait3A_37 = arith.constant 0 : i32
        %dma_wait3A_38 = tpu.memref_slice %arg2[%add3A_12, %dma_wait3A, %dma_wait3A_37] : memref<736x17x128xi32, #tpu.memory_space<hbm>> -> memref<1x17x128xi32, #tpu.memory_space<hbm>>
        %dma_wait3A_39 = tpu.memref_squeeze %dma_wait3A_38 : memref<1x17x128xi32, #tpu.memory_space<hbm>> -> memref<17x128xi32, #tpu.memory_space<hbm>>
        %dma_wait3A_40 = arith.constant 0 : i32
        %dma_wait3A_41 = arith.constant 0 : i32
        %dma_wait3A_42 = tpu.memref_slice %arg2[%add3A_12, %dma_wait3A_40, %dma_wait3A_41] : memref<736x17x128xi32, #tpu.memory_space<hbm>> -> memref<1x17x128xi32, #tpu.memory_space<hbm>>
        %dma_wait3A_43 = tpu.memref_squeeze %dma_wait3A_42 : memref<1x17x128xi32, #tpu.memory_space<hbm>> -> memref<17x128xi32, #tpu.memory_space<hbm>>
        tpu.wait_dma2 semaphore(%run_scoped3A_29 : memref<!tpu.dma_semaphore, #tpu.memory_space<semaphore_mem>>) src(%dma_wait3A_43 : memref<17x128xi32, #tpu.memory_space<hbm>>) dst(%arg7 : memref<17x128xi32, #tpu.memory_space<vmem>>)
        tpu.yield
      }) : () -> ()
      %run_scoped3A = arith.constant 0 : i32
      "tpu.region"() ({
        %run_scoped3A_29 = tpu.sem_alloc : memref<!tpu.dma_semaphore, #tpu.memory_space<semaphore_mem>>
        %dma_start3A = arith.constant 0 : i32
        %dma_start3A_30 = tpu.memref_slice %arg7[%run_scoped3A, %dma_start3A] : memref<17x128xi32, #tpu.memory_space<vmem>> -> memref<1x128xi32, #tpu.memory_space<vmem>>
        %dma_start3A_31 = tpu.memref_squeeze %dma_start3A_30 : memref<1x128xi32, #tpu.memory_space<vmem>> -> memref<128xi32, #tpu.memory_space<vmem>>
        %dma_start3A_32 = arith.constant 0 : i32
        %dma_start3A_33 = arith.constant 0 : i32
        %dma_start3A_34 = tpu.memref_slice %arg6[%dma_start3A_32, %dma_start3A_33] : memref<100096x4xf32, #tpu.memory_space<vmem_shared>> -> memref<100096x4xf32, #tpu.memory_space<vmem_shared>>
        tpu.enqueue_indirect_dma source(%arg8 : memref<128x4xf32, #tpu.memory_space<vmem>>) target(%dma_start3A_34 : memref<100096x4xf32, #tpu.memory_space<vmem_shared>>) offsets(%dma_start3A_31 : memref<128xi32, #tpu.memory_space<vmem>>) semaphore(%run_scoped3A_29 : memref<!tpu.dma_semaphore, #tpu.memory_space<semaphore_mem>>) {add = true}
        %dma_wait3A = arith.constant 0 : i32
        %dma_wait3A_35 = tpu.memref_slice %arg7[%run_scoped3A, %dma_wait3A] : memref<17x128xi32, #tpu.memory_space<vmem>> -> memref<1x128xi32, #tpu.memory_space<vmem>>
        %dma_wait3A_36 = tpu.memref_squeeze %dma_wait3A_35 : memref<1x128xi32, #tpu.memory_space<vmem>> -> memref<128xi32, #tpu.memory_space<vmem>>
        %dma_wait3A_37 = arith.constant 0 : i32
        %dma_wait3A_38 = arith.constant 0 : i32
        %dma_wait3A_39 = tpu.memref_slice %arg6[%dma_wait3A_37, %dma_wait3A_38] : memref<100096x4xf32, #tpu.memory_space<vmem_shared>> -> memref<100096x4xf32, #tpu.memory_space<vmem_shared>>
        tpu.wait_indirect_dma semaphore(%run_scoped3A_29 : memref<!tpu.dma_semaphore, #tpu.memory_space<semaphore_mem>>) src(%arg8 : memref<128x4xf32, #tpu.memory_space<vmem>>) dst(%dma_wait3A_39 : memref<100096x4xf32, #tpu.memory_space<vmem_shared>>)
        tpu.yield
      }) : () -> ()
      %run_scoped3A_13 = arith.constant 1 : i32
      "tpu.region"() ({
        %run_scoped3A_29 = tpu.sem_alloc : memref<!tpu.dma_semaphore, #tpu.memory_space<semaphore_mem>>
        %dma_start3A = arith.constant 0 : i32
        %dma_start3A_30 = tpu.memref_slice %arg7[%run_scoped3A_13, %dma_start3A] : memref<17x128xi32, #tpu.memory_space<vmem>> -> memref<1x128xi32, #tpu.memory_space<vmem>>
        %dma_start3A_31 = tpu.memref_squeeze %dma_start3A_30 : memref<1x128xi32, #tpu.memory_space<vmem>> -> memref<128xi32, #tpu.memory_space<vmem>>
        %dma_start3A_32 = arith.constant 0 : i32
        %dma_start3A_33 = arith.constant 0 : i32
        %dma_start3A_34 = tpu.memref_slice %arg6[%dma_start3A_32, %dma_start3A_33] : memref<100096x4xf32, #tpu.memory_space<vmem_shared>> -> memref<100096x4xf32, #tpu.memory_space<vmem_shared>>
        tpu.enqueue_indirect_dma source(%arg8 : memref<128x4xf32, #tpu.memory_space<vmem>>) target(%dma_start3A_34 : memref<100096x4xf32, #tpu.memory_space<vmem_shared>>) offsets(%dma_start3A_31 : memref<128xi32, #tpu.memory_space<vmem>>) semaphore(%run_scoped3A_29 : memref<!tpu.dma_semaphore, #tpu.memory_space<semaphore_mem>>) {add = true}
        %dma_wait3A = arith.constant 0 : i32
        %dma_wait3A_35 = tpu.memref_slice %arg7[%run_scoped3A_13, %dma_wait3A] : memref<17x128xi32, #tpu.memory_space<vmem>> -> memref<1x128xi32, #tpu.memory_space<vmem>>
        %dma_wait3A_36 = tpu.memref_squeeze %dma_wait3A_35 : memref<1x128xi32, #tpu.memory_space<vmem>> -> memref<128xi32, #tpu.memory_space<vmem>>
        %dma_wait3A_37 = arith.constant 0 : i32
        %dma_wait3A_38 = arith.constant 0 : i32
        %dma_wait3A_39 = tpu.memref_slice %arg6[%dma_wait3A_37, %dma_wait3A_38] : memref<100096x4xf32, #tpu.memory_space<vmem_shared>> -> memref<100096x4xf32, #tpu.memory_space<vmem_shared>>
        tpu.wait_indirect_dma semaphore(%run_scoped3A_29 : memref<!tpu.dma_semaphore, #tpu.memory_space<semaphore_mem>>) src(%arg8 : memref<128x4xf32, #tpu.memory_space<vmem>>) dst(%dma_wait3A_39 : memref<100096x4xf32, #tpu.memory_space<vmem_shared>>)
        tpu.yield
      }) : () -> ()
      %run_scoped3A_14 = arith.constant 2 : i32
      "tpu.region"() ({
        %run_scoped3A_29 = tpu.sem_alloc : memref<!tpu.dma_semaphore, #tpu.memory_space<semaphore_mem>>
        %dma_start3A = arith.constant 0 : i32
        %dma_start3A_30 = tpu.memref_slice %arg7[%run_scoped3A_14, %dma_start3A] : memref<17x128xi32, #tpu.memory_space<vmem>> -> memref<1x128xi32, #tpu.memory_space<vmem>>
        %dma_start3A_31 = tpu.memref_squeeze %dma_start3A_30 : memref<1x128xi32, #tpu.memory_space<vmem>> -> memref<128xi32, #tpu.memory_space<vmem>>
        %dma_start3A_32 = arith.constant 0 : i32
        %dma_start3A_33 = arith.constant 0 : i32
        %dma_start3A_34 = tpu.memref_slice %arg6[%dma_start3A_32, %dma_start3A_33] : memref<100096x4xf32, #tpu.memory_space<vmem_shared>> -> memref<100096x4xf32, #tpu.memory_space<vmem_shared>>
        tpu.enqueue_indirect_dma source(%arg8 : memref<128x4xf32, #tpu.memory_space<vmem>>) target(%dma_start3A_34 : memref<100096x4xf32, #tpu.memory_space<vmem_shared>>) offsets(%dma_start3A_31 : memref<128xi32, #tpu.memory_space<vmem>>) semaphore(%run_scoped3A_29 : memref<!tpu.dma_semaphore, #tpu.memory_space<semaphore_mem>>) {add = true}
        %dma_wait3A = arith.constant 0 : i32
        %dma_wait3A_35 = tpu.memref_slice %arg7[%run_scoped3A_14, %dma_wait3A] : memref<17x128xi32, #tpu.memory_space<vmem>> -> memref<1x128xi32, #tpu.memory_space<vmem>>
        %dma_wait3A_36 = tpu.memref_squeeze %dma_wait3A_35 : memref<1x128xi32, #tpu.memory_space<vmem>> -> memref<128xi32, #tpu.memory_space<vmem>>
        %dma_wait3A_37 = arith.constant 0 : i32
        %dma_wait3A_38 = arith.constant 0 : i32
        %dma_wait3A_39 = tpu.memref_slice %arg6[%dma_wait3A_37, %dma_wait3A_38] : memref<100096x4xf32, #tpu.memory_space<vmem_shared>> -> memref<100096x4xf32, #tpu.memory_space<vmem_shared>>
        tpu.wait_indirect_dma semaphore(%run_scoped3A_29 : memref<!tpu.dma_semaphore, #tpu.memory_space<semaphore_mem>>) src(%arg8 : memref<128x4xf32, #tpu.memory_space<vmem>>) dst(%dma_wait3A_39 : memref<100096x4xf32, #tpu.memory_space<vmem_shared>>)
        tpu.yield
      }) : () -> ()
      %run_scoped3A_15 = arith.constant 3 : i32
      "tpu.region"() ({
        %run_scoped3A_29 = tpu.sem_alloc : memref<!tpu.dma_semaphore, #tpu.memory_space<semaphore_mem>>
        %dma_start3A = arith.constant 0 : i32
        %dma_start3A_30 = tpu.memref_slice %arg7[%run_scoped3A_15, %dma_start3A] : memref<17x128xi32, #tpu.memory_space<vmem>> -> memref<1x128xi32, #tpu.memory_space<vmem>>
        %dma_start3A_31 = tpu.memref_squeeze %dma_start3A_30 : memref<1x128xi32, #tpu.memory_space<vmem>> -> memref<128xi32, #tpu.memory_space<vmem>>
        %dma_start3A_32 = arith.constant 0 : i32
        %dma_start3A_33 = arith.constant 0 : i32
        %dma_start3A_34 = tpu.memref_slice %arg6[%dma_start3A_32, %dma_start3A_33] : memref<100096x4xf32, #tpu.memory_space<vmem_shared>> -> memref<100096x4xf32, #tpu.memory_space<vmem_shared>>
        tpu.enqueue_indirect_dma source(%arg8 : memref<128x4xf32, #tpu.memory_space<vmem>>) target(%dma_start3A_34 : memref<100096x4xf32, #tpu.memory_space<vmem_shared>>) offsets(%dma_start3A_31 : memref<128xi32, #tpu.memory_space<vmem>>) semaphore(%run_scoped3A_29 : memref<!tpu.dma_semaphore, #tpu.memory_space<semaphore_mem>>) {add = true}
        %dma_wait3A = arith.constant 0 : i32
        %dma_wait3A_35 = tpu.memref_slice %arg7[%run_scoped3A_15, %dma_wait3A] : memref<17x128xi32, #tpu.memory_space<vmem>> -> memref<1x128xi32, #tpu.memory_space<vmem>>
        %dma_wait3A_36 = tpu.memref_squeeze %dma_wait3A_35 : memref<1x128xi32, #tpu.memory_space<vmem>> -> memref<128xi32, #tpu.memory_space<vmem>>
        %dma_wait3A_37 = arith.constant 0 : i32
        %dma_wait3A_38 = arith.constant 0 : i32
        %dma_wait3A_39 = tpu.memref_slice %arg6[%dma_wait3A_37, %dma_wait3A_38] : memref<100096x4xf32, #tpu.memory_space<vmem_shared>> -> memref<100096x4xf32, #tpu.memory_space<vmem_shared>>
        tpu.wait_indirect_dma semaphore(%run_scoped3A_29 : memref<!tpu.dma_semaphore, #tpu.memory_space<semaphore_mem>>) src(%arg8 : memref<128x4xf32, #tpu.memory_space<vmem>>) dst(%dma_wait3A_39 : memref<100096x4xf32, #tpu.memory_space<vmem_shared>>)
        tpu.yield
      }) : () -> ()
      %run_scoped3A_16 = arith.constant 4 : i32
      "tpu.region"() ({
        %run_scoped3A_29 = tpu.sem_alloc : memref<!tpu.dma_semaphore, #tpu.memory_space<semaphore_mem>>
        %dma_start3A = arith.constant 0 : i32
        %dma_start3A_30 = tpu.memref_slice %arg7[%run_scoped3A_16, %dma_start3A] : memref<17x128xi32, #tpu.memory_space<vmem>> -> memref<1x128xi32, #tpu.memory_space<vmem>>
        %dma_start3A_31 = tpu.memref_squeeze %dma_start3A_30 : memref<1x128xi32, #tpu.memory_space<vmem>> -> memref<128xi32, #tpu.memory_space<vmem>>
        %dma_start3A_32 = arith.constant 0 : i32
        %dma_start3A_33 = arith.constant 0 : i32
        %dma_start3A_34 = tpu.memref_slice %arg6[%dma_start3A_32, %dma_start3A_33] : memref<100096x4xf32, #tpu.memory_space<vmem_shared>> -> memref<100096x4xf32, #tpu.memory_space<vmem_shared>>
        tpu.enqueue_indirect_dma source(%arg8 : memref<128x4xf32, #tpu.memory_space<vmem>>) target(%dma_start3A_34 : memref<100096x4xf32, #tpu.memory_space<vmem_shared>>) offsets(%dma_start3A_31 : memref<128xi32, #tpu.memory_space<vmem>>) semaphore(%run_scoped3A_29 : memref<!tpu.dma_semaphore, #tpu.memory_space<semaphore_mem>>) {add = true}
        %dma_wait3A = arith.constant 0 : i32
        %dma_wait3A_35 = tpu.memref_slice %arg7[%run_scoped3A_16, %dma_wait3A] : memref<17x128xi32, #tpu.memory_space<vmem>> -> memref<1x128xi32, #tpu.memory_space<vmem>>
        %dma_wait3A_36 = tpu.memref_squeeze %dma_wait3A_35 : memref<1x128xi32, #tpu.memory_space<vmem>> -> memref<128xi32, #tpu.memory_space<vmem>>
        %dma_wait3A_37 = arith.constant 0 : i32
        %dma_wait3A_38 = arith.constant 0 : i32
        %dma_wait3A_39 = tpu.memref_slice %arg6[%dma_wait3A_37, %dma_wait3A_38] : memref<100096x4xf32, #tpu.memory_space<vmem_shared>> -> memref<100096x4xf32, #tpu.memory_space<vmem_shared>>
        tpu.wait_indirect_dma semaphore(%run_scoped3A_29 : memref<!tpu.dma_semaphore, #tpu.memory_space<semaphore_mem>>) src(%arg8 : memref<128x4xf32, #tpu.memory_space<vmem>>) dst(%dma_wait3A_39 : memref<100096x4xf32, #tpu.memory_space<vmem_shared>>)
        tpu.yield
      }) : () -> ()
      %run_scoped3A_17 = arith.constant 5 : i32
      "tpu.region"() ({
        %run_scoped3A_29 = tpu.sem_alloc : memref<!tpu.dma_semaphore, #tpu.memory_space<semaphore_mem>>
        %dma_start3A = arith.constant 0 : i32
        %dma_start3A_30 = tpu.memref_slice %arg7[%run_scoped3A_17, %dma_start3A] : memref<17x128xi32, #tpu.memory_space<vmem>> -> memref<1x128xi32, #tpu.memory_space<vmem>>
        %dma_start3A_31 = tpu.memref_squeeze %dma_start3A_30 : memref<1x128xi32, #tpu.memory_space<vmem>> -> memref<128xi32, #tpu.memory_space<vmem>>
        %dma_start3A_32 = arith.constant 0 : i32
        %dma_start3A_33 = arith.constant 0 : i32
        %dma_start3A_34 = tpu.memref_slice %arg6[%dma_start3A_32, %dma_start3A_33] : memref<100096x4xf32, #tpu.memory_space<vmem_shared>> -> memref<100096x4xf32, #tpu.memory_space<vmem_shared>>
        tpu.enqueue_indirect_dma source(%arg8 : memref<128x4xf32, #tpu.memory_space<vmem>>) target(%dma_start3A_34 : memref<100096x4xf32, #tpu.memory_space<vmem_shared>>) offsets(%dma_start3A_31 : memref<128xi32, #tpu.memory_space<vmem>>) semaphore(%run_scoped3A_29 : memref<!tpu.dma_semaphore, #tpu.memory_space<semaphore_mem>>) {add = true}
        %dma_wait3A = arith.constant 0 : i32
        %dma_wait3A_35 = tpu.memref_slice %arg7[%run_scoped3A_17, %dma_wait3A] : memref<17x128xi32, #tpu.memory_space<vmem>> -> memref<1x128xi32, #tpu.memory_space<vmem>>
        %dma_wait3A_36 = tpu.memref_squeeze %dma_wait3A_35 : memref<1x128xi32, #tpu.memory_space<vmem>> -> memref<128xi32, #tpu.memory_space<vmem>>
        %dma_wait3A_37 = arith.constant 0 : i32
        %dma_wait3A_38 = arith.constant 0 : i32
        %dma_wait3A_39 = tpu.memref_slice %arg6[%dma_wait3A_37, %dma_wait3A_38] : memref<100096x4xf32, #tpu.memory_space<vmem_shared>> -> memref<100096x4xf32, #tpu.memory_space<vmem_shared>>
        tpu.wait_indirect_dma semaphore(%run_scoped3A_29 : memref<!tpu.dma_semaphore, #tpu.memory_space<semaphore_mem>>) src(%arg8 : memref<128x4xf32, #tpu.memory_space<vmem>>) dst(%dma_wait3A_39 : memref<100096x4xf32, #tpu.memory_space<vmem_shared>>)
        tpu.yield
      }) : () -> ()
      %run_scoped3A_18 = arith.constant 6 : i32
      "tpu.region"() ({
        %run_scoped3A_29 = tpu.sem_alloc : memref<!tpu.dma_semaphore, #tpu.memory_space<semaphore_mem>>
        %dma_start3A = arith.constant 0 : i32
        %dma_start3A_30 = tpu.memref_slice %arg7[%run_scoped3A_18, %dma_start3A] : memref<17x128xi32, #tpu.memory_space<vmem>> -> memref<1x128xi32, #tpu.memory_space<vmem>>
        %dma_start3A_31 = tpu.memref_squeeze %dma_start3A_30 : memref<1x128xi32, #tpu.memory_space<vmem>> -> memref<128xi32, #tpu.memory_space<vmem>>
        %dma_start3A_32 = arith.constant 0 : i32
        %dma_start3A_33 = arith.constant 0 : i32
        %dma_start3A_34 = tpu.memref_slice %arg6[%dma_start3A_32, %dma_start3A_33] : memref<100096x4xf32, #tpu.memory_space<vmem_shared>> -> memref<100096x4xf32, #tpu.memory_space<vmem_shared>>
        tpu.enqueue_indirect_dma source(%arg8 : memref<128x4xf32, #tpu.memory_space<vmem>>) target(%dma_start3A_34 : memref<100096x4xf32, #tpu.memory_space<vmem_shared>>) offsets(%dma_start3A_31 : memref<128xi32, #tpu.memory_space<vmem>>) semaphore(%run_scoped3A_29 : memref<!tpu.dma_semaphore, #tpu.memory_space<semaphore_mem>>) {add = true}
        %dma_wait3A = arith.constant 0 : i32
        %dma_wait3A_35 = tpu.memref_slice %arg7[%run_scoped3A_18, %dma_wait3A] : memref<17x128xi32, #tpu.memory_space<vmem>> -> memref<1x128xi32, #tpu.memory_space<vmem>>
        %dma_wait3A_36 = tpu.memref_squeeze %dma_wait3A_35 : memref<1x128xi32, #tpu.memory_space<vmem>> -> memref<128xi32, #tpu.memory_space<vmem>>
        %dma_wait3A_37 = arith.constant 0 : i32
        %dma_wait3A_38 = arith.constant 0 : i32
        %dma_wait3A_39 = tpu.memref_slice %arg6[%dma_wait3A_37, %dma_wait3A_38] : memref<100096x4xf32, #tpu.memory_space<vmem_shared>> -> memref<100096x4xf32, #tpu.memory_space<vmem_shared>>
        tpu.wait_indirect_dma semaphore(%run_scoped3A_29 : memref<!tpu.dma_semaphore, #tpu.memory_space<semaphore_mem>>) src(%arg8 : memref<128x4xf32, #tpu.memory_space<vmem>>) dst(%dma_wait3A_39 : memref<100096x4xf32, #tpu.memory_space<vmem_shared>>)
        tpu.yield
      }) : () -> ()
      %run_scoped3A_19 = arith.constant 7 : i32
      "tpu.region"() ({
        %run_scoped3A_29 = tpu.sem_alloc : memref<!tpu.dma_semaphore, #tpu.memory_space<semaphore_mem>>
        %dma_start3A = arith.constant 0 : i32
        %dma_start3A_30 = tpu.memref_slice %arg7[%run_scoped3A_19, %dma_start3A] : memref<17x128xi32, #tpu.memory_space<vmem>> -> memref<1x128xi32, #tpu.memory_space<vmem>>
        %dma_start3A_31 = tpu.memref_squeeze %dma_start3A_30 : memref<1x128xi32, #tpu.memory_space<vmem>> -> memref<128xi32, #tpu.memory_space<vmem>>
        %dma_start3A_32 = arith.constant 0 : i32
        %dma_start3A_33 = arith.constant 0 : i32
        %dma_start3A_34 = tpu.memref_slice %arg6[%dma_start3A_32, %dma_start3A_33] : memref<100096x4xf32, #tpu.memory_space<vmem_shared>> -> memref<100096x4xf32, #tpu.memory_space<vmem_shared>>
        tpu.enqueue_indirect_dma source(%arg8 : memref<128x4xf32, #tpu.memory_space<vmem>>) target(%dma_start3A_34 : memref<100096x4xf32, #tpu.memory_space<vmem_shared>>) offsets(%dma_start3A_31 : memref<128xi32, #tpu.memory_space<vmem>>) semaphore(%run_scoped3A_29 : memref<!tpu.dma_semaphore, #tpu.memory_space<semaphore_mem>>) {add = true}
        %dma_wait3A = arith.constant 0 : i32
        %dma_wait3A_35 = tpu.memref_slice %arg7[%run_scoped3A_19, %dma_wait3A] : memref<17x128xi32, #tpu.memory_space<vmem>> -> memref<1x128xi32, #tpu.memory_space<vmem>>
        %dma_wait3A_36 = tpu.memref_squeeze %dma_wait3A_35 : memref<1x128xi32, #tpu.memory_space<vmem>> -> memref<128xi32, #tpu.memory_space<vmem>>
        %dma_wait3A_37 = arith.constant 0 : i32
        %dma_wait3A_38 = arith.constant 0 : i32
        %dma_wait3A_39 = tpu.memref_slice %arg6[%dma_wait3A_37, %dma_wait3A_38] : memref<100096x4xf32, #tpu.memory_space<vmem_shared>> -> memref<100096x4xf32, #tpu.memory_space<vmem_shared>>
        tpu.wait_indirect_dma semaphore(%run_scoped3A_29 : memref<!tpu.dma_semaphore, #tpu.memory_space<semaphore_mem>>) src(%arg8 : memref<128x4xf32, #tpu.memory_space<vmem>>) dst(%dma_wait3A_39 : memref<100096x4xf32, #tpu.memory_space<vmem_shared>>)
        tpu.yield
      }) : () -> ()
      %run_scoped3A_20 = arith.constant 8 : i32
      "tpu.region"() ({
        %run_scoped3A_29 = tpu.sem_alloc : memref<!tpu.dma_semaphore, #tpu.memory_space<semaphore_mem>>
        %dma_start3A = arith.constant 0 : i32
        %dma_start3A_30 = tpu.memref_slice %arg7[%run_scoped3A_20, %dma_start3A] : memref<17x128xi32, #tpu.memory_space<vmem>> -> memref<1x128xi32, #tpu.memory_space<vmem>>
        %dma_start3A_31 = tpu.memref_squeeze %dma_start3A_30 : memref<1x128xi32, #tpu.memory_space<vmem>> -> memref<128xi32, #tpu.memory_space<vmem>>
        %dma_start3A_32 = arith.constant 0 : i32
        %dma_start3A_33 = arith.constant 0 : i32
        %dma_start3A_34 = tpu.memref_slice %arg6[%dma_start3A_32, %dma_start3A_33] : memref<100096x4xf32, #tpu.memory_space<vmem_shared>> -> memref<100096x4xf32, #tpu.memory_space<vmem_shared>>
        tpu.enqueue_indirect_dma source(%arg8 : memref<128x4xf32, #tpu.memory_space<vmem>>) target(%dma_start3A_34 : memref<100096x4xf32, #tpu.memory_space<vmem_shared>>) offsets(%dma_start3A_31 : memref<128xi32, #tpu.memory_space<vmem>>) semaphore(%run_scoped3A_29 : memref<!tpu.dma_semaphore, #tpu.memory_space<semaphore_mem>>) {add = true}
        %dma_wait3A = arith.constant 0 : i32
        %dma_wait3A_35 = tpu.memref_slice %arg7[%run_scoped3A_20, %dma_wait3A] : memref<17x128xi32, #tpu.memory_space<vmem>> -> memref<1x128xi32, #tpu.memory_space<vmem>>
        %dma_wait3A_36 = tpu.memref_squeeze %dma_wait3A_35 : memref<1x128xi32, #tpu.memory_space<vmem>> -> memref<128xi32, #tpu.memory_space<vmem>>
        %dma_wait3A_37 = arith.constant 0 : i32
        %dma_wait3A_38 = arith.constant 0 : i32
        %dma_wait3A_39 = tpu.memref_slice %arg6[%dma_wait3A_37, %dma_wait3A_38] : memref<100096x4xf32, #tpu.memory_space<vmem_shared>> -> memref<100096x4xf32, #tpu.memory_space<vmem_shared>>
        tpu.wait_indirect_dma semaphore(%run_scoped3A_29 : memref<!tpu.dma_semaphore, #tpu.memory_space<semaphore_mem>>) src(%arg8 : memref<128x4xf32, #tpu.memory_space<vmem>>) dst(%dma_wait3A_39 : memref<100096x4xf32, #tpu.memory_space<vmem_shared>>)
        tpu.yield
      }) : () -> ()
      %run_scoped3A_21 = arith.constant 9 : i32
      "tpu.region"() ({
        %run_scoped3A_29 = tpu.sem_alloc : memref<!tpu.dma_semaphore, #tpu.memory_space<semaphore_mem>>
        %dma_start3A = arith.constant 0 : i32
        %dma_start3A_30 = tpu.memref_slice %arg7[%run_scoped3A_21, %dma_start3A] : memref<17x128xi32, #tpu.memory_space<vmem>> -> memref<1x128xi32, #tpu.memory_space<vmem>>
        %dma_start3A_31 = tpu.memref_squeeze %dma_start3A_30 : memref<1x128xi32, #tpu.memory_space<vmem>> -> memref<128xi32, #tpu.memory_space<vmem>>
        %dma_start3A_32 = arith.constant 0 : i32
        %dma_start3A_33 = arith.constant 0 : i32
        %dma_start3A_34 = tpu.memref_slice %arg6[%dma_start3A_32, %dma_start3A_33] : memref<100096x4xf32, #tpu.memory_space<vmem_shared>> -> memref<100096x4xf32, #tpu.memory_space<vmem_shared>>
        tpu.enqueue_indirect_dma source(%arg8 : memref<128x4xf32, #tpu.memory_space<vmem>>) target(%dma_start3A_34 : memref<100096x4xf32, #tpu.memory_space<vmem_shared>>) offsets(%dma_start3A_31 : memref<128xi32, #tpu.memory_space<vmem>>) semaphore(%run_scoped3A_29 : memref<!tpu.dma_semaphore, #tpu.memory_space<semaphore_mem>>) {add = true}
        %dma_wait3A = arith.constant 0 : i32
        %dma_wait3A_35 = tpu.memref_slice %arg7[%run_scoped3A_21, %dma_wait3A] : memref<17x128xi32, #tpu.memory_space<vmem>> -> memref<1x128xi32, #tpu.memory_space<vmem>>
        %dma_wait3A_36 = tpu.memref_squeeze %dma_wait3A_35 : memref<1x128xi32, #tpu.memory_space<vmem>> -> memref<128xi32, #tpu.memory_space<vmem>>
        %dma_wait3A_37 = arith.constant 0 : i32
        %dma_wait3A_38 = arith.constant 0 : i32
        %dma_wait3A_39 = tpu.memref_slice %arg6[%dma_wait3A_37, %dma_wait3A_38] : memref<100096x4xf32, #tpu.memory_space<vmem_shared>> -> memref<100096x4xf32, #tpu.memory_space<vmem_shared>>
        tpu.wait_indirect_dma semaphore(%run_scoped3A_29 : memref<!tpu.dma_semaphore, #tpu.memory_space<semaphore_mem>>) src(%arg8 : memref<128x4xf32, #tpu.memory_space<vmem>>) dst(%dma_wait3A_39 : memref<100096x4xf32, #tpu.memory_space<vmem_shared>>)
        tpu.yield
      }) : () -> ()
      %run_scoped3A_22 = arith.constant 10 : i32
      "tpu.region"() ({
        %run_scoped3A_29 = tpu.sem_alloc : memref<!tpu.dma_semaphore, #tpu.memory_space<semaphore_mem>>
        %dma_start3A = arith.constant 0 : i32
        %dma_start3A_30 = tpu.memref_slice %arg7[%run_scoped3A_22, %dma_start3A] : memref<17x128xi32, #tpu.memory_space<vmem>> -> memref<1x128xi32, #tpu.memory_space<vmem>>
        %dma_start3A_31 = tpu.memref_squeeze %dma_start3A_30 : memref<1x128xi32, #tpu.memory_space<vmem>> -> memref<128xi32, #tpu.memory_space<vmem>>
        %dma_start3A_32 = arith.constant 0 : i32
        %dma_start3A_33 = arith.constant 0 : i32
        %dma_start3A_34 = tpu.memref_slice %arg6[%dma_start3A_32, %dma_start3A_33] : memref<100096x4xf32, #tpu.memory_space<vmem_shared>> -> memref<100096x4xf32, #tpu.memory_space<vmem_shared>>
        tpu.enqueue_indirect_dma source(%arg8 : memref<128x4xf32, #tpu.memory_space<vmem>>) target(%dma_start3A_34 : memref<100096x4xf32, #tpu.memory_space<vmem_shared>>) offsets(%dma_start3A_31 : memref<128xi32, #tpu.memory_space<vmem>>) semaphore(%run_scoped3A_29 : memref<!tpu.dma_semaphore, #tpu.memory_space<semaphore_mem>>) {add = true}
        %dma_wait3A = arith.constant 0 : i32
        %dma_wait3A_35 = tpu.memref_slice %arg7[%run_scoped3A_22, %dma_wait3A] : memref<17x128xi32, #tpu.memory_space<vmem>> -> memref<1x128xi32, #tpu.memory_space<vmem>>
        %dma_wait3A_36 = tpu.memref_squeeze %dma_wait3A_35 : memref<1x128xi32, #tpu.memory_space<vmem>> -> memref<128xi32, #tpu.memory_space<vmem>>
        %dma_wait3A_37 = arith.constant 0 : i32
        %dma_wait3A_38 = arith.constant 0 : i32
        %dma_wait3A_39 = tpu.memref_slice %arg6[%dma_wait3A_37, %dma_wait3A_38] : memref<100096x4xf32, #tpu.memory_space<vmem_shared>> -> memref<100096x4xf32, #tpu.memory_space<vmem_shared>>
        tpu.wait_indirect_dma semaphore(%run_scoped3A_29 : memref<!tpu.dma_semaphore, #tpu.memory_space<semaphore_mem>>) src(%arg8 : memref<128x4xf32, #tpu.memory_space<vmem>>) dst(%dma_wait3A_39 : memref<100096x4xf32, #tpu.memory_space<vmem_shared>>)
        tpu.yield
      }) : () -> ()
      %run_scoped3A_23 = arith.constant 11 : i32
      "tpu.region"() ({
        %run_scoped3A_29 = tpu.sem_alloc : memref<!tpu.dma_semaphore, #tpu.memory_space<semaphore_mem>>
        %dma_start3A = arith.constant 0 : i32
        %dma_start3A_30 = tpu.memref_slice %arg7[%run_scoped3A_23, %dma_start3A] : memref<17x128xi32, #tpu.memory_space<vmem>> -> memref<1x128xi32, #tpu.memory_space<vmem>>
        %dma_start3A_31 = tpu.memref_squeeze %dma_start3A_30 : memref<1x128xi32, #tpu.memory_space<vmem>> -> memref<128xi32, #tpu.memory_space<vmem>>
        %dma_start3A_32 = arith.constant 0 : i32
        %dma_start3A_33 = arith.constant 0 : i32
        %dma_start3A_34 = tpu.memref_slice %arg6[%dma_start3A_32, %dma_start3A_33] : memref<100096x4xf32, #tpu.memory_space<vmem_shared>> -> memref<100096x4xf32, #tpu.memory_space<vmem_shared>>
        tpu.enqueue_indirect_dma source(%arg8 : memref<128x4xf32, #tpu.memory_space<vmem>>) target(%dma_start3A_34 : memref<100096x4xf32, #tpu.memory_space<vmem_shared>>) offsets(%dma_start3A_31 : memref<128xi32, #tpu.memory_space<vmem>>) semaphore(%run_scoped3A_29 : memref<!tpu.dma_semaphore, #tpu.memory_space<semaphore_mem>>) {add = true}
        %dma_wait3A = arith.constant 0 : i32
        %dma_wait3A_35 = tpu.memref_slice %arg7[%run_scoped3A_23, %dma_wait3A] : memref<17x128xi32, #tpu.memory_space<vmem>> -> memref<1x128xi32, #tpu.memory_space<vmem>>
        %dma_wait3A_36 = tpu.memref_squeeze %dma_wait3A_35 : memref<1x128xi32, #tpu.memory_space<vmem>> -> memref<128xi32, #tpu.memory_space<vmem>>
        %dma_wait3A_37 = arith.constant 0 : i32
        %dma_wait3A_38 = arith.constant 0 : i32
        %dma_wait3A_39 = tpu.memref_slice %arg6[%dma_wait3A_37, %dma_wait3A_38] : memref<100096x4xf32, #tpu.memory_space<vmem_shared>> -> memref<100096x4xf32, #tpu.memory_space<vmem_shared>>
        tpu.wait_indirect_dma semaphore(%run_scoped3A_29 : memref<!tpu.dma_semaphore, #tpu.memory_space<semaphore_mem>>) src(%arg8 : memref<128x4xf32, #tpu.memory_space<vmem>>) dst(%dma_wait3A_39 : memref<100096x4xf32, #tpu.memory_space<vmem_shared>>)
        tpu.yield
      }) : () -> ()
      %run_scoped3A_24 = arith.constant 12 : i32
      "tpu.region"() ({
        %run_scoped3A_29 = tpu.sem_alloc : memref<!tpu.dma_semaphore, #tpu.memory_space<semaphore_mem>>
        %dma_start3A = arith.constant 0 : i32
        %dma_start3A_30 = tpu.memref_slice %arg7[%run_scoped3A_24, %dma_start3A] : memref<17x128xi32, #tpu.memory_space<vmem>> -> memref<1x128xi32, #tpu.memory_space<vmem>>
        %dma_start3A_31 = tpu.memref_squeeze %dma_start3A_30 : memref<1x128xi32, #tpu.memory_space<vmem>> -> memref<128xi32, #tpu.memory_space<vmem>>
        %dma_start3A_32 = arith.constant 0 : i32
        %dma_start3A_33 = arith.constant 0 : i32
        %dma_start3A_34 = tpu.memref_slice %arg6[%dma_start3A_32, %dma_start3A_33] : memref<100096x4xf32, #tpu.memory_space<vmem_shared>> -> memref<100096x4xf32, #tpu.memory_space<vmem_shared>>
        tpu.enqueue_indirect_dma source(%arg8 : memref<128x4xf32, #tpu.memory_space<vmem>>) target(%dma_start3A_34 : memref<100096x4xf32, #tpu.memory_space<vmem_shared>>) offsets(%dma_start3A_31 : memref<128xi32, #tpu.memory_space<vmem>>) semaphore(%run_scoped3A_29 : memref<!tpu.dma_semaphore, #tpu.memory_space<semaphore_mem>>) {add = true}
        %dma_wait3A = arith.constant 0 : i32
        %dma_wait3A_35 = tpu.memref_slice %arg7[%run_scoped3A_24, %dma_wait3A] : memref<17x128xi32, #tpu.memory_space<vmem>> -> memref<1x128xi32, #tpu.memory_space<vmem>>
        %dma_wait3A_36 = tpu.memref_squeeze %dma_wait3A_35 : memref<1x128xi32, #tpu.memory_space<vmem>> -> memref<128xi32, #tpu.memory_space<vmem>>
        %dma_wait3A_37 = arith.constant 0 : i32
        %dma_wait3A_38 = arith.constant 0 : i32
        %dma_wait3A_39 = tpu.memref_slice %arg6[%dma_wait3A_37, %dma_wait3A_38] : memref<100096x4xf32, #tpu.memory_space<vmem_shared>> -> memref<100096x4xf32, #tpu.memory_space<vmem_shared>>
        tpu.wait_indirect_dma semaphore(%run_scoped3A_29 : memref<!tpu.dma_semaphore, #tpu.memory_space<semaphore_mem>>) src(%arg8 : memref<128x4xf32, #tpu.memory_space<vmem>>) dst(%dma_wait3A_39 : memref<100096x4xf32, #tpu.memory_space<vmem_shared>>)
        tpu.yield
      }) : () -> ()
      %run_scoped3A_25 = arith.constant 13 : i32
      "tpu.region"() ({
        %run_scoped3A_29 = tpu.sem_alloc : memref<!tpu.dma_semaphore, #tpu.memory_space<semaphore_mem>>
        %dma_start3A = arith.constant 0 : i32
        %dma_start3A_30 = tpu.memref_slice %arg7[%run_scoped3A_25, %dma_start3A] : memref<17x128xi32, #tpu.memory_space<vmem>> -> memref<1x128xi32, #tpu.memory_space<vmem>>
        %dma_start3A_31 = tpu.memref_squeeze %dma_start3A_30 : memref<1x128xi32, #tpu.memory_space<vmem>> -> memref<128xi32, #tpu.memory_space<vmem>>
        %dma_start3A_32 = arith.constant 0 : i32
        %dma_start3A_33 = arith.constant 0 : i32
        %dma_start3A_34 = tpu.memref_slice %arg6[%dma_start3A_32, %dma_start3A_33] : memref<100096x4xf32, #tpu.memory_space<vmem_shared>> -> memref<100096x4xf32, #tpu.memory_space<vmem_shared>>
        tpu.enqueue_indirect_dma source(%arg8 : memref<128x4xf32, #tpu.memory_space<vmem>>) target(%dma_start3A_34 : memref<100096x4xf32, #tpu.memory_space<vmem_shared>>) offsets(%dma_start3A_31 : memref<128xi32, #tpu.memory_space<vmem>>) semaphore(%run_scoped3A_29 : memref<!tpu.dma_semaphore, #tpu.memory_space<semaphore_mem>>) {add = true}
        %dma_wait3A = arith.constant 0 : i32
        %dma_wait3A_35 = tpu.memref_slice %arg7[%run_scoped3A_25, %dma_wait3A] : memref<17x128xi32, #tpu.memory_space<vmem>> -> memref<1x128xi32, #tpu.memory_space<vmem>>
        %dma_wait3A_36 = tpu.memref_squeeze %dma_wait3A_35 : memref<1x128xi32, #tpu.memory_space<vmem>> -> memref<128xi32, #tpu.memory_space<vmem>>
        %dma_wait3A_37 = arith.constant 0 : i32
        %dma_wait3A_38 = arith.constant 0 : i32
        %dma_wait3A_39 = tpu.memref_slice %arg6[%dma_wait3A_37, %dma_wait3A_38] : memref<100096x4xf32, #tpu.memory_space<vmem_shared>> -> memref<100096x4xf32, #tpu.memory_space<vmem_shared>>
        tpu.wait_indirect_dma semaphore(%run_scoped3A_29 : memref<!tpu.dma_semaphore, #tpu.memory_space<semaphore_mem>>) src(%arg8 : memref<128x4xf32, #tpu.memory_space<vmem>>) dst(%dma_wait3A_39 : memref<100096x4xf32, #tpu.memory_space<vmem_shared>>)
        tpu.yield
      }) : () -> ()
      %run_scoped3A_26 = arith.constant 14 : i32
      "tpu.region"() ({
        %run_scoped3A_29 = tpu.sem_alloc : memref<!tpu.dma_semaphore, #tpu.memory_space<semaphore_mem>>
        %dma_start3A = arith.constant 0 : i32
        %dma_start3A_30 = tpu.memref_slice %arg7[%run_scoped3A_26, %dma_start3A] : memref<17x128xi32, #tpu.memory_space<vmem>> -> memref<1x128xi32, #tpu.memory_space<vmem>>
        %dma_start3A_31 = tpu.memref_squeeze %dma_start3A_30 : memref<1x128xi32, #tpu.memory_space<vmem>> -> memref<128xi32, #tpu.memory_space<vmem>>
        %dma_start3A_32 = arith.constant 0 : i32
        %dma_start3A_33 = arith.constant 0 : i32
        %dma_start3A_34 = tpu.memref_slice %arg6[%dma_start3A_32, %dma_start3A_33] : memref<100096x4xf32, #tpu.memory_space<vmem_shared>> -> memref<100096x4xf32, #tpu.memory_space<vmem_shared>>
        tpu.enqueue_indirect_dma source(%arg8 : memref<128x4xf32, #tpu.memory_space<vmem>>) target(%dma_start3A_34 : memref<100096x4xf32, #tpu.memory_space<vmem_shared>>) offsets(%dma_start3A_31 : memref<128xi32, #tpu.memory_space<vmem>>) semaphore(%run_scoped3A_29 : memref<!tpu.dma_semaphore, #tpu.memory_space<semaphore_mem>>) {add = true}
        %dma_wait3A = arith.constant 0 : i32
        %dma_wait3A_35 = tpu.memref_slice %arg7[%run_scoped3A_26, %dma_wait3A] : memref<17x128xi32, #tpu.memory_space<vmem>> -> memref<1x128xi32, #tpu.memory_space<vmem>>
        %dma_wait3A_36 = tpu.memref_squeeze %dma_wait3A_35 : memref<1x128xi32, #tpu.memory_space<vmem>> -> memref<128xi32, #tpu.memory_space<vmem>>
        %dma_wait3A_37 = arith.constant 0 : i32
        %dma_wait3A_38 = arith.constant 0 : i32
        %dma_wait3A_39 = tpu.memref_slice %arg6[%dma_wait3A_37, %dma_wait3A_38] : memref<100096x4xf32, #tpu.memory_space<vmem_shared>> -> memref<100096x4xf32, #tpu.memory_space<vmem_shared>>
        tpu.wait_indirect_dma semaphore(%run_scoped3A_29 : memref<!tpu.dma_semaphore, #tpu.memory_space<semaphore_mem>>) src(%arg8 : memref<128x4xf32, #tpu.memory_space<vmem>>) dst(%dma_wait3A_39 : memref<100096x4xf32, #tpu.memory_space<vmem_shared>>)
        tpu.yield
      }) : () -> ()
      %run_scoped3A_27 = arith.constant 15 : i32
      "tpu.region"() ({
        %run_scoped3A_29 = tpu.sem_alloc : memref<!tpu.dma_semaphore, #tpu.memory_space<semaphore_mem>>
        %dma_start3A = arith.constant 0 : i32
        %dma_start3A_30 = tpu.memref_slice %arg7[%run_scoped3A_27, %dma_start3A] : memref<17x128xi32, #tpu.memory_space<vmem>> -> memref<1x128xi32, #tpu.memory_space<vmem>>
        %dma_start3A_31 = tpu.memref_squeeze %dma_start3A_30 : memref<1x128xi32, #tpu.memory_space<vmem>> -> memref<128xi32, #tpu.memory_space<vmem>>
        %dma_start3A_32 = arith.constant 0 : i32
        %dma_start3A_33 = arith.constant 0 : i32
        %dma_start3A_34 = tpu.memref_slice %arg6[%dma_start3A_32, %dma_start3A_33] : memref<100096x4xf32, #tpu.memory_space<vmem_shared>> -> memref<100096x4xf32, #tpu.memory_space<vmem_shared>>
        tpu.enqueue_indirect_dma source(%arg8 : memref<128x4xf32, #tpu.memory_space<vmem>>) target(%dma_start3A_34 : memref<100096x4xf32, #tpu.memory_space<vmem_shared>>) offsets(%dma_start3A_31 : memref<128xi32, #tpu.memory_space<vmem>>) semaphore(%run_scoped3A_29 : memref<!tpu.dma_semaphore, #tpu.memory_space<semaphore_mem>>) {add = true}
        %dma_wait3A = arith.constant 0 : i32
        %dma_wait3A_35 = tpu.memref_slice %arg7[%run_scoped3A_27, %dma_wait3A] : memref<17x128xi32, #tpu.memory_space<vmem>> -> memref<1x128xi32, #tpu.memory_space<vmem>>
        %dma_wait3A_36 = tpu.memref_squeeze %dma_wait3A_35 : memref<1x128xi32, #tpu.memory_space<vmem>> -> memref<128xi32, #tpu.memory_space<vmem>>
        %dma_wait3A_37 = arith.constant 0 : i32
        %dma_wait3A_38 = arith.constant 0 : i32
        %dma_wait3A_39 = tpu.memref_slice %arg6[%dma_wait3A_37, %dma_wait3A_38] : memref<100096x4xf32, #tpu.memory_space<vmem_shared>> -> memref<100096x4xf32, #tpu.memory_space<vmem_shared>>
        tpu.wait_indirect_dma semaphore(%run_scoped3A_29 : memref<!tpu.dma_semaphore, #tpu.memory_space<semaphore_mem>>) src(%arg8 : memref<128x4xf32, #tpu.memory_space<vmem>>) dst(%dma_wait3A_39 : memref<100096x4xf32, #tpu.memory_space<vmem_shared>>)
        tpu.yield
      }) : () -> ()
      %run_scoped3A_28 = arith.constant 16 : i32
      "tpu.region"() ({
        %run_scoped3A_29 = tpu.sem_alloc : memref<!tpu.dma_semaphore, #tpu.memory_space<semaphore_mem>>
        %dma_start3A = arith.constant 0 : i32
        %dma_start3A_30 = tpu.memref_slice %arg7[%run_scoped3A_28, %dma_start3A] : memref<17x128xi32, #tpu.memory_space<vmem>> -> memref<1x128xi32, #tpu.memory_space<vmem>>
        %dma_start3A_31 = tpu.memref_squeeze %dma_start3A_30 : memref<1x128xi32, #tpu.memory_space<vmem>> -> memref<128xi32, #tpu.memory_space<vmem>>
        %dma_start3A_32 = arith.constant 0 : i32
        %dma_start3A_33 = arith.constant 0 : i32
        %dma_start3A_34 = tpu.memref_slice %arg6[%dma_start3A_32, %dma_start3A_33] : memref<100096x4xf32, #tpu.memory_space<vmem_shared>> -> memref<100096x4xf32, #tpu.memory_space<vmem_shared>>
        tpu.enqueue_indirect_dma source(%arg8 : memref<128x4xf32, #tpu.memory_space<vmem>>) target(%dma_start3A_34 : memref<100096x4xf32, #tpu.memory_space<vmem_shared>>) offsets(%dma_start3A_31 : memref<128xi32, #tpu.memory_space<vmem>>) semaphore(%run_scoped3A_29 : memref<!tpu.dma_semaphore, #tpu.memory_space<semaphore_mem>>) {add = true}
        %dma_wait3A = arith.constant 0 : i32
        %dma_wait3A_35 = tpu.memref_slice %arg7[%run_scoped3A_28, %dma_wait3A] : memref<17x128xi32, #tpu.memory_space<vmem>> -> memref<1x128xi32, #tpu.memory_space<vmem>>
        %dma_wait3A_36 = tpu.memref_squeeze %dma_wait3A_35 : memref<1x128xi32, #tpu.memory_space<vmem>> -> memref<128xi32, #tpu.memory_space<vmem>>
        %dma_wait3A_37 = arith.constant 0 : i32
        %dma_wait3A_38 = arith.constant 0 : i32
        %dma_wait3A_39 = tpu.memref_slice %arg6[%dma_wait3A_37, %dma_wait3A_38] : memref<100096x4xf32, #tpu.memory_space<vmem_shared>> -> memref<100096x4xf32, #tpu.memory_space<vmem_shared>>
        tpu.wait_indirect_dma semaphore(%run_scoped3A_29 : memref<!tpu.dma_semaphore, #tpu.memory_space<semaphore_mem>>) src(%arg8 : memref<128x4xf32, #tpu.memory_space<vmem>>) dst(%dma_wait3A_39 : memref<100096x4xf32, #tpu.memory_space<vmem_shared>>)
        tpu.yield
      }) : () -> ()
    }
    %scan3A_9 = arith.constant 23 : i32
    %barrier3A_10 = arith.constant 0 : index
    tpu.barrier barrier_id(%barrier3A_10)
    "tpu.region"() ({
      %run_scoped3A = tpu.sem_alloc : memref<!tpu.dma_semaphore, #tpu.memory_space<semaphore_mem>>
      %dma_start3A = arith.constant 0 : i32
      %dma_start3A_11 = tpu.memref_slice %arg5[%arg0, %mul3A_2, %dma_start3A] : memref<2x100096x4xf32, #tpu.memory_space<hbm>> -> memref<1x6256x4xf32, #tpu.memory_space<hbm>>
      %dma_start3A_12 = tpu.memref_squeeze %dma_start3A_11 : memref<1x6256x4xf32, #tpu.memory_space<hbm>> -> memref<6256x4xf32, #tpu.memory_space<hbm>>
      %dma_start3A_13 = arith.constant 0 : i32
      %dma_start3A_14 = tpu.memref_slice %arg6[%mul3A_2, %dma_start3A_13] : memref<100096x4xf32, #tpu.memory_space<vmem_shared>> -> memref<6256x4xf32, #tpu.memory_space<vmem_shared>>
      tpu.enqueue_dma source(%dma_start3A_14 : memref<6256x4xf32, #tpu.memory_space<vmem_shared>>) target(%dma_start3A_12 : memref<6256x4xf32, #tpu.memory_space<hbm>>) target_semaphore(%run_scoped3A : memref<!tpu.dma_semaphore, #tpu.memory_space<semaphore_mem>>)
      %dma_wait3A = arith.constant 0 : i32
      %dma_wait3A_15 = tpu.memref_slice %arg5[%arg0, %mul3A_2, %dma_wait3A] : memref<2x100096x4xf32, #tpu.memory_space<hbm>> -> memref<1x6256x4xf32, #tpu.memory_space<hbm>>
      %dma_wait3A_16 = tpu.memref_squeeze %dma_wait3A_15 : memref<1x6256x4xf32, #tpu.memory_space<hbm>> -> memref<6256x4xf32, #tpu.memory_space<hbm>>
      %dma_wait3A_17 = arith.constant 0 : i32
      %dma_wait3A_18 = tpu.memref_slice %arg6[%mul3A_2, %dma_wait3A_17] : memref<100096x4xf32, #tpu.memory_space<vmem_shared>> -> memref<6256x4xf32, #tpu.memory_space<vmem_shared>>
      tpu.wait_dma2 semaphore(%run_scoped3A : memref<!tpu.dma_semaphore, #tpu.memory_space<semaphore_mem>>) src(%dma_wait3A_18 : memref<6256x4xf32, #tpu.memory_space<vmem_shared>>) dst(%dma_wait3A_16 : memref<6256x4xf32, #tpu.memory_space<hbm>>)
      tpu.yield
    }) : () -> ()
    return
  }
}

module attributes {stable_mosaic.version = 14 : i64} {
  func.func @_prep_body(%arg0: i32, %arg1: memref<2x2000x4xf32, #tpu.memory_space<vmem>>, %arg2: memref<2000x34xf32, #tpu.memory_space<vmem>>, %arg3: memref<4x34xf32, #tpu.memory_space<vmem>>, %arg4: memref<2000x1xf32, #tpu.memory_space<vmem>>, %arg5: memref<2000x4xf32, #tpu.memory_space<vmem>>, %arg6: memref<2000x4xf32, #tpu.memory_space<vmem>>) attributes {dimension_semantics = [#tpu.dimension_semantics<arbitrary>], iteration_bounds = array<i64: 50>, scalar_prefetch = 0 : i64, scratch_operands = 0 : i64, tpu.core_type = #tpu.core_type<tc>, window_params = [{transform_indices = @transform_0, window_bounds = array<i64: 2, 2000, 4>}, {transform_indices = @transform_1, window_bounds = array<i64: 2000, 34>}, {pipeline_mode = #tpu.pipeline_mode<synchronous>, transform_indices = @transform_2, window_bounds = array<i64: 4, 34>}, {transform_indices = @transform_3, window_bounds = array<i64: 2000, 1>}, {transform_indices = @transform_4, window_bounds = array<i64: 2000, 4>}, {transform_indices = @transform_5, window_bounds = array<i64: 2000, 4>}]} {
    %get3A = arith.constant 0 : index
    %get3A_0 = arith.constant 0 : index
    %get3A_1 = arith.constant 0 : index
    %get3A_2 = vector.load %arg1[%get3A, %get3A_0, %get3A_1] : memref<2x2000x4xf32, #tpu.memory_space<vmem>>, vector<1x2000x1xf32>
    %get3A_3 = vector.shape_cast %get3A_2 : vector<1x2000x1xf32> to vector<2000xf32>
    %get3A_4 = arith.constant 1 : index
    %get3A_5 = arith.constant 0 : index
    %get3A_6 = arith.constant 0 : index
    %get3A_7 = vector.load %arg1[%get3A_4, %get3A_5, %get3A_6] : memref<2x2000x4xf32, #tpu.memory_space<vmem>>, vector<1x2000x1xf32>
    %get3A_8 = vector.shape_cast %get3A_7 : vector<1x2000x1xf32> to vector<2000xf32>
    %add3A = arith.addf %get3A_3, %get3A_8 : vector<2000xf32>
    %add3A_9 = arith.constant 1.000000e+00 : f32
    %add3A_10 = vector.broadcast %add3A_9 : f32 to vector<2000xf32>
    %add3A_11 = arith.addf %add3A, %add3A_10 : vector<2000xf32>
    %rsqrt3A = math.rsqrt %add3A_11 : vector<2000xf32>
    %broadcast_in_dim3A = vector.shape_cast %rsqrt3A : vector<2000xf32> to vector<2000x1xf32>
    %get3A_12 = arith.constant 0 : index
    %get3A_13 = arith.constant 0 : index
    %get3A_14 = vector.load %arg2[%get3A_12, %get3A_13] : memref<2000x34xf32, #tpu.memory_space<vmem>>, vector<2000x34xf32>
    %get3A_15 = arith.constant 0 : index
    %get3A_16 = arith.constant 0 : index
    %get3A_17 = vector.load %arg3[%get3A_15, %get3A_16] : memref<4x34xf32, #tpu.memory_space<vmem>>, vector<4x34xf32>
    %dot_general3A = arith.constant dense<0.000000e+00> : vector<2000x4xf32>
    %dot_general3A_18 = tpu.matmul %get3A_14, %get3A_17, %dot_general3A {dimension_numbers = #tpu.dot_dimension_numbers<[1], [1], [0], [0], [0, 0, 1, 0], [], []>, transpose_lhs_hint = false} : vector<2000x34xf32>, vector<4x34xf32>, vector<2000x4xf32> -> vector<2000x4xf32>
    %swap3A = arith.constant 0 : index
    %swap3A_19 = arith.constant 0 : index
    %swap3A_20 = vector.load %arg4[%swap3A, %swap3A_19] : memref<2000x1xf32, #tpu.memory_space<vmem>>, vector<2000x1xf32>
    tpu.vector_store %arg4[%swap3A, %swap3A_19], %broadcast_in_dim3A {strides = array<i32>} : memref<2000x1xf32, #tpu.memory_space<vmem>>, vector<2000x1xf32>,
    %swap3A_21 = arith.constant 0 : index
    %swap3A_22 = arith.constant 0 : index
    %swap3A_23 = vector.load %arg5[%swap3A_21, %swap3A_22] : memref<2000x4xf32, #tpu.memory_space<vmem>>, vector<2000x4xf32>
    tpu.vector_store %arg5[%swap3A_21, %swap3A_22], %dot_general3A_18 {strides = array<i32>} : memref<2000x4xf32, #tpu.memory_space<vmem>>, vector<2000x4xf32>,
    %mul3A = vector.broadcast %broadcast_in_dim3A : vector<2000x1xf32> to vector<2000x4xf32>
    %mul3A_24 = arith.mulf %dot_general3A_18, %mul3A : vector<2000x4xf32>
    %swap3A_25 = arith.constant 0 : index
    %swap3A_26 = arith.constant 0 : index
    %swap3A_27 = vector.load %arg6[%swap3A_25, %swap3A_26] : memref<2000x4xf32, #tpu.memory_space<vmem>>, vector<2000x4xf32>
    tpu.vector_store %arg6[%swap3A_25, %swap3A_26], %mul3A_24 {strides = array<i32>} : memref<2000x4xf32, #tpu.memory_space<vmem>>, vector<2000x4xf32>,
    return
  }
  func.func @transform_0(%arg0: i32) -> (i32, i32, i32) {
    %c0_i32 = arith.constant 0 : i32
    %c0_i32_0 = arith.constant 0 : i32
    %c0_i32_1 = arith.constant 0 : i32
    return %c0_i32, %arg0, %c0_i32_0 : i32, i32, i32
  }
  func.func @transform_1(%arg0: i32) -> (i32, i32) {
    %c0_i32 = arith.constant 0 : i32
    %c0_i32_0 = arith.constant 0 : i32
    return %arg0, %c0_i32 : i32, i32
  }
  func.func @transform_2(%arg0: i32) -> (i32, i32) {
    %c0_i32 = arith.constant 0 : i32
    %c0_i32_0 = arith.constant 0 : i32
    %c0_i32_1 = arith.constant 0 : i32
    return %c0_i32, %c0_i32_0 : i32, i32
  }
  func.func @transform_3(%arg0: i32) -> (i32, i32) {
    %c0_i32 = arith.constant 0 : i32
    %c0_i32_0 = arith.constant 0 : i32
    return %arg0, %c0_i32 : i32, i32
  }
  func.func @transform_4(%arg0: i32) -> (i32, i32) {
    %c0_i32 = arith.constant 0 : i32
    %c0_i32_0 = arith.constant 0 : i32
    return %arg0, %c0_i32 : i32, i32
  }
  func.func @transform_5(%arg0: i32) -> (i32, i32) {
    %c0_i32 = arith.constant 0 : i32
    %c0_i32_0 = arith.constant 0 : i32
    return %arg0, %c0_i32 : i32, i32
  }
}

module attributes {stable_mosaic.version = 14 : i64} {
  func.func @_mid_body(%arg0: i32, %arg1: memref<2x2000x4xf32, #tpu.memory_space<vmem>>, %arg2: memref<2000x1xf32, #tpu.memory_space<vmem>>, %arg3: memref<2000x4xf32, #tpu.memory_space<vmem>>, %arg4: memref<1x4xf32, #tpu.memory_space<vmem>>, %arg5: memref<4x4xf32, #tpu.memory_space<vmem>>, %arg6: memref<2000x4xf32, #tpu.memory_space<vmem>>, %arg7: memref<2000x4xf32, #tpu.memory_space<vmem>>) attributes {dimension_semantics = [#tpu.dimension_semantics<arbitrary>], iteration_bounds = array<i64: 50>, scalar_prefetch = 0 : i64, scratch_operands = 0 : i64, tpu.core_type = #tpu.core_type<tc>, window_params = [{transform_indices = @transform_0, window_bounds = array<i64: 2, 2000, 4>}, {transform_indices = @transform_1, window_bounds = array<i64: 2000, 1>}, {transform_indices = @transform_2, window_bounds = array<i64: 2000, 4>}, {pipeline_mode = #tpu.pipeline_mode<synchronous>, transform_indices = @transform_3, window_bounds = array<i64: 1, 4>}, {pipeline_mode = #tpu.pipeline_mode<synchronous>, transform_indices = @transform_4, window_bounds = array<i64: 4, 4>}, {transform_indices = @transform_5, window_bounds = array<i64: 2000, 4>}, {transform_indices = @transform_6, window_bounds = array<i64: 2000, 4>}]} {
    %get3A = arith.constant 0 : index
    %get3A_0 = arith.constant 0 : index
    %get3A_1 = vector.load %arg2[%get3A, %get3A_0] : memref<2000x1xf32, #tpu.memory_space<vmem>>, vector<2000x1xf32>
    %get3A_2 = arith.constant 0 : index
    %get3A_3 = arith.constant 0 : index
    %get3A_4 = arith.constant 0 : index
    %get3A_5 = vector.load %arg1[%get3A_2, %get3A_3, %get3A_4] : memref<2x2000x4xf32, #tpu.memory_space<vmem>>, vector<1x2000x4xf32>
    %get3A_6 = vector.shape_cast %get3A_5 : vector<1x2000x4xf32> to vector<2000x4xf32>
    %get3A_7 = arith.constant 1 : index
    %get3A_8 = arith.constant 0 : index
    %get3A_9 = arith.constant 0 : index
    %get3A_10 = vector.load %arg1[%get3A_7, %get3A_8, %get3A_9] : memref<2x2000x4xf32, #tpu.memory_space<vmem>>, vector<1x2000x4xf32>
    %get3A_11 = vector.shape_cast %get3A_10 : vector<1x2000x4xf32> to vector<2000x4xf32>
    %add3A = arith.addf %get3A_6, %get3A_11 : vector<2000x4xf32>
    %get3A_12 = arith.constant 0 : index
    %get3A_13 = arith.constant 0 : index
    %get3A_14 = vector.load %arg3[%get3A_12, %get3A_13] : memref<2000x4xf32, #tpu.memory_space<vmem>>, vector<2000x4xf32>
    %mul3A = vector.broadcast %get3A_1 : vector<2000x1xf32> to vector<2000x4xf32>
    %mul3A_15 = arith.mulf %mul3A, %get3A_14 : vector<2000x4xf32>
    %add3A_16 = arith.addf %add3A, %mul3A_15 : vector<2000x4xf32>
    %mul3A_17 = vector.broadcast %get3A_1 : vector<2000x1xf32> to vector<2000x4xf32>
    %mul3A_18 = arith.mulf %add3A_16, %mul3A_17 : vector<2000x4xf32>
    %get3A_19 = arith.constant 0 : index
    %get3A_20 = arith.constant 0 : index
    %get3A_21 = vector.load %arg4[%get3A_19, %get3A_20] : memref<1x4xf32, #tpu.memory_space<vmem>>, vector<1x4xf32>
    %add3A_22 = vector.broadcast %get3A_21 : vector<1x4xf32> to vector<2000x4xf32>
    %add3A_23 = arith.addf %mul3A_18, %add3A_22 : vector<2000x4xf32>
    %tanh3A = math.tanh %add3A_23 : vector<2000x4xf32>
    %get3A_24 = arith.constant 0 : index
    %get3A_25 = arith.constant 0 : index
    %get3A_26 = vector.load %arg5[%get3A_24, %get3A_25] : memref<4x4xf32, #tpu.memory_space<vmem>>, vector<4x4xf32>
    %dot_general3A = arith.constant dense<0.000000e+00> : vector<2000x4xf32>
    %dot_general3A_27 = tpu.matmul %tanh3A, %get3A_26, %dot_general3A {dimension_numbers = #tpu.dot_dimension_numbers<[1], [1], [0], [0], [0, 0, 1, 0], [], []>, transpose_lhs_hint = false} : vector<2000x4xf32>, vector<4x4xf32>, vector<2000x4xf32> -> vector<2000x4xf32>
    %swap3A = arith.constant 0 : index
    %swap3A_28 = arith.constant 0 : index
    %swap3A_29 = vector.load %arg6[%swap3A, %swap3A_28] : memref<2000x4xf32, #tpu.memory_space<vmem>>, vector<2000x4xf32>
    tpu.vector_store %arg6[%swap3A, %swap3A_28], %dot_general3A_27 {strides = array<i32>} : memref<2000x4xf32, #tpu.memory_space<vmem>>, vector<2000x4xf32>,
    %mul3A_30 = vector.broadcast %get3A_1 : vector<2000x1xf32> to vector<2000x4xf32>
    %mul3A_31 = arith.mulf %dot_general3A_27, %mul3A_30 : vector<2000x4xf32>
    %swap3A_32 = arith.constant 0 : index
    %swap3A_33 = arith.constant 0 : index
    %swap3A_34 = vector.load %arg7[%swap3A_32, %swap3A_33] : memref<2000x4xf32, #tpu.memory_space<vmem>>, vector<2000x4xf32>
    tpu.vector_store %arg7[%swap3A_32, %swap3A_33], %mul3A_31 {strides = array<i32>} : memref<2000x4xf32, #tpu.memory_space<vmem>>, vector<2000x4xf32>,
    return
  }
  func.func @transform_0(%arg0: i32) -> (i32, i32, i32) {
    %c0_i32 = arith.constant 0 : i32
    %c0_i32_0 = arith.constant 0 : i32
    %c0_i32_1 = arith.constant 0 : i32
    return %c0_i32, %arg0, %c0_i32_0 : i32, i32, i32
  }
  func.func @transform_1(%arg0: i32) -> (i32, i32) {
    %c0_i32 = arith.constant 0 : i32
    %c0_i32_0 = arith.constant 0 : i32
    return %arg0, %c0_i32 : i32, i32
  }
  func.func @transform_2(%arg0: i32) -> (i32, i32) {
    %c0_i32 = arith.constant 0 : i32
    %c0_i32_0 = arith.constant 0 : i32
    return %arg0, %c0_i32 : i32, i32
  }
  func.func @transform_3(%arg0: i32) -> (i32, i32) {
    %c0_i32 = arith.constant 0 : i32
    %c0_i32_0 = arith.constant 0 : i32
    %c0_i32_1 = arith.constant 0 : i32
    return %c0_i32, %c0_i32_0 : i32, i32
  }
  func.func @transform_4(%arg0: i32) -> (i32, i32) {
    %c0_i32 = arith.constant 0 : i32
    %c0_i32_0 = arith.constant 0 : i32
    %c0_i32_1 = arith.constant 0 : i32
    return %c0_i32, %c0_i32_0 : i32, i32
  }
  func.func @transform_5(%arg0: i32) -> (i32, i32) {
    %c0_i32 = arith.constant 0 : i32
    %c0_i32_0 = arith.constant 0 : i32
    return %arg0, %c0_i32 : i32, i32
  }
  func.func @transform_6(%arg0: i32) -> (i32, i32) {
    %c0_i32 = arith.constant 0 : i32
    %c0_i32_0 = arith.constant 0 : i32
    return %arg0, %c0_i32 : i32, i32
  }
}

module attributes {stable_mosaic.version = 14 : i64} {
  func.func @_fin_body(%arg0: i32, %arg1: memref<2x2000x4xf32, #tpu.memory_space<vmem>>, %arg2: memref<2000x1xf32, #tpu.memory_space<vmem>>, %arg3: memref<2000x4xf32, #tpu.memory_space<vmem>>, %arg4: memref<1x4xf32, #tpu.memory_space<vmem>>, %arg5: memref<4x4xf32, #tpu.memory_space<vmem>>, %arg6: memref<1x4xf32, #tpu.memory_space<vmem>>, %arg7: memref<2000x4xf32, #tpu.memory_space<vmem>>, %arg8: memref<2000x4xf32, #tpu.memory_space<vmem>>) attributes {dimension_semantics = [#tpu.dimension_semantics<arbitrary>], iteration_bounds = array<i64: 50>, scalar_prefetch = 0 : i64, scratch_operands = 0 : i64, tpu.core_type = #tpu.core_type<tc>, window_params = [{transform_indices = @transform_0, window_bounds = array<i64: 2, 2000, 4>}, {transform_indices = @transform_1, window_bounds = array<i64: 2000, 1>}, {transform_indices = @transform_2, window_bounds = array<i64: 2000, 4>}, {pipeline_mode = #tpu.pipeline_mode<synchronous>, transform_indices = @transform_3, window_bounds = array<i64: 1, 4>}, {pipeline_mode = #tpu.pipeline_mode<synchronous>, transform_indices = @transform_4, window_bounds = array<i64: 4, 4>}, {pipeline_mode = #tpu.pipeline_mode<synchronous>, transform_indices = @transform_5, window_bounds = array<i64: 1, 4>}, {transform_indices = @transform_6, window_bounds = array<i64: 2000, 4>}, {transform_indices = @transform_7, window_bounds = array<i64: 2000, 4>}]} {
    %get3A = arith.constant 0 : index
    %get3A_0 = arith.constant 0 : index
    %get3A_1 = vector.load %arg2[%get3A, %get3A_0] : memref<2000x1xf32, #tpu.memory_space<vmem>>, vector<2000x1xf32>
    %get3A_2 = arith.constant 0 : index
    %get3A_3 = arith.constant 0 : index
    %get3A_4 = arith.constant 0 : index
    %get3A_5 = vector.load %arg1[%get3A_2, %get3A_3, %get3A_4] : memref<2x2000x4xf32, #tpu.memory_space<vmem>>, vector<1x2000x4xf32>
    %get3A_6 = vector.shape_cast %get3A_5 : vector<1x2000x4xf32> to vector<2000x4xf32>
    %get3A_7 = arith.constant 1 : index
    %get3A_8 = arith.constant 0 : index
    %get3A_9 = arith.constant 0 : index
    %get3A_10 = vector.load %arg1[%get3A_7, %get3A_8, %get3A_9] : memref<2x2000x4xf32, #tpu.memory_space<vmem>>, vector<1x2000x4xf32>
    %get3A_11 = vector.shape_cast %get3A_10 : vector<1x2000x4xf32> to vector<2000x4xf32>
    %add3A = arith.addf %get3A_6, %get3A_11 : vector<2000x4xf32>
    %get3A_12 = arith.constant 0 : index
    %get3A_13 = arith.constant 0 : index
    %get3A_14 = vector.load %arg3[%get3A_12, %get3A_13] : memref<2000x4xf32, #tpu.memory_space<vmem>>, vector<2000x4xf32>
    %mul3A = vector.broadcast %get3A_1 : vector<2000x1xf32> to vector<2000x4xf32>
    %mul3A_15 = arith.mulf %mul3A, %get3A_14 : vector<2000x4xf32>
    %add3A_16 = arith.addf %add3A, %mul3A_15 : vector<2000x4xf32>
    %mul3A_17 = vector.broadcast %get3A_1 : vector<2000x1xf32> to vector<2000x4xf32>
    %mul3A_18 = arith.mulf %add3A_16, %mul3A_17 : vector<2000x4xf32>
    %get3A_19 = arith.constant 0 : index
    %get3A_20 = arith.constant 0 : index
    %get3A_21 = vector.load %arg4[%get3A_19, %get3A_20] : memref<1x4xf32, #tpu.memory_space<vmem>>, vector<1x4xf32>
    %add3A_22 = vector.broadcast %get3A_21 : vector<1x4xf32> to vector<2000x4xf32>
    %add3A_23 = arith.addf %mul3A_18, %add3A_22 : vector<2000x4xf32>
    %tanh3A = math.tanh %add3A_23 : vector<2000x4xf32>
    %swap3A = arith.constant 0 : index
    %swap3A_24 = arith.constant 0 : index
    %swap3A_25 = vector.load %arg8[%swap3A, %swap3A_24] : memref<2000x4xf32, #tpu.memory_space<vmem>>, vector<2000x4xf32>
    tpu.vector_store %arg8[%swap3A, %swap3A_24], %tanh3A {strides = array<i32>} : memref<2000x4xf32, #tpu.memory_space<vmem>>, vector<2000x4xf32>,
    %get3A_26 = arith.constant 0 : index
    %get3A_27 = arith.constant 0 : index
    %get3A_28 = vector.load %arg5[%get3A_26, %get3A_27] : memref<4x4xf32, #tpu.memory_space<vmem>>, vector<4x4xf32>
    %dot_general3A = arith.constant dense<0.000000e+00> : vector<2000x4xf32>
    %dot_general3A_29 = tpu.matmul %tanh3A, %get3A_28, %dot_general3A {dimension_numbers = #tpu.dot_dimension_numbers<[1], [1], [0], [0], [0, 0, 1, 0], [], []>, transpose_lhs_hint = false} : vector<2000x4xf32>, vector<4x4xf32>, vector<2000x4xf32> -> vector<2000x4xf32>
    %get3A_30 = arith.constant 0 : index
    %get3A_31 = arith.constant 0 : index
    %get3A_32 = vector.load %arg6[%get3A_30, %get3A_31] : memref<1x4xf32, #tpu.memory_space<vmem>>, vector<1x4xf32>
    %add3A_33 = vector.broadcast %get3A_32 : vector<1x4xf32> to vector<2000x4xf32>
    %add3A_34 = arith.addf %dot_general3A_29, %add3A_33 : vector<2000x4xf32>
    %swap3A_35 = arith.constant 0 : index
    %swap3A_36 = arith.constant 0 : index
    %swap3A_37 = vector.load %arg7[%swap3A_35, %swap3A_36] : memref<2000x4xf32, #tpu.memory_space<vmem>>, vector<2000x4xf32>
    tpu.vector_store %arg7[%swap3A_35, %swap3A_36], %add3A_34 {strides = array<i32>} : memref<2000x4xf32, #tpu.memory_space<vmem>>, vector<2000x4xf32>,
    return
  }
  func.func @transform_0(%arg0: i32) -> (i32, i32, i32) {
    %c0_i32 = arith.constant 0 : i32
    %c0_i32_0 = arith.constant 0 : i32
    %c0_i32_1 = arith.constant 0 : i32
    return %c0_i32, %arg0, %c0_i32_0 : i32, i32, i32
  }
  func.func @transform_1(%arg0: i32) -> (i32, i32) {
    %c0_i32 = arith.constant 0 : i32
    %c0_i32_0 = arith.constant 0 : i32
    return %arg0, %c0_i32 : i32, i32
  }
  func.func @transform_2(%arg0: i32) -> (i32, i32) {
    %c0_i32 = arith.constant 0 : i32
    %c0_i32_0 = arith.constant 0 : i32
    return %arg0, %c0_i32 : i32, i32
  }
  func.func @transform_3(%arg0: i32) -> (i32, i32) {
    %c0_i32 = arith.constant 0 : i32
    %c0_i32_0 = arith.constant 0 : i32
    %c0_i32_1 = arith.constant 0 : i32
    return %c0_i32, %c0_i32_0 : i32, i32
  }
  func.func @transform_4(%arg0: i32) -> (i32, i32) {
    %c0_i32 = arith.constant 0 : i32
    %c0_i32_0 = arith.constant 0 : i32
    %c0_i32_1 = arith.constant 0 : i32
    return %c0_i32, %c0_i32_0 : i32, i32
  }
  func.func @transform_5(%arg0: i32) -> (i32, i32) {
    %c0_i32 = arith.constant 0 : i32
    %c0_i32_0 = arith.constant 0 : i32
    %c0_i32_1 = arith.constant 0 : i32
    return %c0_i32, %c0_i32_0 : i32, i32
  }
  func.func @transform_6(%arg0: i32) -> (i32, i32) {
    %c0_i32 = arith.constant 0 : i32
    %c0_i32_0 = arith.constant 0 : i32
    return %arg0, %c0_i32 : i32, i32
  }
  func.func @transform_7(%arg0: i32) -> (i32, i32) {
    %c0_i32 = arith.constant 0 : i32
    %c0_i32_0 = arith.constant 0 : i32
    return %arg0, %c0_i32 : i32, i32
  }
}

</mosaic_0001>

<sc_bundles>
// kernel: kernel.11.cloned.1.call-start
scs
__scs_entry_jumppad:
0x0: {  	(pc) =	sbr.rel $0x88, $3  }
0x1: {  	(tag) =	ssettag $0x0;
	lr =	simm.s32 $0x1  }
0x2: {  	[smem:$0x3F99] =	sst lr;
	_ =	strace $0xD0000000  }
0x3: {  	_ = 	snop  }
0x4: {  	_ = 	snop  }
0x5: {  	_ = 	snop  }
0x6: {  	_ = 	snop  }
0x7: {  	_ = 	snop  }
__scs_overlays_trampoline_lowered:
0x8: {  	[smem:$0x3FA8] =	sst s0  }
0x9: {  	[smem:$0x3FA9] =	sst s1  }
0xa: {  	[smem:$0x3FAA] =	sst s2  }
0xb: {  	[smem:$0x3FAB] =	sst s3  }
0xc: {  	[smem:$0x3FAC] =	sst s4  }
0xd: {  	[smem:$0x3FAD] =	sst s5  }
0xe: {  	[smem:$0x3FAE] =	sst s6  }
0xf: {  	[smem:$0x3FAF] =	sst s7  }
0x10: {  	[smem:$0x3FB0] =	sst s8  }
0x11: {  	[smem:$0x3FB1] =	sst s9;
	s0 =	simm.s32 @!p0 $0x0  }
0x12: {  	s1 =	sld [smem:$0x3F97];
	s0 =	simm.s32 @p0 $0x1  }
0x13: {  	[smem:$0x3FB2] =	sst s0;
	s0 =	simm.s32 @!p1 $0x0  }
0x14: {  	s2 =	sld [smem:$0x3F96];
	s0 =	simm.s32 @p1 $0x1  }
0x15: {  	[smem:$0x3FB3] =	sst s0;
	s0 =	simm.s32 @!p2 $0x0  }
0x16: {  	s3 =	sld [smem:$0x3FDB];
	s0 =	simm.s32 @p2 $0x1  }
0x17: {  	s4 =	simm.s32 $0x1BF5;
	[smem:$0x3FB5] =	sst s0  }
0x18: {  	s0 =	sld [smem:$0x3F98];
	_ =	swait.ge [sflag:s4], $0x0  }
0x19: {  	s7 =	sld [smem:$0x3F99]  }
0x1a: {  	s8 =	sadd.s32 $0xFFFFE003, lr  }
0x1b: {  	s9 =	sadd.s32 $0xFFFFFEF7, lr;
	s5 =	simm.s32 $0xFFFFFFFF;
	p2 =	slt.u32 s8, $0xFFFFF086  }
0x1c: {  	p1 =	slt.u32 s9, $0xF7A;
	s5 =	simm.s32 @!p2 $0x0  }
0x1d: {  	s5 =	simm.s32 @p1 $0x1;
	p0 =	seq.s32 s7, s2  }
0x1e: {  	s7 =	smul.u32 @!p0 $0xF7A, s2;
	p2 =	seq.s32 @!p0 s5, $0x0  }
0x1f: {  	s9 =	smul.u32 $0xF7A, s1;
	s8 =	simm.s32 @!p0 $0x1BF5;
	p2 =	por !p2, p0  }
0x20: {  	[sflag:s8] =	ssyncset.s32 @!p0 $0xFFFFF086;
	s6 =	sadd.s32 @!p0 s3, s7;
	s7 =	simm.s32 @!p0 $0x108  }
0x21: {  	s3 =	sadd.s32 s3, s9;
	s6 =	sadd.s32 @!p0 $0x88, s6;
	s7 =	simm.s32 @p2 $0x1082  }
0x22: {  	[simem:s7], [sflag:s8] =	dma.local @!p0 [hbm:s6], $0xF7A  }
0x23: {  	s9 =	sor.u32 $0xD0000000, s2;
	s6 =	simm.s32 $0x108;
	_ =	swait.ge @!p0 [sflag:s8], $0x0  }
0x24: {  	s3 =	sadd.s32 $0x88, s3;
	s6 =	simm.s32 @!p1 $0x1082;
	[sflag:s4] =	ssyncset.s32 $0xFFFFF086  }
0x25: {  	[simem:s6], [sflag:s4] =	dma.local [hbm:s3], $0xF7A  }
0x26: {  	[smem:$0x3F99] =	sst s1;
	(tag) =	ssettag s2;
	_ =	strace s9  }
0x27: {  	s1 =	sld [smem:$0x3FA9]  }
0x28: {  	s2 =	sld [smem:$0x3FAA]  }
0x29: {  	s4 =	sld [smem:$0x3FAC]  }
0x2a: {  	p0 =	seq.s32 s5, $0x0;
	s5 =	sld [smem:$0x3FAD]  }
0x2b: {  	s6 =	sld [smem:$0x3FAE]  }
0x2c: {  	s7 =	sld [smem:$0x3FAF]  }
0x2d: {  	s3 =	simm.s32 $0x108;
	s8 =	sld [smem:$0x3FB0]  }
0x2e: {  	s3 =	simm.s32 @!p0 $0x1082;
	s9 =	sld [smem:$0x3FB1]  }
0x2f: {  	lr =	sadd.s32 s0, s3;
	s0 =	sld [smem:$0x3FA8]  }
0x30: {  	s3 =	sld [smem:$0x3FAB]  }
0x31: {  	[smem:$0x3FB4] =	sst s10  }
0x32: {  	s10 =	sld [smem:$0x3FB2];
	_ =	sdelay $0x3  }
0x33: {  	p0 =	seq.s32 s10, $0x1;
	s10 =	sld [smem:$0x3FB4];
	_ =	sdelay $0x3  }
0x34: {  	[smem:$0x3FB4] =	sst s10  }
0x35: {  	s10 =	sld [smem:$0x3FB3];
	_ =	sdelay $0x3  }
0x36: {  	p1 =	seq.s32 s10, $0x1;
	s10 =	sld [smem:$0x3FB4];
	_ =	sdelay $0x3  }
0x37: {  	[smem:$0x3FB4] =	sst s10  }
0x38: {  	s10 =	sld [smem:$0x3FB5]  }
0x39: {  	_ = 	snop;
	(pc) =	sbr.ind lr, $3  }
0x3a: {  	_ = 	snop  }
0x3b: {  	_ = 	snop  }
0x3c: {  	p2 =	seq.s32 s10, $0x1;
	s10 =	sld [smem:$0x3FB4]  }
0x3d: {  	_ =	shalt  }
0x3e: {  	_ =	shalt  }
0x3f: {  	_ =	shalt  }
0x40: {  	_ =	shalt  }
0x41: {  	_ =	shalt  }
0x42: {  	_ =	shalt  }
0x43: {  	_ =	shalt  }
0x44: {  	_ =	shalt  }
0x45: {  	_ =	shalt  }
0x46: {  	_ =	shalt  }
0x47: {  	_ =	shalt  }
0x48: {  	_ =	shalt  }
0x49: {  	_ =	shalt  }
0x4a: {  	_ =	shalt  }
0x4b: {  	_ =	shalt  }
0x4c: {  	_ =	shalt  }
0x4d: {  	_ =	shalt  }
0x4e: {  	_ =	shalt  }
0x4f: {  	_ =	shalt  }
0x50: {  	_ =	shalt  }
0x51: {  	_ =	shalt  }
0x52: {  	_ =	shalt  }
0x53: {  	_ =	shalt  }
0x54: {  	_ =	shalt  }
0x55: {  	_ =	shalt  }
0x56: {  	_ =	shalt  }
0x57: {  	_ =	shalt  }
0x58: {  	_ =	shalt  }
0x59: {  	_ =	shalt  }
0x5a: {  	_ =	shalt  }
0x5b: {  	_ =	shalt  }
0x5c: {  	_ =	shalt  }
0x5d: {  	_ =	shalt  }
0x5e: {  	_ =	shalt  }
0x5f: {  	_ =	shalt  }
0x60: {  	_ =	shalt  }
0x61: {  	_ =	shalt  }
0x62: {  	_ =	shalt  }
0x63: {  	_ =	shalt  }
0x64: {  	_ =	shalt  }
0x65: {  	_ =	shalt  }
0x66: {  	_ =	shalt  }
0x67: {  	_ =	shalt  }
0x68: {  	_ =	shalt  }
0x69: {  	_ =	shalt  }
0x6a: {  	_ =	shalt  }
0x6b: {  	_ =	shalt  }
0x6c: {  	_ =	shalt  }
0x6d: {  	_ =	shalt  }
0x6e: {  	_ =	shalt  }
0x6f: {  	_ =	shalt  }
0x70: {  	_ =	shalt  }
0x71: {  	_ =	shalt  }
0x72: {  	_ =	shalt  }
0x73: {  	_ =	shalt  }
0x74: {  	_ =	shalt  }
0x75: {  	_ =	shalt  }
0x76: {  	_ =	shalt  }
0x77: {  	_ =	shalt  }
0x78: {  	_ =	shalt  }
0x79: {  	_ =	shalt  }
0x7a: {  	_ =	shalt  }
0x7b: {  	_ =	shalt  }
0x7c: {  	_ =	shalt  }
0x7d: {  	_ =	shalt  }
0x7e: {  	_ =	shalt  }
0x7f: {  	_ =	shalt  }
0x80: {  	_ =	shalt  }
0x81: {  	_ =	shalt  }
0x82: {  	_ =	shalt  }
0x83: {  	_ =	shalt  }
0x84: {  	_ =	shalt  }
0x85: {  	_ =	shalt  }
0x86: {  	_ =	shalt  }
0x87: {  	_ =	shalt  }
.Lfunc_end0:
.L_simem_size_0:
called_computation.1_lowered:
.L_overlay_start_0:
0x88: {  	s2 =	sld [smem:$0x3FD9]  }
0x89: {  	s3 =	sld [smem:$0x3FFE];
	_ =	sdelay $0x1  }
0x8a: {  	s1 =	srdreg.scid  }
0x8b: {  	s0 =	sand.u32 $0x1, s1  }
0x8c: {  	s16 =	sshll.u32 s0, $0xA;
	s2 =	sadd.s32 s3, s2  }
0x8d: {  	s2 =	sadd.s32 s2, s16  }
0x8e: {  	[smem:$0x3FC0] =	sst s2  }
0x8f: {  	_ = 	snop  }
0x90: {  	(tm) =	ssettm $0x1  }
0x91: {  	s17 =	sld [smem:$0x3FFB];
	_ =	sdelay $0x3  }
0x92: {  	_ =	strace s17  }
0x93: {  	s2 =	sld [smem:$0x3FFC];
	_ =	sdelay $0x3  }
0x94: {  	_ =	strace s2  }
0x95: {  	s2 =	sld [smem:$0x3FFD];
	_ =	sdelay $0x3  }
0x96: {  	_ =	strace s2  }
0x97: {  	_ =	strace $0x8FFFFFFF  }
0x98: {  	s18 =	sld [smem:$0x3FDB];
	_ =	sdelay $0x1  }
0x99: {  	s19 =	simm.s32 $_scs_section_size  }
0x9a: {  	s4 =	simm.s32 $_size__tile_overlayer_lowered;
	s5 =	simm.s32 $_tile_overlayer_lowered  }
0x9b: {  	s22 =	simm.s32 $0x1BFF;
	s21 =	sshll.u32 s5, $0x1;
	s2 =	sadd.s32 s19, s18  }
0x9c: {  	s6 =	simm.s32 $0x0;
	s20 =	sshll.u32 s4, $0x1;
	s4 =	sadd.s32 s21, s2  }
0x9d: {  	[timem:s6], [sflag:s22] =	dma.local [hbm:s4], s20  }
0x9e: {  	_ =	swait.ge [sflag:s22], s20  }
0x9f: {  	s3 =	ssub.s32 $0x0, s20;
	[sflag:s22] =	ssyncset.done $0x0  }
0xa0: {  	[sflag:s22] =	ssyncadd.s32 s3;
	_ =	sdelay $0x1  }
0xa1: {  	s23 =	simm.s32 $0x1B8B  }
0xa2: {  	_ =	swait.ge [sflag:s23], $0x1  }
0xa3: {  	[sflag:s23] =	ssyncset.done $0x0  }
0xa4: {  	s25 =	simm.s32 $0x1B8E;
	s24 =	sld [smem:$0x3FFE];
	[sflag:s23] =	ssyncadd.s32 $0xFFFFFFFF  }
0xa5: {  	s26 =	simm.s32 $execute0_lowered;
	[smem:$0x3FD2] =	sst s25  }
0xa6: {  	s4 =	sshll.u32 s26, $0x1;
	_ =	strace $0x80000049;
	[dreg:$0x1] =	wrdreg $0xFFFFFFFF  }
0xa7: {  	s28 =	simm.s32 $_size_execute0_lowered;
	s2 =	sadd.s32 s2, s4;
	[dreg:$0x0] =	wrdreg $0x0  }
0xa8: {  	s4 =	sshll.u32 s28, $0x1;
	[dreg:$0x2] =	wrdreg s2  }
0xa9: {  	[dreg:$0x3] =	wrdreg s4  }
0xaa: {  	[dreg:$0x4] =	wrdreg $0xC0  }
0xab: {  	_ =	task [dreg:s6], $0x5FFFF  }
0xac: {  	[dreg:$0x1] =	wrdreg $0xFFFFFFFF  }
0xad: {  	[dreg:$0x0] =	wrdreg $0x60  }
0xae: {  	[dreg:$0x2] =	wrdreg s24  }
0xaf: {  	[dreg:$0x3] =	wrdreg $0x0  }
0xb0: {  	[dreg:$0x4] =	wrdreg $0x9  }
0xb1: {  	_ =	task.clear_ibuf [dreg:s6], $0x5FFFF;
	_ =	strace $0x90000049  }
0xb2: {  	s29 =	simm.s32 $0x9;
	_ =	strace $0x8000004B  }
0xb3: {  	_ =	swait.ge [sflag:s29], $0x1  }
0xb4: {  	[sflag:s29] =	ssyncadd.s32 $0xFFFFFFFF  }
0xb5: {  	_ =	strace $0x9000004B  }
0xb6: {  	_ =	sfence  }
0xb7: {  	s30 =	sld [smem:$0x0];
	_ =	sdelay $0x2  }
0xb8: {  	s31 =	sshll.u32 s1, $0xD;
	s1 =	sshrl.u32 s1, $0x2  }
0xb9: {  	s3 =	sand.u32 $0x4000, s31;
	s1 =	sadd.s32 s1, s30  }
0xba: {  	s0 =	sor.u32 s3, s0;
	s1 =	sshll.u32 s1, $0x11  }
0xbb: {  	s0 =	sor.u32 s1, s0  }
0xbc: {  	s0 =	sadd.s32 $0x8F2B, s0  }
0xbd: {  	[sflag:s0] =	ssyncadd.remote.s32 $0x1  }
0xbe: {  	_ =	sfence.sel $0xFFFF  }
0xbf: {  	[dreg:$0x0] =	wrdreg $0xFFFFFFFF;
	(pc) =	sbr.abs _section_cstart, $3  }
0xc0: {  	[dreg:$0x1] =	wrdreg $0xFFFFFFFF  }
0xc1: {  	_ =	task.clear_ibuf [dreg:s6], $0x2FFFF;
	_ =	strace $0x9FFFFFFF  }
0xc2: {  	(tm) =	ssettm $0x7FFFFFFF  }
0xc3: {  	_ =	shalt  }
tec
execute0_lowered:
.L_overlay_start_1:
0x0: {  	(tag) =	ssettag $0x1  }
0x1: {  	s1 =	rddreg [dreg:$0x0]  }
0x2: {  	s2 =	rddreg [dreg:$0x1];
	s3 =	simm.s32 $0x0  }
0x3: {  	s14 =	simm.s32 $0x6240;
	[smem:$0x7FF] =	sst s3  }
0x4: {  	s15 =	simm.s32 $0x62C0;
	_ =	strace $0x8000004A;
	[dreg:$0x5] =	wrdreg s14  }
0x5: {  	s16 =	simm.s32 $0x6340;
	[dreg:$0x6] =	wrdreg s15  }
0x6: {  	s0 =	srdreg.scid;
	s17 =	simm.s32 $0x63C0;
	[dreg:$0x7] =	wrdreg s16  }
0x7: {  	s9 =	stileid.u32;
	s18 =	simm.s32 $0x6440;
	[dreg:$0x8] =	wrdreg s17  }
0x8: {  	s19 =	simm.s32 $0x64C0;
	s20 =	simm.s32 $0x6540;
	[dreg:$0x9] =	wrdreg s18  }
0x9: {  	s22 =	simm.s32 $0x65C0;
	s23 =	simm.s32 $0x6640;
	[dreg:$0xa] =	wrdreg s19  }
0xa: {  	s24 =	simm.s32 $0x66C0;
	s25 =	simm.s32 $0x6740;
	[dreg:$0xb] =	wrdreg s20  }
0xb: {  	s10 =	simm.s32 $0x68C0;
	s11 =	simm.s32 $0x6940;
	[dreg:$0xc] =	wrdreg s22  }
0xc: {  	s12 =	simm.s32 $0x69C0;
	s5 =	smul.u32 $0x1870, s9;
	[dreg:$0xd] =	wrdreg s23  }
0xd: {  	s28 =	simm.s32 $0xA6C0;
	s6 =	smul.u32 $0xC380, s9;
	[dreg:$0xe] =	wrdreg s24  }
0xe: {  	s26 =	sshll.u32 s9, $0x6;
	s9 =	simm.s32 $0x6840;
	[dreg:$0xf] =	wrdreg s25  }
0xf: {  	s29 =	simm.s32 $0xAAC0;
	s0 =	sand.u32 $0x1, s0;
	[dreg:$0x11] =	wrdreg s9  }
0x10: {  	s30 =	simm.s32 $0xAEC0;
	s4 =	smul.u32 $0x18700, s0;
	[dreg:$0x12] =	wrdreg s10  }
0x11: {  	s31 =	simm.s32 $0xB2C0;
	s8 =	smul.u32 $0xC3800, s0;
	[dreg:$0x13] =	wrdreg s11  }
0x12: {  	s0 =	ssub.s32 $0x2, s0;
	s10 =	simm.s32 $0x2;
	[dreg:$0x14] =	wrdreg s12  }
0x13: {  	s11 =	simm.s32 $0x61C0;
	s14 =	simm.s32 $0x6B40;
	s12 =	simm.s32 $0x6A40  }
0x14: {  	s15 =	simm.s32 $0x6BC0;
	s16 =	simm.s32 $0x6C40;
	[dreg:$0x16] =	wrdreg s14  }
0x15: {  	s17 =	simm.s32 $0x6CC0;
	s18 =	simm.s32 $0x6D40;
	[dreg:$0x17] =	wrdreg s15  }
0x16: {  	s19 =	simm.s32 $0x6DC0;
	s20 =	simm.s32 $0x6E40;
	[dreg:$0x18] =	wrdreg s16  }
0x17: {  	s22 =	simm.s32 $0x6F40;
	s23 =	simm.s32 $0x6FC0;
	[dreg:$0x19] =	wrdreg s17  }
0x18: {  	s24 =	simm.s32 $0x7040;
	s25 =	simm.s32 $0x70C0;
	[dreg:$0x1a] =	wrdreg s18  }
0x19: {  	s9 =	simm.s32 $0x0;
	s13 =	sshrl.u32 s6, $0x3;
	[dreg:$0x1b] =	wrdreg s19  }
0x1a: {  	s21 =	sshrl.u32 s0, $0x1;
	s14 =	simm.s32 $0x72C0;
	[dreg:$0x1c] =	wrdreg s20  }
0x1b: {  	s15 =	simm.s32 $0x76C0;
	s16 =	simm.s32 $0x7AC0;
	[dreg:$0x1e] =	wrdreg s22  }
0x1c: {  	s17 =	simm.s32 $0x7EC0;
	s18 =	simm.s32 $0x82C0;
	[dreg:$0x1f] =	wrdreg s23  }
0x1d: {  	s19 =	simm.s32 $0x86C0;
	s20 =	simm.s32 $0x8AC0;
	[smem:$0x7F9] =	sst s24  }
0x1e: {  	s22 =	simm.s32 $0x92C0;
	s23 =	simm.s32 $0x96C0;
	[smem:$0x7FA] =	sst s25  }
0x1f: {  	s4 =	sadd.s32 s4, s1;
	s0 =	ssub.s32 s0, s21;
	s21 =	simm.s32 $0x6EC0  }
0x20: {  	s5 =	sadd.s32 s5, s4;
	s0 =	smax.u32 s0, $0x1;
	[dreg:$0x1d] =	wrdreg s21  }
0x21: {  	s24 =	simm.s32 $0x9AC0;
	s7 =	sadd.s32 $0x64200, s5;
	[smem:$0x7F8] =	sst s0  }
0x22: {  	s8 =	sadd.s32 s6, s8;
	s5 =	sadd.s32 $0x2600, s5;
	[dreg:$0x3] =	wrdreg s7  }
0x23: {  	s4 =	sadd.s32 $0x33400, s1;
	s8 =	sshrl.u32 s8, $0x3;
	[dreg:$0x4] =	wrdreg s5  }
0x24: {  	s7 =	sadd.s32 s13, s1;
	s1 =	sadd.s32 s8, s1;
	s8 =	simm.s32 $0x67C0  }
0x25: {  	s25 =	simm.s32 $0x9EC0;
	s13 =	simm.s32 $0x6AC0;
	[dreg:$0x10] =	wrdreg s8  }
0x26: {  	s6 =	sadd.s32 s6, s2;
	s7 =	sadd.s32 $0x189600, s7;
	[dreg:$0x15] =	wrdreg s13  }
0x27: {  	s21 =	simm.s32 $0x8EC0;
	s1 =	sadd.s32 $0x95000, s1;
	[smem:$0x7F6] =	sst s7  }
0x28: {  	s0 =	simm.s32 $0x71C0;
	s8 =	sshrl.u32 s6, $0x3;
	[smem:$0x7F7] =	sst s1  }
0x29: {  	s7 =	sor.u32 $0x1C02, s26;
	s26 =	simm.s32 $0x7140;
	[smem:$0x7FD] =	sst s8  }
0x2a: {  	s5 =	simm.s32 $0x7240;
	s13 =	simm.s32 $0x80;
	[smem:$0x7FB] =	sst s26  }
0x2b: {  	s1 =	simm.s32 $0x1;
	s26 =	simm.s32 $0xA2C0;
	[smem:$0x7FC] =	sst s7  }
.LBB2_1:
0x2c: {  	s6 =	sld [smem:$0x7F6];
	_ =	sdelay $0x1  }
0x2d: {  	[smem:$0x7F5] =	sst s9  }
0x2e: {  	[spmem:s8], [sflag:s7] =	dma.local [hbm:s6], $0x1870  }
0x2f: {  	_ =	swait.ge [sflag:s10], $0x1870  }
0x30: {  	[sflag:s10] =	ssyncset.done $0x0  }
0x31: {  	[sflag:s10] =	ssyncadd.s32 $0xFFFFE790  }
0x32: {  	[bflag:$0x0] =	sbarrier.arrive $0xFFFF  }
0x33: {  	s7 =	rddreg [dreg:$0x3]  }
0x34: {  	s6 =	sadd.s32 $0x0, s7  }
0x35: {  	[tilespmem:s11], [sflag:$0x2] =	stream.linear.gather [hbm4b:s6+s3], $0x880, $0x38;
	[tilespmem:$0xB6C0] =	vst v63  }
0x36: {  	_ =	swait.ge [sflag:s10], $0x880  }
0x37: {  	s8 =	rddreg [dreg:$0x4];
	[sflag:s10] =	ssyncset.done $0x0  }
0x38: {  	[sflag:s10] =	ssyncadd.s32 $0xFFFFF780;
	s6 =	sadd.s32 $0x0, s8  }
0x39: {  	[tilespmem:s12], [sflag:$0x2] =	stream.linear.gather [hbm4b:s6+s3], $0x880, $0x38;
	[tilespmem:$0xB6C0] =	vst v63  }
0x3a: {  	_ =	swait.ge [sflag:s10], $0x880  }
0x3b: {  	[sflag:s10] =	ssyncset.done $0x0  }
0x3c: {  	[sflag:s10] =	ssyncadd.s32 $0xFFFFF780  }
0x3d: {  	[tilespmem:s14], [sflag:$0x1] =	stream.indirect.gather [hbm4b:s4+s13], $0x4, s11, s13, $0xb8;
	[tilespmem:$0xB6C0] =	vst v63  }
0x3e: {  	s9 =	rddreg [dreg:$0x5]  }
0x3f: {  	[tilespmem:s15], [sflag:$0x1] =	stream.indirect.gather [hbm4b:s4+s13], $0x4, s9, s13, $0xb8;
	[tilespmem:$0xB6C0] =	vst v63  }
0x40: {  	s7 =	rddreg [dreg:$0x6]  }
0x41: {  	[tilespmem:s16], [sflag:$0x1] =	stream.indirect.gather [hbm4b:s4+s13], $0x4, s7, s13, $0xb8;
	[tilespmem:$0xB6C0] =	vst v63  }
0x42: {  	s9 =	rddreg [dreg:$0x7]  }
0x43: {  	[tilespmem:s17], [sflag:$0x1] =	stream.indirect.gather [hbm4b:s4+s13], $0x4, s9, s13, $0xb8;
	[tilespmem:$0xB6C0] =	vst v63  }
0x44: {  	s7 =	rddreg [dreg:$0x8]  }
0x45: {  	[tilespmem:s18], [sflag:$0x1] =	stream.indirect.gather [hbm4b:s4+s13], $0x4, s7, s13, $0xb8;
	[tilespmem:$0xB6C0] =	vst v63  }
0x46: {  	s9 =	rddreg [dreg:$0x9]  }
0x47: {  	[tilespmem:s19], [sflag:$0x1] =	stream.indirect.gather [hbm4b:s4+s13], $0x4, s9, s13, $0xb8;
	[tilespmem:$0xB6C0] =	vst v63  }
0x48: {  	s7 =	rddreg [dreg:$0xa]  }
0x49: {  	[tilespmem:s20], [sflag:$0x1] =	stream.indirect.gather [hbm4b:s4+s13], $0x4, s7, s13, $0xb8;
	[tilespmem:$0xB6C0] =	vst v63  }
0x4a: {  	s9 =	rddreg [dreg:$0xb]  }
0x4b: {  	[tilespmem:s21], [sflag:$0x1] =	stream.indirect.gather [hbm4b:s4+s13], $0x4, s9, s13, $0xb8;
	[tilespmem:$0xB6C0] =	vst v63  }
0x4c: {  	s7 =	rddreg [dreg:$0xc]  }
0x4d: {  	[tilespmem:s22], [sflag:$0x1] =	stream.indirect.gather [hbm4b:s4+s13], $0x4, s7, s13, $0xb8;
	[tilespmem:$0xB6C0] =	vst v63  }
0x4e: {  	s9 =	rddreg [dreg:$0xd]  }
0x4f: {  	[tilespmem:s23], [sflag:$0x1] =	stream.indirect.gather [hbm4b:s4+s13], $0x4, s9, s13, $0xb8;
	[tilespmem:$0xB6C0] =	vst v63  }
0x50: {  	s7 =	rddreg [dreg:$0xe]  }
0x51: {  	[tilespmem:s24], [sflag:$0x1] =	stream.indirect.gather [hbm4b:s4+s13], $0x4, s7, s13, $0xb8;
	[tilespmem:$0xB6C0] =	vst v63  }
0x52: {  	s9 =	rddreg [dreg:$0xf]  }
0x53: {  	[tilespmem:s25], [sflag:$0x1] =	stream.indirect.gather [hbm4b:s4+s13], $0x4, s9, s13, $0xb8;
	[tilespmem:$0xB6C0] =	vst v63  }
0x54: {  	s7 =	rddreg [dreg:$0x10]  }
0x55: {  	[tilespmem:s26], [sflag:$0x1] =	stream.indirect.gather [hbm4b:s4+s13], $0x4, s7, s13, $0xb8;
	[tilespmem:$0xB6C0] =	vst v63  }
0x56: {  	s9 =	rddreg [dreg:$0x11]  }
0x57: {  	[tilespmem:s28], [sflag:$0x1] =	stream.indirect.gather [hbm4b:s4+s13], $0x4, s9, s13, $0xb8;
	[tilespmem:$0xB6C0] =	vst v63  }
0x58: {  	s7 =	rddreg [dreg:$0x12]  }
0x59: {  	[tilespmem:s29], [sflag:$0x1] =	stream.indirect.gather [hbm4b:s4+s13], $0x4, s7, s13, $0xb8;
	[tilespmem:$0xB6C0] =	vst v63  }
0x5a: {  	s9 =	rddreg [dreg:$0x13]  }
0x5b: {  	[tilespmem:s30], [sflag:$0x1] =	stream.indirect.gather [hbm4b:s4+s13], $0x4, s9, s13, $0xb8;
	[tilespmem:$0xB6C0] =	vst v63  }
0x5c: {  	s7 =	rddreg [dreg:$0x14]  }
0x5d: {  	[tilespmem:s31], [sflag:$0x1] =	stream.indirect.gather [hbm4b:s4+s13], $0x4, s7, s13, $0xb8;
	[tilespmem:$0xB6C0] =	vst v63  }
0x5e: {  	_ =	swait.ge [sflag:s1], $0x200  }
0x5f: {  	[sflag:s1] =	ssyncset.done $0x0  }
0x60: {  	[sflag:s1] =	ssyncadd.s32 $0xFFFFFE00  }
0x61: {  	_ =	swait.ge [sflag:s1], $0x200  }
0x62: {  	[sflag:s1] =	ssyncset.done $0x0  }
0x63: {  	[sflag:s1] =	ssyncadd.s32 $0xFFFFFE00  }
0x64: {  	_ =	swait.ge [sflag:s1], $0x200  }
0x65: {  	[sflag:s1] =	ssyncset.done $0x0  }
0x66: {  	[sflag:s1] =	ssyncadd.s32 $0xFFFFFE00  }
0x67: {  	_ =	swait.ge [sflag:s1], $0x200  }
0x68: {  	[sflag:s1] =	ssyncset.done $0x0  }
0x69: {  	[sflag:s1] =	ssyncadd.s32 $0xFFFFFE00  }
0x6a: {  	_ =	swait.ge [sflag:s1], $0x200  }
0x6b: {  	[sflag:s1] =	ssyncset.done $0x0  }
0x6c: {  	[sflag:s1] =	ssyncadd.s32 $0xFFFFFE00  }
0x6d: {  	_ =	swait.ge [sflag:s1], $0x200  }
0x6e: {  	[sflag:s1] =	ssyncset.done $0x0  }
0x6f: {  	[sflag:s1] =	ssyncadd.s32 $0xFFFFFE00  }
0x70: {  	_ =	swait.ge [sflag:s1], $0x200  }
0x71: {  	[sflag:s1] =	ssyncset.done $0x0  }
0x72: {  	[sflag:s1] =	ssyncadd.s32 $0xFFFFFE00  }
0x73: {  	_ =	swait.ge [sflag:s1], $0x200  }
0x74: {  	[sflag:s1] =	ssyncset.done $0x0  }
0x75: {  	[sflag:s1] =	ssyncadd.s32 $0xFFFFFE00  }
0x76: {  	_ =	swait.ge [sflag:s1], $0x200  }
0x77: {  	[sflag:s1] =	ssyncset.done $0x0  }
0x78: {  	[sflag:s1] =	ssyncadd.s32 $0xFFFFFE00  }
0x79: {  	_ =	swait.ge [sflag:s1], $0x200  }
0x7a: {  	[sflag:s1] =	ssyncset.done $0x0  }
0x7b: {  	[sflag:s1] =	ssyncadd.s32 $0xFFFFFE00  }
0x7c: {  	_ =	swait.ge [sflag:s1], $0x200  }
0x7d: {  	[sflag:s1] =	ssyncset.done $0x0  }
0x7e: {  	[sflag:s1] =	ssyncadd.s32 $0xFFFFFE00  }
0x7f: {  	_ =	swait.ge [sflag:s1], $0x200  }
0x80: {  	[sflag:s1] =	ssyncset.done $0x0  }
0x81: {  	[sflag:s1] =	ssyncadd.s32 $0xFFFFFE00  }
0x82: {  	_ =	swait.ge [sflag:s1], $0x200  }
0x83: {  	[sflag:s1] =	ssyncset.done $0x0  }
0x84: {  	[sflag:s1] =	ssyncadd.s32 $0xFFFFFE00  }
0x85: {  	_ =	swait.ge [sflag:s1], $0x200  }
0x86: {  	[sflag:s1] =	ssyncset.done $0x0  }
0x87: {  	[sflag:s1] =	ssyncadd.s32 $0xFFFFFE00  }
0x88: {  	_ =	swait.ge [sflag:s1], $0x200  }
0x89: {  	[sflag:s1] =	ssyncset.done $0x0  }
0x8a: {  	[sflag:s1] =	ssyncadd.s32 $0xFFFFFE00  }
0x8b: {  	_ =	swait.ge [sflag:s1], $0x200  }
0x8c: {  	[sflag:s1] =	ssyncset.done $0x0  }
0x8d: {  	[sflag:s1] =	ssyncadd.s32 $0xFFFFFE00  }
0x8e: {  	_ =	swait.ge [sflag:s1], $0x200  }
0x8f: {  	[sflag:s1] =	ssyncset.done $0x0  }
0x90: {  	[sflag:s1] =	ssyncadd.s32 $0xFFFFFE00  }
0x91: {  	[spmem:s2] =	stream.indirect.scatter.add.f32 [tilespmem:s14], [sflag:$0x2], $0x4, s12, s13, $0xb8;
	[tilespmem:$0xB6C0] =	vst v63  }
0x92: {  	_ =	swait.ge [sflag:s10], $0x200  }
0x93: {  	[sflag:s10] =	ssyncset.done $0x0  }
0x94: {  	s8 =	rddreg [dreg:$0x15];
	[sflag:s10] =	ssyncadd.s32 $0xFFFFFE00  }
0x95: {  	[spmem:s2] =	stream.indirect.scatter.add.f32 [tilespmem:s15], [sflag:$0x2], $0x4, s8, s13, $0xb8;
	[tilespmem:$0xB6C0] =	vst v63  }
0x96: {  	_ =	swait.ge [sflag:s10], $0x200  }
0x97: {  	[sflag:s10] =	ssyncset.done $0x0  }
0x98: {  	s9 =	rddreg [dreg:$0x16];
	[sflag:s10] =	ssyncadd.s32 $0xFFFFFE00  }
0x99: {  	[spmem:s2] =	stream.indirect.scatter.add.f32 [tilespmem:s16], [sflag:$0x2], $0x4, s9, s13, $0xb8;
	[tilespmem:$0xB6C0] =	vst v63  }
0x9a: {  	_ =	swait.ge [sflag:s10], $0x200  }
0x9b: {  	[sflag:s10] =	ssyncset.done $0x0  }
0x9c: {  	s7 =	rddreg [dreg:$0x17];
	[sflag:s10] =	ssyncadd.s32 $0xFFFFFE00  }
0x9d: {  	[spmem:s2] =	stream.indirect.scatter.add.f32 [tilespmem:s17], [sflag:$0x2], $0x4, s7, s13, $0xb8;
	[tilespmem:$0xB6C0] =	vst v63  }
0x9e: {  	_ =	swait.ge [sflag:s10], $0x200  }
0x9f: {  	[sflag:s10] =	ssyncset.done $0x0  }
0xa0: {  	s8 =	rddreg [dreg:$0x18];
	[sflag:s10] =	ssyncadd.s32 $0xFFFFFE00  }
0xa1: {  	[spmem:s2] =	stream.indirect.scatter.add.f32 [tilespmem:s18], [sflag:$0x2], $0x4, s8, s13, $0xb8;
	[tilespmem:$0xB6C0] =	vst v63  }
0xa2: {  	_ =	swait.ge [sflag:s10], $0x200  }
0xa3: {  	[sflag:s10] =	ssyncset.done $0x0  }
0xa4: {  	s9 =	rddreg [dreg:$0x19];
	[sflag:s10] =	ssyncadd.s32 $0xFFFFFE00  }
0xa5: {  	[spmem:s2] =	stream.indirect.scatter.add.f32 [tilespmem:s19], [sflag:$0x2], $0x4, s9, s13, $0xb8;
	[tilespmem:$0xB6C0] =	vst v63  }
0xa6: {  	_ =	swait.ge [sflag:s10], $0x200  }
0xa7: {  	[sflag:s10] =	ssyncset.done $0x0  }
0xa8: {  	s7 =	rddreg [dreg:$0x1a];
	[sflag:s10] =	ssyncadd.s32 $0xFFFFFE00  }
0xa9: {  	[spmem:s2] =	stream.indirect.scatter.add.f32 [tilespmem:s20], [sflag:$0x2], $0x4, s7, s13, $0xb8;
	[tilespmem:$0xB6C0] =	vst v63  }
0xaa: {  	_ =	swait.ge [sflag:s10], $0x200  }
0xab: {  	[sflag:s10] =	ssyncset.done $0x0  }
0xac: {  	s8 =	rddreg [dreg:$0x1b];
	[sflag:s10] =	ssyncadd.s32 $0xFFFFFE00  }
0xad: {  	[spmem:s2] =	stream.indirect.scatter.add.f32 [tilespmem:s21], [sflag:$0x2], $0x4, s8, s13, $0xb8;
	[tilespmem:$0xB6C0] =	vst v63  }
0xae: {  	_ =	swait.ge [sflag:s10], $0x200  }
0xaf: {  	[sflag:s10] =	ssyncset.done $0x0  }
0xb0: {  	s9 =	rddreg [dreg:$0x1c];
	[sflag:s10] =	ssyncadd.s32 $0xFFFFFE00  }
0xb1: {  	[spmem:s2] =	stream.indirect.scatter.add.f32 [tilespmem:s22], [sflag:$0x2], $0x4, s9, s13, $0xb8;
	[tilespmem:$0xB6C0] =	vst v63  }
0xb2: {  	_ =	swait.ge [sflag:s10], $0x200  }
0xb3: {  	[sflag:s10] =	ssyncset.done $0x0  }
0xb4: {  	s7 =	rddreg [dreg:$0x1d];
	[sflag:s10] =	ssyncadd.s32 $0xFFFFFE00  }
0xb5: {  	[spmem:s2] =	stream.indirect.scatter.add.f32 [tilespmem:s23], [sflag:$0x2], $0x4, s7, s13, $0xb8;
	[tilespmem:$0xB6C0] =	vst v63  }
0xb6: {  	_ =	swait.ge [sflag:s10], $0x200  }
0xb7: {  	[sflag:s10] =	ssyncset.done $0x0  }
0xb8: {  	s8 =	rddreg [dreg:$0x1e];
	[sflag:s10] =	ssyncadd.s32 $0xFFFFFE00  }
0xb9: {  	[spmem:s2] =	stream.indirect.scatter.add.f32 [tilespmem:s24], [sflag:$0x2], $0x4, s8, s13, $0xb8;
	[tilespmem:$0xB6C0] =	vst v63  }
0xba: {  	_ =	swait.ge [sflag:s10], $0x200  }
0xbb: {  	[sflag:s10] =	ssyncset.done $0x0  }
0xbc: {  	s9 =	rddreg [dreg:$0x1f];
	[sflag:s10] =	ssyncadd.s32 $0xFFFFFE00  }
0xbd: {  	[spmem:s2] =	stream.indirect.scatter.add.f32 [tilespmem:s25], [sflag:$0x2], $0x4, s9, s13, $0xb8;
	[tilespmem:$0xB6C0] =	vst v63  }
0xbe: {  	_ =	swait.ge [sflag:s10], $0x200  }
0xbf: {  	s7 =	sld [smem:$0x7F9]  }
0xc0: {  	[sflag:s10] =	ssyncset.done $0x0  }
0xc1: {  	[sflag:s10] =	ssyncadd.s32 $0xFFFFFE00  }
0xc2: {  	[spmem:s2] =	stream.indirect.scatter.add.f32 [tilespmem:s26], [sflag:$0x2], $0x4, s7, s13, $0xb8;
	[tilespmem:$0xB6C0] =	vst v63  }
0xc3: {  	_ =	swait.ge [sflag:s10], $0x200  }
0xc4: {  	s8 =	sld [smem:$0x7FA]  }
0xc5: {  	[sflag:s10] =	ssyncset.done $0x0  }
0xc6: {  	[sflag:s10] =	ssyncadd.s32 $0xFFFFFE00  }
0xc7: {  	[spmem:s2] =	stream.indirect.scatter.add.f32 [tilespmem:s28], [sflag:$0x2], $0x4, s8, s13, $0xb8;
	[tilespmem:$0xB6C0] =	vst v63  }
0xc8: {  	_ =	swait.ge [sflag:s10], $0x200  }
0xc9: {  	s9 =	sld [smem:$0x7FB]  }
0xca: {  	[sflag:s10] =	ssyncset.done $0x0  }
0xcb: {  	[sflag:s10] =	ssyncadd.s32 $0xFFFFFE00  }
0xcc: {  	[spmem:s2] =	stream.indirect.scatter.add.f32 [tilespmem:s29], [sflag:$0x2], $0x4, s9, s13, $0xb8;
	[tilespmem:$0xB6C0] =	vst v63  }
0xcd: {  	_ =	swait.ge [sflag:s10], $0x200  }
0xce: {  	[sflag:s10] =	ssyncset.done $0x0  }
0xcf: {  	[sflag:s10] =	ssyncadd.s32 $0xFFFFFE00  }
0xd0: {  	[spmem:s2] =	stream.indirect.scatter.add.f32 [tilespmem:s30], [sflag:$0x2], $0x4, s0, s13, $0xb8;
	[tilespmem:$0xB6C0] =	vst v63  }
0xd1: {  	_ =	swait.ge [sflag:s10], $0x200  }
0xd2: {  	[sflag:s10] =	ssyncset.done $0x0  }
0xd3: {  	[sflag:s10] =	ssyncadd.s32 $0xFFFFFE00  }
0xd4: {  	[spmem:s2] =	stream.indirect.scatter.add.f32 [tilespmem:s31], [sflag:$0x2], $0x4, s5, s13, $0xb8;
	[tilespmem:$0xB6C0] =	vst v63  }
0xd5: {  	s6 =	simm.s32 $0x220;
	_ =	swait.ge [sflag:s10], $0x200  }
0xd6: {  	s8 =	simm.s32 $0x110;
	s9 =	rddreg [dreg:$0x3];
	[sflag:s10] =	ssyncset.done $0x0  }
.LBB2_2:
0xd7: {  	[sflag:s10] =	ssyncadd.s32 $0xFFFFFE00;
	s9 =	sadd.s32 s8, s9  }
0xd8: {  	[tilespmem:s11], [sflag:$0x2] =	stream.linear.gather [hbm4b:s9+s3], $0x880, $0x38;
	[tilespmem:$0xB6C0] =	vst v63  }
0xd9: {  	_ =	swait.ge [sflag:s10], $0x880  }
0xda: {  	s9 =	rddreg [dreg:$0x4];
	[sflag:s10] =	ssyncset.done $0x0  }
0xdb: {  	[sflag:s10] =	ssyncadd.s32 $0xFFFFF780;
	s9 =	sadd.s32 s8, s9  }
0xdc: {  	[tilespmem:s12], [sflag:$0x2] =	stream.linear.gather [hbm4b:s9+s3], $0x880, $0x38;
	[tilespmem:$0xB6C0] =	vst v63  }
0xdd: {  	_ =	swait.ge [sflag:s10], $0x880  }
0xde: {  	[sflag:s10] =	ssyncset.done $0x0  }
0xdf: {  	s7 =	smov.u32 s6;
	[sflag:s10] =	ssyncadd.s32 $0xFFFFF780  }
0xe0: {  	[tilespmem:s14], [sflag:$0x1] =	stream.indirect.gather [hbm4b:s4+s13], $0x4, s11, s13, $0xb8;
	[tilespmem:$0xB6C0] =	vst v63  }
0xe1: {  	s8 =	smov.u32 s7;
	s7 =	rddreg [dreg:$0x5]  }
0xe2: {  	[tilespmem:s15], [sflag:$0x1] =	stream.indirect.gather [hbm4b:s4+s13], $0x4, s7, s13, $0xb8;
	[tilespmem:$0xB6C0] =	vst v63  }
0xe3: {  	s9 =	rddreg [dreg:$0x6]  }
0xe4: {  	[tilespmem:s16], [sflag:$0x1] =	stream.indirect.gather [hbm4b:s4+s13], $0x4, s9, s13, $0xb8;
	[tilespmem:$0xB6C0] =	vst v63  }
0xe5: {  	s7 =	rddreg [dreg:$0x7]  }
0xe6: {  	[tilespmem:s17], [sflag:$0x1] =	stream.indirect.gather [hbm4b:s4+s13], $0x4, s7, s13, $0xb8;
	[tilespmem:$0xB6C0] =	vst v63  }
0xe7: {  	s9 =	rddreg [dreg:$0x8]  }
0xe8: {  	[tilespmem:s18], [sflag:$0x1] =	stream.indirect.gather [hbm4b:s4+s13], $0x4, s9, s13, $0xb8;
	[tilespmem:$0xB6C0] =	vst v63  }
0xe9: {  	s7 =	rddreg [dreg:$0x9]  }
0xea: {  	[tilespmem:s19], [sflag:$0x1] =	stream.indirect.gather [hbm4b:s4+s13], $0x4, s7, s13, $0xb8;
	[tilespmem:$0xB6C0] =	vst v63  }
0xeb: {  	s9 =	rddreg [dreg:$0xa]  }
0xec: {  	[tilespmem:s20], [sflag:$0x1] =	stream.indirect.gather [hbm4b:s4+s13], $0x4, s9, s13, $0xb8;
	[tilespmem:$0xB6C0] =	vst v63  }
0xed: {  	s7 =	rddreg [dreg:$0xb]  }
0xee: {  	[tilespmem:s21], [sflag:$0x1] =	stream.indirect.gather [hbm4b:s4+s13], $0x4, s7, s13, $0xb8;
	[tilespmem:$0xB6C0] =	vst v63  }
0xef: {  	s9 =	rddreg [dreg:$0xc]  }
0xf0: {  	[tilespmem:s22], [sflag:$0x1] =	stream.indirect.gather [hbm4b:s4+s13], $0x4, s9, s13, $0xb8;
	[tilespmem:$0xB6C0] =	vst v63  }
0xf1: {  	s7 =	rddreg [dreg:$0xd]  }
0xf2: {  	[tilespmem:s23], [sflag:$0x1] =	stream.indirect.gather [hbm4b:s4+s13], $0x4, s7, s13, $0xb8;
	[tilespmem:$0xB6C0] =	vst v63  }
0xf3: {  	s9 =	rddreg [dreg:$0xe]  }
0xf4: {  	[tilespmem:s24], [sflag:$0x1] =	stream.indirect.gather [hbm4b:s4+s13], $0x4, s9, s13, $0xb8;
	[tilespmem:$0xB6C0] =	vst v63  }
0xf5: {  	s7 =	rddreg [dreg:$0xf]  }
0xf6: {  	[tilespmem:s25], [sflag:$0x1] =	stream.indirect.gather [hbm4b:s4+s13], $0x4, s7, s13, $0xb8;
	[tilespmem:$0xB6C0] =	vst v63  }
0xf7: {  	s9 =	rddreg [dreg:$0x10]  }
0xf8: {  	[tilespmem:s26], [sflag:$0x1] =	stream.indirect.gather [hbm4b:s4+s13], $0x4, s9, s13, $0xb8;
	[tilespmem:$0xB6C0] =	vst v63  }
0xf9: {  	s7 =	rddreg [dreg:$0x11]  }
0xfa: {  	[tilespmem:s28], [sflag:$0x1] =	stream.indirect.gather [hbm4b:s4+s13], $0x4, s7, s13, $0xb8;
	[tilespmem:$0xB6C0] =	vst v63  }
0xfb: {  	s9 =	rddreg [dreg:$0x12]  }
0xfc: {  	[tilespmem:s29], [sflag:$0x1] =	stream.indirect.gather [hbm4b:s4+s13], $0x4, s9, s13, $0xb8;
	[tilespmem:$0xB6C0] =	vst v63  }
0xfd: {  	s7 =	rddreg [dreg:$0x13]  }
0xfe: {  	[tilespmem:s30], [sflag:$0x1] =	stream.indirect.gather [hbm4b:s4+s13], $0x4, s7, s13, $0xb8;
	[tilespmem:$0xB6C0] =	vst v63  }
0xff: {  	s9 =	rddreg [dreg:$0x14]  }
0x100: {  	[tilespmem:s31], [sflag:$0x1] =	stream.indirect.gather [hbm4b:s4+s13], $0x4, s9, s13, $0xb8;
	[tilespmem:$0xB6C0] =	vst v63  }
0x101: {  	_ =	swait.ge [sflag:s1], $0x200  }
0x102: {  	[sflag:s1] =	ssyncset.done $0x0  }
0x103: {  	[sflag:s1] =	ssyncadd.s32 $0xFFFFFE00  }
0x104: {  	_ =	swait.ge [sflag:s1], $0x200  }
0x105: {  	[sflag:s1] =	ssyncset.done $0x0  }
0x106: {  	[sflag:s1] =	ssyncadd.s32 $0xFFFFFE00  }
0x107: {  	_ =	swait.ge [sflag:s1], $0x200  }
0x108: {  	[sflag:s1] =	ssyncset.done $0x0  }
0x109: {  	[sflag:s1] =	ssyncadd.s32 $0xFFFFFE00  }
0x10a: {  	_ =	swait.ge [sflag:s1], $0x200  }
0x10b: {  	[sflag:s1] =	ssyncset.done $0x0  }
0x10c: {  	[sflag:s1] =	ssyncadd.s32 $0xFFFFFE00  }
0x10d: {  	_ =	swait.ge [sflag:s1], $0x200  }
0x10e: {  	[sflag:s1] =	ssyncset.done $0x0  }
0x10f: {  	[sflag:s1] =	ssyncadd.s32 $0xFFFFFE00  }
0x110: {  	_ =	swait.ge [sflag:s1], $0x200  }
0x111: {  	[sflag:s1] =	ssyncset.done $0x0  }
0x112: {  	[sflag:s1] =	ssyncadd.s32 $0xFFFFFE00  }
0x113: {  	_ =	swait.ge [sflag:s1], $0x200  }
0x114: {  	[sflag:s1] =	ssyncset.done $0x0  }
0x115: {  	[sflag:s1] =	ssyncadd.s32 $0xFFFFFE00  }
0x116: {  	_ =	swait.ge [sflag:s1], $0x200  }
0x117: {  	[sflag:s1] =	ssyncset.done $0x0  }
0x118: {  	[sflag:s1] =	ssyncadd.s32 $0xFFFFFE00  }
0x119: {  	_ =	swait.ge [sflag:s1], $0x200  }
0x11a: {  	[sflag:s1] =	ssyncset.done $0x0  }
0x11b: {  	[sflag:s1] =	ssyncadd.s32 $0xFFFFFE00  }
0x11c: {  	_ =	swait.ge [sflag:s1], $0x200  }
0x11d: {  	[sflag:s1] =	ssyncset.done $0x0  }
0x11e: {  	[sflag:s1] =	ssyncadd.s32 $0xFFFFFE00  }
0x11f: {  	_ =	swait.ge [sflag:s1], $0x200  }
0x120: {  	[sflag:s1] =	ssyncset.done $0x0  }
0x121: {  	[sflag:s1] =	ssyncadd.s32 $0xFFFFFE00  }
0x122: {  	_ =	swait.ge [sflag:s1], $0x200  }
0x123: {  	[sflag:s1] =	ssyncset.done $0x0  }
0x124: {  	[sflag:s1] =	ssyncadd.s32 $0xFFFFFE00  }
0x125: {  	_ =	swait.ge [sflag:s1], $0x200  }
0x126: {  	[sflag:s1] =	ssyncset.done $0x0  }
0x127: {  	[sflag:s1] =	ssyncadd.s32 $0xFFFFFE00  }
0x128: {  	_ =	swait.ge [sflag:s1], $0x200  }
0x129: {  	[sflag:s1] =	ssyncset.done $0x0  }
0x12a: {  	[sflag:s1] =	ssyncadd.s32 $0xFFFFFE00  }
0x12b: {  	_ =	swait.ge [sflag:s1], $0x200  }
0x12c: {  	[sflag:s1] =	ssyncset.done $0x0  }
0x12d: {  	[sflag:s1] =	ssyncadd.s32 $0xFFFFFE00  }
0x12e: {  	_ =	swait.ge [sflag:s1], $0x200  }
0x12f: {  	[sflag:s1] =	ssyncset.done $0x0  }
0x130: {  	[sflag:s1] =	ssyncadd.s32 $0xFFFFFE00  }
0x131: {  	_ =	swait.ge [sflag:s1], $0x200  }
0x132: {  	[sflag:s1] =	ssyncset.done $0x0  }
0x133: {  	[sflag:s1] =	ssyncadd.s32 $0xFFFFFE00  }
0x134: {  	[spmem:s2] =	stream.indirect.scatter.add.f32 [tilespmem:s14], [sflag:$0x2], $0x4, s12, s13, $0xb8;
	[tilespmem:$0xB6C0] =	vst v63  }
0x135: {  	_ =	swait.ge [sflag:s10], $0x200  }
0x136: {  	[sflag:s10] =	ssyncset.done $0x0  }
0x137: {  	s9 =	rddreg [dreg:$0x15];
	[sflag:s10] =	ssyncadd.s32 $0xFFFFFE00  }
0x138: {  	[spmem:s2] =	stream.indirect.scatter.add.f32 [tilespmem:s15], [sflag:$0x2], $0x4, s9, s13, $0xb8;
	[tilespmem:$0xB6C0] =	vst v63  }
0x139: {  	_ =	swait.ge [sflag:s10], $0x200  }
0x13a: {  	[sflag:s10] =	ssyncset.done $0x0  }
0x13b: {  	s9 =	rddreg [dreg:$0x16];
	[sflag:s10] =	ssyncadd.s32 $0xFFFFFE00  }
0x13c: {  	[spmem:s2] =	stream.indirect.scatter.add.f32 [tilespmem:s16], [sflag:$0x2], $0x4, s9, s13, $0xb8;
	[tilespmem:$0xB6C0] =	vst v63  }
0x13d: {  	_ =	swait.ge [sflag:s10], $0x200  }
0x13e: {  	[sflag:s10] =	ssyncset.done $0x0  }
0x13f: {  	s9 =	rddreg [dreg:$0x17];
	[sflag:s10] =	ssyncadd.s32 $0xFFFFFE00  }
0x140: {  	[spmem:s2] =	stream.indirect.scatter.add.f32 [tilespmem:s17], [sflag:$0x2], $0x4, s9, s13, $0xb8;
	[tilespmem:$0xB6C0] =	vst v63  }
0x141: {  	_ =	swait.ge [sflag:s10], $0x200  }
0x142: {  	[sflag:s10] =	ssyncset.done $0x0  }
0x143: {  	s9 =	rddreg [dreg:$0x18];
	[sflag:s10] =	ssyncadd.s32 $0xFFFFFE00  }
0x144: {  	[spmem:s2] =	stream.indirect.scatter.add.f32 [tilespmem:s18], [sflag:$0x2], $0x4, s9, s13, $0xb8;
	[tilespmem:$0xB6C0] =	vst v63  }
0x145: {  	_ =	swait.ge [sflag:s10], $0x200  }
0x146: {  	[sflag:s10] =	ssyncset.done $0x0  }
0x147: {  	s9 =	rddreg [dreg:$0x19];
	[sflag:s10] =	ssyncadd.s32 $0xFFFFFE00  }
0x148: {  	[spmem:s2] =	stream.indirect.scatter.add.f32 [tilespmem:s19], [sflag:$0x2], $0x4, s9, s13, $0xb8;
	[tilespmem:$0xB6C0] =	vst v63  }
0x149: {  	_ =	swait.ge [sflag:s10], $0x200  }
0x14a: {  	[sflag:s10] =	ssyncset.done $0x0  }
0x14b: {  	s9 =	rddreg [dreg:$0x1a];
	[sflag:s10] =	ssyncadd.s32 $0xFFFFFE00  }
0x14c: {  	[spmem:s2] =	stream.indirect.scatter.add.f32 [tilespmem:s20], [sflag:$0x2], $0x4, s9, s13, $0xb8;
	[tilespmem:$0xB6C0] =	vst v63  }
0x14d: {  	_ =	swait.ge [sflag:s10], $0x200  }
0x14e: {  	[sflag:s10] =	ssyncset.done $0x0  }
0x14f: {  	s9 =	rddreg [dreg:$0x1b];
	[sflag:s10] =	ssyncadd.s32 $0xFFFFFE00  }
0x150: {  	[spmem:s2] =	stream.indirect.scatter.add.f32 [tilespmem:s21], [sflag:$0x2], $0x4, s9, s13, $0xb8;
	[tilespmem:$0xB6C0] =	vst v63  }
0x151: {  	_ =	swait.ge [sflag:s10], $0x200  }
0x152: {  	[sflag:s10] =	ssyncset.done $0x0  }
0x153: {  	s9 =	rddreg [dreg:$0x1c];
	[sflag:s10] =	ssyncadd.s32 $0xFFFFFE00  }
0x154: {  	[spmem:s2] =	stream.indirect.scatter.add.f32 [tilespmem:s22], [sflag:$0x2], $0x4, s9, s13, $0xb8;
	[tilespmem:$0xB6C0] =	vst v63  }
0x155: {  	_ =	swait.ge [sflag:s10], $0x200  }
0x156: {  	[sflag:s10] =	ssyncset.done $0x0  }
0x157: {  	s9 =	rddreg [dreg:$0x1d];
	[sflag:s10] =	ssyncadd.s32 $0xFFFFFE00  }
0x158: {  	[spmem:s2] =	stream.indirect.scatter.add.f32 [tilespmem:s23], [sflag:$0x2], $0x4, s9, s13, $0xb8;
	[tilespmem:$0xB6C0] =	vst v63  }
0x159: {  	_ =	swait.ge [sflag:s10], $0x200  }
0x15a: {  	[sflag:s10] =	ssyncset.done $0x0  }
0x15b: {  	s9 =	rddreg [dreg:$0x1e];
	[sflag:s10] =	ssyncadd.s32 $0xFFFFFE00  }
0x15c: {  	[spmem:s2] =	stream.indirect.scatter.add.f32 [tilespmem:s24], [sflag:$0x2], $0x4, s9, s13, $0xb8;
	[tilespmem:$0xB6C0] =	vst v63  }
0x15d: {  	_ =	swait.ge [sflag:s10], $0x200  }
0x15e: {  	[sflag:s10] =	ssyncset.done $0x0  }
0x15f: {  	s9 =	rddreg [dreg:$0x1f];
	[sflag:s10] =	ssyncadd.s32 $0xFFFFFE00  }
0x160: {  	[spmem:s2] =	stream.indirect.scatter.add.f32 [tilespmem:s25], [sflag:$0x2], $0x4, s9, s13, $0xb8;
	[tilespmem:$0xB6C0] =	vst v63  }
0x161: {  	_ =	swait.ge [sflag:s10], $0x200  }
0x162: {  	s9 =	sld [smem:$0x7F9]  }
0x163: {  	[sflag:s10] =	ssyncset.done $0x0  }
0x164: {  	[sflag:s10] =	ssyncadd.s32 $0xFFFFFE00  }
0x165: {  	[spmem:s2] =	stream.indirect.scatter.add.f32 [tilespmem:s26], [sflag:$0x2], $0x4, s9, s13, $0xb8;
	[tilespmem:$0xB6C0] =	vst v63  }
0x166: {  	_ =	swait.ge [sflag:s10], $0x200  }
0x167: {  	s9 =	sld [smem:$0x7FA]  }
0x168: {  	[sflag:s10] =	ssyncset.done $0x0  }
0x169: {  	[sflag:s10] =	ssyncadd.s32 $0xFFFFFE00  }
0x16a: {  	[spmem:s2] =	stream.indirect.scatter.add.f32 [tilespmem:s28], [sflag:$0x2], $0x4, s9, s13, $0xb8;
	[tilespmem:$0xB6C0] =	vst v63  }
0x16b: {  	_ =	swait.ge [sflag:s10], $0x200  }
0x16c: {  	s9 =	sld [smem:$0x7FB]  }
0x16d: {  	[sflag:s10] =	ssyncset.done $0x0  }
0x16e: {  	[sflag:s10] =	ssyncadd.s32 $0xFFFFFE00  }
0x16f: {  	[spmem:s2] =	stream.indirect.scatter.add.f32 [tilespmem:s29], [sflag:$0x2], $0x4, s9, s13, $0xb8;
	[tilespmem:$0xB6C0] =	vst v63  }
0x170: {  	_ =	swait.ge [sflag:s10], $0x200  }
0x171: {  	[sflag:s10] =	ssyncset.done $0x0  }
0x172: {  	[sflag:s10] =	ssyncadd.s32 $0xFFFFFE00  }
0x173: {  	[spmem:s2] =	stream.indirect.scatter.add.f32 [tilespmem:s30], [sflag:$0x2], $0x4, s0, s13, $0xb8;
	[tilespmem:$0xB6C0] =	vst v63  }
0x174: {  	p0 =	sne.s32 s6, $0x1760;
	_ =	swait.ge [sflag:s10], $0x200  }
.Ltmp0:
0x175: {  	[sflag:s10] =	ssyncset.done $0x0;
	(pc) =	sbr.rel @p0 .LBB2_2-.Ltmp0, $4  }
0x176: {  	[sflag:s10] =	ssyncadd.s32 $0xFFFFFE00  }
0x177: {  	[spmem:s2] =	stream.indirect.scatter.add.f32 [tilespmem:s31], [sflag:$0x2], $0x4, s5, s13, $0xb8;
	[tilespmem:$0xB6C0] =	vst v63  }
0x178: {  	_ =	swait.ge [sflag:s10], $0x200  }
0x179: {  	s6 =	sadd.s32 $0x110, s6;
	s9 =	rddreg [dreg:$0x3];
	[sflag:s10] =	ssyncset.done $0x0  }
0x17a: {  	[sflag:s10] =	ssyncadd.s32 $0xFFFFFE00;
	s6 =	sadd.s32 s8, s9  }
0x17b: {  	[tilespmem:s11], [sflag:$0x2] =	stream.linear.gather [hbm4b:s6+s3], $0x880, $0x38;
	[tilespmem:$0xB6C0] =	vst v63  }
0x17c: {  	_ =	swait.ge [sflag:s10], $0x880  }
0x17d: {  	s7 =	rddreg [dreg:$0x4];
	[sflag:s10] =	ssyncset.done $0x0  }
0x17e: {  	[sflag:s10] =	ssyncadd.s32 $0xFFFFF780;
	s6 =	sadd.s32 s8, s7  }
0x17f: {  	[tilespmem:s12], [sflag:$0x2] =	stream.linear.gather [hbm4b:s6+s3], $0x880, $0x38;
	[tilespmem:$0xB6C0] =	vst v63  }
0x180: {  	_ =	swait.ge [sflag:s10], $0x880  }
0x181: {  	[sflag:s10] =	ssyncset.done $0x0  }
0x182: {  	[sflag:s10] =	ssyncadd.s32 $0xFFFFF780  }
0x183: {  	[tilespmem:s14], [sflag:$0x1] =	stream.indirect.gather [hbm4b:s4+s13], $0x4, s11, s13, $0xb8;
	[tilespmem:$0xB6C0] =	vst v63  }
0x184: {  	s9 =	rddreg [dreg:$0x5]  }
0x185: {  	[tilespmem:s15], [sflag:$0x1] =	stream.indirect.gather [hbm4b:s4+s13], $0x4, s9, s13, $0xb8;
	[tilespmem:$0xB6C0] =	vst v63  }
0x186: {  	s7 =	rddreg [dreg:$0x6]  }
0x187: {  	[tilespmem:s16], [sflag:$0x1] =	stream.indirect.gather [hbm4b:s4+s13], $0x4, s7, s13, $0xb8;
	[tilespmem:$0xB6C0] =	vst v63  }
0x188: {  	s8 =	rddreg [dreg:$0x7]  }
0x189: {  	[tilespmem:s17], [sflag:$0x1] =	stream.indirect.gather [hbm4b:s4+s13], $0x4, s8, s13, $0xb8;
	[tilespmem:$0xB6C0] =	vst v63  }
0x18a: {  	s9 =	rddreg [dreg:$0x8]  }
0x18b: {  	[tilespmem:s18], [sflag:$0x1] =	stream.indirect.gather [hbm4b:s4+s13], $0x4, s9, s13, $0xb8;
	[tilespmem:$0xB6C0] =	vst v63  }
0x18c: {  	s8 =	rddreg [dreg:$0x9]  }
0x18d: {  	[tilespmem:s19], [sflag:$0x1] =	stream.indirect.gather [hbm4b:s4+s13], $0x4, s8, s13, $0xb8;
	[tilespmem:$0xB6C0] =	vst v63  }
0x18e: {  	s9 =	rddreg [dreg:$0xa]  }
0x18f: {  	[tilespmem:s20], [sflag:$0x1] =	stream.indirect.gather [hbm4b:s4+s13], $0x4, s9, s13, $0xb8;
	[tilespmem:$0xB6C0] =	vst v63  }
0x190: {  	s8 =	rddreg [dreg:$0xb]  }
0x191: {  	[tilespmem:s21], [sflag:$0x1] =	stream.indirect.gather [hbm4b:s4+s13], $0x4, s8, s13, $0xb8;
	[tilespmem:$0xB6C0] =	vst v63  }
0x192: {  	s9 =	rddreg [dreg:$0xc]  }
0x193: {  	[tilespmem:s22], [sflag:$0x1] =	stream.indirect.gather [hbm4b:s4+s13], $0x4, s9, s13, $0xb8;
	[tilespmem:$0xB6C0] =	vst v63  }
0x194: {  	s8 =	rddreg [dreg:$0xd]  }
0x195: {  	[tilespmem:s23], [sflag:$0x1] =	stream.indirect.gather [hbm4b:s4+s13], $0x4, s8, s13, $0xb8;
	[tilespmem:$0xB6C0] =	vst v63  }
0x196: {  	s9 =	rddreg [dreg:$0xe]  }
0x197: {  	[tilespmem:s24], [sflag:$0x1] =	stream.indirect.gather [hbm4b:s4+s13], $0x4, s9, s13, $0xb8;
	[tilespmem:$0xB6C0] =	vst v63  }
0x198: {  	s8 =	rddreg [dreg:$0xf]  }
0x199: {  	[tilespmem:s25], [sflag:$0x1] =	stream.indirect.gather [hbm4b:s4+s13], $0x4, s8, s13, $0xb8;
	[tilespmem:$0xB6C0] =	vst v63  }
0x19a: {  	s9 =	rddreg [dreg:$0x10]  }
0x19b: {  	[tilespmem:s26], [sflag:$0x1] =	stream.indirect.gather [hbm4b:s4+s13], $0x4, s9, s13, $0xb8;
	[tilespmem:$0xB6C0] =	vst v63  }
0x19c: {  	s8 =	rddreg [dreg:$0x11]  }
0x19d: {  	[tilespmem:s28], [sflag:$0x1] =	stream.indirect.gather [hbm4b:s4+s13], $0x4, s8, s13, $0xb8;
	[tilespmem:$0xB6C0] =	vst v63  }
0x19e: {  	s9 =	rddreg [dreg:$0x12]  }
0x19f: {  	[tilespmem:s29], [sflag:$0x1] =	stream.indirect.gather [hbm4b:s4+s13], $0x4, s9, s13, $0xb8;
	[tilespmem:$0xB6C0] =	vst v63  }
0x1a0: {  	s8 =	rddreg [dreg:$0x13]  }
0x1a1: {  	[tilespmem:s30], [sflag:$0x1] =	stream.indirect.gather [hbm4b:s4+s13], $0x4, s8, s13, $0xb8;
	[tilespmem:$0xB6C0] =	vst v63  }
0x1a2: {  	s9 =	rddreg [dreg:$0x14]  }
0x1a3: {  	[tilespmem:s31], [sflag:$0x1] =	stream.indirect.gather [hbm4b:s4+s13], $0x4, s9, s13, $0xb8;
	[tilespmem:$0xB6C0] =	vst v63  }
0x1a4: {  	_ =	swait.ge [sflag:s1], $0x200  }
0x1a5: {  	[sflag:s1] =	ssyncset.done $0x0  }
0x1a6: {  	[sflag:s1] =	ssyncadd.s32 $0xFFFFFE00  }
0x1a7: {  	_ =	swait.ge [sflag:s1], $0x200  }
0x1a8: {  	[sflag:s1] =	ssyncset.done $0x0  }
0x1a9: {  	[sflag:s1] =	ssyncadd.s32 $0xFFFFFE00  }
0x1aa: {  	_ =	swait.ge [sflag:s1], $0x200  }
0x1ab: {  	[sflag:s1] =	ssyncset.done $0x0  }
0x1ac: {  	[sflag:s1] =	ssyncadd.s32 $0xFFFFFE00  }
0x1ad: {  	_ =	swait.ge [sflag:s1], $0x200  }
0x1ae: {  	[sflag:s1] =	ssyncset.done $0x0  }
0x1af: {  	[sflag:s1] =	ssyncadd.s32 $0xFFFFFE00  }
0x1b0: {  	_ =	swait.ge [sflag:s1], $0x200  }
0x1b1: {  	[sflag:s1] =	ssyncset.done $0x0  }
0x1b2: {  	[sflag:s1] =	ssyncadd.s32 $0xFFFFFE00  }
0x1b3: {  	_ =	swait.ge [sflag:s1], $0x200  }
0x1b4: {  	[sflag:s1] =	ssyncset.done $0x0  }
0x1b5: {  	[sflag:s1] =	ssyncadd.s32 $0xFFFFFE00  }
0x1b6: {  	_ =	swait.ge [sflag:s1], $0x200  }
0x1b7: {  	[sflag:s1] =	ssyncset.done $0x0  }
0x1b8: {  	[sflag:s1] =	ssyncadd.s32 $0xFFFFFE00  }
0x1b9: {  	_ =	swait.ge [sflag:s1], $0x200  }
0x1ba: {  	[sflag:s1] =	ssyncset.done $0x0  }
0x1bb: {  	[sflag:s1] =	ssyncadd.s32 $0xFFFFFE00  }
0x1bc: {  	_ =	swait.ge [sflag:s1], $0x200  }
0x1bd: {  	[sflag:s1] =	ssyncset.done $0x0  }
0x1be: {  	[sflag:s1] =	ssyncadd.s32 $0xFFFFFE00  }
0x1bf: {  	_ =	swait.ge [sflag:s1], $0x200  }
0x1c0: {  	[sflag:s1] =	ssyncset.done $0x0  }
0x1c1: {  	[sflag:s1] =	ssyncadd.s32 $0xFFFFFE00  }
0x1c2: {  	_ =	swait.ge [sflag:s1], $0x200  }
0x1c3: {  	[sflag:s1] =	ssyncset.done $0x0  }
0x1c4: {  	[sflag:s1] =	ssyncadd.s32 $0xFFFFFE00  }
0x1c5: {  	_ =	swait.ge [sflag:s1], $0x200  }
0x1c6: {  	[sflag:s1] =	ssyncset.done $0x0  }
0x1c7: {  	[sflag:s1] =	ssyncadd.s32 $0xFFFFFE00  }
0x1c8: {  	_ =	swait.ge [sflag:s1], $0x200  }
0x1c9: {  	[sflag:s1] =	ssyncset.done $0x0  }
0x1ca: {  	[sflag:s1] =	ssyncadd.s32 $0xFFFFFE00  }
0x1cb: {  	_ =	swait.ge [sflag:s1], $0x200  }
0x1cc: {  	[sflag:s1] =	ssyncset.done $0x0  }
0x1cd: {  	[sflag:s1] =	ssyncadd.s32 $0xFFFFFE00  }
0x1ce: {  	_ =	swait.ge [sflag:s1], $0x200  }
0x1cf: {  	[sflag:s1] =	ssyncset.done $0x0  }
0x1d0: {  	[sflag:s1] =	ssyncadd.s32 $0xFFFFFE00  }
0x1d1: {  	_ =	swait.ge [sflag:s1], $0x200  }
0x1d2: {  	[sflag:s1] =	ssyncset.done $0x0  }
0x1d3: {  	[sflag:s1] =	ssyncadd.s32 $0xFFFFFE00  }
0x1d4: {  	_ =	swait.ge [sflag:s1], $0x200  }
0x1d5: {  	[sflag:s1] =	ssyncset.done $0x0  }
0x1d6: {  	[sflag:s1] =	ssyncadd.s32 $0xFFFFFE00  }
0x1d7: {  	[spmem:s2] =	stream.indirect.scatter.add.f32 [tilespmem:s14], [sflag:$0x2], $0x4, s12, s13, $0xb8;
	[tilespmem:$0xB6C0] =	vst v63  }
0x1d8: {  	_ =	swait.ge [sflag:s10], $0x200  }
0x1d9: {  	[sflag:s10] =	ssyncset.done $0x0  }
0x1da: {  	s7 =	rddreg [dreg:$0x15];
	[sflag:s10] =	ssyncadd.s32 $0xFFFFFE00  }
0x1db: {  	[spmem:s2] =	stream.indirect.scatter.add.f32 [tilespmem:s15], [sflag:$0x2], $0x4, s7, s13, $0xb8;
	[tilespmem:$0xB6C0] =	vst v63  }
0x1dc: {  	_ =	swait.ge [sflag:s10], $0x200  }
0x1dd: {  	[sflag:s10] =	ssyncset.done $0x0  }
0x1de: {  	s8 =	rddreg [dreg:$0x16];
	[sflag:s10] =	ssyncadd.s32 $0xFFFFFE00  }
0x1df: {  	[spmem:s2] =	stream.indirect.scatter.add.f32 [tilespmem:s16], [sflag:$0x2], $0x4, s8, s13, $0xb8;
	[tilespmem:$0xB6C0] =	vst v63  }
0x1e0: {  	_ =	swait.ge [sflag:s10], $0x200  }
0x1e1: {  	[sflag:s10] =	ssyncset.done $0x0  }
0x1e2: {  	s9 =	rddreg [dreg:$0x17];
	[sflag:s10] =	ssyncadd.s32 $0xFFFFFE00  }
0x1e3: {  	[spmem:s2] =	stream.indirect.scatter.add.f32 [tilespmem:s17], [sflag:$0x2], $0x4, s9, s13, $0xb8;
	[tilespmem:$0xB6C0] =	vst v63  }
0x1e4: {  	_ =	swait.ge [sflag:s10], $0x200  }
0x1e5: {  	[sflag:s10] =	ssyncset.done $0x0  }
0x1e6: {  	s7 =	rddreg [dreg:$0x18];
	[sflag:s10] =	ssyncadd.s32 $0xFFFFFE00  }
0x1e7: {  	[spmem:s2] =	stream.indirect.scatter.add.f32 [tilespmem:s18], [sflag:$0x2], $0x4, s7, s13, $0xb8;
	[tilespmem:$0xB6C0] =	vst v63  }
0x1e8: {  	_ =	swait.ge [sflag:s10], $0x200  }
0x1e9: {  	[sflag:s10] =	ssyncset.done $0x0  }
0x1ea: {  	s8 =	rddreg [dreg:$0x19];
	[sflag:s10] =	ssyncadd.s32 $0xFFFFFE00  }
0x1eb: {  	[spmem:s2] =	stream.indirect.scatter.add.f32 [tilespmem:s19], [sflag:$0x2], $0x4, s8, s13, $0xb8;
	[tilespmem:$0xB6C0] =	vst v63  }
0x1ec: {  	_ =	swait.ge [sflag:s10], $0x200  }
0x1ed: {  	[sflag:s10] =	ssyncset.done $0x0  }
0x1ee: {  	s9 =	rddreg [dreg:$0x1a];
	[sflag:s10] =	ssyncadd.s32 $0xFFFFFE00  }
0x1ef: {  	[spmem:s2] =	stream.indirect.scatter.add.f32 [tilespmem:s20], [sflag:$0x2], $0x4, s9, s13, $0xb8;
	[tilespmem:$0xB6C0] =	vst v63  }
0x1f0: {  	_ =	swait.ge [sflag:s10], $0x200  }
0x1f1: {  	[sflag:s10] =	ssyncset.done $0x0  }
0x1f2: {  	s7 =	rddreg [dreg:$0x1b];
	[sflag:s10] =	ssyncadd.s32 $0xFFFFFE00  }
0x1f3: {  	[spmem:s2] =	stream.indirect.scatter.add.f32 [tilespmem:s21], [sflag:$0x2], $0x4, s7, s13, $0xb8;
	[tilespmem:$0xB6C0] =	vst v63  }
0x1f4: {  	_ =	swait.ge [sflag:s10], $0x200  }
0x1f5: {  	[sflag:s10] =	ssyncset.done $0x0  }
0x1f6: {  	s8 =	rddreg [dreg:$0x1c];
	[sflag:s10] =	ssyncadd.s32 $0xFFFFFE00  }
0x1f7: {  	[spmem:s2] =	stream.indirect.scatter.add.f32 [tilespmem:s22], [sflag:$0x2], $0x4, s8, s13, $0xb8;
	[tilespmem:$0xB6C0] =	vst v63  }
0x1f8: {  	_ =	swait.ge [sflag:s10], $0x200  }
0x1f9: {  	[sflag:s10] =	ssyncset.done $0x0  }
0x1fa: {  	s9 =	rddreg [dreg:$0x1d];
	[sflag:s10] =	ssyncadd.s32 $0xFFFFFE00  }
0x1fb: {  	[spmem:s2] =	stream.indirect.scatter.add.f32 [tilespmem:s23], [sflag:$0x2], $0x4, s9, s13, $0xb8;
	[tilespmem:$0xB6C0] =	vst v63  }
0x1fc: {  	_ =	swait.ge [sflag:s10], $0x200  }
0x1fd: {  	[sflag:s10] =	ssyncset.done $0x0  }
0x1fe: {  	s7 =	rddreg [dreg:$0x1e];
	[sflag:s10] =	ssyncadd.s32 $0xFFFFFE00  }
0x1ff: {  	[spmem:s2] =	stream.indirect.scatter.add.f32 [tilespmem:s24], [sflag:$0x2], $0x4, s7, s13, $0xb8;
	[tilespmem:$0xB6C0] =	vst v63  }
0x200: {  	_ =	swait.ge [sflag:s10], $0x200  }
0x201: {  	[sflag:s10] =	ssyncset.done $0x0  }
0x202: {  	s8 =	rddreg [dreg:$0x1f];
	[sflag:s10] =	ssyncadd.s32 $0xFFFFFE00  }
0x203: {  	[spmem:s2] =	stream.indirect.scatter.add.f32 [tilespmem:s25], [sflag:$0x2], $0x4, s8, s13, $0xb8;
	[tilespmem:$0xB6C0] =	vst v63  }
0x204: {  	_ =	swait.ge [sflag:s10], $0x200  }
0x205: {  	s9 =	sld [smem:$0x7F9]  }
0x206: {  	[sflag:s10] =	ssyncset.done $0x0  }
0x207: {  	[sflag:s10] =	ssyncadd.s32 $0xFFFFFE00  }
0x208: {  	[spmem:s2] =	stream.indirect.scatter.add.f32 [tilespmem:s26], [sflag:$0x2], $0x4, s9, s13, $0xb8;
	[tilespmem:$0xB6C0] =	vst v63  }
0x209: {  	_ =	swait.ge [sflag:s10], $0x200  }
0x20a: {  	s7 =	sld [smem:$0x7FA]  }
0x20b: {  	[sflag:s10] =	ssyncset.done $0x0  }
0x20c: {  	[sflag:s10] =	ssyncadd.s32 $0xFFFFFE00  }
0x20d: {  	[spmem:s2] =	stream.indirect.scatter.add.f32 [tilespmem:s28], [sflag:$0x2], $0x4, s7, s13, $0xb8;
	[tilespmem:$0xB6C0] =	vst v63  }
0x20e: {  	_ =	swait.ge [sflag:s10], $0x200  }
0x20f: {  	s8 =	sld [smem:$0x7FB]  }
0x210: {  	[sflag:s10] =	ssyncset.done $0x0  }
0x211: {  	[sflag:s10] =	ssyncadd.s32 $0xFFFFFE00  }
0x212: {  	[spmem:s2] =	stream.indirect.scatter.add.f32 [tilespmem:s29], [sflag:$0x2], $0x4, s8, s13, $0xb8;
	[tilespmem:$0xB6C0] =	vst v63  }
0x213: {  	_ =	swait.ge [sflag:s10], $0x200  }
0x214: {  	[sflag:s10] =	ssyncset.done $0x0  }
0x215: {  	[sflag:s10] =	ssyncadd.s32 $0xFFFFFE00  }
0x216: {  	[spmem:s2] =	stream.indirect.scatter.add.f32 [tilespmem:s30], [sflag:$0x2], $0x4, s0, s13, $0xb8;
	[tilespmem:$0xB6C0] =	vst v63  }
0x217: {  	_ =	swait.ge [sflag:s10], $0x200  }
0x218: {  	[sflag:s10] =	ssyncset.done $0x0  }
0x219: {  	[sflag:s10] =	ssyncadd.s32 $0xFFFFFE00  }
0x21a: {  	[spmem:s2] =	stream.indirect.scatter.add.f32 [tilespmem:s31], [sflag:$0x2], $0x4, s5, s13, $0xb8;
	[tilespmem:$0xB6C0] =	vst v63  }
0x21b: {  	_ =	swait.ge [sflag:s10], $0x200  }
0x21c: {  	[sflag:s10] =	ssyncset.done $0x0  }
0x21d: {  	[sflag:s10] =	ssyncadd.s32 $0xFFFFFE00  }
0x21e: {  	[bflag:$0x0] =	sbarrier.arrive $0xFFFF  }
0x21f: {  	s7 =	sld [smem:$0x7FC]  }
0x220: {  	s9 =	sld [smem:$0x7F7]  }
0x221: {  	s8 =	sld [smem:$0x7FD];
	_ =	sdelay $0x2  }
0x222: {  	[hbm:s9], [sflag:s7] =	dma.local [spmem:s8], $0x1870  }
0x223: {  	_ =	swait.ge [sflag:s10], $0x1870  }
0x224: {  	s6 =	sld [smem:$0x7F5];
	_ =	sdelay $0x2  }
0x225: {  	s9 =	sadd.s32 $0x1, s6;
	s6 =	sld [smem:$0x7F8];
	_ =	sdelay $0x2  }
0x226: {  	p0 =	sne.s32 s9, s6  }
.Ltmp1:
0x227: {  	_ = 	snop;
	(pc) =	sbr.rel @p0 .LBB2_1-.Ltmp1, $3  }
0x228: {  	_ =	sdelay $0x1  }
0x229: {  	[sflag:s10] =	ssyncset.done $0x0  }
0x22a: {  	[sflag:s10] =	ssyncadd.s32 $0xFFFFE790  }
0x22b: {  	_ =	sfence.sel $0x180000  }
0x22c: {  	[bflag:$0x0] =	sbarrier.arrive $0xFFFF  }
0x22d: {  	_ =	strace $0x9000004A  }
0x22e: {  	s0 =	stileid.u32;
	[bflag:$0x2] =	sbarrier.arrive $0xFFFF  }
0x22f: {  	p0 =	sne.s32 s0, $0x0;
	s0 =	rddreg [dreg:$0x2]  }
0x230: {  	s0 =	sadd.s32 @!p0 $0x100000, s0  }
0x231: {  	[sflag:s0] =	ssyncadd.tile.s32 @!p0 $0x1;
	_ =	shalt  }
.Lfunc_end2:
_tile_overlayer_lowered:
.L_overlay_start_2:
0x232: {  	(tag) =	ssettag $0x2  }
0x233: {  	s0 =	rddreg [dreg:$0x0];
	s2 =	stileid.u32  }
0x234: {  	s1 =	rddreg [dreg:$0x1];
	p0 =	sne.s32 s2, $0x0  }
0x235: {  	s3 =	rddreg [dreg:$0x2];
	[bflag:$0x3] =	sbarrier.arrive $0xFFFF;
	s2 =	simm.s32 @!p0 $0x1C02  }
0x236: {  	[timem:s3], [sflag:s2] =	dma.local @!p0 [hbm:s0], s1  }
0x237: {  	s0 =	simm.s32 @!p0 $0x2  }
0x238: {  	_ =	swait.ge @!p0 [sflag:s0], s1  }
0x239: {  	s1 =	ssub.s32 @!p0 $0x0, s1;
	[sflag:s0] =	ssyncset.done @!p0 $0x0  }
0x23a: {  	[sflag:s0] =	ssyncadd.s32 @!p0 s1  }
0x23b: {  	[bflag:$0x3] =	sbarrier.arrive $0xFFFF  }
0x23c: {  	_ =	shalt  }

// kernel: kernel.14.cloned.1.call-start
scs
__scs_entry_jumppad:
0x0: {  	(pc) =	sbr.rel $0x88, $3  }
0x1: {  	(tag) =	ssettag $0x0;
	lr =	simm.s32 $0x1  }
0x2: {  	[smem:$0x3F99] =	sst lr;
	_ =	strace $0xD0000000  }
0x3: {  	_ = 	snop  }
0x4: {  	_ = 	snop  }
0x5: {  	_ = 	snop  }
0x6: {  	_ = 	snop  }
0x7: {  	_ = 	snop  }
__scs_overlays_trampoline_lowered:
0x8: {  	[smem:$0x3FA8] =	sst s0  }
0x9: {  	[smem:$0x3FA9] =	sst s1  }
0xa: {  	[smem:$0x3FAA] =	sst s2  }
0xb: {  	[smem:$0x3FAB] =	sst s3  }
0xc: {  	[smem:$0x3FAC] =	sst s4  }
0xd: {  	[smem:$0x3FAD] =	sst s5  }
0xe: {  	[smem:$0x3FAE] =	sst s6  }
0xf: {  	[smem:$0x3FAF] =	sst s7  }
0x10: {  	[smem:$0x3FB0] =	sst s8  }
0x11: {  	[smem:$0x3FB1] =	sst s9;
	s0 =	simm.s32 @!p0 $0x0  }
0x12: {  	s1 =	sld [smem:$0x3F97];
	s0 =	simm.s32 @p0 $0x1  }
0x13: {  	[smem:$0x3FB2] =	sst s0;
	s0 =	simm.s32 @!p1 $0x0  }
0x14: {  	s2 =	sld [smem:$0x3F96];
	s0 =	simm.s32 @p1 $0x1  }
0x15: {  	[smem:$0x3FB3] =	sst s0;
	s0 =	simm.s32 @!p2 $0x0  }
0x16: {  	s3 =	sld [smem:$0x3FDB];
	s0 =	simm.s32 @p2 $0x1  }
0x17: {  	s4 =	simm.s32 $0x1BF5;
	[smem:$0x3FB5] =	sst s0  }
0x18: {  	s0 =	sld [smem:$0x3F98];
	_ =	swait.ge [sflag:s4], $0x0  }
0x19: {  	s7 =	sld [smem:$0x3F99]  }
0x1a: {  	s8 =	sadd.s32 $0xFFFFE003, lr  }
0x1b: {  	s9 =	sadd.s32 $0xFFFFFEF7, lr;
	s5 =	simm.s32 $0xFFFFFFFF;
	p2 =	slt.u32 s8, $0xFFFFF086  }
0x1c: {  	p1 =	slt.u32 s9, $0xF7A;
	s5 =	simm.s32 @!p2 $0x0  }
0x1d: {  	s5 =	simm.s32 @p1 $0x1;
	p0 =	seq.s32 s7, s2  }
0x1e: {  	s7 =	smul.u32 @!p0 $0xF7A, s2;
	p2 =	seq.s32 @!p0 s5, $0x0  }
0x1f: {  	s9 =	smul.u32 $0xF7A, s1;
	s8 =	simm.s32 @!p0 $0x1BF5;
	p2 =	por !p2, p0  }
0x20: {  	[sflag:s8] =	ssyncset.s32 @!p0 $0xFFFFF086;
	s6 =	sadd.s32 @!p0 s3, s7;
	s7 =	simm.s32 @!p0 $0x108  }
0x21: {  	s3 =	sadd.s32 s3, s9;
	s6 =	sadd.s32 @!p0 $0x88, s6;
	s7 =	simm.s32 @p2 $0x1082  }
0x22: {  	[simem:s7], [sflag:s8] =	dma.local @!p0 [hbm:s6], $0xF7A  }
0x23: {  	s9 =	sor.u32 $0xD0000000, s2;
	s6 =	simm.s32 $0x108;
	_ =	swait.ge @!p0 [sflag:s8], $0x0  }
0x24: {  	s3 =	sadd.s32 $0x88, s3;
	s6 =	simm.s32 @!p1 $0x1082;
	[sflag:s4] =	ssyncset.s32 $0xFFFFF086  }
0x25: {  	[simem:s6], [sflag:s4] =	dma.local [hbm:s3], $0xF7A  }
0x26: {  	[smem:$0x3F99] =	sst s1;
	(tag) =	ssettag s2;
	_ =	strace s9  }
0x27: {  	s1 =	sld [smem:$0x3FA9]  }
0x28: {  	s2 =	sld [smem:$0x3FAA]  }
0x29: {  	s4 =	sld [smem:$0x3FAC]  }
0x2a: {  	p0 =	seq.s32 s5, $0x0;
	s5 =	sld [smem:$0x3FAD]  }
0x2b: {  	s6 =	sld [smem:$0x3FAE]  }
0x2c: {  	s7 =	sld [smem:$0x3FAF]  }
0x2d: {  	s3 =	simm.s32 $0x108;
	s8 =	sld [smem:$0x3FB0]  }
0x2e: {  	s3 =	simm.s32 @!p0 $0x1082;
	s9 =	sld [smem:$0x3FB1]  }
0x2f: {  	lr =	sadd.s32 s0, s3;
	s0 =	sld [smem:$0x3FA8]  }
0x30: {  	s3 =	sld [smem:$0x3FAB]  }
0x31: {  	[smem:$0x3FB4] =	sst s10  }
0x32: {  	s10 =	sld [smem:$0x3FB2];
	_ =	sdelay $0x3  }
0x33: {  	p0 =	seq.s32 s10, $0x1;
	s10 =	sld [smem:$0x3FB4];
	_ =	sdelay $0x3  }
0x34: {  	[smem:$0x3FB4] =	sst s10  }
0x35: {  	s10 =	sld [smem:$0x3FB3];
	_ =	sdelay $0x3  }
0x36: {  	p1 =	seq.s32 s10, $0x1;
	s10 =	sld [smem:$0x3FB4];
	_ =	sdelay $0x3  }
0x37: {  	[smem:$0x3FB4] =	sst s10  }
0x38: {  	s10 =	sld [smem:$0x3FB5]  }
0x39: {  	_ = 	snop;
	(pc) =	sbr.ind lr, $3  }
0x3a: {  	_ = 	snop  }
0x3b: {  	_ = 	snop  }
0x3c: {  	p2 =	seq.s32 s10, $0x1;
	s10 =	sld [smem:$0x3FB4]  }
0x3d: {  	_ =	shalt  }
0x3e: {  	_ =	shalt  }
0x3f: {  	_ =	shalt  }
0x40: {  	_ =	shalt  }
0x41: {  	_ =	shalt  }
0x42: {  	_ =	shalt  }
0x43: {  	_ =	shalt  }
0x44: {  	_ =	shalt  }
0x45: {  	_ =	shalt  }
0x46: {  	_ =	shalt  }
0x47: {  	_ =	shalt  }
0x48: {  	_ =	shalt  }
0x49: {  	_ =	shalt  }
0x4a: {  	_ =	shalt  }
0x4b: {  	_ =	shalt  }
0x4c: {  	_ =	shalt  }
0x4d: {  	_ =	shalt  }
0x4e: {  	_ =	shalt  }
0x4f: {  	_ =	shalt  }
0x50: {  	_ =	shalt  }
0x51: {  	_ =	shalt  }
0x52: {  	_ =	shalt  }
0x53: {  	_ =	shalt  }
0x54: {  	_ =	shalt  }
0x55: {  	_ =	shalt  }
0x56: {  	_ =	shalt  }
0x57: {  	_ =	shalt  }
0x58: {  	_ =	shalt  }
0x59: {  	_ =	shalt  }
0x5a: {  	_ =	shalt  }
0x5b: {  	_ =	shalt  }
0x5c: {  	_ =	shalt  }
0x5d: {  	_ =	shalt  }
0x5e: {  	_ =	shalt  }
0x5f: {  	_ =	shalt  }
0x60: {  	_ =	shalt  }
0x61: {  	_ =	shalt  }
0x62: {  	_ =	shalt  }
0x63: {  	_ =	shalt  }
0x64: {  	_ =	shalt  }
0x65: {  	_ =	shalt  }
0x66: {  	_ =	shalt  }
0x67: {  	_ =	shalt  }
0x68: {  	_ =	shalt  }
0x69: {  	_ =	shalt  }
0x6a: {  	_ =	shalt  }
0x6b: {  	_ =	shalt  }
0x6c: {  	_ =	shalt  }
0x6d: {  	_ =	shalt  }
0x6e: {  	_ =	shalt  }
0x6f: {  	_ =	shalt  }
0x70: {  	_ =	shalt  }
0x71: {  	_ =	shalt  }
0x72: {  	_ =	shalt  }
0x73: {  	_ =	shalt  }
0x74: {  	_ =	shalt  }
0x75: {  	_ =	shalt  }
0x76: {  	_ =	shalt  }
0x77: {  	_ =	shalt  }
0x78: {  	_ =	shalt  }
0x79: {  	_ =	shalt  }
0x7a: {  	_ =	shalt  }
0x7b: {  	_ =	shalt  }
0x7c: {  	_ =	shalt  }
0x7d: {  	_ =	shalt  }
0x7e: {  	_ =	shalt  }
0x7f: {  	_ =	shalt  }
0x80: {  	_ =	shalt  }
0x81: {  	_ =	shalt  }
0x82: {  	_ =	shalt  }
0x83: {  	_ =	shalt  }
0x84: {  	_ =	shalt  }
0x85: {  	_ =	shalt  }
0x86: {  	_ =	shalt  }
0x87: {  	_ =	shalt  }
.Lfunc_end0:
.L_simem_size_0:
called_computation.2_lowered:
.L_overlay_start_0:
0x88: {  	s2 =	sld [smem:$0x3FD9]  }
0x89: {  	s3 =	sld [smem:$0x3FFE];
	_ =	sdelay $0x1  }
0x8a: {  	s1 =	srdreg.scid  }
0x8b: {  	s0 =	sand.u32 $0x1, s1  }
0x8c: {  	s16 =	sshll.u32 s0, $0xA;
	s2 =	sadd.s32 s3, s2  }
0x8d: {  	s2 =	sadd.s32 s2, s16  }
0x8e: {  	[smem:$0x3FC0] =	sst s2  }
0x8f: {  	_ = 	snop  }
0x90: {  	(tm) =	ssettm $0x1  }
0x91: {  	s17 =	sld [smem:$0x3FFB];
	_ =	sdelay $0x3  }
0x92: {  	_ =	strace s17  }
0x93: {  	s2 =	sld [smem:$0x3FFC];
	_ =	sdelay $0x3  }
0x94: {  	_ =	strace s2  }
0x95: {  	s2 =	sld [smem:$0x3FFD];
	_ =	sdelay $0x3  }
0x96: {  	_ =	strace s2  }
0x97: {  	_ =	strace $0x8FFFFFFF  }
0x98: {  	s18 =	sld [smem:$0x3FDB];
	_ =	sdelay $0x1  }
0x99: {  	s19 =	simm.s32 $_scs_section_size  }
0x9a: {  	s4 =	simm.s32 $_size__tile_overlayer_lowered;
	s5 =	simm.s32 $_tile_overlayer_lowered  }
0x9b: {  	s22 =	simm.s32 $0x1BFF;
	s21 =	sshll.u32 s5, $0x1;
	s2 =	sadd.s32 s19, s18  }
0x9c: {  	s6 =	simm.s32 $0x0;
	s20 =	sshll.u32 s4, $0x1;
	s4 =	sadd.s32 s21, s2  }
0x9d: {  	[timem:s6], [sflag:s22] =	dma.local [hbm:s4], s20  }
0x9e: {  	_ =	swait.ge [sflag:s22], s20  }
0x9f: {  	s3 =	ssub.s32 $0x0, s20;
	[sflag:s22] =	ssyncset.done $0x0  }
0xa0: {  	[sflag:s22] =	ssyncadd.s32 s3;
	_ =	sdelay $0x1  }
0xa1: {  	s23 =	simm.s32 $0x1B8B  }
0xa2: {  	_ =	swait.ge [sflag:s23], $0x1  }
0xa3: {  	[sflag:s23] =	ssyncset.done $0x0  }
0xa4: {  	s25 =	simm.s32 $0x1B8E;
	s24 =	sld [smem:$0x3FFE];
	[sflag:s23] =	ssyncadd.s32 $0xFFFFFFFF  }
0xa5: {  	s26 =	simm.s32 $execute0_lowered;
	[smem:$0x3FD2] =	sst s25  }
0xa6: {  	s4 =	sshll.u32 s26, $0x1;
	_ =	strace $0x8000004C;
	[dreg:$0x1] =	wrdreg $0xFFFFFFFF  }
0xa7: {  	s28 =	simm.s32 $_size_execute0_lowered;
	s2 =	sadd.s32 s2, s4;
	[dreg:$0x0] =	wrdreg $0x0  }
0xa8: {  	s4 =	sshll.u32 s28, $0x1;
	[dreg:$0x2] =	wrdreg s2  }
0xa9: {  	[dreg:$0x3] =	wrdreg s4  }
0xaa: {  	[dreg:$0x4] =	wrdreg $0xC0  }
0xab: {  	_ =	task [dreg:s6], $0x5FFFF  }
0xac: {  	[dreg:$0x1] =	wrdreg $0xFFFFFFFF  }
0xad: {  	[dreg:$0x0] =	wrdreg $0x60  }
0xae: {  	[dreg:$0x2] =	wrdreg s24  }
0xaf: {  	[dreg:$0x3] =	wrdreg $0x0  }
0xb0: {  	[dreg:$0x4] =	wrdreg $0x9  }
0xb1: {  	_ =	task.clear_ibuf [dreg:s6], $0x5FFFF;
	_ =	strace $0x9000004C  }
0xb2: {  	s29 =	simm.s32 $0x9;
	_ =	strace $0x8000004E  }
0xb3: {  	_ =	swait.ge [sflag:s29], $0x1  }
0xb4: {  	[sflag:s29] =	ssyncadd.s32 $0xFFFFFFFF  }
0xb5: {  	_ =	strace $0x9000004E  }
0xb6: {  	_ =	sfence  }
0xb7: {  	s30 =	sld [smem:$0x0];
	_ =	sdelay $0x2  }
0xb8: {  	s31 =	sshll.u32 s1, $0xD;
	s1 =	sshrl.u32 s1, $0x2  }
0xb9: {  	s3 =	sand.u32 $0x4000, s31;
	s1 =	sadd.s32 s1, s30  }
0xba: {  	s0 =	sor.u32 s3, s0;
	s1 =	sshll.u32 s1, $0x11  }
0xbb: {  	s0 =	sor.u32 s1, s0  }
0xbc: {  	s0 =	sadd.s32 $0x8F2B, s0  }
0xbd: {  	[sflag:s0] =	ssyncadd.remote.s32 $0x1  }
0xbe: {  	_ =	sfence.sel $0xFFFF  }
0xbf: {  	[dreg:$0x0] =	wrdreg $0xFFFFFFFF;
	(pc) =	sbr.abs _section_cstart, $3  }
0xc0: {  	[dreg:$0x1] =	wrdreg $0xFFFFFFFF  }
0xc1: {  	_ =	task.clear_ibuf [dreg:s6], $0x2FFFF;
	_ =	strace $0x9FFFFFFF  }
0xc2: {  	(tm) =	ssettm $0x7FFFFFFF  }
0xc3: {  	_ =	shalt  }
tec
execute0_lowered:
.L_overlay_start_1:
0x0: {  	(tag) =	ssettag $0x1  }
0x1: {  	s1 =	rddreg [dreg:$0x0]  }
0x2: {  	s2 =	rddreg [dreg:$0x1];
	s3 =	simm.s32 $0x0  }
0x3: {  	s14 =	simm.s32 $0x6240;
	[smem:$0x7FF] =	sst s3  }
0x4: {  	s15 =	simm.s32 $0x62C0;
	_ =	strace $0x8000004D;
	[dreg:$0x5] =	wrdreg s14  }
0x5: {  	s16 =	simm.s32 $0x6340;
	[dreg:$0x6] =	wrdreg s15  }
0x6: {  	s0 =	srdreg.scid;
	s17 =	simm.s32 $0x63C0;
	[dreg:$0x7] =	wrdreg s16  }
0x7: {  	s9 =	stileid.u32;
	s18 =	simm.s32 $0x6440;
	[dreg:$0x8] =	wrdreg s17  }
0x8: {  	s19 =	simm.s32 $0x64C0;
	s20 =	simm.s32 $0x6540;
	[dreg:$0x9] =	wrdreg s18  }
0x9: {  	s22 =	simm.s32 $0x65C0;
	s23 =	simm.s32 $0x6640;
	[dreg:$0xa] =	wrdreg s19  }
0xa: {  	s24 =	simm.s32 $0x66C0;
	s25 =	simm.s32 $0x6740;
	[dreg:$0xb] =	wrdreg s20  }
0xb: {  	s10 =	simm.s32 $0x68C0;
	s11 =	simm.s32 $0x6940;
	[dreg:$0xc] =	wrdreg s22  }
0xc: {  	s12 =	simm.s32 $0x69C0;
	s5 =	smul.u32 $0x1870, s9;
	[dreg:$0xd] =	wrdreg s23  }
0xd: {  	s28 =	simm.s32 $0xA6C0;
	s6 =	smul.u32 $0xC380, s9;
	[dreg:$0xe] =	wrdreg s24  }
0xe: {  	s26 =	sshll.u32 s9, $0x6;
	s9 =	simm.s32 $0x6840;
	[dreg:$0xf] =	wrdreg s25  }
0xf: {  	s29 =	simm.s32 $0xAAC0;
	s0 =	sand.u32 $0x1, s0;
	[dreg:$0x11] =	wrdreg s9  }
0x10: {  	s30 =	simm.s32 $0xAEC0;
	s4 =	smul.u32 $0x18700, s0;
	[dreg:$0x12] =	wrdreg s10  }
0x11: {  	s31 =	simm.s32 $0xB2C0;
	s8 =	smul.u32 $0xC3800, s0;
	[dreg:$0x13] =	wrdreg s11  }
0x12: {  	s0 =	ssub.s32 $0x2, s0;
	s10 =	simm.s32 $0x2;
	[dreg:$0x14] =	wrdreg s12  }
0x13: {  	s11 =	simm.s32 $0x61C0;
	s14 =	simm.s32 $0x6B40;
	s12 =	simm.s32 $0x6A40  }
0x14: {  	s15 =	simm.s32 $0x6BC0;
	s16 =	simm.s32 $0x6C40;
	[dreg:$0x16] =	wrdreg s14  }
0x15: {  	s17 =	simm.s32 $0x6CC0;
	s18 =	simm.s32 $0x6D40;
	[dreg:$0x17] =	wrdreg s15  }
0x16: {  	s19 =	simm.s32 $0x6DC0;
	s20 =	simm.s32 $0x6E40;
	[dreg:$0x18] =	wrdreg s16  }
0x17: {  	s22 =	simm.s32 $0x6F40;
	s23 =	simm.s32 $0x6FC0;
	[dreg:$0x19] =	wrdreg s17  }
0x18: {  	s24 =	simm.s32 $0x7040;
	s25 =	simm.s32 $0x70C0;
	[dreg:$0x1a] =	wrdreg s18  }
0x19: {  	s9 =	simm.s32 $0x0;
	s13 =	sshrl.u32 s6, $0x3;
	[dreg:$0x1b] =	wrdreg s19  }
0x1a: {  	s21 =	sshrl.u32 s0, $0x1;
	s14 =	simm.s32 $0x72C0;
	[dreg:$0x1c] =	wrdreg s20  }
0x1b: {  	s15 =	simm.s32 $0x76C0;
	s16 =	simm.s32 $0x7AC0;
	[dreg:$0x1e] =	wrdreg s22  }
0x1c: {  	s17 =	simm.s32 $0x7EC0;
	s18 =	simm.s32 $0x82C0;
	[dreg:$0x1f] =	wrdreg s23  }
0x1d: {  	s19 =	simm.s32 $0x86C0;
	s20 =	simm.s32 $0x8AC0;
	[smem:$0x7F9] =	sst s24  }
0x1e: {  	s22 =	simm.s32 $0x92C0;
	s23 =	simm.s32 $0x96C0;
	[smem:$0x7FA] =	sst s25  }
0x1f: {  	s4 =	sadd.s32 s4, s1;
	s0 =	ssub.s32 s0, s21;
	s21 =	simm.s32 $0x6EC0  }
0x20: {  	s5 =	sadd.s32 s5, s4;
	s0 =	smax.u32 s0, $0x1;
	[dreg:$0x1d] =	wrdreg s21  }
0x21: {  	s24 =	simm.s32 $0x9AC0;
	s7 =	sadd.s32 $0x64200, s5;
	[smem:$0x7F8] =	sst s0  }
0x22: {  	s8 =	sadd.s32 s6, s8;
	s5 =	sadd.s32 $0x2600, s5;
	[dreg:$0x3] =	wrdreg s7  }
0x23: {  	s4 =	sadd.s32 $0x33400, s1;
	s8 =	sshrl.u32 s8, $0x3;
	[dreg:$0x4] =	wrdreg s5  }
0x24: {  	s7 =	sadd.s32 s13, s1;
	s1 =	sadd.s32 s8, s1;
	s8 =	simm.s32 $0x67C0  }
0x25: {  	s25 =	simm.s32 $0x9EC0;
	s13 =	simm.s32 $0x6AC0;
	[dreg:$0x10] =	wrdreg s8  }
0x26: {  	s6 =	sadd.s32 s6, s2;
	s7 =	sadd.s32 $0x189600, s7;
	[dreg:$0x15] =	wrdreg s13  }
0x27: {  	s21 =	simm.s32 $0x8EC0;
	s1 =	sadd.s32 $0x95000, s1;
	[smem:$0x7F6] =	sst s7  }
0x28: {  	s0 =	simm.s32 $0x71C0;
	s8 =	sshrl.u32 s6, $0x3;
	[smem:$0x7F7] =	sst s1  }
0x29: {  	s7 =	sor.u32 $0x1C02, s26;
	s26 =	simm.s32 $0x7140;
	[smem:$0x7FD] =	sst s8  }
0x2a: {  	s5 =	simm.s32 $0x7240;
	s13 =	simm.s32 $0x80;
	[smem:$0x7FB] =	sst s26  }
0x2b: {  	s1 =	simm.s32 $0x1;
	s26 =	simm.s32 $0xA2C0;
	[smem:$0x7FC] =	sst s7  }
.LBB2_1:
0x2c: {  	s6 =	sld [smem:$0x7F6];
	_ =	sdelay $0x1  }
0x2d: {  	[smem:$0x7F5] =	sst s9  }
0x2e: {  	[spmem:s8], [sflag:s7] =	dma.local [hbm:s6], $0x1870  }
0x2f: {  	_ =	swait.ge [sflag:s10], $0x1870  }
0x30: {  	[sflag:s10] =	ssyncset.done $0x0  }
0x31: {  	[sflag:s10] =	ssyncadd.s32 $0xFFFFE790  }
0x32: {  	[bflag:$0x0] =	sbarrier.arrive $0xFFFF  }
0x33: {  	s7 =	rddreg [dreg:$0x3]  }
0x34: {  	s6 =	sadd.s32 $0x0, s7  }
0x35: {  	[tilespmem:s11], [sflag:$0x2] =	stream.linear.gather [hbm4b:s6+s3], $0x880, $0x38;
	[tilespmem:$0xB6C0] =	vst v63  }
0x36: {  	_ =	swait.ge [sflag:s10], $0x880  }
0x37: {  	s8 =	rddreg [dreg:$0x4];
	[sflag:s10] =	ssyncset.done $0x0  }
0x38: {  	[sflag:s10] =	ssyncadd.s32 $0xFFFFF780;
	s6 =	sadd.s32 $0x0, s8  }
0x39: {  	[tilespmem:s12], [sflag:$0x2] =	stream.linear.gather [hbm4b:s6+s3], $0x880, $0x38;
	[tilespmem:$0xB6C0] =	vst v63  }
0x3a: {  	_ =	swait.ge [sflag:s10], $0x880  }
0x3b: {  	[sflag:s10] =	ssyncset.done $0x0  }
0x3c: {  	[sflag:s10] =	ssyncadd.s32 $0xFFFFF780  }
0x3d: {  	[tilespmem:s14], [sflag:$0x1] =	stream.indirect.gather [hbm4b:s4+s13], $0x4, s11, s13, $0xb8;
	[tilespmem:$0xB6C0] =	vst v63  }
0x3e: {  	s9 =	rddreg [dreg:$0x5]  }
0x3f: {  	[tilespmem:s15], [sflag:$0x1] =	stream.indirect.gather [hbm4b:s4+s13], $0x4, s9, s13, $0xb8;
	[tilespmem:$0xB6C0] =	vst v63  }
0x40: {  	s7 =	rddreg [dreg:$0x6]  }
0x41: {  	[tilespmem:s16], [sflag:$0x1] =	stream.indirect.gather [hbm4b:s4+s13], $0x4, s7, s13, $0xb8;
	[tilespmem:$0xB6C0] =	vst v63  }
0x42: {  	s9 =	rddreg [dreg:$0x7]  }
0x43: {  	[tilespmem:s17], [sflag:$0x1] =	stream.indirect.gather [hbm4b:s4+s13], $0x4, s9, s13, $0xb8;
	[tilespmem:$0xB6C0] =	vst v63  }
0x44: {  	s7 =	rddreg [dreg:$0x8]  }
0x45: {  	[tilespmem:s18], [sflag:$0x1] =	stream.indirect.gather [hbm4b:s4+s13], $0x4, s7, s13, $0xb8;
	[tilespmem:$0xB6C0] =	vst v63  }
0x46: {  	s9 =	rddreg [dreg:$0x9]  }
0x47: {  	[tilespmem:s19], [sflag:$0x1] =	stream.indirect.gather [hbm4b:s4+s13], $0x4, s9, s13, $0xb8;
	[tilespmem:$0xB6C0] =	vst v63  }
0x48: {  	s7 =	rddreg [dreg:$0xa]  }
0x49: {  	[tilespmem:s20], [sflag:$0x1] =	stream.indirect.gather [hbm4b:s4+s13], $0x4, s7, s13, $0xb8;
	[tilespmem:$0xB6C0] =	vst v63  }
0x4a: {  	s9 =	rddreg [dreg:$0xb]  }
0x4b: {  	[tilespmem:s21], [sflag:$0x1] =	stream.indirect.gather [hbm4b:s4+s13], $0x4, s9, s13, $0xb8;
	[tilespmem:$0xB6C0] =	vst v63  }
0x4c: {  	s7 =	rddreg [dreg:$0xc]  }
0x4d: {  	[tilespmem:s22], [sflag:$0x1] =	stream.indirect.gather [hbm4b:s4+s13], $0x4, s7, s13, $0xb8;
	[tilespmem:$0xB6C0] =	vst v63  }
0x4e: {  	s9 =	rddreg [dreg:$0xd]  }
0x4f: {  	[tilespmem:s23], [sflag:$0x1] =	stream.indirect.gather [hbm4b:s4+s13], $0x4, s9, s13, $0xb8;
	[tilespmem:$0xB6C0] =	vst v63  }
0x50: {  	s7 =	rddreg [dreg:$0xe]  }
0x51: {  	[tilespmem:s24], [sflag:$0x1] =	stream.indirect.gather [hbm4b:s4+s13], $0x4, s7, s13, $0xb8;
	[tilespmem:$0xB6C0] =	vst v63  }
0x52: {  	s9 =	rddreg [dreg:$0xf]  }
0x53: {  	[tilespmem:s25], [sflag:$0x1] =	stream.indirect.gather [hbm4b:s4+s13], $0x4, s9, s13, $0xb8;
	[tilespmem:$0xB6C0] =	vst v63  }
0x54: {  	s7 =	rddreg [dreg:$0x10]  }
0x55: {  	[tilespmem:s26], [sflag:$0x1] =	stream.indirect.gather [hbm4b:s4+s13], $0x4, s7, s13, $0xb8;
	[tilespmem:$0xB6C0] =	vst v63  }
0x56: {  	s9 =	rddreg [dreg:$0x11]  }
0x57: {  	[tilespmem:s28], [sflag:$0x1] =	stream.indirect.gather [hbm4b:s4+s13], $0x4, s9, s13, $0xb8;
	[tilespmem:$0xB6C0] =	vst v63  }
0x58: {  	s7 =	rddreg [dreg:$0x12]  }
0x59: {  	[tilespmem:s29], [sflag:$0x1] =	stream.indirect.gather [hbm4b:s4+s13], $0x4, s7, s13, $0xb8;
	[tilespmem:$0xB6C0] =	vst v63  }
0x5a: {  	s9 =	rddreg [dreg:$0x13]  }
0x5b: {  	[tilespmem:s30], [sflag:$0x1] =	stream.indirect.gather [hbm4b:s4+s13], $0x4, s9, s13, $0xb8;
	[tilespmem:$0xB6C0] =	vst v63  }
0x5c: {  	s7 =	rddreg [dreg:$0x14]  }
0x5d: {  	[tilespmem:s31], [sflag:$0x1] =	stream.indirect.gather [hbm4b:s4+s13], $0x4, s7, s13, $0xb8;
	[tilespmem:$0xB6C0] =	vst v63  }
0x5e: {  	_ =	swait.ge [sflag:s1], $0x200  }
0x5f: {  	[sflag:s1] =	ssyncset.done $0x0  }
0x60: {  	[sflag:s1] =	ssyncadd.s32 $0xFFFFFE00  }
0x61: {  	_ =	swait.ge [sflag:s1], $0x200  }
0x62: {  	[sflag:s1] =	ssyncset.done $0x0  }
0x63: {  	[sflag:s1] =	ssyncadd.s32 $0xFFFFFE00  }
0x64: {  	_ =	swait.ge [sflag:s1], $0x200  }
0x65: {  	[sflag:s1] =	ssyncset.done $0x0  }
0x66: {  	[sflag:s1] =	ssyncadd.s32 $0xFFFFFE00  }
0x67: {  	_ =	swait.ge [sflag:s1], $0x200  }
0x68: {  	[sflag:s1] =	ssyncset.done $0x0  }
0x69: {  	[sflag:s1] =	ssyncadd.s32 $0xFFFFFE00  }
0x6a: {  	_ =	swait.ge [sflag:s1], $0x200  }
0x6b: {  	[sflag:s1] =	ssyncset.done $0x0  }
0x6c: {  	[sflag:s1] =	ssyncadd.s32 $0xFFFFFE00  }
0x6d: {  	_ =	swait.ge [sflag:s1], $0x200  }
0x6e: {  	[sflag:s1] =	ssyncset.done $0x0  }
0x6f: {  	[sflag:s1] =	ssyncadd.s32 $0xFFFFFE00  }
0x70: {  	_ =	swait.ge [sflag:s1], $0x200  }
0x71: {  	[sflag:s1] =	ssyncset.done $0x0  }
0x72: {  	[sflag:s1] =	ssyncadd.s32 $0xFFFFFE00  }
0x73: {  	_ =	swait.ge [sflag:s1], $0x200  }
0x74: {  	[sflag:s1] =	ssyncset.done $0x0  }
0x75: {  	[sflag:s1] =	ssyncadd.s32 $0xFFFFFE00  }
0x76: {  	_ =	swait.ge [sflag:s1], $0x200  }
0x77: {  	[sflag:s1] =	ssyncset.done $0x0  }
0x78: {  	[sflag:s1] =	ssyncadd.s32 $0xFFFFFE00  }
0x79: {  	_ =	swait.ge [sflag:s1], $0x200  }
0x7a: {  	[sflag:s1] =	ssyncset.done $0x0  }
0x7b: {  	[sflag:s1] =	ssyncadd.s32 $0xFFFFFE00  }
0x7c: {  	_ =	swait.ge [sflag:s1], $0x200  }
0x7d: {  	[sflag:s1] =	ssyncset.done $0x0  }
0x7e: {  	[sflag:s1] =	ssyncadd.s32 $0xFFFFFE00  }
0x7f: {  	_ =	swait.ge [sflag:s1], $0x200  }
0x80: {  	[sflag:s1] =	ssyncset.done $0x0  }
0x81: {  	[sflag:s1] =	ssyncadd.s32 $0xFFFFFE00  }
0x82: {  	_ =	swait.ge [sflag:s1], $0x200  }
0x83: {  	[sflag:s1] =	ssyncset.done $0x0  }
0x84: {  	[sflag:s1] =	ssyncadd.s32 $0xFFFFFE00  }
0x85: {  	_ =	swait.ge [sflag:s1], $0x200  }
0x86: {  	[sflag:s1] =	ssyncset.done $0x0  }
0x87: {  	[sflag:s1] =	ssyncadd.s32 $0xFFFFFE00  }
0x88: {  	_ =	swait.ge [sflag:s1], $0x200  }
0x89: {  	[sflag:s1] =	ssyncset.done $0x0  }
0x8a: {  	[sflag:s1] =	ssyncadd.s32 $0xFFFFFE00  }
0x8b: {  	_ =	swait.ge [sflag:s1], $0x200  }
0x8c: {  	[sflag:s1] =	ssyncset.done $0x0  }
0x8d: {  	[sflag:s1] =	ssyncadd.s32 $0xFFFFFE00  }
0x8e: {  	_ =	swait.ge [sflag:s1], $0x200  }
0x8f: {  	[sflag:s1] =	ssyncset.done $0x0  }
0x90: {  	[sflag:s1] =	ssyncadd.s32 $0xFFFFFE00  }
0x91: {  	[spmem:s2] =	stream.indirect.scatter.add.f32 [tilespmem:s14], [sflag:$0x2], $0x4, s12, s13, $0xb8;
	[tilespmem:$0xB6C0] =	vst v63  }
0x92: {  	_ =	swait.ge [sflag:s10], $0x200  }
0x93: {  	[sflag:s10] =	ssyncset.done $0x0  }
0x94: {  	s8 =	rddreg [dreg:$0x15];
	[sflag:s10] =	ssyncadd.s32 $0xFFFFFE00  }
0x95: {  	[spmem:s2] =	stream.indirect.scatter.add.f32 [tilespmem:s15], [sflag:$0x2], $0x4, s8, s13, $0xb8;
	[tilespmem:$0xB6C0] =	vst v63  }
0x96: {  	_ =	swait.ge [sflag:s10], $0x200  }
0x97: {  	[sflag:s10] =	ssyncset.done $0x0  }
0x98: {  	s9 =	rddreg [dreg:$0x16];
	[sflag:s10] =	ssyncadd.s32 $0xFFFFFE00  }
0x99: {  	[spmem:s2] =	stream.indirect.scatter.add.f32 [tilespmem:s16], [sflag:$0x2], $0x4, s9, s13, $0xb8;
	[tilespmem:$0xB6C0] =	vst v63  }
0x9a: {  	_ =	swait.ge [sflag:s10], $0x200  }
0x9b: {  	[sflag:s10] =	ssyncset.done $0x0  }
0x9c: {  	s7 =	rddreg [dreg:$0x17];
	[sflag:s10] =	ssyncadd.s32 $0xFFFFFE00  }
0x9d: {  	[spmem:s2] =	stream.indirect.scatter.add.f32 [tilespmem:s17], [sflag:$0x2], $0x4, s7, s13, $0xb8;
	[tilespmem:$0xB6C0] =	vst v63  }
0x9e: {  	_ =	swait.ge [sflag:s10], $0x200  }
0x9f: {  	[sflag:s10] =	ssyncset.done $0x0  }
0xa0: {  	s8 =	rddreg [dreg:$0x18];
	[sflag:s10] =	ssyncadd.s32 $0xFFFFFE00  }
0xa1: {  	[spmem:s2] =	stream.indirect.scatter.add.f32 [tilespmem:s18], [sflag:$0x2], $0x4, s8, s13, $0xb8;
	[tilespmem:$0xB6C0] =	vst v63  }
0xa2: {  	_ =	swait.ge [sflag:s10], $0x200  }
0xa3: {  	[sflag:s10] =	ssyncset.done $0x0  }
0xa4: {  	s9 =	rddreg [dreg:$0x19];
	[sflag:s10] =	ssyncadd.s32 $0xFFFFFE00  }
0xa5: {  	[spmem:s2] =	stream.indirect.scatter.add.f32 [tilespmem:s19], [sflag:$0x2], $0x4, s9, s13, $0xb8;
	[tilespmem:$0xB6C0] =	vst v63  }
0xa6: {  	_ =	swait.ge [sflag:s10], $0x200  }
0xa7: {  	[sflag:s10] =	ssyncset.done $0x0  }
0xa8: {  	s7 =	rddreg [dreg:$0x1a];
	[sflag:s10] =	ssyncadd.s32 $0xFFFFFE00  }
0xa9: {  	[spmem:s2] =	stream.indirect.scatter.add.f32 [tilespmem:s20], [sflag:$0x2], $0x4, s7, s13, $0xb8;
	[tilespmem:$0xB6C0] =	vst v63  }
0xaa: {  	_ =	swait.ge [sflag:s10], $0x200  }
0xab: {  	[sflag:s10] =	ssyncset.done $0x0  }
0xac: {  	s8 =	rddreg [dreg:$0x1b];
	[sflag:s10] =	ssyncadd.s32 $0xFFFFFE00  }
0xad: {  	[spmem:s2] =	stream.indirect.scatter.add.f32 [tilespmem:s21], [sflag:$0x2], $0x4, s8, s13, $0xb8;
	[tilespmem:$0xB6C0] =	vst v63  }
0xae: {  	_ =	swait.ge [sflag:s10], $0x200  }
0xaf: {  	[sflag:s10] =	ssyncset.done $0x0  }
0xb0: {  	s9 =	rddreg [dreg:$0x1c];
	[sflag:s10] =	ssyncadd.s32 $0xFFFFFE00  }
0xb1: {  	[spmem:s2] =	stream.indirect.scatter.add.f32 [tilespmem:s22], [sflag:$0x2], $0x4, s9, s13, $0xb8;
	[tilespmem:$0xB6C0] =	vst v63  }
0xb2: {  	_ =	swait.ge [sflag:s10], $0x200  }
0xb3: {  	[sflag:s10] =	ssyncset.done $0x0  }
0xb4: {  	s7 =	rddreg [dreg:$0x1d];
	[sflag:s10] =	ssyncadd.s32 $0xFFFFFE00  }
0xb5: {  	[spmem:s2] =	stream.indirect.scatter.add.f32 [tilespmem:s23], [sflag:$0x2], $0x4, s7, s13, $0xb8;
	[tilespmem:$0xB6C0] =	vst v63  }
0xb6: {  	_ =	swait.ge [sflag:s10], $0x200  }
0xb7: {  	[sflag:s10] =	ssyncset.done $0x0  }
0xb8: {  	s8 =	rddreg [dreg:$0x1e];
	[sflag:s10] =	ssyncadd.s32 $0xFFFFFE00  }
0xb9: {  	[spmem:s2] =	stream.indirect.scatter.add.f32 [tilespmem:s24], [sflag:$0x2], $0x4, s8, s13, $0xb8;
	[tilespmem:$0xB6C0] =	vst v63  }
0xba: {  	_ =	swait.ge [sflag:s10], $0x200  }
0xbb: {  	[sflag:s10] =	ssyncset.done $0x0  }
0xbc: {  	s9 =	rddreg [dreg:$0x1f];
	[sflag:s10] =	ssyncadd.s32 $0xFFFFFE00  }
0xbd: {  	[spmem:s2] =	stream.indirect.scatter.add.f32 [tilespmem:s25], [sflag:$0x2], $0x4, s9, s13, $0xb8;
	[tilespmem:$0xB6C0] =	vst v63  }
0xbe: {  	_ =	swait.ge [sflag:s10], $0x200  }
0xbf: {  	s7 =	sld [smem:$0x7F9]  }
0xc0: {  	[sflag:s10] =	ssyncset.done $0x0  }
0xc1: {  	[sflag:s10] =	ssyncadd.s32 $0xFFFFFE00  }
0xc2: {  	[spmem:s2] =	stream.indirect.scatter.add.f32 [tilespmem:s26], [sflag:$0x2], $0x4, s7, s13, $0xb8;
	[tilespmem:$0xB6C0] =	vst v63  }
0xc3: {  	_ =	swait.ge [sflag:s10], $0x200  }
0xc4: {  	s8 =	sld [smem:$0x7FA]  }
0xc5: {  	[sflag:s10] =	ssyncset.done $0x0  }
0xc6: {  	[sflag:s10] =	ssyncadd.s32 $0xFFFFFE00  }
0xc7: {  	[spmem:s2] =	stream.indirect.scatter.add.f32 [tilespmem:s28], [sflag:$0x2], $0x4, s8, s13, $0xb8;
	[tilespmem:$0xB6C0] =	vst v63  }
0xc8: {  	_ =	swait.ge [sflag:s10], $0x200  }
0xc9: {  	s9 =	sld [smem:$0x7FB]  }
0xca: {  	[sflag:s10] =	ssyncset.done $0x0  }
0xcb: {  	[sflag:s10] =	ssyncadd.s32 $0xFFFFFE00  }
0xcc: {  	[spmem:s2] =	stream.indirect.scatter.add.f32 [tilespmem:s29], [sflag:$0x2], $0x4, s9, s13, $0xb8;
	[tilespmem:$0xB6C0] =	vst v63  }
0xcd: {  	_ =	swait.ge [sflag:s10], $0x200  }
0xce: {  	[sflag:s10] =	ssyncset.done $0x0  }
0xcf: {  	[sflag:s10] =	ssyncadd.s32 $0xFFFFFE00  }
0xd0: {  	[spmem:s2] =	stream.indirect.scatter.add.f32 [tilespmem:s30], [sflag:$0x2], $0x4, s0, s13, $0xb8;
	[tilespmem:$0xB6C0] =	vst v63  }
0xd1: {  	_ =	swait.ge [sflag:s10], $0x200  }
0xd2: {  	[sflag:s10] =	ssyncset.done $0x0  }
0xd3: {  	[sflag:s10] =	ssyncadd.s32 $0xFFFFFE00  }
0xd4: {  	[spmem:s2] =	stream.indirect.scatter.add.f32 [tilespmem:s31], [sflag:$0x2], $0x4, s5, s13, $0xb8;
	[tilespmem:$0xB6C0] =	vst v63  }
0xd5: {  	s6 =	simm.s32 $0x220;
	_ =	swait.ge [sflag:s10], $0x200  }
0xd6: {  	s8 =	simm.s32 $0x110;
	s9 =	rddreg [dreg:$0x3];
	[sflag:s10] =	ssyncset.done $0x0  }
.LBB2_2:
0xd7: {  	[sflag:s10] =	ssyncadd.s32 $0xFFFFFE00;
	s9 =	sadd.s32 s8, s9  }
0xd8: {  	[tilespmem:s11], [sflag:$0x2] =	stream.linear.gather [hbm4b:s9+s3], $0x880, $0x38;
	[tilespmem:$0xB6C0] =	vst v63  }
0xd9: {  	_ =	swait.ge [sflag:s10], $0x880  }
0xda: {  	s9 =	rddreg [dreg:$0x4];
	[sflag:s10] =	ssyncset.done $0x0  }
0xdb: {  	[sflag:s10] =	ssyncadd.s32 $0xFFFFF780;
	s9 =	sadd.s32 s8, s9  }
0xdc: {  	[tilespmem:s12], [sflag:$0x2] =	stream.linear.gather [hbm4b:s9+s3], $0x880, $0x38;
	[tilespmem:$0xB6C0] =	vst v63  }
0xdd: {  	_ =	swait.ge [sflag:s10], $0x880  }
0xde: {  	[sflag:s10] =	ssyncset.done $0x0  }
0xdf: {  	s7 =	smov.u32 s6;
	[sflag:s10] =	ssyncadd.s32 $0xFFFFF780  }
0xe0: {  	[tilespmem:s14], [sflag:$0x1] =	stream.indirect.gather [hbm4b:s4+s13], $0x4, s11, s13, $0xb8;
	[tilespmem:$0xB6C0] =	vst v63  }
0xe1: {  	s8 =	smov.u32 s7;
	s7 =	rddreg [dreg:$0x5]  }
0xe2: {  	[tilespmem:s15], [sflag:$0x1] =	stream.indirect.gather [hbm4b:s4+s13], $0x4, s7, s13, $0xb8;
	[tilespmem:$0xB6C0] =	vst v63  }
0xe3: {  	s9 =	rddreg [dreg:$0x6]  }
0xe4: {  	[tilespmem:s16], [sflag:$0x1] =	stream.indirect.gather [hbm4b:s4+s13], $0x4, s9, s13, $0xb8;
	[tilespmem:$0xB6C0] =	vst v63  }
0xe5: {  	s7 =	rddreg [dreg:$0x7]  }
0xe6: {  	[tilespmem:s17], [sflag:$0x1] =	stream.indirect.gather [hbm4b:s4+s13], $0x4, s7, s13, $0xb8;
	[tilespmem:$0xB6C0] =	vst v63  }
0xe7: {  	s9 =	rddreg [dreg:$0x8]  }
0xe8: {  	[tilespmem:s18], [sflag:$0x1] =	stream.indirect.gather [hbm4b:s4+s13], $0x4, s9, s13, $0xb8;
	[tilespmem:$0xB6C0] =	vst v63  }
0xe9: {  	s7 =	rddreg [dreg:$0x9]  }
0xea: {  	[tilespmem:s19], [sflag:$0x1] =	stream.indirect.gather [hbm4b:s4+s13], $0x4, s7, s13, $0xb8;
	[tilespmem:$0xB6C0] =	vst v63  }
0xeb: {  	s9 =	rddreg [dreg:$0xa]  }
0xec: {  	[tilespmem:s20], [sflag:$0x1] =	stream.indirect.gather [hbm4b:s4+s13], $0x4, s9, s13, $0xb8;
	[tilespmem:$0xB6C0] =	vst v63  }
0xed: {  	s7 =	rddreg [dreg:$0xb]  }
0xee: {  	[tilespmem:s21], [sflag:$0x1] =	stream.indirect.gather [hbm4b:s4+s13], $0x4, s7, s13, $0xb8;
	[tilespmem:$0xB6C0] =	vst v63  }
0xef: {  	s9 =	rddreg [dreg:$0xc]  }
0xf0: {  	[tilespmem:s22], [sflag:$0x1] =	stream.indirect.gather [hbm4b:s4+s13], $0x4, s9, s13, $0xb8;
	[tilespmem:$0xB6C0] =	vst v63  }
0xf1: {  	s7 =	rddreg [dreg:$0xd]  }
0xf2: {  	[tilespmem:s23], [sflag:$0x1] =	stream.indirect.gather [hbm4b:s4+s13], $0x4, s7, s13, $0xb8;
	[tilespmem:$0xB6C0] =	vst v63  }
0xf3: {  	s9 =	rddreg [dreg:$0xe]  }
0xf4: {  	[tilespmem:s24], [sflag:$0x1] =	stream.indirect.gather [hbm4b:s4+s13], $0x4, s9, s13, $0xb8;
	[tilespmem:$0xB6C0] =	vst v63  }
0xf5: {  	s7 =	rddreg [dreg:$0xf]  }
0xf6: {  	[tilespmem:s25], [sflag:$0x1] =	stream.indirect.gather [hbm4b:s4+s13], $0x4, s7, s13, $0xb8;
	[tilespmem:$0xB6C0] =	vst v63  }
0xf7: {  	s9 =	rddreg [dreg:$0x10]  }
0xf8: {  	[tilespmem:s26], [sflag:$0x1] =	stream.indirect.gather [hbm4b:s4+s13], $0x4, s9, s13, $0xb8;
	[tilespmem:$0xB6C0] =	vst v63  }
0xf9: {  	s7 =	rddreg [dreg:$0x11]  }
0xfa: {  	[tilespmem:s28], [sflag:$0x1] =	stream.indirect.gather [hbm4b:s4+s13], $0x4, s7, s13, $0xb8;
	[tilespmem:$0xB6C0] =	vst v63  }
0xfb: {  	s9 =	rddreg [dreg:$0x12]  }
0xfc: {  	[tilespmem:s29], [sflag:$0x1] =	stream.indirect.gather [hbm4b:s4+s13], $0x4, s9, s13, $0xb8;
	[tilespmem:$0xB6C0] =	vst v63  }
0xfd: {  	s7 =	rddreg [dreg:$0x13]  }
0xfe: {  	[tilespmem:s30], [sflag:$0x1] =	stream.indirect.gather [hbm4b:s4+s13], $0x4, s7, s13, $0xb8;
	[tilespmem:$0xB6C0] =	vst v63  }
0xff: {  	s9 =	rddreg [dreg:$0x14]  }
0x100: {  	[tilespmem:s31], [sflag:$0x1] =	stream.indirect.gather [hbm4b:s4+s13], $0x4, s9, s13, $0xb8;
	[tilespmem:$0xB6C0] =	vst v63  }
0x101: {  	_ =	swait.ge [sflag:s1], $0x200  }
0x102: {  	[sflag:s1] =	ssyncset.done $0x0  }
0x103: {  	[sflag:s1] =	ssyncadd.s32 $0xFFFFFE00  }
0x104: {  	_ =	swait.ge [sflag:s1], $0x200  }
0x105: {  	[sflag:s1] =	ssyncset.done $0x0  }
0x106: {  	[sflag:s1] =	ssyncadd.s32 $0xFFFFFE00  }
0x107: {  	_ =	swait.ge [sflag:s1], $0x200  }
0x108: {  	[sflag:s1] =	ssyncset.done $0x0  }
0x109: {  	[sflag:s1] =	ssyncadd.s32 $0xFFFFFE00  }
0x10a: {  	_ =	swait.ge [sflag:s1], $0x200  }
0x10b: {  	[sflag:s1] =	ssyncset.done $0x0  }
0x10c: {  	[sflag:s1] =	ssyncadd.s32 $0xFFFFFE00  }
0x10d: {  	_ =	swait.ge [sflag:s1], $0x200  }
0x10e: {  	[sflag:s1] =	ssyncset.done $0x0  }
0x10f: {  	[sflag:s1] =	ssyncadd.s32 $0xFFFFFE00  }
0x110: {  	_ =	swait.ge [sflag:s1], $0x200  }
0x111: {  	[sflag:s1] =	ssyncset.done $0x0  }
0x112: {  	[sflag:s1] =	ssyncadd.s32 $0xFFFFFE00  }
0x113: {  	_ =	swait.ge [sflag:s1], $0x200  }
0x114: {  	[sflag:s1] =	ssyncset.done $0x0  }
0x115: {  	[sflag:s1] =	ssyncadd.s32 $0xFFFFFE00  }
0x116: {  	_ =	swait.ge [sflag:s1], $0x200  }
0x117: {  	[sflag:s1] =	ssyncset.done $0x0  }
0x118: {  	[sflag:s1] =	ssyncadd.s32 $0xFFFFFE00  }
0x119: {  	_ =	swait.ge [sflag:s1], $0x200  }
0x11a: {  	[sflag:s1] =	ssyncset.done $0x0  }
0x11b: {  	[sflag:s1] =	ssyncadd.s32 $0xFFFFFE00  }
0x11c: {  	_ =	swait.ge [sflag:s1], $0x200  }
0x11d: {  	[sflag:s1] =	ssyncset.done $0x0  }
0x11e: {  	[sflag:s1] =	ssyncadd.s32 $0xFFFFFE00  }
0x11f: {  	_ =	swait.ge [sflag:s1], $0x200  }
0x120: {  	[sflag:s1] =	ssyncset.done $0x0  }
0x121: {  	[sflag:s1] =	ssyncadd.s32 $0xFFFFFE00  }
0x122: {  	_ =	swait.ge [sflag:s1], $0x200  }
0x123: {  	[sflag:s1] =	ssyncset.done $0x0  }
0x124: {  	[sflag:s1] =	ssyncadd.s32 $0xFFFFFE00  }
0x125: {  	_ =	swait.ge [sflag:s1], $0x200  }
0x126: {  	[sflag:s1] =	ssyncset.done $0x0  }
0x127: {  	[sflag:s1] =	ssyncadd.s32 $0xFFFFFE00  }
0x128: {  	_ =	swait.ge [sflag:s1], $0x200  }
0x129: {  	[sflag:s1] =	ssyncset.done $0x0  }
0x12a: {  	[sflag:s1] =	ssyncadd.s32 $0xFFFFFE00  }
0x12b: {  	_ =	swait.ge [sflag:s1], $0x200  }
0x12c: {  	[sflag:s1] =	ssyncset.done $0x0  }
0x12d: {  	[sflag:s1] =	ssyncadd.s32 $0xFFFFFE00  }
0x12e: {  	_ =	swait.ge [sflag:s1], $0x200  }
0x12f: {  	[sflag:s1] =	ssyncset.done $0x0  }
0x130: {  	[sflag:s1] =	ssyncadd.s32 $0xFFFFFE00  }
0x131: {  	_ =	swait.ge [sflag:s1], $0x200  }
0x132: {  	[sflag:s1] =	ssyncset.done $0x0  }
0x133: {  	[sflag:s1] =	ssyncadd.s32 $0xFFFFFE00  }
0x134: {  	[spmem:s2] =	stream.indirect.scatter.add.f32 [tilespmem:s14], [sflag:$0x2], $0x4, s12, s13, $0xb8;
	[tilespmem:$0xB6C0] =	vst v63  }
0x135: {  	_ =	swait.ge [sflag:s10], $0x200  }
0x136: {  	[sflag:s10] =	ssyncset.done $0x0  }
0x137: {  	s9 =	rddreg [dreg:$0x15];
	[sflag:s10] =	ssyncadd.s32 $0xFFFFFE00  }
0x138: {  	[spmem:s2] =	stream.indirect.scatter.add.f32 [tilespmem:s15], [sflag:$0x2], $0x4, s9, s13, $0xb8;
	[tilespmem:$0xB6C0] =	vst v63  }
0x139: {  	_ =	swait.ge [sflag:s10], $0x200  }
0x13a: {  	[sflag:s10] =	ssyncset.done $0x0  }
0x13b: {  	s9 =	rddreg [dreg:$0x16];
	[sflag:s10] =	ssyncadd.s32 $0xFFFFFE00  }
0x13c: {  	[spmem:s2] =	stream.indirect.scatter.add.f32 [tilespmem:s16], [sflag:$0x2], $0x4, s9, s13, $0xb8;
	[tilespmem:$0xB6C0] =	vst v63  }
0x13d: {  	_ =	swait.ge [sflag:s10], $0x200  }
0x13e: {  	[sflag:s10] =	ssyncset.done $0x0  }
0x13f: {  	s9 =	rddreg [dreg:$0x17];
	[sflag:s10] =	ssyncadd.s32 $0xFFFFFE00  }
0x140: {  	[spmem:s2] =	stream.indirect.scatter.add.f32 [tilespmem:s17], [sflag:$0x2], $0x4, s9, s13, $0xb8;
	[tilespmem:$0xB6C0] =	vst v63  }
0x141: {  	_ =	swait.ge [sflag:s10], $0x200  }
0x142: {  	[sflag:s10] =	ssyncset.done $0x0  }
0x143: {  	s9 =	rddreg [dreg:$0x18];
	[sflag:s10] =	ssyncadd.s32 $0xFFFFFE00  }
0x144: {  	[spmem:s2] =	stream.indirect.scatter.add.f32 [tilespmem:s18], [sflag:$0x2], $0x4, s9, s13, $0xb8;
	[tilespmem:$0xB6C0] =	vst v63  }
0x145: {  	_ =	swait.ge [sflag:s10], $0x200  }
0x146: {  	[sflag:s10] =	ssyncset.done $0x0  }
0x147: {  	s9 =	rddreg [dreg:$0x19];
	[sflag:s10] =	ssyncadd.s32 $0xFFFFFE00  }
0x148: {  	[spmem:s2] =	stream.indirect.scatter.add.f32 [tilespmem:s19], [sflag:$0x2], $0x4, s9, s13, $0xb8;
	[tilespmem:$0xB6C0] =	vst v63  }
0x149: {  	_ =	swait.ge [sflag:s10], $0x200  }
0x14a: {  	[sflag:s10] =	ssyncset.done $0x0  }
0x14b: {  	s9 =	rddreg [dreg:$0x1a];
	[sflag:s10] =	ssyncadd.s32 $0xFFFFFE00  }
0x14c: {  	[spmem:s2] =	stream.indirect.scatter.add.f32 [tilespmem:s20], [sflag:$0x2], $0x4, s9, s13, $0xb8;
	[tilespmem:$0xB6C0] =	vst v63  }
0x14d: {  	_ =	swait.ge [sflag:s10], $0x200  }
0x14e: {  	[sflag:s10] =	ssyncset.done $0x0  }
0x14f: {  	s9 =	rddreg [dreg:$0x1b];
	[sflag:s10] =	ssyncadd.s32 $0xFFFFFE00  }
0x150: {  	[spmem:s2] =	stream.indirect.scatter.add.f32 [tilespmem:s21], [sflag:$0x2], $0x4, s9, s13, $0xb8;
	[tilespmem:$0xB6C0] =	vst v63  }
0x151: {  	_ =	swait.ge [sflag:s10], $0x200  }
0x152: {  	[sflag:s10] =	ssyncset.done $0x0  }
0x153: {  	s9 =	rddreg [dreg:$0x1c];
	[sflag:s10] =	ssyncadd.s32 $0xFFFFFE00  }
0x154: {  	[spmem:s2] =	stream.indirect.scatter.add.f32 [tilespmem:s22], [sflag:$0x2], $0x4, s9, s13, $0xb8;
	[tilespmem:$0xB6C0] =	vst v63  }
0x155: {  	_ =	swait.ge [sflag:s10], $0x200  }
0x156: {  	[sflag:s10] =	ssyncset.done $0x0  }
0x157: {  	s9 =	rddreg [dreg:$0x1d];
	[sflag:s10] =	ssyncadd.s32 $0xFFFFFE00  }
0x158: {  	[spmem:s2] =	stream.indirect.scatter.add.f32 [tilespmem:s23], [sflag:$0x2], $0x4, s9, s13, $0xb8;
	[tilespmem:$0xB6C0] =	vst v63  }
0x159: {  	_ =	swait.ge [sflag:s10], $0x200  }
0x15a: {  	[sflag:s10] =	ssyncset.done $0x0  }
0x15b: {  	s9 =	rddreg [dreg:$0x1e];
	[sflag:s10] =	ssyncadd.s32 $0xFFFFFE00  }
0x15c: {  	[spmem:s2] =	stream.indirect.scatter.add.f32 [tilespmem:s24], [sflag:$0x2], $0x4, s9, s13, $0xb8;
	[tilespmem:$0xB6C0] =	vst v63  }
0x15d: {  	_ =	swait.ge [sflag:s10], $0x200  }
0x15e: {  	[sflag:s10] =	ssyncset.done $0x0  }
0x15f: {  	s9 =	rddreg [dreg:$0x1f];
	[sflag:s10] =	ssyncadd.s32 $0xFFFFFE00  }
0x160: {  	[spmem:s2] =	stream.indirect.scatter.add.f32 [tilespmem:s25], [sflag:$0x2], $0x4, s9, s13, $0xb8;
	[tilespmem:$0xB6C0] =	vst v63  }
0x161: {  	_ =	swait.ge [sflag:s10], $0x200  }
0x162: {  	s9 =	sld [smem:$0x7F9]  }
0x163: {  	[sflag:s10] =	ssyncset.done $0x0  }
0x164: {  	[sflag:s10] =	ssyncadd.s32 $0xFFFFFE00  }
0x165: {  	[spmem:s2] =	stream.indirect.scatter.add.f32 [tilespmem:s26], [sflag:$0x2], $0x4, s9, s13, $0xb8;
	[tilespmem:$0xB6C0] =	vst v63  }
0x166: {  	_ =	swait.ge [sflag:s10], $0x200  }
0x167: {  	s9 =	sld [smem:$0x7FA]  }
0x168: {  	[sflag:s10] =	ssyncset.done $0x0  }
0x169: {  	[sflag:s10] =	ssyncadd.s32 $0xFFFFFE00  }
0x16a: {  	[spmem:s2] =	stream.indirect.scatter.add.f32 [tilespmem:s28], [sflag:$0x2], $0x4, s9, s13, $0xb8;
	[tilespmem:$0xB6C0] =	vst v63  }
0x16b: {  	_ =	swait.ge [sflag:s10], $0x200  }
0x16c: {  	s9 =	sld [smem:$0x7FB]  }
0x16d: {  	[sflag:s10] =	ssyncset.done $0x0  }
0x16e: {  	[sflag:s10] =	ssyncadd.s32 $0xFFFFFE00  }
0x16f: {  	[spmem:s2] =	stream.indirect.scatter.add.f32 [tilespmem:s29], [sflag:$0x2], $0x4, s9, s13, $0xb8;
	[tilespmem:$0xB6C0] =	vst v63  }
0x170: {  	_ =	swait.ge [sflag:s10], $0x200  }
0x171: {  	[sflag:s10] =	ssyncset.done $0x0  }
0x172: {  	[sflag:s10] =	ssyncadd.s32 $0xFFFFFE00  }
0x173: {  	[spmem:s2] =	stream.indirect.scatter.add.f32 [tilespmem:s30], [sflag:$0x2], $0x4, s0, s13, $0xb8;
	[tilespmem:$0xB6C0] =	vst v63  }
0x174: {  	p0 =	sne.s32 s6, $0x1760;
	_ =	swait.ge [sflag:s10], $0x200  }
.Ltmp0:
0x175: {  	[sflag:s10] =	ssyncset.done $0x0;
	(pc) =	sbr.rel @p0 .LBB2_2-.Ltmp0, $4  }
0x176: {  	[sflag:s10] =	ssyncadd.s32 $0xFFFFFE00  }
0x177: {  	[spmem:s2] =	stream.indirect.scatter.add.f32 [tilespmem:s31], [sflag:$0x2], $0x4, s5, s13, $0xb8;
	[tilespmem:$0xB6C0] =	vst v63  }
0x178: {  	_ =	swait.ge [sflag:s10], $0x200  }
0x179: {  	s6 =	sadd.s32 $0x110, s6;
	s9 =	rddreg [dreg:$0x3];
	[sflag:s10] =	ssyncset.done $0x0  }
0x17a: {  	[sflag:s10] =	ssyncadd.s32 $0xFFFFFE00;
	s6 =	sadd.s32 s8, s9  }
0x17b: {  	[tilespmem:s11], [sflag:$0x2] =	stream.linear.gather [hbm4b:s6+s3], $0x880, $0x38;
	[tilespmem:$0xB6C0] =	vst v63  }
0x17c: {  	_ =	swait.ge [sflag:s10], $0x880  }
0x17d: {  	s7 =	rddreg [dreg:$0x4];
	[sflag:s10] =	ssyncset.done $0x0  }
0x17e: {  	[sflag:s10] =	ssyncadd.s32 $0xFFFFF780;
	s6 =	sadd.s32 s8, s7  }
0x17f: {  	[tilespmem:s12], [sflag:$0x2] =	stream.linear.gather [hbm4b:s6+s3], $0x880, $0x38;
	[tilespmem:$0xB6C0] =	vst v63  }
0x180: {  	_ =	swait.ge [sflag:s10], $0x880  }
0x181: {  	[sflag:s10] =	ssyncset.done $0x0  }
0x182: {  	[sflag:s10] =	ssyncadd.s32 $0xFFFFF780  }
0x183: {  	[tilespmem:s14], [sflag:$0x1] =	stream.indirect.gather [hbm4b:s4+s13], $0x4, s11, s13, $0xb8;
	[tilespmem:$0xB6C0] =	vst v63  }
0x184: {  	s9 =	rddreg [dreg:$0x5]  }
0x185: {  	[tilespmem:s15], [sflag:$0x1] =	stream.indirect.gather [hbm4b:s4+s13], $0x4, s9, s13, $0xb8;
	[tilespmem:$0xB6C0] =	vst v63  }
0x186: {  	s7 =	rddreg [dreg:$0x6]  }
0x187: {  	[tilespmem:s16], [sflag:$0x1] =	stream.indirect.gather [hbm4b:s4+s13], $0x4, s7, s13, $0xb8;
	[tilespmem:$0xB6C0] =	vst v63  }
0x188: {  	s8 =	rddreg [dreg:$0x7]  }
0x189: {  	[tilespmem:s17], [sflag:$0x1] =	stream.indirect.gather [hbm4b:s4+s13], $0x4, s8, s13, $0xb8;
	[tilespmem:$0xB6C0] =	vst v63  }
0x18a: {  	s9 =	rddreg [dreg:$0x8]  }
0x18b: {  	[tilespmem:s18], [sflag:$0x1] =	stream.indirect.gather [hbm4b:s4+s13], $0x4, s9, s13, $0xb8;
	[tilespmem:$0xB6C0] =	vst v63  }
0x18c: {  	s8 =	rddreg [dreg:$0x9]  }
0x18d: {  	[tilespmem:s19], [sflag:$0x1] =	stream.indirect.gather [hbm4b:s4+s13], $0x4, s8, s13, $0xb8;
	[tilespmem:$0xB6C0] =	vst v63  }
0x18e: {  	s9 =	rddreg [dreg:$0xa]  }
0x18f: {  	[tilespmem:s20], [sflag:$0x1] =	stream.indirect.gather [hbm4b:s4+s13], $0x4, s9, s13, $0xb8;
	[tilespmem:$0xB6C0] =	vst v63  }
0x190: {  	s8 =	rddreg [dreg:$0xb]  }
0x191: {  	[tilespmem:s21], [sflag:$0x1] =	stream.indirect.gather [hbm4b:s4+s13], $0x4, s8, s13, $0xb8;
	[tilespmem:$0xB6C0] =	vst v63  }
0x192: {  	s9 =	rddreg [dreg:$0xc]  }
0x193: {  	[tilespmem:s22], [sflag:$0x1] =	stream.indirect.gather [hbm4b:s4+s13], $0x4, s9, s13, $0xb8;
	[tilespmem:$0xB6C0] =	vst v63  }
0x194: {  	s8 =	rddreg [dreg:$0xd]  }
0x195: {  	[tilespmem:s23], [sflag:$0x1] =	stream.indirect.gather [hbm4b:s4+s13], $0x4, s8, s13, $0xb8;
	[tilespmem:$0xB6C0] =	vst v63  }
0x196: {  	s9 =	rddreg [dreg:$0xe]  }
0x197: {  	[tilespmem:s24], [sflag:$0x1] =	stream.indirect.gather [hbm4b:s4+s13], $0x4, s9, s13, $0xb8;
	[tilespmem:$0xB6C0] =	vst v63  }
0x198: {  	s8 =	rddreg [dreg:$0xf]  }
0x199: {  	[tilespmem:s25], [sflag:$0x1] =	stream.indirect.gather [hbm4b:s4+s13], $0x4, s8, s13, $0xb8;
	[tilespmem:$0xB6C0] =	vst v63  }
0x19a: {  	s9 =	rddreg [dreg:$0x10]  }
0x19b: {  	[tilespmem:s26], [sflag:$0x1] =	stream.indirect.gather [hbm4b:s4+s13], $0x4, s9, s13, $0xb8;
	[tilespmem:$0xB6C0] =	vst v63  }
0x19c: {  	s8 =	rddreg [dreg:$0x11]  }
0x19d: {  	[tilespmem:s28], [sflag:$0x1] =	stream.indirect.gather [hbm4b:s4+s13], $0x4, s8, s13, $0xb8;
	[tilespmem:$0xB6C0] =	vst v63  }
0x19e: {  	s9 =	rddreg [dreg:$0x12]  }
0x19f: {  	[tilespmem:s29], [sflag:$0x1] =	stream.indirect.gather [hbm4b:s4+s13], $0x4, s9, s13, $0xb8;
	[tilespmem:$0xB6C0] =	vst v63  }
0x1a0: {  	s8 =	rddreg [dreg:$0x13]  }
0x1a1: {  	[tilespmem:s30], [sflag:$0x1] =	stream.indirect.gather [hbm4b:s4+s13], $0x4, s8, s13, $0xb8;
	[tilespmem:$0xB6C0] =	vst v63  }
0x1a2: {  	s9 =	rddreg [dreg:$0x14]  }
0x1a3: {  	[tilespmem:s31], [sflag:$0x1] =	stream.indirect.gather [hbm4b:s4+s13], $0x4, s9, s13, $0xb8;
	[tilespmem:$0xB6C0] =	vst v63  }
0x1a4: {  	_ =	swait.ge [sflag:s1], $0x200  }
0x1a5: {  	[sflag:s1] =	ssyncset.done $0x0  }
0x1a6: {  	[sflag:s1] =	ssyncadd.s32 $0xFFFFFE00  }
0x1a7: {  	_ =	swait.ge [sflag:s1], $0x200  }
0x1a8: {  	[sflag:s1] =	ssyncset.done $0x0  }
0x1a9: {  	[sflag:s1] =	ssyncadd.s32 $0xFFFFFE00  }
0x1aa: {  	_ =	swait.ge [sflag:s1], $0x200  }
0x1ab: {  	[sflag:s1] =	ssyncset.done $0x0  }
0x1ac: {  	[sflag:s1] =	ssyncadd.s32 $0xFFFFFE00  }
0x1ad: {  	_ =	swait.ge [sflag:s1], $0x200  }
0x1ae: {  	[sflag:s1] =	ssyncset.done $0x0  }
0x1af: {  	[sflag:s1] =	ssyncadd.s32 $0xFFFFFE00  }
0x1b0: {  	_ =	swait.ge [sflag:s1], $0x200  }
0x1b1: {  	[sflag:s1] =	ssyncset.done $0x0  }
0x1b2: {  	[sflag:s1] =	ssyncadd.s32 $0xFFFFFE00  }
0x1b3: {  	_ =	swait.ge [sflag:s1], $0x200  }
0x1b4: {  	[sflag:s1] =	ssyncset.done $0x0  }
0x1b5: {  	[sflag:s1] =	ssyncadd.s32 $0xFFFFFE00  }
0x1b6: {  	_ =	swait.ge [sflag:s1], $0x200  }
0x1b7: {  	[sflag:s1] =	ssyncset.done $0x0  }
0x1b8: {  	[sflag:s1] =	ssyncadd.s32 $0xFFFFFE00  }
0x1b9: {  	_ =	swait.ge [sflag:s1], $0x200  }
0x1ba: {  	[sflag:s1] =	ssyncset.done $0x0  }
0x1bb: {  	[sflag:s1] =	ssyncadd.s32 $0xFFFFFE00  }
0x1bc: {  	_ =	swait.ge [sflag:s1], $0x200  }
0x1bd: {  	[sflag:s1] =	ssyncset.done $0x0  }
0x1be: {  	[sflag:s1] =	ssyncadd.s32 $0xFFFFFE00  }
0x1bf: {  	_ =	swait.ge [sflag:s1], $0x200  }
0x1c0: {  	[sflag:s1] =	ssyncset.done $0x0  }
0x1c1: {  	[sflag:s1] =	ssyncadd.s32 $0xFFFFFE00  }
0x1c2: {  	_ =	swait.ge [sflag:s1], $0x200  }
0x1c3: {  	[sflag:s1] =	ssyncset.done $0x0  }
0x1c4: {  	[sflag:s1] =	ssyncadd.s32 $0xFFFFFE00  }
0x1c5: {  	_ =	swait.ge [sflag:s1], $0x200  }
0x1c6: {  	[sflag:s1] =	ssyncset.done $0x0  }
0x1c7: {  	[sflag:s1] =	ssyncadd.s32 $0xFFFFFE00  }
0x1c8: {  	_ =	swait.ge [sflag:s1], $0x200  }
0x1c9: {  	[sflag:s1] =	ssyncset.done $0x0  }
0x1ca: {  	[sflag:s1] =	ssyncadd.s32 $0xFFFFFE00  }
0x1cb: {  	_ =	swait.ge [sflag:s1], $0x200  }
0x1cc: {  	[sflag:s1] =	ssyncset.done $0x0  }
0x1cd: {  	[sflag:s1] =	ssyncadd.s32 $0xFFFFFE00  }
0x1ce: {  	_ =	swait.ge [sflag:s1], $0x200  }
0x1cf: {  	[sflag:s1] =	ssyncset.done $0x0  }
0x1d0: {  	[sflag:s1] =	ssyncadd.s32 $0xFFFFFE00  }
0x1d1: {  	_ =	swait.ge [sflag:s1], $0x200  }
0x1d2: {  	[sflag:s1] =	ssyncset.done $0x0  }
0x1d3: {  	[sflag:s1] =	ssyncadd.s32 $0xFFFFFE00  }
0x1d4: {  	_ =	swait.ge [sflag:s1], $0x200  }
0x1d5: {  	[sflag:s1] =	ssyncset.done $0x0  }
0x1d6: {  	[sflag:s1] =	ssyncadd.s32 $0xFFFFFE00  }
0x1d7: {  	[spmem:s2] =	stream.indirect.scatter.add.f32 [tilespmem:s14], [sflag:$0x2], $0x4, s12, s13, $0xb8;
	[tilespmem:$0xB6C0] =	vst v63  }
0x1d8: {  	_ =	swait.ge [sflag:s10], $0x200  }
0x1d9: {  	[sflag:s10] =	ssyncset.done $0x0  }
0x1da: {  	s7 =	rddreg [dreg:$0x15];
	[sflag:s10] =	ssyncadd.s32 $0xFFFFFE00  }
0x1db: {  	[spmem:s2] =	stream.indirect.scatter.add.f32 [tilespmem:s15], [sflag:$0x2], $0x4, s7, s13, $0xb8;
	[tilespmem:$0xB6C0] =	vst v63  }
0x1dc: {  	_ =	swait.ge [sflag:s10], $0x200  }
0x1dd: {  	[sflag:s10] =	ssyncset.done $0x0  }
0x1de: {  	s8 =	rddreg [dreg:$0x16];
	[sflag:s10] =	ssyncadd.s32 $0xFFFFFE00  }
0x1df: {  	[spmem:s2] =	stream.indirect.scatter.add.f32 [tilespmem:s16], [sflag:$0x2], $0x4, s8, s13, $0xb8;
	[tilespmem:$0xB6C0] =	vst v63  }
0x1e0: {  	_ =	swait.ge [sflag:s10], $0x200  }
0x1e1: {  	[sflag:s10] =	ssyncset.done $0x0  }
0x1e2: {  	s9 =	rddreg [dreg:$0x17];
	[sflag:s10] =	ssyncadd.s32 $0xFFFFFE00  }
0x1e3: {  	[spmem:s2] =	stream.indirect.scatter.add.f32 [tilespmem:s17], [sflag:$0x2], $0x4, s9, s13, $0xb8;
	[tilespmem:$0xB6C0] =	vst v63  }
0x1e4: {  	_ =	swait.ge [sflag:s10], $0x200  }
0x1e5: {  	[sflag:s10] =	ssyncset.done $0x0  }
0x1e6: {  	s7 =	rddreg [dreg:$0x18];
	[sflag:s10] =	ssyncadd.s32 $0xFFFFFE00  }
0x1e7: {  	[spmem:s2] =	stream.indirect.scatter.add.f32 [tilespmem:s18], [sflag:$0x2], $0x4, s7, s13, $0xb8;
	[tilespmem:$0xB6C0] =	vst v63  }
0x1e8: {  	_ =	swait.ge [sflag:s10], $0x200  }
0x1e9: {  	[sflag:s10] =	ssyncset.done $0x0  }
0x1ea: {  	s8 =	rddreg [dreg:$0x19];
	[sflag:s10] =	ssyncadd.s32 $0xFFFFFE00  }
0x1eb: {  	[spmem:s2] =	stream.indirect.scatter.add.f32 [tilespmem:s19], [sflag:$0x2], $0x4, s8, s13, $0xb8;
	[tilespmem:$0xB6C0] =	vst v63  }
0x1ec: {  	_ =	swait.ge [sflag:s10], $0x200  }
0x1ed: {  	[sflag:s10] =	ssyncset.done $0x0  }
0x1ee: {  	s9 =	rddreg [dreg:$0x1a];
	[sflag:s10] =	ssyncadd.s32 $0xFFFFFE00  }
0x1ef: {  	[spmem:s2] =	stream.indirect.scatter.add.f32 [tilespmem:s20], [sflag:$0x2], $0x4, s9, s13, $0xb8;
	[tilespmem:$0xB6C0] =	vst v63  }
0x1f0: {  	_ =	swait.ge [sflag:s10], $0x200  }
0x1f1: {  	[sflag:s10] =	ssyncset.done $0x0  }
0x1f2: {  	s7 =	rddreg [dreg:$0x1b];
	[sflag:s10] =	ssyncadd.s32 $0xFFFFFE00  }
0x1f3: {  	[spmem:s2] =	stream.indirect.scatter.add.f32 [tilespmem:s21], [sflag:$0x2], $0x4, s7, s13, $0xb8;
	[tilespmem:$0xB6C0] =	vst v63  }
0x1f4: {  	_ =	swait.ge [sflag:s10], $0x200  }
0x1f5: {  	[sflag:s10] =	ssyncset.done $0x0  }
0x1f6: {  	s8 =	rddreg [dreg:$0x1c];
	[sflag:s10] =	ssyncadd.s32 $0xFFFFFE00  }
0x1f7: {  	[spmem:s2] =	stream.indirect.scatter.add.f32 [tilespmem:s22], [sflag:$0x2], $0x4, s8, s13, $0xb8;
	[tilespmem:$0xB6C0] =	vst v63  }
0x1f8: {  	_ =	swait.ge [sflag:s10], $0x200  }
0x1f9: {  	[sflag:s10] =	ssyncset.done $0x0  }
0x1fa: {  	s9 =	rddreg [dreg:$0x1d];
	[sflag:s10] =	ssyncadd.s32 $0xFFFFFE00  }
0x1fb: {  	[spmem:s2] =	stream.indirect.scatter.add.f32 [tilespmem:s23], [sflag:$0x2], $0x4, s9, s13, $0xb8;
	[tilespmem:$0xB6C0] =	vst v63  }
0x1fc: {  	_ =	swait.ge [sflag:s10], $0x200  }
0x1fd: {  	[sflag:s10] =	ssyncset.done $0x0  }
0x1fe: {  	s7 =	rddreg [dreg:$0x1e];
	[sflag:s10] =	ssyncadd.s32 $0xFFFFFE00  }
0x1ff: {  	[spmem:s2] =	stream.indirect.scatter.add.f32 [tilespmem:s24], [sflag:$0x2], $0x4, s7, s13, $0xb8;
	[tilespmem:$0xB6C0] =	vst v63  }
0x200: {  	_ =	swait.ge [sflag:s10], $0x200  }
0x201: {  	[sflag:s10] =	ssyncset.done $0x0  }
0x202: {  	s8 =	rddreg [dreg:$0x1f];
	[sflag:s10] =	ssyncadd.s32 $0xFFFFFE00  }
0x203: {  	[spmem:s2] =	stream.indirect.scatter.add.f32 [tilespmem:s25], [sflag:$0x2], $0x4, s8, s13, $0xb8;
	[tilespmem:$0xB6C0] =	vst v63  }
0x204: {  	_ =	swait.ge [sflag:s10], $0x200  }
0x205: {  	s9 =	sld [smem:$0x7F9]  }
0x206: {  	[sflag:s10] =	ssyncset.done $0x0  }
0x207: {  	[sflag:s10] =	ssyncadd.s32 $0xFFFFFE00  }
0x208: {  	[spmem:s2] =	stream.indirect.scatter.add.f32 [tilespmem:s26], [sflag:$0x2], $0x4, s9, s13, $0xb8;
	[tilespmem:$0xB6C0] =	vst v63  }
0x209: {  	_ =	swait.ge [sflag:s10], $0x200  }
0x20a: {  	s7 =	sld [smem:$0x7FA]  }
0x20b: {  	[sflag:s10] =	ssyncset.done $0x0  }
0x20c: {  	[sflag:s10] =	ssyncadd.s32 $0xFFFFFE00  }
0x20d: {  	[spmem:s2] =	stream.indirect.scatter.add.f32 [tilespmem:s28], [sflag:$0x2], $0x4, s7, s13, $0xb8;
	[tilespmem:$0xB6C0] =	vst v63  }
0x20e: {  	_ =	swait.ge [sflag:s10], $0x200  }
0x20f: {  	s8 =	sld [smem:$0x7FB]  }
0x210: {  	[sflag:s10] =	ssyncset.done $0x0  }
0x211: {  	[sflag:s10] =	ssyncadd.s32 $0xFFFFFE00  }
0x212: {  	[spmem:s2] =	stream.indirect.scatter.add.f32 [tilespmem:s29], [sflag:$0x2], $0x4, s8, s13, $0xb8;
	[tilespmem:$0xB6C0] =	vst v63  }
0x213: {  	_ =	swait.ge [sflag:s10], $0x200  }
0x214: {  	[sflag:s10] =	ssyncset.done $0x0  }
0x215: {  	[sflag:s10] =	ssyncadd.s32 $0xFFFFFE00  }
0x216: {  	[spmem:s2] =	stream.indirect.scatter.add.f32 [tilespmem:s30], [sflag:$0x2], $0x4, s0, s13, $0xb8;
	[tilespmem:$0xB6C0] =	vst v63  }
0x217: {  	_ =	swait.ge [sflag:s10], $0x200  }
0x218: {  	[sflag:s10] =	ssyncset.done $0x0  }
0x219: {  	[sflag:s10] =	ssyncadd.s32 $0xFFFFFE00  }
0x21a: {  	[spmem:s2] =	stream.indirect.scatter.add.f32 [tilespmem:s31], [sflag:$0x2], $0x4, s5, s13, $0xb8;
	[tilespmem:$0xB6C0] =	vst v63  }
0x21b: {  	_ =	swait.ge [sflag:s10], $0x200  }
0x21c: {  	[sflag:s10] =	ssyncset.done $0x0  }
0x21d: {  	[sflag:s10] =	ssyncadd.s32 $0xFFFFFE00  }
0x21e: {  	[bflag:$0x0] =	sbarrier.arrive $0xFFFF  }
0x21f: {  	s7 =	sld [smem:$0x7FC]  }
0x220: {  	s9 =	sld [smem:$0x7F7]  }
0x221: {  	s8 =	sld [smem:$0x7FD];
	_ =	sdelay $0x2  }
0x222: {  	[hbm:s9], [sflag:s7] =	dma.local [spmem:s8], $0x1870  }
0x223: {  	_ =	swait.ge [sflag:s10], $0x1870  }
0x224: {  	s6 =	sld [smem:$0x7F5];
	_ =	sdelay $0x2  }
0x225: {  	s9 =	sadd.s32 $0x1, s6;
	s6 =	sld [smem:$0x7F8];
	_ =	sdelay $0x2  }
0x226: {  	p0 =	sne.s32 s9, s6  }
.Ltmp1:
0x227: {  	_ = 	snop;
	(pc) =	sbr.rel @p0 .LBB2_1-.Ltmp1, $3  }
0x228: {  	_ =	sdelay $0x1  }
0x229: {  	[sflag:s10] =	ssyncset.done $0x0  }
0x22a: {  	[sflag:s10] =	ssyncadd.s32 $0xFFFFE790  }
0x22b: {  	_ =	sfence.sel $0x180000  }
0x22c: {  	[bflag:$0x0] =	sbarrier.arrive $0xFFFF  }
0x22d: {  	_ =	strace $0x9000004D  }
0x22e: {  	s0 =	stileid.u32;
	[bflag:$0x2] =	sbarrier.arrive $0xFFFF  }
0x22f: {  	p0 =	sne.s32 s0, $0x0;
	s0 =	rddreg [dreg:$0x2]  }
0x230: {  	s0 =	sadd.s32 @!p0 $0x100000, s0  }
0x231: {  	[sflag:s0] =	ssyncadd.tile.s32 @!p0 $0x1;
	_ =	shalt  }
.Lfunc_end2:
_tile_overlayer_lowered:
.L_overlay_start_2:
0x232: {  	(tag) =	ssettag $0x2  }
0x233: {  	s0 =	rddreg [dreg:$0x0];
	s2 =	stileid.u32  }
0x234: {  	s1 =	rddreg [dreg:$0x1];
	p0 =	sne.s32 s2, $0x0  }
0x235: {  	s3 =	rddreg [dreg:$0x2];
	[bflag:$0x3] =	sbarrier.arrive $0xFFFF;
	s2 =	simm.s32 @!p0 $0x1C02  }
0x236: {  	[timem:s3], [sflag:s2] =	dma.local @!p0 [hbm:s0], s1  }
0x237: {  	s0 =	simm.s32 @!p0 $0x2  }
0x238: {  	_ =	swait.ge @!p0 [sflag:s0], s1  }
0x239: {  	s1 =	ssub.s32 @!p0 $0x0, s1;
	[sflag:s0] =	ssyncset.done @!p0 $0x0  }
0x23a: {  	[sflag:s0] =	ssyncadd.s32 @!p0 s1  }
0x23b: {  	[bflag:$0x3] =	sbarrier.arrive $0xFFFF  }
0x23c: {  	_ =	shalt  }

// kernel: kernel.8.cloned.1.call-start
scs
__scs_entry_jumppad:
0x0: {  	(pc) =	sbr.rel $0x88, $3  }
0x1: {  	(tag) =	ssettag $0x0;
	lr =	simm.s32 $0x1  }
0x2: {  	[smem:$0x3F99] =	sst lr;
	_ =	strace $0xD0000000  }
0x3: {  	_ = 	snop  }
0x4: {  	_ = 	snop  }
0x5: {  	_ = 	snop  }
0x6: {  	_ = 	snop  }
0x7: {  	_ = 	snop  }
__scs_overlays_trampoline_lowered:
0x8: {  	[smem:$0x3FA8] =	sst s0  }
0x9: {  	[smem:$0x3FA9] =	sst s1  }
0xa: {  	[smem:$0x3FAA] =	sst s2  }
0xb: {  	[smem:$0x3FAB] =	sst s3  }
0xc: {  	[smem:$0x3FAC] =	sst s4  }
0xd: {  	[smem:$0x3FAD] =	sst s5  }
0xe: {  	[smem:$0x3FAE] =	sst s6  }
0xf: {  	[smem:$0x3FAF] =	sst s7  }
0x10: {  	[smem:$0x3FB0] =	sst s8  }
0x11: {  	[smem:$0x3FB1] =	sst s9;
	s0 =	simm.s32 @!p0 $0x0  }
0x12: {  	s1 =	sld [smem:$0x3F97];
	s0 =	simm.s32 @p0 $0x1  }
0x13: {  	[smem:$0x3FB2] =	sst s0;
	s0 =	simm.s32 @!p1 $0x0  }
0x14: {  	s2 =	sld [smem:$0x3F96];
	s0 =	simm.s32 @p1 $0x1  }
0x15: {  	[smem:$0x3FB3] =	sst s0;
	s0 =	simm.s32 @!p2 $0x0  }
0x16: {  	s3 =	sld [smem:$0x3FDB];
	s0 =	simm.s32 @p2 $0x1  }
0x17: {  	s4 =	simm.s32 $0x1BF5;
	[smem:$0x3FB5] =	sst s0  }
0x18: {  	s0 =	sld [smem:$0x3F98];
	_ =	swait.ge [sflag:s4], $0x0  }
0x19: {  	s7 =	sld [smem:$0x3F99]  }
0x1a: {  	s8 =	sadd.s32 $0xFFFFE003, lr  }
0x1b: {  	s9 =	sadd.s32 $0xFFFFFEF7, lr;
	s5 =	simm.s32 $0xFFFFFFFF;
	p2 =	slt.u32 s8, $0xFFFFF086  }
0x1c: {  	p1 =	slt.u32 s9, $0xF7A;
	s5 =	simm.s32 @!p2 $0x0  }
0x1d: {  	s5 =	simm.s32 @p1 $0x1;
	p0 =	seq.s32 s7, s2  }
0x1e: {  	s7 =	smul.u32 @!p0 $0xF7A, s2;
	p2 =	seq.s32 @!p0 s5, $0x0  }
0x1f: {  	s9 =	smul.u32 $0xF7A, s1;
	s8 =	simm.s32 @!p0 $0x1BF5;
	p2 =	por !p2, p0  }
0x20: {  	[sflag:s8] =	ssyncset.s32 @!p0 $0xFFFFF086;
	s6 =	sadd.s32 @!p0 s3, s7;
	s7 =	simm.s32 @!p0 $0x108  }
0x21: {  	s3 =	sadd.s32 s3, s9;
	s6 =	sadd.s32 @!p0 $0x88, s6;
	s7 =	simm.s32 @p2 $0x1082  }
0x22: {  	[simem:s7], [sflag:s8] =	dma.local @!p0 [hbm:s6], $0xF7A  }
0x23: {  	s9 =	sor.u32 $0xD0000000, s2;
	s6 =	simm.s32 $0x108;
	_ =	swait.ge @!p0 [sflag:s8], $0x0  }
0x24: {  	s3 =	sadd.s32 $0x88, s3;
	s6 =	simm.s32 @!p1 $0x1082;
	[sflag:s4] =	ssyncset.s32 $0xFFFFF086  }
0x25: {  	[simem:s6], [sflag:s4] =	dma.local [hbm:s3], $0xF7A  }
0x26: {  	[smem:$0x3F99] =	sst s1;
	(tag) =	ssettag s2;
	_ =	strace s9  }
0x27: {  	s1 =	sld [smem:$0x3FA9]  }
0x28: {  	s2 =	sld [smem:$0x3FAA]  }
0x29: {  	s4 =	sld [smem:$0x3FAC]  }
0x2a: {  	p0 =	seq.s32 s5, $0x0;
	s5 =	sld [smem:$0x3FAD]  }
0x2b: {  	s6 =	sld [smem:$0x3FAE]  }
0x2c: {  	s7 =	sld [smem:$0x3FAF]  }
0x2d: {  	s3 =	simm.s32 $0x108;
	s8 =	sld [smem:$0x3FB0]  }
0x2e: {  	s3 =	simm.s32 @!p0 $0x1082;
	s9 =	sld [smem:$0x3FB1]  }
0x2f: {  	lr =	sadd.s32 s0, s3;
	s0 =	sld [smem:$0x3FA8]  }
0x30: {  	s3 =	sld [smem:$0x3FAB]  }
0x31: {  	[smem:$0x3FB4] =	sst s10  }
0x32: {  	s10 =	sld [smem:$0x3FB2];
	_ =	sdelay $0x3  }
0x33: {  	p0 =	seq.s32 s10, $0x1;
	s10 =	sld [smem:$0x3FB4];
	_ =	sdelay $0x3  }
0x34: {  	[smem:$0x3FB4] =	sst s10  }
0x35: {  	s10 =	sld [smem:$0x3FB3];
	_ =	sdelay $0x3  }
0x36: {  	p1 =	seq.s32 s10, $0x1;
	s10 =	sld [smem:$0x3FB4];
	_ =	sdelay $0x3  }
0x37: {  	[smem:$0x3FB4] =	sst s10  }
0x38: {  	s10 =	sld [smem:$0x3FB5]  }
0x39: {  	_ = 	snop;
	(pc) =	sbr.ind lr, $3  }
0x3a: {  	_ = 	snop  }
0x3b: {  	_ = 	snop  }
0x3c: {  	p2 =	seq.s32 s10, $0x1;
	s10 =	sld [smem:$0x3FB4]  }
0x3d: {  	_ =	shalt  }
0x3e: {  	_ =	shalt  }
0x3f: {  	_ =	shalt  }
0x40: {  	_ =	shalt  }
0x41: {  	_ =	shalt  }
0x42: {  	_ =	shalt  }
0x43: {  	_ =	shalt  }
0x44: {  	_ =	shalt  }
0x45: {  	_ =	shalt  }
0x46: {  	_ =	shalt  }
0x47: {  	_ =	shalt  }
0x48: {  	_ =	shalt  }
0x49: {  	_ =	shalt  }
0x4a: {  	_ =	shalt  }
0x4b: {  	_ =	shalt  }
0x4c: {  	_ =	shalt  }
0x4d: {  	_ =	shalt  }
0x4e: {  	_ =	shalt  }
0x4f: {  	_ =	shalt  }
0x50: {  	_ =	shalt  }
0x51: {  	_ =	shalt  }
0x52: {  	_ =	shalt  }
0x53: {  	_ =	shalt  }
0x54: {  	_ =	shalt  }
0x55: {  	_ =	shalt  }
0x56: {  	_ =	shalt  }
0x57: {  	_ =	shalt  }
0x58: {  	_ =	shalt  }
0x59: {  	_ =	shalt  }
0x5a: {  	_ =	shalt  }
0x5b: {  	_ =	shalt  }
0x5c: {  	_ =	shalt  }
0x5d: {  	_ =	shalt  }
0x5e: {  	_ =	shalt  }
0x5f: {  	_ =	shalt  }
0x60: {  	_ =	shalt  }
0x61: {  	_ =	shalt  }
0x62: {  	_ =	shalt  }
0x63: {  	_ =	shalt  }
0x64: {  	_ =	shalt  }
0x65: {  	_ =	shalt  }
0x66: {  	_ =	shalt  }
0x67: {  	_ =	shalt  }
0x68: {  	_ =	shalt  }
0x69: {  	_ =	shalt  }
0x6a: {  	_ =	shalt  }
0x6b: {  	_ =	shalt  }
0x6c: {  	_ =	shalt  }
0x6d: {  	_ =	shalt  }
0x6e: {  	_ =	shalt  }
0x6f: {  	_ =	shalt  }
0x70: {  	_ =	shalt  }
0x71: {  	_ =	shalt  }
0x72: {  	_ =	shalt  }
0x73: {  	_ =	shalt  }
0x74: {  	_ =	shalt  }
0x75: {  	_ =	shalt  }
0x76: {  	_ =	shalt  }
0x77: {  	_ =	shalt  }
0x78: {  	_ =	shalt  }
0x79: {  	_ =	shalt  }
0x7a: {  	_ =	shalt  }
0x7b: {  	_ =	shalt  }
0x7c: {  	_ =	shalt  }
0x7d: {  	_ =	shalt  }
0x7e: {  	_ =	shalt  }
0x7f: {  	_ =	shalt  }
0x80: {  	_ =	shalt  }
0x81: {  	_ =	shalt  }
0x82: {  	_ =	shalt  }
0x83: {  	_ =	shalt  }
0x84: {  	_ =	shalt  }
0x85: {  	_ =	shalt  }
0x86: {  	_ =	shalt  }
0x87: {  	_ =	shalt  }
.Lfunc_end0:
.L_simem_size_0:
called_computation_lowered:
.L_overlay_start_0:
0x88: {  	s2 =	sld [smem:$0x3FD9]  }
0x89: {  	s3 =	sld [smem:$0x3FFE];
	_ =	sdelay $0x1  }
0x8a: {  	s1 =	srdreg.scid  }
0x8b: {  	s0 =	sand.u32 $0x1, s1  }
0x8c: {  	s14 =	sshll.u32 s0, $0xA;
	s2 =	sadd.s32 s3, s2  }
0x8d: {  	s2 =	sadd.s32 s2, s14  }
0x8e: {  	[smem:$0x3FC0] =	sst s2  }
0x8f: {  	_ = 	snop  }
0x90: {  	s2 =	sld [smem:$0x3FD0];
	_ =	sdelay $0x2  }
0x91: {  	s15 =	simm.s32 $0xA;
	s4 =	simm.s32 $0x10  }
0x92: {  	[smem:s4], [sflag:s15] =	dma.local [hbm:s2], $0x1  }
0x93: {  	_ =	swait.eq [sflag:s15], $0x1  }
0x94: {  	[sflag:s15] =	ssyncset.done $0x0  }
0x95: {  	[sflag:s15] =	ssyncadd.s32 $0xFFFFFFFF  }
0x96: {  	s16 =	sld [smem:$0x11];
	(tm) =	ssettm $0x1  }
0x97: {  	s17 =	sld [smem:$0x3FFB];
	_ =	sdelay $0x3  }
0x98: {  	_ =	strace s17  }
0x99: {  	s3 =	sld [smem:$0x3FFC];
	_ =	sdelay $0x3  }
0x9a: {  	_ =	strace s3  }
0x9b: {  	s3 =	sld [smem:$0x3FFD];
	_ =	sdelay $0x3  }
0x9c: {  	_ =	strace s3  }
0x9d: {  	_ =	strace $0x8FFFFFFF  }
0x9e: {  	s18 =	sld [smem:$0x3FDB];
	_ =	sdelay $0x1  }
0x9f: {  	s19 =	simm.s32 $_scs_section_size  }
0xa0: {  	s5 =	simm.s32 $_size__tile_overlayer_lowered;
	s6 =	simm.s32 $_tile_overlayer_lowered  }
0xa1: {  	s22 =	simm.s32 $0x1BFF;
	s21 =	sshll.u32 s6, $0x1;
	s3 =	sadd.s32 s19, s18  }
0xa2: {  	s7 =	simm.s32 $0x0;
	s20 =	sshll.u32 s5, $0x1;
	s5 =	sadd.s32 s21, s3  }
0xa3: {  	[timem:s7], [sflag:s22] =	dma.local [hbm:s5], s20  }
0xa4: {  	_ =	swait.ge [sflag:s22], s20  }
0xa5: {  	s4 =	ssub.s32 $0x0, s20;
	[sflag:s22] =	ssyncset.done $0x0  }
0xa6: {  	[sflag:s22] =	ssyncadd.s32 s4;
	_ =	sdelay $0x1  }
0xa7: {  	s23 =	simm.s32 $0x1B8B  }
0xa8: {  	_ =	swait.ge [sflag:s23], $0x1  }
0xa9: {  	[sflag:s23] =	ssyncset.done $0x0  }
0xaa: {  	s25 =	simm.s32 $0x1B8E;
	s24 =	sld [smem:$0x3FFE];
	[sflag:s23] =	ssyncadd.s32 $0xFFFFFFFF  }
0xab: {  	s26 =	simm.s32 $execute0_lowered;
	[smem:$0x3FD2] =	sst s25  }
0xac: {  	s5 =	sshll.u32 s26, $0x1;
	_ =	strace $0x80000046;
	[dreg:$0x1] =	wrdreg $0xFFFFFFFF  }
0xad: {  	s28 =	simm.s32 $_size_execute0_lowered;
	s3 =	sadd.s32 s3, s5;
	[dreg:$0x0] =	wrdreg $0x0  }
0xae: {  	s5 =	sshll.u32 s28, $0x1;
	[dreg:$0x2] =	wrdreg s3  }
0xaf: {  	[dreg:$0x3] =	wrdreg s5  }
0xb0: {  	[dreg:$0x4] =	wrdreg $0xC0  }
0xb1: {  	_ =	task [dreg:s7], $0x5FFFF  }
0xb2: {  	[dreg:$0x1] =	wrdreg $0xFFFFFFFF  }
0xb3: {  	[dreg:$0x0] =	wrdreg $0x60  }
0xb4: {  	[dreg:$0x2] =	wrdreg s24  }
0xb5: {  	[dreg:$0x3] =	wrdreg s16  }
0xb6: {  	[dreg:$0x4] =	wrdreg $0x0  }
0xb7: {  	[dreg:$0x5] =	wrdreg $0x9  }
0xb8: {  	_ =	task.clear_ibuf [dreg:s7], $0x6FFFF;
	_ =	strace $0x90000046  }
0xb9: {  	s29 =	simm.s32 $0x9;
	_ =	strace $0x80000048  }
0xba: {  	_ =	swait.ge [sflag:s29], $0x1  }
0xbb: {  	[sflag:s29] =	ssyncadd.s32 $0xFFFFFFFF  }
0xbc: {  	_ =	strace $0x90000048  }
0xbd: {  	_ =	sfence  }
0xbe: {  	s30 =	sld [smem:$0x0];
	_ =	sdelay $0x2  }
0xbf: {  	s31 =	sshll.u32 s1, $0xD;
	s1 =	sshrl.u32 s1, $0x2  }
0xc0: {  	s3 =	sand.u32 $0x4000, s31;
	s1 =	sadd.s32 s1, s30  }
0xc1: {  	s0 =	sor.u32 s3, s0;
	s1 =	sshll.u32 s1, $0x11  }
0xc2: {  	s0 =	sor.u32 s1, s0  }
0xc3: {  	s0 =	sadd.s32 $0x8F2B, s0  }
0xc4: {  	[sflag:s0] =	ssyncadd.remote.s32 $0x1  }
0xc5: {  	_ =	sfence.sel $0xFFFF  }
0xc6: {  	[dreg:$0x0] =	wrdreg $0xFFFFFFFF;
	(pc) =	sbr.abs _section_cstart, $3  }
0xc7: {  	[dreg:$0x1] =	wrdreg $0xFFFFFFFF  }
0xc8: {  	_ =	task.clear_ibuf [dreg:s7], $0x2FFFF;
	_ =	strace $0x9FFFFFFF  }
0xc9: {  	(tm) =	ssettm $0x7FFFFFFF  }
tec
execute0_lowered:
.L_overlay_start_1:
0x0: {  	(tag) =	ssettag $0x1  }
0x1: {  	s0 =	rddreg [dreg:$0x0];
	s1 =	srdreg.scid  }
0x2: {  	s3 =	rddreg [dreg:$0x2];
	s9 =	stileid.u32;
	s4 =	simm.s32 $0x0  }
0x3: {  	s11 =	simm.s32 $0x1;
	s12 =	simm.s32 $0x6A40;
	s13 =	simm.s32 $0x61C0  }
0x4: {  	s14 =	simm.s32 $0x80;
	s15 =	simm.s32 $0x6240;
	s16 =	simm.s32 $0x62C0  }
0x5: {  	s17 =	simm.s32 $0x6340;
	s18 =	simm.s32 $0x63C0;
	s19 =	simm.s32 $0x6440  }
0x6: {  	s20 =	simm.s32 $0x64C0;
	s21 =	simm.s32 $0x6540;
	s22 =	simm.s32 $0x65C0  }
0x7: {  	s28 =	simm.s32 $0x6840;
	s29 =	simm.s32 $0x68C0;
	s5 =	smul.u32 $0xC380, s9  }
0x8: {  	s30 =	simm.s32 $0x6940;
	s1 =	sand.u32 $0x1, s1;
	s23 =	smul.u32 $0x1870, s9  }
0x9: {  	s31 =	simm.s32 $0x69C0;
	[smem:$0x7FF] =	sst s4;
	s2 =	smul.u32 $0x18700, s1  }
0xa: {  	s25 =	sshll.u32 s9, $0x6;
	s6 =	smul.u32 $0xC3800, s1;
	s1 =	ssub.s32 $0x2, s1  }
0xb: {  	_ =	strace $0x80000047;
	s7 =	sshrl.u32 s5, $0x3;
	s8 =	sshrl.u32 s1, $0x1  }
0xc: {  	s2 =	sadd.s32 s2, s0;
	s6 =	sadd.s32 s5, s6;
	s7 =	sadd.s32 s7, s0  }
0xd: {  	s1 =	ssub.s32 s1, s8;
	s5 =	sadd.s32 s5, s3;
	s6 =	sshrl.u32 s6, $0x3  }
0xe: {  	s24 =	sadd.s32 $0x189600, s7;
	s26 =	sadd.s32 s23, s2;
	s8 =	smax.u32 s1, $0x1  }
0xf: {  	s10 =	sshrl.u32 s5, $0x3;
	s23 =	simm.s32 $0x6640;
	s0 =	sadd.s32 s6, s0  }
0x10: {  	[dreg:$0x4] =	wrdreg s24;
	s6 =	sor.u32 $0x1C01, s25;
	s9 =	sadd.s32 $0x2600, s26  }
0x11: {  	s24 =	simm.s32 $0x66C0;
	s25 =	simm.s32 $0x6740;
	s0 =	sadd.s32 $0x33400, s0  }
0x12: {  	s26 =	simm.s32 $0x67C0;
	[dreg:$0x5] =	wrdreg s0;
	s0 =	simm.s32 $0x0  }
.LBB2_1:
0x13: {  	s1 =	rddreg [dreg:$0x4]  }
0x14: {  	[spmem:s10], [sflag:s6] =	dma.local [hbm:s1], $0x1870  }
0x15: {  	_ =	swait.ge [sflag:s11], $0x1870  }
0x16: {  	[sflag:s11] =	ssyncset.done $0x0  }
0x17: {  	[sflag:s11] =	ssyncadd.s32 $0xFFFFE790  }
0x18: {  	s5 =	rddreg [dreg:$0x1]  }
0x19: {  	[tilespmem:s12], [sflag:$0x1] =	stream.linear.gather [hbm4b:s5+s4], $0x400, $0x38;
	[tilespmem:$0x6E40] =	vst v63  }
0x1a: {  	_ =	swait.ge [sflag:s11], $0x400  }
0x1b: {  	[sflag:s11] =	ssyncset.done $0x0  }
0x1c: {  	[sflag:s11] =	ssyncadd.s32 $0xFFFFFC00  }
0x1d: {  	s7 =	sadd.s32 $0x0, s9;
	[bflag:$0x0] =	sbarrier.arrive $0xFFFF  }
0x1e: {  	[tilespmem:s13], [sflag:$0x1] =	stream.linear.gather [hbm4b:s7+s4], $0x880, $0x38;
	[tilespmem:$0x6E40] =	vst v63  }
0x1f: {  	_ =	swait.ge [sflag:s11], $0x880  }
0x20: {  	[sflag:s11] =	ssyncset.done $0x0  }
0x21: {  	[sflag:s11] =	ssyncadd.s32 $0xFFFFF780  }
0x22: {  	[spmem:s3] =	stream.indirect.scatter.add.f32 [tilespmem:s12], [sflag:$0x1], $0x4, s13, s14, $0xb8;
	[tilespmem:$0x6E40] =	vst v63  }
0x23: {  	_ =	swait.ge [sflag:s11], $0x200  }
0x24: {  	[sflag:s11] =	ssyncset.done $0x0  }
0x25: {  	[sflag:s11] =	ssyncadd.s32 $0xFFFFFE00  }
0x26: {  	[spmem:s3] =	stream.indirect.scatter.add.f32 [tilespmem:s12], [sflag:$0x1], $0x4, s15, s14, $0xb8;
	[tilespmem:$0x6E40] =	vst v63  }
0x27: {  	_ =	swait.ge [sflag:s11], $0x200  }
0x28: {  	[sflag:s11] =	ssyncset.done $0x0  }
0x29: {  	[sflag:s11] =	ssyncadd.s32 $0xFFFFFE00  }
0x2a: {  	[spmem:s3] =	stream.indirect.scatter.add.f32 [tilespmem:s12], [sflag:$0x1], $0x4, s16, s14, $0xb8;
	[tilespmem:$0x6E40] =	vst v63  }
0x2b: {  	_ =	swait.ge [sflag:s11], $0x200  }
0x2c: {  	[sflag:s11] =	ssyncset.done $0x0  }
0x2d: {  	[sflag:s11] =	ssyncadd.s32 $0xFFFFFE00  }
0x2e: {  	[spmem:s3] =	stream.indirect.scatter.add.f32 [tilespmem:s12], [sflag:$0x1], $0x4, s17, s14, $0xb8;
	[tilespmem:$0x6E40] =	vst v63  }
0x2f: {  	_ =	swait.ge [sflag:s11], $0x200  }
0x30: {  	[sflag:s11] =	ssyncset.done $0x0  }
0x31: {  	[sflag:s11] =	ssyncadd.s32 $0xFFFFFE00  }
0x32: {  	[spmem:s3] =	stream.indirect.scatter.add.f32 [tilespmem:s12], [sflag:$0x1], $0x4, s18, s14, $0xb8;
	[tilespmem:$0x6E40] =	vst v63  }
0x33: {  	_ =	swait.ge [sflag:s11], $0x200  }
0x34: {  	[sflag:s11] =	ssyncset.done $0x0  }
0x35: {  	[sflag:s11] =	ssyncadd.s32 $0xFFFFFE00  }
0x36: {  	[spmem:s3] =	stream.indirect.scatter.add.f32 [tilespmem:s12], [sflag:$0x1], $0x4, s19, s14, $0xb8;
	[tilespmem:$0x6E40] =	vst v63  }
0x37: {  	_ =	swait.ge [sflag:s11], $0x200  }
0x38: {  	[sflag:s11] =	ssyncset.done $0x0  }
0x39: {  	[sflag:s11] =	ssyncadd.s32 $0xFFFFFE00  }
0x3a: {  	[spmem:s3] =	stream.indirect.scatter.add.f32 [tilespmem:s12], [sflag:$0x1], $0x4, s20, s14, $0xb8;
	[tilespmem:$0x6E40] =	vst v63  }
0x3b: {  	_ =	swait.ge [sflag:s11], $0x200  }
0x3c: {  	[sflag:s11] =	ssyncset.done $0x0  }
0x3d: {  	[sflag:s11] =	ssyncadd.s32 $0xFFFFFE00  }
0x3e: {  	[spmem:s3] =	stream.indirect.scatter.add.f32 [tilespmem:s12], [sflag:$0x1], $0x4, s21, s14, $0xb8;
	[tilespmem:$0x6E40] =	vst v63  }
0x3f: {  	_ =	swait.ge [sflag:s11], $0x200  }
0x40: {  	[sflag:s11] =	ssyncset.done $0x0  }
0x41: {  	[sflag:s11] =	ssyncadd.s32 $0xFFFFFE00  }
0x42: {  	[spmem:s3] =	stream.indirect.scatter.add.f32 [tilespmem:s12], [sflag:$0x1], $0x4, s22, s14, $0xb8;
	[tilespmem:$0x6E40] =	vst v63  }
0x43: {  	_ =	swait.ge [sflag:s11], $0x200  }
0x44: {  	[sflag:s11] =	ssyncset.done $0x0  }
0x45: {  	[sflag:s11] =	ssyncadd.s32 $0xFFFFFE00  }
0x46: {  	[spmem:s3] =	stream.indirect.scatter.add.f32 [tilespmem:s12], [sflag:$0x1], $0x4, s23, s14, $0xb8;
	[tilespmem:$0x6E40] =	vst v63  }
0x47: {  	_ =	swait.ge [sflag:s11], $0x200  }
0x48: {  	[sflag:s11] =	ssyncset.done $0x0  }
0x49: {  	[sflag:s11] =	ssyncadd.s32 $0xFFFFFE00  }
0x4a: {  	[spmem:s3] =	stream.indirect.scatter.add.f32 [tilespmem:s12], [sflag:$0x1], $0x4, s24, s14, $0xb8;
	[tilespmem:$0x6E40] =	vst v63  }
0x4b: {  	_ =	swait.ge [sflag:s11], $0x200  }
0x4c: {  	[sflag:s11] =	ssyncset.done $0x0  }
0x4d: {  	[sflag:s11] =	ssyncadd.s32 $0xFFFFFE00  }
0x4e: {  	[spmem:s3] =	stream.indirect.scatter.add.f32 [tilespmem:s12], [sflag:$0x1], $0x4, s25, s14, $0xb8;
	[tilespmem:$0x6E40] =	vst v63  }
0x4f: {  	_ =	swait.ge [sflag:s11], $0x200  }
0x50: {  	[sflag:s11] =	ssyncset.done $0x0  }
0x51: {  	[sflag:s11] =	ssyncadd.s32 $0xFFFFFE00  }
0x52: {  	[spmem:s3] =	stream.indirect.scatter.add.f32 [tilespmem:s12], [sflag:$0x1], $0x4, s26, s14, $0xb8;
	[tilespmem:$0x6E40] =	vst v63  }
0x53: {  	_ =	swait.ge [sflag:s11], $0x200  }
0x54: {  	[sflag:s11] =	ssyncset.done $0x0  }
0x55: {  	[sflag:s11] =	ssyncadd.s32 $0xFFFFFE00  }
0x56: {  	[spmem:s3] =	stream.indirect.scatter.add.f32 [tilespmem:s12], [sflag:$0x1], $0x4, s28, s14, $0xb8;
	[tilespmem:$0x6E40] =	vst v63  }
0x57: {  	_ =	swait.ge [sflag:s11], $0x200  }
0x58: {  	[sflag:s11] =	ssyncset.done $0x0  }
0x59: {  	[sflag:s11] =	ssyncadd.s32 $0xFFFFFE00  }
0x5a: {  	[spmem:s3] =	stream.indirect.scatter.add.f32 [tilespmem:s12], [sflag:$0x1], $0x4, s29, s14, $0xb8;
	[tilespmem:$0x6E40] =	vst v63  }
0x5b: {  	_ =	swait.ge [sflag:s11], $0x200  }
0x5c: {  	[sflag:s11] =	ssyncset.done $0x0  }
0x5d: {  	[sflag:s11] =	ssyncadd.s32 $0xFFFFFE00  }
0x5e: {  	[spmem:s3] =	stream.indirect.scatter.add.f32 [tilespmem:s12], [sflag:$0x1], $0x4, s30, s14, $0xb8;
	[tilespmem:$0x6E40] =	vst v63  }
0x5f: {  	_ =	swait.ge [sflag:s11], $0x200  }
0x60: {  	[sflag:s11] =	ssyncset.done $0x0  }
0x61: {  	[sflag:s11] =	ssyncadd.s32 $0xFFFFFE00  }
0x62: {  	[spmem:s3] =	stream.indirect.scatter.add.f32 [tilespmem:s12], [sflag:$0x1], $0x4, s31, s14, $0xb8;
	[tilespmem:$0x6E40] =	vst v63  }
0x63: {  	_ =	swait.ge [sflag:s11], $0x200  }
0x64: {  	s2 =	simm.s32 $0x110;
	s1 =	simm.s32 $0x220;
	[sflag:s11] =	ssyncset.done $0x0  }
.LBB2_2:
0x65: {  	s7 =	sadd.s32 s2, s9  }
0x66: {  	[sflag:s11] =	ssyncadd.s32 $0xFFFFFE00;
	s2 =	smov.u32 s1;
	s5 =	sadd.s32 $0x110, s1  }
0x67: {  	[tilespmem:s13], [sflag:$0x1] =	stream.linear.gather [hbm4b:s7+s4], $0x880, $0x38;
	[tilespmem:$0x6E40] =	vst v63  }
0x68: {  	p0 =	sne.s32 s1, $0x1760;
	_ =	swait.ge [sflag:s11], $0x880  }
0x69: {  	[sflag:s11] =	ssyncset.done $0x0  }
0x6a: {  	[sflag:s11] =	ssyncadd.s32 $0xFFFFF780  }
0x6b: {  	[spmem:s3] =	stream.indirect.scatter.add.f32 [tilespmem:s12], [sflag:$0x1], $0x4, s13, s14, $0xb8;
	[tilespmem:$0x6E40] =	vst v63  }
0x6c: {  	_ =	swait.ge [sflag:s11], $0x200  }
0x6d: {  	[sflag:s11] =	ssyncset.done $0x0  }
0x6e: {  	[sflag:s11] =	ssyncadd.s32 $0xFFFFFE00  }
0x6f: {  	[spmem:s3] =	stream.indirect.scatter.add.f32 [tilespmem:s12], [sflag:$0x1], $0x4, s15, s14, $0xb8;
	[tilespmem:$0x6E40] =	vst v63  }
0x70: {  	_ =	swait.ge [sflag:s11], $0x200  }
0x71: {  	[sflag:s11] =	ssyncset.done $0x0  }
0x72: {  	[sflag:s11] =	ssyncadd.s32 $0xFFFFFE00  }
0x73: {  	[spmem:s3] =	stream.indirect.scatter.add.f32 [tilespmem:s12], [sflag:$0x1], $0x4, s16, s14, $0xb8;
	[tilespmem:$0x6E40] =	vst v63  }
0x74: {  	_ =	swait.ge [sflag:s11], $0x200  }
0x75: {  	[sflag:s11] =	ssyncset.done $0x0  }
0x76: {  	[sflag:s11] =	ssyncadd.s32 $0xFFFFFE00  }
0x77: {  	[spmem:s3] =	stream.indirect.scatter.add.f32 [tilespmem:s12], [sflag:$0x1], $0x4, s17, s14, $0xb8;
	[tilespmem:$0x6E40] =	vst v63  }
0x78: {  	_ =	swait.ge [sflag:s11], $0x200  }
0x79: {  	[sflag:s11] =	ssyncset.done $0x0  }
0x7a: {  	[sflag:s11] =	ssyncadd.s32 $0xFFFFFE00  }
0x7b: {  	[spmem:s3] =	stream.indirect.scatter.add.f32 [tilespmem:s12], [sflag:$0x1], $0x4, s18, s14, $0xb8;
	[tilespmem:$0x6E40] =	vst v63  }
0x7c: {  	_ =	swait.ge [sflag:s11], $0x200  }
0x7d: {  	[sflag:s11] =	ssyncset.done $0x0  }
0x7e: {  	[sflag:s11] =	ssyncadd.s32 $0xFFFFFE00  }
0x7f: {  	[spmem:s3] =	stream.indirect.scatter.add.f32 [tilespmem:s12], [sflag:$0x1], $0x4, s19, s14, $0xb8;
	[tilespmem:$0x6E40] =	vst v63  }
0x80: {  	_ =	swait.ge [sflag:s11], $0x200  }
0x81: {  	[sflag:s11] =	ssyncset.done $0x0  }
0x82: {  	[sflag:s11] =	ssyncadd.s32 $0xFFFFFE00  }
0x83: {  	[spmem:s3] =	stream.indirect.scatter.add.f32 [tilespmem:s12], [sflag:$0x1], $0x4, s20, s14, $0xb8;
	[tilespmem:$0x6E40] =	vst v63  }
0x84: {  	_ =	swait.ge [sflag:s11], $0x200  }
0x85: {  	[sflag:s11] =	ssyncset.done $0x0  }
0x86: {  	[sflag:s11] =	ssyncadd.s32 $0xFFFFFE00  }
0x87: {  	[spmem:s3] =	stream.indirect.scatter.add.f32 [tilespmem:s12], [sflag:$0x1], $0x4, s21, s14, $0xb8;
	[tilespmem:$0x6E40] =	vst v63  }
0x88: {  	_ =	swait.ge [sflag:s11], $0x200  }
0x89: {  	[sflag:s11] =	ssyncset.done $0x0  }
0x8a: {  	[sflag:s11] =	ssyncadd.s32 $0xFFFFFE00  }
0x8b: {  	[spmem:s3] =	stream.indirect.scatter.add.f32 [tilespmem:s12], [sflag:$0x1], $0x4, s22, s14, $0xb8;
	[tilespmem:$0x6E40] =	vst v63  }
0x8c: {  	_ =	swait.ge [sflag:s11], $0x200  }
0x8d: {  	[sflag:s11] =	ssyncset.done $0x0  }
0x8e: {  	[sflag:s11] =	ssyncadd.s32 $0xFFFFFE00  }
0x8f: {  	[spmem:s3] =	stream.indirect.scatter.add.f32 [tilespmem:s12], [sflag:$0x1], $0x4, s23, s14, $0xb8;
	[tilespmem:$0x6E40] =	vst v63  }
0x90: {  	_ =	swait.ge [sflag:s11], $0x200  }
0x91: {  	[sflag:s11] =	ssyncset.done $0x0  }
0x92: {  	[sflag:s11] =	ssyncadd.s32 $0xFFFFFE00  }
0x93: {  	[spmem:s3] =	stream.indirect.scatter.add.f32 [tilespmem:s12], [sflag:$0x1], $0x4, s24, s14, $0xb8;
	[tilespmem:$0x6E40] =	vst v63  }
0x94: {  	_ =	swait.ge [sflag:s11], $0x200  }
0x95: {  	[sflag:s11] =	ssyncset.done $0x0  }
0x96: {  	[sflag:s11] =	ssyncadd.s32 $0xFFFFFE00  }
0x97: {  	[spmem:s3] =	stream.indirect.scatter.add.f32 [tilespmem:s12], [sflag:$0x1], $0x4, s25, s14, $0xb8;
	[tilespmem:$0x6E40] =	vst v63  }
0x98: {  	_ =	swait.ge [sflag:s11], $0x200  }
0x99: {  	[sflag:s11] =	ssyncset.done $0x0  }
0x9a: {  	[sflag:s11] =	ssyncadd.s32 $0xFFFFFE00  }
0x9b: {  	[spmem:s3] =	stream.indirect.scatter.add.f32 [tilespmem:s12], [sflag:$0x1], $0x4, s26, s14, $0xb8;
	[tilespmem:$0x6E40] =	vst v63  }
0x9c: {  	_ =	swait.ge [sflag:s11], $0x200  }
0x9d: {  	[sflag:s11] =	ssyncset.done $0x0  }
0x9e: {  	[sflag:s11] =	ssyncadd.s32 $0xFFFFFE00  }
0x9f: {  	[spmem:s3] =	stream.indirect.scatter.add.f32 [tilespmem:s12], [sflag:$0x1], $0x4, s28, s14, $0xb8;
	[tilespmem:$0x6E40] =	vst v63  }
0xa0: {  	_ =	swait.ge [sflag:s11], $0x200  }
0xa1: {  	[sflag:s11] =	ssyncset.done $0x0  }
0xa2: {  	[sflag:s11] =	ssyncadd.s32 $0xFFFFFE00  }
0xa3: {  	[spmem:s3] =	stream.indirect.scatter.add.f32 [tilespmem:s12], [sflag:$0x1], $0x4, s29, s14, $0xb8;
	[tilespmem:$0x6E40] =	vst v63  }
0xa4: {  	_ =	swait.ge [sflag:s11], $0x200  }
0xa5: {  	[sflag:s11] =	ssyncset.done $0x0  }
0xa6: {  	[sflag:s11] =	ssyncadd.s32 $0xFFFFFE00  }
0xa7: {  	[spmem:s3] =	stream.indirect.scatter.add.f32 [tilespmem:s12], [sflag:$0x1], $0x4, s30, s14, $0xb8;
	[tilespmem:$0x6E40] =	vst v63  }
0xa8: {  	_ =	swait.ge [sflag:s11], $0x200  }
.Ltmp0:
0xa9: {  	[sflag:s11] =	ssyncset.done $0x0;
	(pc) =	sbr.rel @p0 .LBB2_2-.Ltmp0, $4  }
0xaa: {  	[sflag:s11] =	ssyncadd.s32 $0xFFFFFE00  }
0xab: {  	[spmem:s3] =	stream.indirect.scatter.add.f32 [tilespmem:s12], [sflag:$0x1], $0x4, s31, s14, $0xb8;
	[tilespmem:$0x6E40] =	vst v63  }
0xac: {  	_ =	swait.ge [sflag:s11], $0x200  }
0xad: {  	s1 =	smov.u32 s5;
	[sflag:s11] =	ssyncset.done $0x0  }
0xae: {  	s1 =	sadd.s32 s2, s9;
	[sflag:s11] =	ssyncadd.s32 $0xFFFFFE00  }
0xaf: {  	[tilespmem:s13], [sflag:$0x1] =	stream.linear.gather [hbm4b:s1+s4], $0x880, $0x38;
	[tilespmem:$0x6E40] =	vst v63  }
0xb0: {  	_ =	swait.ge [sflag:s11], $0x880  }
0xb1: {  	[sflag:s11] =	ssyncset.done $0x0  }
0xb2: {  	[sflag:s11] =	ssyncadd.s32 $0xFFFFF780  }
0xb3: {  	[spmem:s3] =	stream.indirect.scatter.add.f32 [tilespmem:s12], [sflag:$0x1], $0x4, s13, s14, $0xb8;
	[tilespmem:$0x6E40] =	vst v63  }
0xb4: {  	_ =	swait.ge [sflag:s11], $0x200  }
0xb5: {  	[sflag:s11] =	ssyncset.done $0x0  }
0xb6: {  	[sflag:s11] =	ssyncadd.s32 $0xFFFFFE00  }
0xb7: {  	[spmem:s3] =	stream.indirect.scatter.add.f32 [tilespmem:s12], [sflag:$0x1], $0x4, s15, s14, $0xb8;
	[tilespmem:$0x6E40] =	vst v63  }
0xb8: {  	_ =	swait.ge [sflag:s11], $0x200  }
0xb9: {  	[sflag:s11] =	ssyncset.done $0x0  }
0xba: {  	[sflag:s11] =	ssyncadd.s32 $0xFFFFFE00  }
0xbb: {  	[spmem:s3] =	stream.indirect.scatter.add.f32 [tilespmem:s12], [sflag:$0x1], $0x4, s16, s14, $0xb8;
	[tilespmem:$0x6E40] =	vst v63  }
0xbc: {  	_ =	swait.ge [sflag:s11], $0x200  }
0xbd: {  	[sflag:s11] =	ssyncset.done $0x0  }
0xbe: {  	[sflag:s11] =	ssyncadd.s32 $0xFFFFFE00  }
0xbf: {  	[spmem:s3] =	stream.indirect.scatter.add.f32 [tilespmem:s12], [sflag:$0x1], $0x4, s17, s14, $0xb8;
	[tilespmem:$0x6E40] =	vst v63  }
0xc0: {  	_ =	swait.ge [sflag:s11], $0x200  }
0xc1: {  	[sflag:s11] =	ssyncset.done $0x0  }
0xc2: {  	[sflag:s11] =	ssyncadd.s32 $0xFFFFFE00  }
0xc3: {  	[spmem:s3] =	stream.indirect.scatter.add.f32 [tilespmem:s12], [sflag:$0x1], $0x4, s18, s14, $0xb8;
	[tilespmem:$0x6E40] =	vst v63  }
0xc4: {  	_ =	swait.ge [sflag:s11], $0x200  }
0xc5: {  	[sflag:s11] =	ssyncset.done $0x0  }
0xc6: {  	[sflag:s11] =	ssyncadd.s32 $0xFFFFFE00  }
0xc7: {  	[spmem:s3] =	stream.indirect.scatter.add.f32 [tilespmem:s12], [sflag:$0x1], $0x4, s19, s14, $0xb8;
	[tilespmem:$0x6E40] =	vst v63  }
0xc8: {  	_ =	swait.ge [sflag:s11], $0x200  }
0xc9: {  	[sflag:s11] =	ssyncset.done $0x0  }
0xca: {  	[sflag:s11] =	ssyncadd.s32 $0xFFFFFE00  }
0xcb: {  	[spmem:s3] =	stream.indirect.scatter.add.f32 [tilespmem:s12], [sflag:$0x1], $0x4, s20, s14, $0xb8;
	[tilespmem:$0x6E40] =	vst v63  }
0xcc: {  	_ =	swait.ge [sflag:s11], $0x200  }
0xcd: {  	[sflag:s11] =	ssyncset.done $0x0  }
0xce: {  	[sflag:s11] =	ssyncadd.s32 $0xFFFFFE00  }
0xcf: {  	[spmem:s3] =	stream.indirect.scatter.add.f32 [tilespmem:s12], [sflag:$0x1], $0x4, s21, s14, $0xb8;
	[tilespmem:$0x6E40] =	vst v63  }
0xd0: {  	_ =	swait.ge [sflag:s11], $0x200  }
0xd1: {  	[sflag:s11] =	ssyncset.done $0x0  }
0xd2: {  	[sflag:s11] =	ssyncadd.s32 $0xFFFFFE00  }
0xd3: {  	[spmem:s3] =	stream.indirect.scatter.add.f32 [tilespmem:s12], [sflag:$0x1], $0x4, s22, s14, $0xb8;
	[tilespmem:$0x6E40] =	vst v63  }
0xd4: {  	_ =	swait.ge [sflag:s11], $0x200  }
0xd5: {  	[sflag:s11] =	ssyncset.done $0x0  }
0xd6: {  	[sflag:s11] =	ssyncadd.s32 $0xFFFFFE00  }
0xd7: {  	[spmem:s3] =	stream.indirect.scatter.add.f32 [tilespmem:s12], [sflag:$0x1], $0x4, s23, s14, $0xb8;
	[tilespmem:$0x6E40] =	vst v63  }
0xd8: {  	_ =	swait.ge [sflag:s11], $0x200  }
0xd9: {  	[sflag:s11] =	ssyncset.done $0x0  }
0xda: {  	[sflag:s11] =	ssyncadd.s32 $0xFFFFFE00  }
0xdb: {  	[spmem:s3] =	stream.indirect.scatter.add.f32 [tilespmem:s12], [sflag:$0x1], $0x4, s24, s14, $0xb8;
	[tilespmem:$0x6E40] =	vst v63  }
0xdc: {  	_ =	swait.ge [sflag:s11], $0x200  }
0xdd: {  	[sflag:s11] =	ssyncset.done $0x0  }
0xde: {  	[sflag:s11] =	ssyncadd.s32 $0xFFFFFE00  }
0xdf: {  	[spmem:s3] =	stream.indirect.scatter.add.f32 [tilespmem:s12], [sflag:$0x1], $0x4, s25, s14, $0xb8;
	[tilespmem:$0x6E40] =	vst v63  }
0xe0: {  	_ =	swait.ge [sflag:s11], $0x200  }
0xe1: {  	[sflag:s11] =	ssyncset.done $0x0  }
0xe2: {  	[sflag:s11] =	ssyncadd.s32 $0xFFFFFE00  }
0xe3: {  	[spmem:s3] =	stream.indirect.scatter.add.f32 [tilespmem:s12], [sflag:$0x1], $0x4, s26, s14, $0xb8;
	[tilespmem:$0x6E40] =	vst v63  }
0xe4: {  	_ =	swait.ge [sflag:s11], $0x200  }
0xe5: {  	[sflag:s11] =	ssyncset.done $0x0  }
0xe6: {  	[sflag:s11] =	ssyncadd.s32 $0xFFFFFE00  }
0xe7: {  	[spmem:s3] =	stream.indirect.scatter.add.f32 [tilespmem:s12], [sflag:$0x1], $0x4, s28, s14, $0xb8;
	[tilespmem:$0x6E40] =	vst v63  }
0xe8: {  	_ =	swait.ge [sflag:s11], $0x200  }
0xe9: {  	[sflag:s11] =	ssyncset.done $0x0  }
0xea: {  	[sflag:s11] =	ssyncadd.s32 $0xFFFFFE00  }
0xeb: {  	[spmem:s3] =	stream.indirect.scatter.add.f32 [tilespmem:s12], [sflag:$0x1], $0x4, s29, s14, $0xb8;
	[tilespmem:$0x6E40] =	vst v63  }
0xec: {  	_ =	swait.ge [sflag:s11], $0x200  }
0xed: {  	[sflag:s11] =	ssyncset.done $0x0  }
0xee: {  	[sflag:s11] =	ssyncadd.s32 $0xFFFFFE00  }
0xef: {  	[spmem:s3] =	stream.indirect.scatter.add.f32 [tilespmem:s12], [sflag:$0x1], $0x4, s30, s14, $0xb8;
	[tilespmem:$0x6E40] =	vst v63  }
0xf0: {  	_ =	swait.ge [sflag:s11], $0x200  }
0xf1: {  	[sflag:s11] =	ssyncset.done $0x0  }
0xf2: {  	[sflag:s11] =	ssyncadd.s32 $0xFFFFFE00  }
0xf3: {  	[spmem:s3] =	stream.indirect.scatter.add.f32 [tilespmem:s12], [sflag:$0x1], $0x4, s31, s14, $0xb8;
	[tilespmem:$0x6E40] =	vst v63  }
0xf4: {  	_ =	swait.ge [sflag:s11], $0x200  }
0xf5: {  	[sflag:s11] =	ssyncset.done $0x0  }
0xf6: {  	s0 =	sadd.s32 $0x1, s0;
	[sflag:s11] =	ssyncadd.s32 $0xFFFFFE00  }
0xf7: {  	p0 =	sne.s32 s0, s8;
	[bflag:$0x0] =	sbarrier.arrive $0xFFFF  }
.Ltmp1:
0xf8: {  	s7 =	rddreg [dreg:$0x5];
	(pc) =	sbr.rel @p0 .LBB2_1-.Ltmp1, $4  }
0xf9: {  	[hbm:s7], [sflag:s6] =	dma.local [spmem:s10], $0x1870  }
0xfa: {  	_ =	swait.ge [sflag:s11], $0x1870  }
0xfb: {  	[sflag:s11] =	ssyncset.done $0x0  }
0xfc: {  	[sflag:s11] =	ssyncadd.s32 $0xFFFFE790  }
0xfd: {  	_ =	sfence.sel $0x180000  }
0xfe: {  	[bflag:$0x0] =	sbarrier.arrive $0xFFFF  }
0xff: {  	_ =	strace $0x90000047  }
0x100: {  	s0 =	stileid.u32;
	[bflag:$0x2] =	sbarrier.arrive $0xFFFF  }
0x101: {  	p0 =	sne.s32 s0, $0x0;
	s0 =	rddreg [dreg:$0x3]  }
0x102: {  	s0 =	sadd.s32 @!p0 $0x100000, s0  }
0x103: {  	[sflag:s0] =	ssyncadd.tile.s32 @!p0 $0x1;
	_ =	shalt  }
.Lfunc_end2:
_tile_overlayer_lowered:
.L_overlay_start_2:
0x104: {  	(tag) =	ssettag $0x2  }
0x105: {  	s0 =	rddreg [dreg:$0x0];
	s2 =	stileid.u32  }
0x106: {  	s1 =	rddreg [dreg:$0x1];
	p0 =	sne.s32 s2, $0x0  }
0x107: {  	s3 =	rddreg [dreg:$0x2];
	[bflag:$0x3] =	sbarrier.arrive $0xFFFF;
	s2 =	simm.s32 @!p0 $0x1C01  }
0x108: {  	[timem:s3], [sflag:s2] =	dma.local @!p0 [hbm:s0], s1  }
0x109: {  	s0 =	simm.s32 @!p0 $0x1  }
0x10a: {  	_ =	swait.ge @!p0 [sflag:s0], s1  }
0x10b: {  	s1 =	ssub.s32 @!p0 $0x0, s1;
	[sflag:s0] =	ssyncset.done @!p0 $0x0  }
0x10c: {  	[sflag:s0] =	ssyncadd.s32 @!p0 s1  }
0x10d: {  	[bflag:$0x3] =	sbarrier.arrive $0xFFFF  }
0x10e: {  	_ =	shalt  }

</sc_bundles>
